<compile_context>
chip_gen: v7x
topology: tpu7x:2x2x1
jax: 0.10.2.dev20260603
libtpu: 0.0.44.dev20260713+nightly
codegen_flags: <defaults>
</compile_context>

<pallas_src>
import jax
import jax.numpy as jnp
from jax import lax
from jax.experimental import pallas as pl
from jax.experimental.pallas import tpu as pltpu
from jax.experimental.pallas import tpu_sc as plsc

_N = 10000
_E = 320000
_D = 128

_NC = 2
_NS = 16
_NW = _NC * _NS
_EPW = _E // _NW
_K = 80
_NCHUNK = _EPW // _K
_NP = 10240
_RPT = _NP // _NS

_F32 = jnp.float32


def _silu(y):
    return y * jax.nn.sigmoid(y)



def _dot(a, w):
    return jnp.dot(a, w, preferred_element_type=_F32)


def _edge_proj_body(ea_ref, w3_ref, b_ref, wl_ref, t3_ref, tl_ref):
    ea = ea_ref[...]
    t3_ref[...] = _dot(ea, w3_ref[...]) + b_ref[...]
    tl_ref[...] = _dot(ea, wl_ref[...])


def _edge_proj(ea, w3, b_xe, w_lin, block=2000):
    grid = (_E // block,)
    return pl.pallas_call(
        _edge_proj_body,
        grid=grid,
        in_specs=[
            pl.BlockSpec((block, _D), lambda i: (i, 0)),
            pl.BlockSpec((_D, _D), lambda i: (0, 0)),
            pl.BlockSpec((1, _D), lambda i: (0, 0)),
            pl.BlockSpec((_D, _D), lambda i: (0, 0)),
        ],
        out_specs=[
            pl.BlockSpec((block, _D), lambda i: (i, 0)),
            pl.BlockSpec((block, _D), lambda i: (i, 0)),
        ],
        out_shape=[
            jax.ShapeDtypeStruct((_E, _D), _F32),
            jax.ShapeDtypeStruct((_E, _D), _F32),
        ],
    )(ea, w3, b_xe.reshape(1, _D), w_lin)


def _pre_body(h_ref, wh_ref, bh_ref, w1_ref, w2_ref, x0_ref, p1_ref, p2_ref):
    x0 = _silu(_dot(h_ref[...], wh_ref[...]) + bh_ref[...])
    x0_ref[...] = x0
    p1_ref[...] = _dot(x0, w1_ref[...])
    p2_ref[...] = _dot(x0, w2_ref[...])


def _pre(h, w_h, b_h, w1, w2, block=1000):
    grid = (_N // block,)
    mat = pl.BlockSpec((_D, _D), lambda i: (0, 0))
    row = pl.BlockSpec((block, _D), lambda i: (i, 0))
    return pl.pallas_call(
        _pre_body,
        grid=grid,
        in_specs=[row, mat, pl.BlockSpec((1, _D), lambda i: (0, 0)), mat, mat],
        out_specs=[row, row, row],
        out_shape=[jax.ShapeDtypeStruct((_N, _D), _F32)] * 3,
    )(h, w_h, b_h.reshape(1, _D), w1, w2)


def _mid_body(s_ref, c_ref, x0_ref, h_ref,
              w1a, b1a, w1b, b1b, wm, bm,
              w2a, b2a, w2b, b2b, w3a, b3a, w3b, b3b,
              wxe1, wxe2,
              x6_ref, p1_ref, p2_ref):
    cnt = jnp.maximum(c_ref[0, :, :1] + c_ref[1, :, :1], 1.0)
    pooled = (s_ref[0] + s_ref[1]) / cnt
    x1 = pooled + x0_ref[...]
    y = _silu(_dot(x1, w1a[...]) + b1a[...])
    y = _silu(_dot(y, w1b[...]) + b1b[...])
    x2 = y + x1
    x3 = _silu(_dot(x2, wm[...]) + bm[...])
    x4 = x3 + h_ref[...]
    y = _silu(_dot(x4, w2a[...]) + b2a[...])
    y = _silu(_dot(y, w2b[...]) + b2b[...])
    x5 = y + x4
    y = _silu(_dot(x5, w3a[...]) + b3a[...])
    y = _silu(_dot(y, w3b[...]) + b3b[...])
    x6 = y + x5
    x6_ref[...] = x6
    p1_ref[...] = _dot(x6, wxe1[...])
    p2_ref[...] = _dot(x6, wxe2[...])


def _mid(part, cnt16, x0, h, weights, block=1000):
    grid = (_N // block,)
    mat = pl.BlockSpec((_D, _D), lambda i: (0, 0))
    vec = pl.BlockSpec((1, _D), lambda i: (0, 0))
    row = pl.BlockSpec((block, _D), lambda i: (i, 0))
    w_specs = []
    for w in weights:
        w_specs.append(mat if w.shape[0] == _D else vec)
    return pl.pallas_call(
        _mid_body,
        grid=grid,
        in_specs=[
            pl.BlockSpec((_NC, block, _D), lambda i: (0, i, 0)),
            pl.BlockSpec((_NC, block, _D), lambda i: (0, i, 0)),
            row, row,
        ] + w_specs,
        out_specs=[row, row, row],
        out_shape=[jax.ShapeDtypeStruct((_N, _D), _F32)] * 3,
    )(part, cnt16, x0, h, *weights)


def _final_body(s_ref, c_ref, x6_ref, out_ref):
    cnt = jnp.maximum(c_ref[0, :, :1] + c_ref[1, :, :1], 1.0)
    out_ref[...] = (s_ref[0] + s_ref[1]) / cnt + x6_ref[...]


def _final(part, cnt16, x6, block=1000):
    grid = (_N // block,)
    row = pl.BlockSpec((block, _D), lambda i: (i, 0))
    return pl.pallas_call(
        _final_body,
        grid=grid,
        in_specs=[
            pl.BlockSpec((_NC, block, _D), lambda i: (0, i, 0)),
            pl.BlockSpec((_NC, block, _D), lambda i: (0, i, 0)),
            row,
        ],
        out_specs=row,
        out_shape=jax.ShapeDtypeStruct((_N, _D), _F32),
    )(part, cnt16, x6)



def _make_prop():
    mesh = plsc.VectorSubcoreMesh(core_axis_name="c", subcore_axis_name="s")
    out_type = jax.ShapeDtypeStruct((_NC, _NP, _D), _F32)
    scratch = [
        pltpu.VMEM((_K,), jnp.int32),
        pltpu.VMEM((_K,), jnp.int32),
        pltpu.VMEM((_K, _D), _F32),
        pltpu.VMEM((_K, _D), _F32),
        pltpu.VMEM((_K, _D), _F32),
        pltpu.VMEM((_K, _D), _F32),
        pltpu.VMEM_SHARED((_NP, _D), _F32),
        [pltpu.SemaphoreType.DMA] * 2,
        [pltpu.SemaphoreType.DMA] * 2,
        [pltpu.SemaphoreType.DMA] * 2,
    ]

    def body(idx0_h, idx1_h, t3_h, tl_h, p1_h, p2_h, zrow_h, out_h,
             iv0, iv1, t3v, tlv, p1v, p2v, acc, isem, lsem, gsem):
        c = lax.axis_index("c")
        s = lax.axis_index("s")
        wid = c * _NS + s

        pltpu.sync_copy(zrow_h, acc.at[pl.ds(s * _RPT, _RPT)])
        plsc.subcore_barrier()

        def chunk(g, carry):
            base = wid * _EPW + g * _K
            sl = pl.ds(base, _K)
            ci0 = pltpu.async_copy(idx0_h.at[sl], iv0, isem[0])
            ci1 = pltpu.async_copy(idx1_h.at[sl], iv1, isem[1])
            ct3 = pltpu.async_copy(t3_h.at[sl], t3v, lsem[0])
            ctl = pltpu.async_copy(tl_h.at[sl], tlv, lsem[1])
            ci0.wait()
            ci1.wait()
            hh = _K // 2
            slA, slB = pl.ds(0, hh), pl.ds(hh, hh)
            cp1 = pltpu.async_copy(p1_h.at[iv0.at[slA]], p1v.at[slA], gsem[0])
            cp2 = pltpu.async_copy(p2_h.at[iv1.at[slA]], p2v.at[slA], gsem[1])
            ct3.wait()
            ctl.wait()
            cp1.wait()
            cp2.wait()
            cp3 = pltpu.async_copy(p1_h.at[iv0.at[slB]], p1v.at[slB], gsem[0])
            cp4 = pltpu.async_copy(p2_h.at[iv1.at[slB]], p2v.at[slB], gsem[1])

            def row(r, rc):
                for v in range(_D // 16):
                    rsl = pl.ds(v * 16, 16)
                    y = t3v[r, rsl] + p1v[r, rsl] + p2v[r, rsl]
                    m = tlv[r, rsl] * y / (1.0 + jnp.exp(-y))
                    t3v[r, rsl] = m
                return rc

            lax.fori_loop(0, hh, row, 0)
            cp3.wait()
            cp4.wait()
            lax.fori_loop(hh, _K, row, 0)
            pltpu.sync_copy(t3v, acc.at[iv0], add=True)
            return carry

        lax.fori_loop(0, _NCHUNK, chunk, 0)
        plsc.subcore_barrier()

        sl_out = pl.ds(s * _RPT, _RPT)
        pltpu.sync_copy(acc.at[sl_out], out_h.at[c, sl_out])

    return pl.kernel(body, out_type=out_type, mesh=mesh, scratch_types=scratch)


def _make_count():
    mesh = plsc.VectorSubcoreMesh(core_axis_name="c", subcore_axis_name="s")
    out_type = jax.ShapeDtypeStruct((_NC, _NP, _D), _F32)
    scratch = [
        pltpu.VMEM((_NCHUNK, _K), jnp.int32),
        pltpu.VMEM((_K, _D), _F32),
        pltpu.VMEM_SHARED((_NP, _D), _F32),
        pltpu.SemaphoreType.DMA,
    ]

    def body(idx0_h, zcnt_h, ones_h, cnt_h, iva, onesv, cacc, sem):
        c = lax.axis_index("c")
        s = lax.axis_index("s")
        wid = c * _NS + s

        pltpu.sync_copy(zcnt_h, cacc.at[pl.ds(s * _RPT, _RPT)])
        pltpu.sync_copy(ones_h, onesv)
        pltpu.sync_copy(idx0_h.at[wid], iva)
        plsc.subcore_barrier()

        nb = _NCHUNK // 5

        def issue(t):
            for j in range(5):
                pltpu.async_copy(onesv, cacc.at[iva.at[5 * t + j]], sem,
                                 add=True)

        def drain(t):
            for j in range(5):
                pltpu.make_async_copy(onesv, cacc.at[iva.at[5 * t + j]],
                                      sem).wait()

        issue(0)

        def batch(t, carry):
            issue(t + 1)
            drain(t)
            return carry

        lax.fori_loop(0, nb - 1, batch, 0)
        drain(nb - 1)
        plsc.subcore_barrier()

        sl_out = pl.ds(s * _RPT, _RPT)
        pltpu.sync_copy(cacc.at[sl_out], cnt_h.at[c, sl_out])

    return pl.kernel(body, out_type=out_type, mesh=mesh, scratch_types=scratch)


_prop = _make_prop()
_count = _make_count()



def kernel(h, edge_attr, edge_index, W_h, b_h, W_r1a, b_r1a, W_r1b, b_r1b,
           W_r2a, b_r2a, W_r2b, b_r2b, W_r3a, b_r3a, W_r3b, b_r3b,
           W_m, b_m, W_xe, b_xe, W_lin):
    w1 = W_xe[:_D]
    w2 = W_xe[_D:2 * _D]
    w3 = W_xe[2 * _D:]

    idx0 = edge_index[0]
    idx1 = edge_index[1]
    idx0r = idx0.reshape(_NW, _NCHUNK, _K)

    zrow = jnp.zeros((_RPT, _D), _F32)
    ones = jnp.ones((_K, _D), _F32)

    t3, tl = _edge_proj(edge_attr, w3, b_xe, W_lin)
    x0, p1, p2 = _pre(h, W_h, b_h, w1, w2)

    cnt16 = _count(idx0r, zrow, ones)
    part1 = _prop(idx0, idx1, t3, tl, p1, p2, zrow)

    weights = [W_r1a, b_r1a.reshape(1, _D), W_r1b, b_r1b.reshape(1, _D),
               W_m, b_m.reshape(1, _D),
               W_r2a, b_r2a.reshape(1, _D), W_r2b, b_r2b.reshape(1, _D),
               W_r3a, b_r3a.reshape(1, _D), W_r3b, b_r3b.reshape(1, _D),
               w1, w2]
    x6, p1b, p2b = _mid(part1, cnt16, x0, h, weights)

    part2 = _prop(idx0, idx1, t3, tl, p1b, p2b, zrow)

    return _final(part2, cnt16, x6)

# --- scband reference (transcript-rebuilt; emitter-appended) ---
"""Pipeline reference for scband-mxmglobal-mp-24953759989848 (READ-ONLY COPY).

The authoritative reference and input builder live on the scoring server;
editing this copy changes nothing except your own understanding.
"""

import jax, jax.numpy as jnp
import numpy as np

N = 10000
E = 320000
D = 128

def _dense(x, W, b):
    y = jnp.dot(x, W) + b
    return y * jax.nn.sigmoid(y)

def _residual(x, Wa, ba, Wb, bb):
    y = _dense(x, Wa, ba)
    y = _dense(y, Wb, bb)
    return y + x

def _propagate(x, edge_attr, edge_index, W_xe, b_xe, W_lin):
    xi = jnp.take(x, edge_index[0], axis=0)
    xj = jnp.take(x, edge_index[1], axis=0)
    x_edge = jnp.concatenate([xi, xj, edge_attr], axis=-1)
    x_edge = _dense(x_edge, W_xe, b_xe)
    e_lin = jnp.dot(edge_attr, W_lin)
    msg = e_lin * x_edge
    s = jax.ops.segment_sum(msg, edge_index[0], num_segments=N)
    cnt = jax.ops.segment_sum(jnp.ones((msg.shape[0],), dtype=msg.dtype), edge_index[0], num_segments=N)
    pooled = s / jnp.maximum(cnt, 1.0)[:, None]
    return pooled + x

def setup_inputs(seed: int = 0):
    key = jax.random.key(seed)
    ks = jax.random.split(key, 32)
    def w(k, shape):
        return jax.random.normal(k, shape, dtype=jnp.float32) * 0.05
    inp = {}
    inp["h"] = jax.random.normal(ks[0], (N, D), dtype=jnp.float32)
    inp["edge_attr"] = jax.random.normal(ks[1], (E, D), dtype=jnp.float32)
    inp["edge_index"] = jax.random.randint(ks[2], (2, E), 0, N, dtype=jnp.int32)
    inp["W_h"] = w(ks[3], (D, D)); inp["b_h"] = jnp.zeros((D,), jnp.float32)
    inp["W_r1a"] = w(ks[4], (D, D)); inp["b_r1a"] = jnp.zeros((D,), jnp.float32)
    inp["W_r1b"] = w(ks[5], (D, D)); inp["b_r1b"] = jnp.zeros((D,), jnp.float32)
    inp["W_r2a"] = w(ks[6], (D, D)); inp["b_r2a"] = jnp.zeros((D,), jnp.float32)
    inp["W_r2b"] = w(ks[7], (D, D)); inp["b_r2b"] = jnp.zeros((D,), jnp.float32)
    inp["W_r3a"] = w(ks[8], (D, D)); inp["b_r3a"] = jnp.zeros((D,), jnp.float32)
    inp["W_r3b"] = w(ks[9], (D, D)); inp["b_r3b"] = jnp.zeros((D,), jnp.float32)
    inp["W_m"] = w(ks[10], (D, D)); inp["b_m"] = jnp.zeros((D,), jnp.float32)
    inp["W_xe"] = w(ks[11], (3 * D, D)); inp["b_xe"] = jnp.zeros((D,), jnp.float32)
    inp["W_lin"] = w(ks[12], (D, D))
    return inp

def reference(h, edge_attr, edge_index, W_h, b_h, W_r1a, b_r1a, W_r1b, b_r1b, W_r2a, b_r2a, W_r2b, b_r2b, W_r3a, b_r3a, W_r3b, b_r3b, W_m, b_m, W_xe, b_xe, W_lin):
    res_h = h
    x = _dense(h, W_h, b_h)
    x = _propagate(x, edge_attr, edge_index, W_xe, b_xe, W_lin)
    x = _residual(x, W_r1a, b_r1a, W_r1b, b_r1b)
    x = _dense(x, W_m, b_m)
    x = x + res_h
    x = _residual(x, W_r2a, b_r2a, W_r2b, b_r2b)
    x = _residual(x, W_r3a, b_r3a, W_r3b, b_r3b)
    x = _propagate(x, edge_attr, edge_index, W_xe, b_xe, W_lin)
    return x

if __name__ == "__main__":
    import jax
    _d = setup_inputs()
    print(jax.jit(kernel)(*tuple(_d.values())))

</pallas_src>

<mosaic_0001>
#map = affine_map<(d0, d1) -> (0)>
#map1 = affine_map<(d0, d1) -> (0, 0)>
#map2 = affine_map<(d0, d1) -> (0, 0, 0)>
module attributes {stable_mosaic.version = 14 : i64} {
  func.func @body(%arg0: i32, %arg1: i32, %arg2: memref<320000xi32, #tpu.memory_space<hbm>>, %arg3: memref<320000xi32, #tpu.memory_space<hbm>>, %arg4: memref<320000x128xf32, #tpu.memory_space<hbm>>, %arg5: memref<320000x128xf32, #tpu.memory_space<hbm>>, %arg6: memref<10000x128xf32, #tpu.memory_space<hbm>>, %arg7: memref<10000x128xf32, #tpu.memory_space<hbm>>, %arg8: memref<640x128xf32, #tpu.memory_space<hbm>>, %arg9: memref<2x10240x128xf32, #tpu.memory_space<hbm>>, %arg10: memref<80xi32, #tpu.memory_space<vmem>>, %arg11: memref<80xi32, #tpu.memory_space<vmem>>, %arg12: memref<80x128xf32, #tpu.memory_space<vmem>>, %arg13: memref<80x128xf32, #tpu.memory_space<vmem>>, %arg14: memref<80x128xf32, #tpu.memory_space<vmem>>, %arg15: memref<80x128xf32, #tpu.memory_space<vmem>>, %arg16: memref<10240x128xf32, #tpu.memory_space<vmem_shared>>, %arg17: memref<!tpu.dma_semaphore, #tpu.memory_space<semaphore_mem>>, %arg18: memref<!tpu.dma_semaphore, #tpu.memory_space<semaphore_mem>>, %arg19: memref<!tpu.dma_semaphore, #tpu.memory_space<semaphore_mem>>, %arg20: memref<!tpu.dma_semaphore, #tpu.memory_space<semaphore_mem>>, %arg21: memref<!tpu.dma_semaphore, #tpu.memory_space<semaphore_mem>>, %arg22: memref<!tpu.dma_semaphore, #tpu.memory_space<semaphore_mem>>) attributes {dimension_semantics = [#tpu.dimension_semantics<core_parallel>, #tpu.dimension_semantics<subcore_parallel>], iteration_bounds = array<i64: 2, 16>, scalar_prefetch = 0 : i64, scratch_operands = 13 : i64, tpu.core_type = #tpu.core_type<sc_vector_subcore>, window_params = [{transform_indices = #map}, {transform_indices = #map}, {transform_indices = #map1}, {transform_indices = #map1}, {transform_indices = #map1}, {transform_indices = #map1}, {transform_indices = #map1}, {transform_indices = #map2}]} {
    %mul3A = arith.constant 16 : i32
    %mul3A_0 = arith.muli %arg0, %mul3A : i32
    %add3A = arith.addi %mul3A_0, %arg1 : i32
    %mul3A_1 = arith.constant 640 : i32
    %mul3A_2 = arith.muli %arg1, %mul3A_1 : i32
    "tpu.region"() ({
      %run_scoped3A = tpu.sem_alloc : memref<!tpu.dma_semaphore, #tpu.memory_space<semaphore_mem>>
      %dma_start3A = arith.constant 0 : i32
      %dma_start3A_11 = tpu.memref_slice %arg16[%mul3A_2, %dma_start3A] : memref<10240x128xf32, #tpu.memory_space<vmem_shared>> -> memref<640x128xf32, #tpu.memory_space<vmem_shared>>
      tpu.enqueue_dma source(%arg8 : memref<640x128xf32, #tpu.memory_space<hbm>>) target(%dma_start3A_11 : memref<640x128xf32, #tpu.memory_space<vmem_shared>>) target_semaphore(%run_scoped3A : memref<!tpu.dma_semaphore, #tpu.memory_space<semaphore_mem>>)
      %dma_wait3A = arith.constant 0 : i32
      %dma_wait3A_12 = tpu.memref_slice %arg16[%mul3A_2, %dma_wait3A] : memref<10240x128xf32, #tpu.memory_space<vmem_shared>> -> memref<640x128xf32, #tpu.memory_space<vmem_shared>>
      tpu.wait_dma2 semaphore(%run_scoped3A : memref<!tpu.dma_semaphore, #tpu.memory_space<semaphore_mem>>) src(%arg8 : memref<640x128xf32, #tpu.memory_space<hbm>>) dst(%dma_wait3A_12 : memref<640x128xf32, #tpu.memory_space<vmem_shared>>)
      tpu.yield
    }) : () -> ()
    %barrier3A = arith.constant 0 : index
    tpu.barrier barrier_id(%barrier3A)
    %scan3A = arith.constant 0 : i32
    %scan3A_3 = arith.constant 0 : i32
    %scan3A_4 = arith.constant 125 : i32
    %scan3A_5 = arith.addi %scan3A_3, %scan3A_4 : i32
    %scan3A_6 = arith.constant 1 : i32
    scf.for %scan3A_11 = %scan3A_3 to %scan3A_5 step %scan3A_6  : i32 {
      %mul3A_12 = arith.constant 10000 : i32
      %mul3A_13 = arith.muli %add3A, %mul3A_12 : i32
      %mul3A_14 = arith.constant 80 : i32
      %mul3A_15 = arith.muli %scan3A_11, %mul3A_14 : i32
      %add3A_16 = arith.addi %mul3A_13, %mul3A_15 : i32
      %dma_start3A = tpu.memref_slice %arg2[%add3A_16] : memref<320000xi32, #tpu.memory_space<hbm>> -> memref<80xi32, #tpu.memory_space<hbm>>
      %dma_start3A_17 = tpu.memref_slice %arg2[%add3A_16] : memref<320000xi32, #tpu.memory_space<hbm>> -> memref<80xi32, #tpu.memory_space<hbm>>
      tpu.enqueue_dma source(%dma_start3A_17 : memref<80xi32, #tpu.memory_space<hbm>>) target(%arg10 : memref<80xi32, #tpu.memory_space<vmem>>) target_semaphore(%arg17 : memref<!tpu.dma_semaphore, #tpu.memory_space<semaphore_mem>>)
      %dma_start3A_18 = tpu.memref_slice %arg3[%add3A_16] : memref<320000xi32, #tpu.memory_space<hbm>> -> memref<80xi32, #tpu.memory_space<hbm>>
      %dma_start3A_19 = tpu.memref_slice %arg3[%add3A_16] : memref<320000xi32, #tpu.memory_space<hbm>> -> memref<80xi32, #tpu.memory_space<hbm>>
      tpu.enqueue_dma source(%dma_start3A_19 : memref<80xi32, #tpu.memory_space<hbm>>) target(%arg11 : memref<80xi32, #tpu.memory_space<vmem>>) target_semaphore(%arg18 : memref<!tpu.dma_semaphore, #tpu.memory_space<semaphore_mem>>)
      %dma_start3A_20 = arith.constant 0 : i32
      %dma_start3A_21 = tpu.memref_slice %arg4[%add3A_16, %dma_start3A_20] : memref<320000x128xf32, #tpu.memory_space<hbm>> -> memref<80x128xf32, #tpu.memory_space<hbm>>
      %dma_start3A_22 = arith.constant 0 : i32
      %dma_start3A_23 = tpu.memref_slice %arg4[%add3A_16, %dma_start3A_22] : memref<320000x128xf32, #tpu.memory_space<hbm>> -> memref<80x128xf32, #tpu.memory_space<hbm>>
      tpu.enqueue_dma source(%dma_start3A_23 : memref<80x128xf32, #tpu.memory_space<hbm>>) target(%arg12 : memref<80x128xf32, #tpu.memory_space<vmem>>) target_semaphore(%arg19 : memref<!tpu.dma_semaphore, #tpu.memory_space<semaphore_mem>>)
      %dma_start3A_24 = arith.constant 0 : i32
      %dma_start3A_25 = tpu.memref_slice %arg5[%add3A_16, %dma_start3A_24] : memref<320000x128xf32, #tpu.memory_space<hbm>> -> memref<80x128xf32, #tpu.memory_space<hbm>>
      %dma_start3A_26 = arith.constant 0 : i32
      %dma_start3A_27 = tpu.memref_slice %arg5[%add3A_16, %dma_start3A_26] : memref<320000x128xf32, #tpu.memory_space<hbm>> -> memref<80x128xf32, #tpu.memory_space<hbm>>
      tpu.enqueue_dma source(%dma_start3A_27 : memref<80x128xf32, #tpu.memory_space<hbm>>) target(%arg13 : memref<80x128xf32, #tpu.memory_space<vmem>>) target_semaphore(%arg20 : memref<!tpu.dma_semaphore, #tpu.memory_space<semaphore_mem>>)
      %dma_wait3A = tpu.memref_slice %arg2[%add3A_16] : memref<320000xi32, #tpu.memory_space<hbm>> -> memref<80xi32, #tpu.memory_space<hbm>>
      %dma_wait3A_28 = tpu.memref_slice %arg2[%add3A_16] : memref<320000xi32, #tpu.memory_space<hbm>> -> memref<80xi32, #tpu.memory_space<hbm>>
      tpu.wait_dma2 semaphore(%arg17 : memref<!tpu.dma_semaphore, #tpu.memory_space<semaphore_mem>>) src(%dma_wait3A_28 : memref<80xi32, #tpu.memory_space<hbm>>) dst(%arg10 : memref<80xi32, #tpu.memory_space<vmem>>)
      %dma_wait3A_29 = tpu.memref_slice %arg3[%add3A_16] : memref<320000xi32, #tpu.memory_space<hbm>> -> memref<80xi32, #tpu.memory_space<hbm>>
      %dma_wait3A_30 = tpu.memref_slice %arg3[%add3A_16] : memref<320000xi32, #tpu.memory_space<hbm>> -> memref<80xi32, #tpu.memory_space<hbm>>
      tpu.wait_dma2 semaphore(%arg18 : memref<!tpu.dma_semaphore, #tpu.memory_space<semaphore_mem>>) src(%dma_wait3A_30 : memref<80xi32, #tpu.memory_space<hbm>>) dst(%arg11 : memref<80xi32, #tpu.memory_space<vmem>>)
      %dma_start3A_31 = arith.constant 0 : i32
      %dma_start3A_32 = arith.constant 0 : i32
      %dma_start3A_33 = tpu.memref_slice %arg14[%dma_start3A_31, %dma_start3A_32] : memref<80x128xf32, #tpu.memory_space<vmem>> -> memref<40x128xf32, #tpu.memory_space<vmem>>
      %dma_start3A_34 = arith.constant 0 : i32
      %dma_start3A_35 = tpu.memref_slice %arg10[%dma_start3A_34] : memref<80xi32, #tpu.memory_space<vmem>> -> memref<40xi32, #tpu.memory_space<vmem>>
      %dma_start3A_36 = arith.constant 0 : i32
      %dma_start3A_37 = arith.constant 0 : i32
      %dma_start3A_38 = tpu.memref_slice %arg6[%dma_start3A_36, %dma_start3A_37] : memref<10000x128xf32, #tpu.memory_space<hbm>> -> memref<10000x128xf32, #tpu.memory_space<hbm>>
      tpu.enqueue_indirect_dma source(%dma_start3A_38 : memref<10000x128xf32, #tpu.memory_space<hbm>>) target(%dma_start3A_33 : memref<40x128xf32, #tpu.memory_space<vmem>>) offsets(%dma_start3A_35 : memref<40xi32, #tpu.memory_space<vmem>>) semaphore(%arg21 : memref<!tpu.dma_semaphore, #tpu.memory_space<semaphore_mem>>)
      %dma_start3A_39 = arith.constant 0 : i32
      %dma_start3A_40 = arith.constant 0 : i32
      %dma_start3A_41 = tpu.memref_slice %arg15[%dma_start3A_39, %dma_start3A_40] : memref<80x128xf32, #tpu.memory_space<vmem>> -> memref<40x128xf32, #tpu.memory_space<vmem>>
      %dma_start3A_42 = arith.constant 0 : i32
      %dma_start3A_43 = tpu.memref_slice %arg11[%dma_start3A_42] : memref<80xi32, #tpu.memory_space<vmem>> -> memref<40xi32, #tpu.memory_space<vmem>>
      %dma_start3A_44 = arith.constant 0 : i32
      %dma_start3A_45 = arith.constant 0 : i32
      %dma_start3A_46 = tpu.memref_slice %arg7[%dma_start3A_44, %dma_start3A_45] : memref<10000x128xf32, #tpu.memory_space<hbm>> -> memref<10000x128xf32, #tpu.memory_space<hbm>>
      tpu.enqueue_indirect_dma source(%dma_start3A_46 : memref<10000x128xf32, #tpu.memory_space<hbm>>) target(%dma_start3A_41 : memref<40x128xf32, #tpu.memory_space<vmem>>) offsets(%dma_start3A_43 : memref<40xi32, #tpu.memory_space<vmem>>) semaphore(%arg22 : memref<!tpu.dma_semaphore, #tpu.memory_space<semaphore_mem>>)
      %dma_wait3A_47 = arith.constant 0 : i32
      %dma_wait3A_48 = tpu.memref_slice %arg4[%add3A_16, %dma_wait3A_47] : memref<320000x128xf32, #tpu.memory_space<hbm>> -> memref<80x128xf32, #tpu.memory_space<hbm>>
      %dma_wait3A_49 = arith.constant 0 : i32
      %dma_wait3A_50 = tpu.memref_slice %arg4[%add3A_16, %dma_wait3A_49] : memref<320000x128xf32, #tpu.memory_space<hbm>> -> memref<80x128xf32, #tpu.memory_space<hbm>>
      tpu.wait_dma2 semaphore(%arg19 : memref<!tpu.dma_semaphore, #tpu.memory_space<semaphore_mem>>) src(%dma_wait3A_50 : memref<80x128xf32, #tpu.memory_space<hbm>>) dst(%arg12 : memref<80x128xf32, #tpu.memory_space<vmem>>)
      %dma_wait3A_51 = arith.constant 0 : i32
      %dma_wait3A_52 = tpu.memref_slice %arg5[%add3A_16, %dma_wait3A_51] : memref<320000x128xf32, #tpu.memory_space<hbm>> -> memref<80x128xf32, #tpu.memory_space<hbm>>
      %dma_wait3A_53 = arith.constant 0 : i32
      %dma_wait3A_54 = tpu.memref_slice %arg5[%add3A_16, %dma_wait3A_53] : memref<320000x128xf32, #tpu.memory_space<hbm>> -> memref<80x128xf32, #tpu.memory_space<hbm>>
      tpu.wait_dma2 semaphore(%arg20 : memref<!tpu.dma_semaphore, #tpu.memory_space<semaphore_mem>>) src(%dma_wait3A_54 : memref<80x128xf32, #tpu.memory_space<hbm>>) dst(%arg13 : memref<80x128xf32, #tpu.memory_space<vmem>>)
      %dma_wait3A_55 = arith.constant 0 : i32
      %dma_wait3A_56 = arith.constant 0 : i32
      %dma_wait3A_57 = tpu.memref_slice %arg14[%dma_wait3A_55, %dma_wait3A_56] : memref<80x128xf32, #tpu.memory_space<vmem>> -> memref<40x128xf32, #tpu.memory_space<vmem>>
      %dma_wait3A_58 = arith.constant 0 : i32
      %dma_wait3A_59 = tpu.memref_slice %arg10[%dma_wait3A_58] : memref<80xi32, #tpu.memory_space<vmem>> -> memref<40xi32, #tpu.memory_space<vmem>>
      %dma_wait3A_60 = arith.constant 0 : i32
      %dma_wait3A_61 = arith.constant 0 : i32
      %dma_wait3A_62 = tpu.memref_slice %arg6[%dma_wait3A_60, %dma_wait3A_61] : memref<10000x128xf32, #tpu.memory_space<hbm>> -> memref<10000x128xf32, #tpu.memory_space<hbm>>
      tpu.wait_indirect_dma semaphore(%arg21 : memref<!tpu.dma_semaphore, #tpu.memory_space<semaphore_mem>>) src(%dma_wait3A_62 : memref<10000x128xf32, #tpu.memory_space<hbm>>) dst(%dma_wait3A_57 : memref<40x128xf32, #tpu.memory_space<vmem>>)
      %dma_wait3A_63 = arith.constant 0 : i32
      %dma_wait3A_64 = arith.constant 0 : i32
      %dma_wait3A_65 = tpu.memref_slice %arg15[%dma_wait3A_63, %dma_wait3A_64] : memref<80x128xf32, #tpu.memory_space<vmem>> -> memref<40x128xf32, #tpu.memory_space<vmem>>
      %dma_wait3A_66 = arith.constant 0 : i32
      %dma_wait3A_67 = tpu.memref_slice %arg11[%dma_wait3A_66] : memref<80xi32, #tpu.memory_space<vmem>> -> memref<40xi32, #tpu.memory_space<vmem>>
      %dma_wait3A_68 = arith.constant 0 : i32
      %dma_wait3A_69 = arith.constant 0 : i32
      %dma_wait3A_70 = tpu.memref_slice %arg7[%dma_wait3A_68, %dma_wait3A_69] : memref<10000x128xf32, #tpu.memory_space<hbm>> -> memref<10000x128xf32, #tpu.memory_space<hbm>>
      tpu.wait_indirect_dma semaphore(%arg22 : memref<!tpu.dma_semaphore, #tpu.memory_space<semaphore_mem>>) src(%dma_wait3A_70 : memref<10000x128xf32, #tpu.memory_space<hbm>>) dst(%dma_wait3A_65 : memref<40x128xf32, #tpu.memory_space<vmem>>)
      %dma_start3A_71 = arith.constant 40 : i32
      %dma_start3A_72 = arith.constant 0 : i32
      %dma_start3A_73 = tpu.memref_slice %arg14[%dma_start3A_71, %dma_start3A_72] : memref<80x128xf32, #tpu.memory_space<vmem>> -> memref<40x128xf32, #tpu.memory_space<vmem>>
      %dma_start3A_74 = arith.constant 40 : i32
      %dma_start3A_75 = tpu.memref_slice %arg10[%dma_start3A_74] : memref<80xi32, #tpu.memory_space<vmem>> -> memref<40xi32, #tpu.memory_space<vmem>>
      %dma_start3A_76 = arith.constant 0 : i32
      %dma_start3A_77 = arith.constant 0 : i32
      %dma_start3A_78 = tpu.memref_slice %arg6[%dma_start3A_76, %dma_start3A_77] : memref<10000x128xf32, #tpu.memory_space<hbm>> -> memref<10000x128xf32, #tpu.memory_space<hbm>>
      tpu.enqueue_indirect_dma source(%dma_start3A_78 : memref<10000x128xf32, #tpu.memory_space<hbm>>) target(%dma_start3A_73 : memref<40x128xf32, #tpu.memory_space<vmem>>) offsets(%dma_start3A_75 : memref<40xi32, #tpu.memory_space<vmem>>) semaphore(%arg21 : memref<!tpu.dma_semaphore, #tpu.memory_space<semaphore_mem>>)
      %dma_start3A_79 = arith.constant 40 : i32
      %dma_start3A_80 = arith.constant 0 : i32
      %dma_start3A_81 = tpu.memref_slice %arg15[%dma_start3A_79, %dma_start3A_80] : memref<80x128xf32, #tpu.memory_space<vmem>> -> memref<40x128xf32, #tpu.memory_space<vmem>>
      %dma_start3A_82 = arith.constant 40 : i32
      %dma_start3A_83 = tpu.memref_slice %arg11[%dma_start3A_82] : memref<80xi32, #tpu.memory_space<vmem>> -> memref<40xi32, #tpu.memory_space<vmem>>
      %dma_start3A_84 = arith.constant 0 : i32
      %dma_start3A_85 = arith.constant 0 : i32
      %dma_start3A_86 = tpu.memref_slice %arg7[%dma_start3A_84, %dma_start3A_85] : memref<10000x128xf32, #tpu.memory_space<hbm>> -> memref<10000x128xf32, #tpu.memory_space<hbm>>
      tpu.enqueue_indirect_dma source(%dma_start3A_86 : memref<10000x128xf32, #tpu.memory_space<hbm>>) target(%dma_start3A_81 : memref<40x128xf32, #tpu.memory_space<vmem>>) offsets(%dma_start3A_83 : memref<40xi32, #tpu.memory_space<vmem>>) semaphore(%arg22 : memref<!tpu.dma_semaphore, #tpu.memory_space<semaphore_mem>>)
      %scan3A_87 = arith.constant 0 : i32
      %scan3A_88 = arith.constant 0 : i32
      %scan3A_89 = arith.constant 40 : i32
      %scan3A_90 = arith.addi %scan3A_88, %scan3A_89 : i32
      %scan3A_91 = arith.constant 1 : i32
      scf.for %scan3A_115 = %scan3A_88 to %scan3A_90 step %scan3A_91  : i32 {
        %get3A = arith.index_cast %scan3A_115 : i32 to index
        %get3A_116 = arith.constant 0 : index
        %get3A_117 = tpu.vector_load %arg12[%get3A, %get3A_116] {strides = array<i32>} : memref<80x128xf32, #tpu.memory_space<vmem>>, vector<1x16xf32>,
        %get3A_118 = vector.shape_cast %get3A_117 : vector<1x16xf32> to vector<16xf32>
        %get3A_119 = arith.index_cast %scan3A_115 : i32 to index
        %get3A_120 = arith.constant 0 : index
        %get3A_121 = tpu.vector_load %arg14[%get3A_119, %get3A_120] {strides = array<i32>} : memref<80x128xf32, #tpu.memory_space<vmem>>, vector<1x16xf32>,
        %get3A_122 = vector.shape_cast %get3A_121 : vector<1x16xf32> to vector<16xf32>
        %add3A_123 = arith.addf %get3A_118, %get3A_122 : vector<16xf32>
        %get3A_124 = arith.index_cast %scan3A_115 : i32 to index
        %get3A_125 = arith.constant 0 : index
        %get3A_126 = tpu.vector_load %arg15[%get3A_124, %get3A_125] {strides = array<i32>} : memref<80x128xf32, #tpu.memory_space<vmem>>, vector<1x16xf32>,
        %get3A_127 = vector.shape_cast %get3A_126 : vector<1x16xf32> to vector<16xf32>
        %add3A_128 = arith.addf %add3A_123, %get3A_127 : vector<16xf32>
        %get3A_129 = arith.index_cast %scan3A_115 : i32 to index
        %get3A_130 = arith.constant 0 : index
        %get3A_131 = tpu.vector_load %arg13[%get3A_129, %get3A_130] {strides = array<i32>} : memref<80x128xf32, #tpu.memory_space<vmem>>, vector<1x16xf32>,
        %get3A_132 = vector.shape_cast %get3A_131 : vector<1x16xf32> to vector<16xf32>
        %mul3A_133 = arith.mulf %get3A_132, %add3A_128 : vector<16xf32>
        %neg3A = arith.constant 0.000000e+00 : f32
        %neg3A_134 = vector.broadcast %neg3A : f32 to vector<16xf32>
        %neg3A_135 = arith.subf %neg3A_134, %add3A_128 : vector<16xf32>
        %exp3A = math.exp %neg3A_135 : vector<16xf32>
        %add3A_136 = arith.constant 1.000000e+00 : f32
        %add3A_137 = vector.broadcast %add3A_136 : f32 to vector<16xf32>
        %add3A_138 = arith.addf %add3A_137, %exp3A : vector<16xf32>
        %div3A = arith.divf %mul3A_133, %add3A_138 : vector<16xf32>
        %swap3A = arith.index_cast %scan3A_115 : i32 to index
        %swap3A_139 = arith.constant 0 : index
        %swap3A_140 = tpu.vector_load %arg12[%swap3A, %swap3A_139] {strides = array<i32>} : memref<80x128xf32, #tpu.memory_space<vmem>>, vector<1x16xf32>,
        %swap3A_141 = vector.shape_cast %swap3A_140 : vector<1x16xf32> to vector<16xf32>
        %swap3A_142 = vector.shape_cast %div3A : vector<16xf32> to vector<1x16xf32>
        tpu.vector_store %arg12[%swap3A, %swap3A_139], %swap3A_142 {strides = array<i32>} : memref<80x128xf32, #tpu.memory_space<vmem>>, vector<1x16xf32>,
        %get3A_143 = arith.index_cast %scan3A_115 : i32 to index
        %get3A_144 = arith.constant 16 : index
        %get3A_145 = tpu.vector_load %arg12[%get3A_143, %get3A_144] {strides = array<i32>} : memref<80x128xf32, #tpu.memory_space<vmem>>, vector<1x16xf32>,
        %get3A_146 = vector.shape_cast %get3A_145 : vector<1x16xf32> to vector<16xf32>
        %get3A_147 = arith.index_cast %scan3A_115 : i32 to index
        %get3A_148 = arith.constant 16 : index
        %get3A_149 = tpu.vector_load %arg14[%get3A_147, %get3A_148] {strides = array<i32>} : memref<80x128xf32, #tpu.memory_space<vmem>>, vector<1x16xf32>,
        %get3A_150 = vector.shape_cast %get3A_149 : vector<1x16xf32> to vector<16xf32>
        %add3A_151 = arith.addf %get3A_146, %get3A_150 : vector<16xf32>
        %get3A_152 = arith.index_cast %scan3A_115 : i32 to index
        %get3A_153 = arith.constant 16 : index
        %get3A_154 = tpu.vector_load %arg15[%get3A_152, %get3A_153] {strides = array<i32>} : memref<80x128xf32, #tpu.memory_space<vmem>>, vector<1x16xf32>,
        %get3A_155 = vector.shape_cast %get3A_154 : vector<1x16xf32> to vector<16xf32>
        %add3A_156 = arith.addf %add3A_151, %get3A_155 : vector<16xf32>
        %get3A_157 = arith.index_cast %scan3A_115 : i32 to index
        %get3A_158 = arith.constant 16 : index
        %get3A_159 = tpu.vector_load %arg13[%get3A_157, %get3A_158] {strides = array<i32>} : memref<80x128xf32, #tpu.memory_space<vmem>>, vector<1x16xf32>,
        %get3A_160 = vector.shape_cast %get3A_159 : vector<1x16xf32> to vector<16xf32>
        %mul3A_161 = arith.mulf %get3A_160, %add3A_156 : vector<16xf32>
        %neg3A_162 = arith.constant 0.000000e+00 : f32
        %neg3A_163 = vector.broadcast %neg3A_162 : f32 to vector<16xf32>
        %neg3A_164 = arith.subf %neg3A_163, %add3A_156 : vector<16xf32>
        %exp3A_165 = math.exp %neg3A_164 : vector<16xf32>
        %add3A_166 = arith.constant 1.000000e+00 : f32
        %add3A_167 = vector.broadcast %add3A_166 : f32 to vector<16xf32>
        %add3A_168 = arith.addf %add3A_167, %exp3A_165 : vector<16xf32>
        %div3A_169 = arith.divf %mul3A_161, %add3A_168 : vector<16xf32>
        %swap3A_170 = arith.index_cast %scan3A_115 : i32 to index
        %swap3A_171 = arith.constant 16 : index
        %swap3A_172 = tpu.vector_load %arg12[%swap3A_170, %swap3A_171] {strides = array<i32>} : memref<80x128xf32, #tpu.memory_space<vmem>>, vector<1x16xf32>,
        %swap3A_173 = vector.shape_cast %swap3A_172 : vector<1x16xf32> to vector<16xf32>
        %swap3A_174 = vector.shape_cast %div3A_169 : vector<16xf32> to vector<1x16xf32>
        tpu.vector_store %arg12[%swap3A_170, %swap3A_171], %swap3A_174 {strides = array<i32>} : memref<80x128xf32, #tpu.memory_space<vmem>>, vector<1x16xf32>,
        %get3A_175 = arith.index_cast %scan3A_115 : i32 to index
        %get3A_176 = arith.constant 32 : index
        %get3A_177 = tpu.vector_load %arg12[%get3A_175, %get3A_176] {strides = array<i32>} : memref<80x128xf32, #tpu.memory_space<vmem>>, vector<1x16xf32>,
        %get3A_178 = vector.shape_cast %get3A_177 : vector<1x16xf32> to vector<16xf32>
        %get3A_179 = arith.index_cast %scan3A_115 : i32 to index
        %get3A_180 = arith.constant 32 : index
        %get3A_181 = tpu.vector_load %arg14[%get3A_179, %get3A_180] {strides = array<i32>} : memref<80x128xf32, #tpu.memory_space<vmem>>, vector<1x16xf32>,
        %get3A_182 = vector.shape_cast %get3A_181 : vector<1x16xf32> to vector<16xf32>
        %add3A_183 = arith.addf %get3A_178, %get3A_182 : vector<16xf32>
        %get3A_184 = arith.index_cast %scan3A_115 : i32 to index
        %get3A_185 = arith.constant 32 : index
        %get3A_186 = tpu.vector_load %arg15[%get3A_184, %get3A_185] {strides = array<i32>} : memref<80x128xf32, #tpu.memory_space<vmem>>, vector<1x16xf32>,
        %get3A_187 = vector.shape_cast %get3A_186 : vector<1x16xf32> to vector<16xf32>
        %add3A_188 = arith.addf %add3A_183, %get3A_187 : vector<16xf32>
        %get3A_189 = arith.index_cast %scan3A_115 : i32 to index
        %get3A_190 = arith.constant 32 : index
        %get3A_191 = tpu.vector_load %arg13[%get3A_189, %get3A_190] {strides = array<i32>} : memref<80x128xf32, #tpu.memory_space<vmem>>, vector<1x16xf32>,
        %get3A_192 = vector.shape_cast %get3A_191 : vector<1x16xf32> to vector<16xf32>
        %mul3A_193 = arith.mulf %get3A_192, %add3A_188 : vector<16xf32>
        %neg3A_194 = arith.constant 0.000000e+00 : f32
        %neg3A_195 = vector.broadcast %neg3A_194 : f32 to vector<16xf32>
        %neg3A_196 = arith.subf %neg3A_195, %add3A_188 : vector<16xf32>
        %exp3A_197 = math.exp %neg3A_196 : vector<16xf32>
        %add3A_198 = arith.constant 1.000000e+00 : f32
        %add3A_199 = vector.broadcast %add3A_198 : f32 to vector<16xf32>
        %add3A_200 = arith.addf %add3A_199, %exp3A_197 : vector<16xf32>
        %div3A_201 = arith.divf %mul3A_193, %add3A_200 : vector<16xf32>
        %swap3A_202 = arith.index_cast %scan3A_115 : i32 to index
        %swap3A_203 = arith.constant 32 : index
        %swap3A_204 = tpu.vector_load %arg12[%swap3A_202, %swap3A_203] {strides = array<i32>} : memref<80x128xf32, #tpu.memory_space<vmem>>, vector<1x16xf32>,
        %swap3A_205 = vector.shape_cast %swap3A_204 : vector<1x16xf32> to vector<16xf32>
        %swap3A_206 = vector.shape_cast %div3A_201 : vector<16xf32> to vector<1x16xf32>
        tpu.vector_store %arg12[%swap3A_202, %swap3A_203], %swap3A_206 {strides = array<i32>} : memref<80x128xf32, #tpu.memory_space<vmem>>, vector<1x16xf32>,
        %get3A_207 = arith.index_cast %scan3A_115 : i32 to index
        %get3A_208 = arith.constant 48 : index
        %get3A_209 = tpu.vector_load %arg12[%get3A_207, %get3A_208] {strides = array<i32>} : memref<80x128xf32, #tpu.memory_space<vmem>>, vector<1x16xf32>,
        %get3A_210 = vector.shape_cast %get3A_209 : vector<1x16xf32> to vector<16xf32>
        %get3A_211 = arith.index_cast %scan3A_115 : i32 to index
        %get3A_212 = arith.constant 48 : index
        %get3A_213 = tpu.vector_load %arg14[%get3A_211, %get3A_212] {strides = array<i32>} : memref<80x128xf32, #tpu.memory_space<vmem>>, vector<1x16xf32>,
        %get3A_214 = vector.shape_cast %get3A_213 : vector<1x16xf32> to vector<16xf32>
        %add3A_215 = arith.addf %get3A_210, %get3A_214 : vector<16xf32>
        %get3A_216 = arith.index_cast %scan3A_115 : i32 to index
        %get3A_217 = arith.constant 48 : index
        %get3A_218 = tpu.vector_load %arg15[%get3A_216, %get3A_217] {strides = array<i32>} : memref<80x128xf32, #tpu.memory_space<vmem>>, vector<1x16xf32>,
        %get3A_219 = vector.shape_cast %get3A_218 : vector<1x16xf32> to vector<16xf32>
        %add3A_220 = arith.addf %add3A_215, %get3A_219 : vector<16xf32>
        %get3A_221 = arith.index_cast %scan3A_115 : i32 to index
        %get3A_222 = arith.constant 48 : index
        %get3A_223 = tpu.vector_load %arg13[%get3A_221, %get3A_222] {strides = array<i32>} : memref<80x128xf32, #tpu.memory_space<vmem>>, vector<1x16xf32>,
        %get3A_224 = vector.shape_cast %get3A_223 : vector<1x16xf32> to vector<16xf32>
        %mul3A_225 = arith.mulf %get3A_224, %add3A_220 : vector<16xf32>
        %neg3A_226 = arith.constant 0.000000e+00 : f32
        %neg3A_227 = vector.broadcast %neg3A_226 : f32 to vector<16xf32>
        %neg3A_228 = arith.subf %neg3A_227, %add3A_220 : vector<16xf32>
        %exp3A_229 = math.exp %neg3A_228 : vector<16xf32>
        %add3A_230 = arith.constant 1.000000e+00 : f32
        %add3A_231 = vector.broadcast %add3A_230 : f32 to vector<16xf32>
        %add3A_232 = arith.addf %add3A_231, %exp3A_229 : vector<16xf32>
        %div3A_233 = arith.divf %mul3A_225, %add3A_232 : vector<16xf32>
        %swap3A_234 = arith.index_cast %scan3A_115 : i32 to index
        %swap3A_235 = arith.constant 48 : index
        %swap3A_236 = tpu.vector_load %arg12[%swap3A_234, %swap3A_235] {strides = array<i32>} : memref<80x128xf32, #tpu.memory_space<vmem>>, vector<1x16xf32>,
        %swap3A_237 = vector.shape_cast %swap3A_236 : vector<1x16xf32> to vector<16xf32>
        %swap3A_238 = vector.shape_cast %div3A_233 : vector<16xf32> to vector<1x16xf32>
        tpu.vector_store %arg12[%swap3A_234, %swap3A_235], %swap3A_238 {strides = array<i32>} : memref<80x128xf32, #tpu.memory_space<vmem>>, vector<1x16xf32>,
        %get3A_239 = arith.index_cast %scan3A_115 : i32 to index
        %get3A_240 = arith.constant 64 : index
        %get3A_241 = tpu.vector_load %arg12[%get3A_239, %get3A_240] {strides = array<i32>} : memref<80x128xf32, #tpu.memory_space<vmem>>, vector<1x16xf32>,
        %get3A_242 = vector.shape_cast %get3A_241 : vector<1x16xf32> to vector<16xf32>
        %get3A_243 = arith.index_cast %scan3A_115 : i32 to index
        %get3A_244 = arith.constant 64 : index
        %get3A_245 = tpu.vector_load %arg14[%get3A_243, %get3A_244] {strides = array<i32>} : memref<80x128xf32, #tpu.memory_space<vmem>>, vector<1x16xf32>,
        %get3A_246 = vector.shape_cast %get3A_245 : vector<1x16xf32> to vector<16xf32>
        %add3A_247 = arith.addf %get3A_242, %get3A_246 : vector<16xf32>
        %get3A_248 = arith.index_cast %scan3A_115 : i32 to index
        %get3A_249 = arith.constant 64 : index
        %get3A_250 = tpu.vector_load %arg15[%get3A_248, %get3A_249] {strides = array<i32>} : memref<80x128xf32, #tpu.memory_space<vmem>>, vector<1x16xf32>,
        %get3A_251 = vector.shape_cast %get3A_250 : vector<1x16xf32> to vector<16xf32>
        %add3A_252 = arith.addf %add3A_247, %get3A_251 : vector<16xf32>
        %get3A_253 = arith.index_cast %scan3A_115 : i32 to index
        %get3A_254 = arith.constant 64 : index
        %get3A_255 = tpu.vector_load %arg13[%get3A_253, %get3A_254] {strides = array<i32>} : memref<80x128xf32, #tpu.memory_space<vmem>>, vector<1x16xf32>,
        %get3A_256 = vector.shape_cast %get3A_255 : vector<1x16xf32> to vector<16xf32>
        %mul3A_257 = arith.mulf %get3A_256, %add3A_252 : vector<16xf32>
        %neg3A_258 = arith.constant 0.000000e+00 : f32
        %neg3A_259 = vector.broadcast %neg3A_258 : f32 to vector<16xf32>
        %neg3A_260 = arith.subf %neg3A_259, %add3A_252 : vector<16xf32>
        %exp3A_261 = math.exp %neg3A_260 : vector<16xf32>
        %add3A_262 = arith.constant 1.000000e+00 : f32
        %add3A_263 = vector.broadcast %add3A_262 : f32 to vector<16xf32>
        %add3A_264 = arith.addf %add3A_263, %exp3A_261 : vector<16xf32>
        %div3A_265 = arith.divf %mul3A_257, %add3A_264 : vector<16xf32>
        %swap3A_266 = arith.index_cast %scan3A_115 : i32 to index
        %swap3A_267 = arith.constant 64 : index
        %swap3A_268 = tpu.vector_load %arg12[%swap3A_266, %swap3A_267] {strides = array<i32>} : memref<80x128xf32, #tpu.memory_space<vmem>>, vector<1x16xf32>,
        %swap3A_269 = vector.shape_cast %swap3A_268 : vector<1x16xf32> to vector<16xf32>
        %swap3A_270 = vector.shape_cast %div3A_265 : vector<16xf32> to vector<1x16xf32>
        tpu.vector_store %arg12[%swap3A_266, %swap3A_267], %swap3A_270 {strides = array<i32>} : memref<80x128xf32, #tpu.memory_space<vmem>>, vector<1x16xf32>,
        %get3A_271 = arith.index_cast %scan3A_115 : i32 to index
        %get3A_272 = arith.constant 80 : index
        %get3A_273 = tpu.vector_load %arg12[%get3A_271, %get3A_272] {strides = array<i32>} : memref<80x128xf32, #tpu.memory_space<vmem>>, vector<1x16xf32>,
        %get3A_274 = vector.shape_cast %get3A_273 : vector<1x16xf32> to vector<16xf32>
        %get3A_275 = arith.index_cast %scan3A_115 : i32 to index
        %get3A_276 = arith.constant 80 : index
        %get3A_277 = tpu.vector_load %arg14[%get3A_275, %get3A_276] {strides = array<i32>} : memref<80x128xf32, #tpu.memory_space<vmem>>, vector<1x16xf32>,
        %get3A_278 = vector.shape_cast %get3A_277 : vector<1x16xf32> to vector<16xf32>
        %add3A_279 = arith.addf %get3A_274, %get3A_278 : vector<16xf32>
        %get3A_280 = arith.index_cast %scan3A_115 : i32 to index
        %get3A_281 = arith.constant 80 : index
        %get3A_282 = tpu.vector_load %arg15[%get3A_280, %get3A_281] {strides = array<i32>} : memref<80x128xf32, #tpu.memory_space<vmem>>, vector<1x16xf32>,
        %get3A_283 = vector.shape_cast %get3A_282 : vector<1x16xf32> to vector<16xf32>
        %add3A_284 = arith.addf %add3A_279, %get3A_283 : vector<16xf32>
        %get3A_285 = arith.index_cast %scan3A_115 : i32 to index
        %get3A_286 = arith.constant 80 : index
        %get3A_287 = tpu.vector_load %arg13[%get3A_285, %get3A_286] {strides = array<i32>} : memref<80x128xf32, #tpu.memory_space<vmem>>, vector<1x16xf32>,
        %get3A_288 = vector.shape_cast %get3A_287 : vector<1x16xf32> to vector<16xf32>
        %mul3A_289 = arith.mulf %get3A_288, %add3A_284 : vector<16xf32>
        %neg3A_290 = arith.constant 0.000000e+00 : f32
        %neg3A_291 = vector.broadcast %neg3A_290 : f32 to vector<16xf32>
        %neg3A_292 = arith.subf %neg3A_291, %add3A_284 : vector<16xf32>
        %exp3A_293 = math.exp %neg3A_292 : vector<16xf32>
        %add3A_294 = arith.constant 1.000000e+00 : f32
        %add3A_295 = vector.broadcast %add3A_294 : f32 to vector<16xf32>
        %add3A_296 = arith.addf %add3A_295, %exp3A_293 : vector<16xf32>
        %div3A_297 = arith.divf %mul3A_289, %add3A_296 : vector<16xf32>
        %swap3A_298 = arith.index_cast %scan3A_115 : i32 to index
        %swap3A_299 = arith.constant 80 : index
        %swap3A_300 = tpu.vector_load %arg12[%swap3A_298, %swap3A_299] {strides = array<i32>} : memref<80x128xf32, #tpu.memory_space<vmem>>, vector<1x16xf32>,
        %swap3A_301 = vector.shape_cast %swap3A_300 : vector<1x16xf32> to vector<16xf32>
        %swap3A_302 = vector.shape_cast %div3A_297 : vector<16xf32> to vector<1x16xf32>
        tpu.vector_store %arg12[%swap3A_298, %swap3A_299], %swap3A_302 {strides = array<i32>} : memref<80x128xf32, #tpu.memory_space<vmem>>, vector<1x16xf32>,
        %get3A_303 = arith.index_cast %scan3A_115 : i32 to index
        %get3A_304 = arith.constant 96 : index
        %get3A_305 = tpu.vector_load %arg12[%get3A_303, %get3A_304] {strides = array<i32>} : memref<80x128xf32, #tpu.memory_space<vmem>>, vector<1x16xf32>,
        %get3A_306 = vector.shape_cast %get3A_305 : vector<1x16xf32> to vector<16xf32>
        %get3A_307 = arith.index_cast %scan3A_115 : i32 to index
        %get3A_308 = arith.constant 96 : index
        %get3A_309 = tpu.vector_load %arg14[%get3A_307, %get3A_308] {strides = array<i32>} : memref<80x128xf32, #tpu.memory_space<vmem>>, vector<1x16xf32>,
        %get3A_310 = vector.shape_cast %get3A_309 : vector<1x16xf32> to vector<16xf32>
        %add3A_311 = arith.addf %get3A_306, %get3A_310 : vector<16xf32>
        %get3A_312 = arith.index_cast %scan3A_115 : i32 to index
        %get3A_313 = arith.constant 96 : index
        %get3A_314 = tpu.vector_load %arg15[%get3A_312, %get3A_313] {strides = array<i32>} : memref<80x128xf32, #tpu.memory_space<vmem>>, vector<1x16xf32>,
        %get3A_315 = vector.shape_cast %get3A_314 : vector<1x16xf32> to vector<16xf32>
        %add3A_316 = arith.addf %add3A_311, %get3A_315 : vector<16xf32>
        %get3A_317 = arith.index_cast %scan3A_115 : i32 to index
        %get3A_318 = arith.constant 96 : index
        %get3A_319 = tpu.vector_load %arg13[%get3A_317, %get3A_318] {strides = array<i32>} : memref<80x128xf32, #tpu.memory_space<vmem>>, vector<1x16xf32>,
        %get3A_320 = vector.shape_cast %get3A_319 : vector<1x16xf32> to vector<16xf32>
        %mul3A_321 = arith.mulf %get3A_320, %add3A_316 : vector<16xf32>
        %neg3A_322 = arith.constant 0.000000e+00 : f32
        %neg3A_323 = vector.broadcast %neg3A_322 : f32 to vector<16xf32>
        %neg3A_324 = arith.subf %neg3A_323, %add3A_316 : vector<16xf32>
        %exp3A_325 = math.exp %neg3A_324 : vector<16xf32>
        %add3A_326 = arith.constant 1.000000e+00 : f32
        %add3A_327 = vector.broadcast %add3A_326 : f32 to vector<16xf32>
        %add3A_328 = arith.addf %add3A_327, %exp3A_325 : vector<16xf32>
        %div3A_329 = arith.divf %mul3A_321, %add3A_328 : vector<16xf32>
        %swap3A_330 = arith.index_cast %scan3A_115 : i32 to index
        %swap3A_331 = arith.constant 96 : index
        %swap3A_332 = tpu.vector_load %arg12[%swap3A_330, %swap3A_331] {strides = array<i32>} : memref<80x128xf32, #tpu.memory_space<vmem>>, vector<1x16xf32>,
        %swap3A_333 = vector.shape_cast %swap3A_332 : vector<1x16xf32> to vector<16xf32>
        %swap3A_334 = vector.shape_cast %div3A_329 : vector<16xf32> to vector<1x16xf32>
        tpu.vector_store %arg12[%swap3A_330, %swap3A_331], %swap3A_334 {strides = array<i32>} : memref<80x128xf32, #tpu.memory_space<vmem>>, vector<1x16xf32>,
        %get3A_335 = arith.index_cast %scan3A_115 : i32 to index
        %get3A_336 = arith.constant 112 : index
        %get3A_337 = tpu.vector_load %arg12[%get3A_335, %get3A_336] {strides = array<i32>} : memref<80x128xf32, #tpu.memory_space<vmem>>, vector<1x16xf32>,
        %get3A_338 = vector.shape_cast %get3A_337 : vector<1x16xf32> to vector<16xf32>
        %get3A_339 = arith.index_cast %scan3A_115 : i32 to index
        %get3A_340 = arith.constant 112 : index
        %get3A_341 = tpu.vector_load %arg14[%get3A_339, %get3A_340] {strides = array<i32>} : memref<80x128xf32, #tpu.memory_space<vmem>>, vector<1x16xf32>,
        %get3A_342 = vector.shape_cast %get3A_341 : vector<1x16xf32> to vector<16xf32>
        %add3A_343 = arith.addf %get3A_338, %get3A_342 : vector<16xf32>
        %get3A_344 = arith.index_cast %scan3A_115 : i32 to index
        %get3A_345 = arith.constant 112 : index
        %get3A_346 = tpu.vector_load %arg15[%get3A_344, %get3A_345] {strides = array<i32>} : memref<80x128xf32, #tpu.memory_space<vmem>>, vector<1x16xf32>,
        %get3A_347 = vector.shape_cast %get3A_346 : vector<1x16xf32> to vector<16xf32>
        %add3A_348 = arith.addf %add3A_343, %get3A_347 : vector<16xf32>
        %get3A_349 = arith.index_cast %scan3A_115 : i32 to index
        %get3A_350 = arith.constant 112 : index
        %get3A_351 = tpu.vector_load %arg13[%get3A_349, %get3A_350] {strides = array<i32>} : memref<80x128xf32, #tpu.memory_space<vmem>>, vector<1x16xf32>,
        %get3A_352 = vector.shape_cast %get3A_351 : vector<1x16xf32> to vector<16xf32>
        %mul3A_353 = arith.mulf %get3A_352, %add3A_348 : vector<16xf32>
        %neg3A_354 = arith.constant 0.000000e+00 : f32
        %neg3A_355 = vector.broadcast %neg3A_354 : f32 to vector<16xf32>
        %neg3A_356 = arith.subf %neg3A_355, %add3A_348 : vector<16xf32>
        %exp3A_357 = math.exp %neg3A_356 : vector<16xf32>
        %add3A_358 = arith.constant 1.000000e+00 : f32
        %add3A_359 = vector.broadcast %add3A_358 : f32 to vector<16xf32>
        %add3A_360 = arith.addf %add3A_359, %exp3A_357 : vector<16xf32>
        %div3A_361 = arith.divf %mul3A_353, %add3A_360 : vector<16xf32>
        %swap3A_362 = arith.index_cast %scan3A_115 : i32 to index
        %swap3A_363 = arith.constant 112 : index
        %swap3A_364 = tpu.vector_load %arg12[%swap3A_362, %swap3A_363] {strides = array<i32>} : memref<80x128xf32, #tpu.memory_space<vmem>>, vector<1x16xf32>,
        %swap3A_365 = vector.shape_cast %swap3A_364 : vector<1x16xf32> to vector<16xf32>
        %swap3A_366 = vector.shape_cast %div3A_361 : vector<16xf32> to vector<1x16xf32>
        tpu.vector_store %arg12[%swap3A_362, %swap3A_363], %swap3A_366 {strides = array<i32>} : memref<80x128xf32, #tpu.memory_space<vmem>>, vector<1x16xf32>,
      }
      %scan3A_92 = arith.constant 40 : i32
      %dma_wait3A_93 = arith.constant 40 : i32
      %dma_wait3A_94 = arith.constant 0 : i32
      %dma_wait3A_95 = tpu.memref_slice %arg14[%dma_wait3A_93, %dma_wait3A_94] : memref<80x128xf32, #tpu.memory_space<vmem>> -> memref<40x128xf32, #tpu.memory_space<vmem>>
      %dma_wait3A_96 = arith.constant 40 : i32
      %dma_wait3A_97 = tpu.memref_slice %arg10[%dma_wait3A_96] : memref<80xi32, #tpu.memory_space<vmem>> -> memref<40xi32, #tpu.memory_space<vmem>>
      %dma_wait3A_98 = arith.constant 0 : i32
      %dma_wait3A_99 = arith.constant 0 : i32
      %dma_wait3A_100 = tpu.memref_slice %arg6[%dma_wait3A_98, %dma_wait3A_99] : memref<10000x128xf32, #tpu.memory_space<hbm>> -> memref<10000x128xf32, #tpu.memory_space<hbm>>
      tpu.wait_indirect_dma semaphore(%arg21 : memref<!tpu.dma_semaphore, #tpu.memory_space<semaphore_mem>>) src(%dma_wait3A_100 : memref<10000x128xf32, #tpu.memory_space<hbm>>) dst(%dma_wait3A_95 : memref<40x128xf32, #tpu.memory_space<vmem>>)
      %dma_wait3A_101 = arith.constant 40 : i32
      %dma_wait3A_102 = arith.constant 0 : i32
      %dma_wait3A_103 = tpu.memref_slice %arg15[%dma_wait3A_101, %dma_wait3A_102] : memref<80x128xf32, #tpu.memory_space<vmem>> -> memref<40x128xf32, #tpu.memory_space<vmem>>
      %dma_wait3A_104 = arith.constant 40 : i32
      %dma_wait3A_105 = tpu.memref_slice %arg11[%dma_wait3A_104] : memref<80xi32, #tpu.memory_space<vmem>> -> memref<40xi32, #tpu.memory_space<vmem>>
      %dma_wait3A_106 = arith.constant 0 : i32
      %dma_wait3A_107 = arith.constant 0 : i32
      %dma_wait3A_108 = tpu.memref_slice %arg7[%dma_wait3A_106, %dma_wait3A_107] : memref<10000x128xf32, #tpu.memory_space<hbm>> -> memref<10000x128xf32, #tpu.memory_space<hbm>>
      tpu.wait_indirect_dma semaphore(%arg22 : memref<!tpu.dma_semaphore, #tpu.memory_space<semaphore_mem>>) src(%dma_wait3A_108 : memref<10000x128xf32, #tpu.memory_space<hbm>>) dst(%dma_wait3A_103 : memref<40x128xf32, #tpu.memory_space<vmem>>)
      %scan3A_109 = arith.constant 0 : i32
      %scan3A_110 = arith.constant 40 : i32
      %scan3A_111 = arith.constant 40 : i32
      %scan3A_112 = arith.addi %scan3A_110, %scan3A_111 : i32
      %scan3A_113 = arith.constant 1 : i32
      scf.for %scan3A_115 = %scan3A_110 to %scan3A_112 step %scan3A_113  : i32 {
        %get3A = arith.index_cast %scan3A_115 : i32 to index
        %get3A_116 = arith.constant 0 : index
        %get3A_117 = tpu.vector_load %arg12[%get3A, %get3A_116] {strides = array<i32>} : memref<80x128xf32, #tpu.memory_space<vmem>>, vector<1x16xf32>,
        %get3A_118 = vector.shape_cast %get3A_117 : vector<1x16xf32> to vector<16xf32>
        %get3A_119 = arith.index_cast %scan3A_115 : i32 to index
        %get3A_120 = arith.constant 0 : index
        %get3A_121 = tpu.vector_load %arg14[%get3A_119, %get3A_120] {strides = array<i32>} : memref<80x128xf32, #tpu.memory_space<vmem>>, vector<1x16xf32>,
        %get3A_122 = vector.shape_cast %get3A_121 : vector<1x16xf32> to vector<16xf32>
        %add3A_123 = arith.addf %get3A_118, %get3A_122 : vector<16xf32>
        %get3A_124 = arith.index_cast %scan3A_115 : i32 to index
        %get3A_125 = arith.constant 0 : index
        %get3A_126 = tpu.vector_load %arg15[%get3A_124, %get3A_125] {strides = array<i32>} : memref<80x128xf32, #tpu.memory_space<vmem>>, vector<1x16xf32>,
        %get3A_127 = vector.shape_cast %get3A_126 : vector<1x16xf32> to vector<16xf32>
        %add3A_128 = arith.addf %add3A_123, %get3A_127 : vector<16xf32>
        %get3A_129 = arith.index_cast %scan3A_115 : i32 to index
        %get3A_130 = arith.constant 0 : index
        %get3A_131 = tpu.vector_load %arg13[%get3A_129, %get3A_130] {strides = array<i32>} : memref<80x128xf32, #tpu.memory_space<vmem>>, vector<1x16xf32>,
        %get3A_132 = vector.shape_cast %get3A_131 : vector<1x16xf32> to vector<16xf32>
        %mul3A_133 = arith.mulf %get3A_132, %add3A_128 : vector<16xf32>
        %neg3A = arith.constant 0.000000e+00 : f32
        %neg3A_134 = vector.broadcast %neg3A : f32 to vector<16xf32>
        %neg3A_135 = arith.subf %neg3A_134, %add3A_128 : vector<16xf32>
        %exp3A = math.exp %neg3A_135 : vector<16xf32>
        %add3A_136 = arith.constant 1.000000e+00 : f32
        %add3A_137 = vector.broadcast %add3A_136 : f32 to vector<16xf32>
        %add3A_138 = arith.addf %add3A_137, %exp3A : vector<16xf32>
        %div3A = arith.divf %mul3A_133, %add3A_138 : vector<16xf32>
        %swap3A = arith.index_cast %scan3A_115 : i32 to index
        %swap3A_139 = arith.constant 0 : index
        %swap3A_140 = tpu.vector_load %arg12[%swap3A, %swap3A_139] {strides = array<i32>} : memref<80x128xf32, #tpu.memory_space<vmem>>, vector<1x16xf32>,
        %swap3A_141 = vector.shape_cast %swap3A_140 : vector<1x16xf32> to vector<16xf32>
        %swap3A_142 = vector.shape_cast %div3A : vector<16xf32> to vector<1x16xf32>
        tpu.vector_store %arg12[%swap3A, %swap3A_139], %swap3A_142 {strides = array<i32>} : memref<80x128xf32, #tpu.memory_space<vmem>>, vector<1x16xf32>,
        %get3A_143 = arith.index_cast %scan3A_115 : i32 to index
        %get3A_144 = arith.constant 16 : index
        %get3A_145 = tpu.vector_load %arg12[%get3A_143, %get3A_144] {strides = array<i32>} : memref<80x128xf32, #tpu.memory_space<vmem>>, vector<1x16xf32>,
        %get3A_146 = vector.shape_cast %get3A_145 : vector<1x16xf32> to vector<16xf32>
        %get3A_147 = arith.index_cast %scan3A_115 : i32 to index
        %get3A_148 = arith.constant 16 : index
        %get3A_149 = tpu.vector_load %arg14[%get3A_147, %get3A_148] {strides = array<i32>} : memref<80x128xf32, #tpu.memory_space<vmem>>, vector<1x16xf32>,
        %get3A_150 = vector.shape_cast %get3A_149 : vector<1x16xf32> to vector<16xf32>
        %add3A_151 = arith.addf %get3A_146, %get3A_150 : vector<16xf32>
        %get3A_152 = arith.index_cast %scan3A_115 : i32 to index
        %get3A_153 = arith.constant 16 : index
        %get3A_154 = tpu.vector_load %arg15[%get3A_152, %get3A_153] {strides = array<i32>} : memref<80x128xf32, #tpu.memory_space<vmem>>, vector<1x16xf32>,
        %get3A_155 = vector.shape_cast %get3A_154 : vector<1x16xf32> to vector<16xf32>
        %add3A_156 = arith.addf %add3A_151, %get3A_155 : vector<16xf32>
        %get3A_157 = arith.index_cast %scan3A_115 : i32 to index
        %get3A_158 = arith.constant 16 : index
        %get3A_159 = tpu.vector_load %arg13[%get3A_157, %get3A_158] {strides = array<i32>} : memref<80x128xf32, #tpu.memory_space<vmem>>, vector<1x16xf32>,
        %get3A_160 = vector.shape_cast %get3A_159 : vector<1x16xf32> to vector<16xf32>
        %mul3A_161 = arith.mulf %get3A_160, %add3A_156 : vector<16xf32>
        %neg3A_162 = arith.constant 0.000000e+00 : f32
        %neg3A_163 = vector.broadcast %neg3A_162 : f32 to vector<16xf32>
        %neg3A_164 = arith.subf %neg3A_163, %add3A_156 : vector<16xf32>
        %exp3A_165 = math.exp %neg3A_164 : vector<16xf32>
        %add3A_166 = arith.constant 1.000000e+00 : f32
        %add3A_167 = vector.broadcast %add3A_166 : f32 to vector<16xf32>
        %add3A_168 = arith.addf %add3A_167, %exp3A_165 : vector<16xf32>
        %div3A_169 = arith.divf %mul3A_161, %add3A_168 : vector<16xf32>
        %swap3A_170 = arith.index_cast %scan3A_115 : i32 to index
        %swap3A_171 = arith.constant 16 : index
        %swap3A_172 = tpu.vector_load %arg12[%swap3A_170, %swap3A_171] {strides = array<i32>} : memref<80x128xf32, #tpu.memory_space<vmem>>, vector<1x16xf32>,
        %swap3A_173 = vector.shape_cast %swap3A_172 : vector<1x16xf32> to vector<16xf32>
        %swap3A_174 = vector.shape_cast %div3A_169 : vector<16xf32> to vector<1x16xf32>
        tpu.vector_store %arg12[%swap3A_170, %swap3A_171], %swap3A_174 {strides = array<i32>} : memref<80x128xf32, #tpu.memory_space<vmem>>, vector<1x16xf32>,
        %get3A_175 = arith.index_cast %scan3A_115 : i32 to index
        %get3A_176 = arith.constant 32 : index
        %get3A_177 = tpu.vector_load %arg12[%get3A_175, %get3A_176] {strides = array<i32>} : memref<80x128xf32, #tpu.memory_space<vmem>>, vector<1x16xf32>,
        %get3A_178 = vector.shape_cast %get3A_177 : vector<1x16xf32> to vector<16xf32>
        %get3A_179 = arith.index_cast %scan3A_115 : i32 to index
        %get3A_180 = arith.constant 32 : index
        %get3A_181 = tpu.vector_load %arg14[%get3A_179, %get3A_180] {strides = array<i32>} : memref<80x128xf32, #tpu.memory_space<vmem>>, vector<1x16xf32>,
        %get3A_182 = vector.shape_cast %get3A_181 : vector<1x16xf32> to vector<16xf32>
        %add3A_183 = arith.addf %get3A_178, %get3A_182 : vector<16xf32>
        %get3A_184 = arith.index_cast %scan3A_115 : i32 to index
        %get3A_185 = arith.constant 32 : index
        %get3A_186 = tpu.vector_load %arg15[%get3A_184, %get3A_185] {strides = array<i32>} : memref<80x128xf32, #tpu.memory_space<vmem>>, vector<1x16xf32>,
        %get3A_187 = vector.shape_cast %get3A_186 : vector<1x16xf32> to vector<16xf32>
        %add3A_188 = arith.addf %add3A_183, %get3A_187 : vector<16xf32>
        %get3A_189 = arith.index_cast %scan3A_115 : i32 to index
        %get3A_190 = arith.constant 32 : index
        %get3A_191 = tpu.vector_load %arg13[%get3A_189, %get3A_190] {strides = array<i32>} : memref<80x128xf32, #tpu.memory_space<vmem>>, vector<1x16xf32>,
        %get3A_192 = vector.shape_cast %get3A_191 : vector<1x16xf32> to vector<16xf32>
        %mul3A_193 = arith.mulf %get3A_192, %add3A_188 : vector<16xf32>
        %neg3A_194 = arith.constant 0.000000e+00 : f32
        %neg3A_195 = vector.broadcast %neg3A_194 : f32 to vector<16xf32>
        %neg3A_196 = arith.subf %neg3A_195, %add3A_188 : vector<16xf32>
        %exp3A_197 = math.exp %neg3A_196 : vector<16xf32>
        %add3A_198 = arith.constant 1.000000e+00 : f32
        %add3A_199 = vector.broadcast %add3A_198 : f32 to vector<16xf32>
        %add3A_200 = arith.addf %add3A_199, %exp3A_197 : vector<16xf32>
        %div3A_201 = arith.divf %mul3A_193, %add3A_200 : vector<16xf32>
        %swap3A_202 = arith.index_cast %scan3A_115 : i32 to index
        %swap3A_203 = arith.constant 32 : index
        %swap3A_204 = tpu.vector_load %arg12[%swap3A_202, %swap3A_203] {strides = array<i32>} : memref<80x128xf32, #tpu.memory_space<vmem>>, vector<1x16xf32>,
        %swap3A_205 = vector.shape_cast %swap3A_204 : vector<1x16xf32> to vector<16xf32>
        %swap3A_206 = vector.shape_cast %div3A_201 : vector<16xf32> to vector<1x16xf32>
        tpu.vector_store %arg12[%swap3A_202, %swap3A_203], %swap3A_206 {strides = array<i32>} : memref<80x128xf32, #tpu.memory_space<vmem>>, vector<1x16xf32>,
        %get3A_207 = arith.index_cast %scan3A_115 : i32 to index
        %get3A_208 = arith.constant 48 : index
        %get3A_209 = tpu.vector_load %arg12[%get3A_207, %get3A_208] {strides = array<i32>} : memref<80x128xf32, #tpu.memory_space<vmem>>, vector<1x16xf32>,
        %get3A_210 = vector.shape_cast %get3A_209 : vector<1x16xf32> to vector<16xf32>
        %get3A_211 = arith.index_cast %scan3A_115 : i32 to index
        %get3A_212 = arith.constant 48 : index
        %get3A_213 = tpu.vector_load %arg14[%get3A_211, %get3A_212] {strides = array<i32>} : memref<80x128xf32, #tpu.memory_space<vmem>>, vector<1x16xf32>,
        %get3A_214 = vector.shape_cast %get3A_213 : vector<1x16xf32> to vector<16xf32>
        %add3A_215 = arith.addf %get3A_210, %get3A_214 : vector<16xf32>
        %get3A_216 = arith.index_cast %scan3A_115 : i32 to index
        %get3A_217 = arith.constant 48 : index
        %get3A_218 = tpu.vector_load %arg15[%get3A_216, %get3A_217] {strides = array<i32>} : memref<80x128xf32, #tpu.memory_space<vmem>>, vector<1x16xf32>,
        %get3A_219 = vector.shape_cast %get3A_218 : vector<1x16xf32> to vector<16xf32>
        %add3A_220 = arith.addf %add3A_215, %get3A_219 : vector<16xf32>
        %get3A_221 = arith.index_cast %scan3A_115 : i32 to index
        %get3A_222 = arith.constant 48 : index
        %get3A_223 = tpu.vector_load %arg13[%get3A_221, %get3A_222] {strides = array<i32>} : memref<80x128xf32, #tpu.memory_space<vmem>>, vector<1x16xf32>,
        %get3A_224 = vector.shape_cast %get3A_223 : vector<1x16xf32> to vector<16xf32>
        %mul3A_225 = arith.mulf %get3A_224, %add3A_220 : vector<16xf32>
        %neg3A_226 = arith.constant 0.000000e+00 : f32
        %neg3A_227 = vector.broadcast %neg3A_226 : f32 to vector<16xf32>
        %neg3A_228 = arith.subf %neg3A_227, %add3A_220 : vector<16xf32>
        %exp3A_229 = math.exp %neg3A_228 : vector<16xf32>
        %add3A_230 = arith.constant 1.000000e+00 : f32
        %add3A_231 = vector.broadcast %add3A_230 : f32 to vector<16xf32>
        %add3A_232 = arith.addf %add3A_231, %exp3A_229 : vector<16xf32>
        %div3A_233 = arith.divf %mul3A_225, %add3A_232 : vector<16xf32>
        %swap3A_234 = arith.index_cast %scan3A_115 : i32 to index
        %swap3A_235 = arith.constant 48 : index
        %swap3A_236 = tpu.vector_load %arg12[%swap3A_234, %swap3A_235] {strides = array<i32>} : memref<80x128xf32, #tpu.memory_space<vmem>>, vector<1x16xf32>,
        %swap3A_237 = vector.shape_cast %swap3A_236 : vector<1x16xf32> to vector<16xf32>
        %swap3A_238 = vector.shape_cast %div3A_233 : vector<16xf32> to vector<1x16xf32>
        tpu.vector_store %arg12[%swap3A_234, %swap3A_235], %swap3A_238 {strides = array<i32>} : memref<80x128xf32, #tpu.memory_space<vmem>>, vector<1x16xf32>,
        %get3A_239 = arith.index_cast %scan3A_115 : i32 to index
        %get3A_240 = arith.constant 64 : index
        %get3A_241 = tpu.vector_load %arg12[%get3A_239, %get3A_240] {strides = array<i32>} : memref<80x128xf32, #tpu.memory_space<vmem>>, vector<1x16xf32>,
        %get3A_242 = vector.shape_cast %get3A_241 : vector<1x16xf32> to vector<16xf32>
        %get3A_243 = arith.index_cast %scan3A_115 : i32 to index
        %get3A_244 = arith.constant 64 : index
        %get3A_245 = tpu.vector_load %arg14[%get3A_243, %get3A_244] {strides = array<i32>} : memref<80x128xf32, #tpu.memory_space<vmem>>, vector<1x16xf32>,
        %get3A_246 = vector.shape_cast %get3A_245 : vector<1x16xf32> to vector<16xf32>
        %add3A_247 = arith.addf %get3A_242, %get3A_246 : vector<16xf32>
        %get3A_248 = arith.index_cast %scan3A_115 : i32 to index
        %get3A_249 = arith.constant 64 : index
        %get3A_250 = tpu.vector_load %arg15[%get3A_248, %get3A_249] {strides = array<i32>} : memref<80x128xf32, #tpu.memory_space<vmem>>, vector<1x16xf32>,
        %get3A_251 = vector.shape_cast %get3A_250 : vector<1x16xf32> to vector<16xf32>
        %add3A_252 = arith.addf %add3A_247, %get3A_251 : vector<16xf32>
        %get3A_253 = arith.index_cast %scan3A_115 : i32 to index
        %get3A_254 = arith.constant 64 : index
        %get3A_255 = tpu.vector_load %arg13[%get3A_253, %get3A_254] {strides = array<i32>} : memref<80x128xf32, #tpu.memory_space<vmem>>, vector<1x16xf32>,
        %get3A_256 = vector.shape_cast %get3A_255 : vector<1x16xf32> to vector<16xf32>
        %mul3A_257 = arith.mulf %get3A_256, %add3A_252 : vector<16xf32>
        %neg3A_258 = arith.constant 0.000000e+00 : f32
        %neg3A_259 = vector.broadcast %neg3A_258 : f32 to vector<16xf32>
        %neg3A_260 = arith.subf %neg3A_259, %add3A_252 : vector<16xf32>
        %exp3A_261 = math.exp %neg3A_260 : vector<16xf32>
        %add3A_262 = arith.constant 1.000000e+00 : f32
        %add3A_263 = vector.broadcast %add3A_262 : f32 to vector<16xf32>
        %add3A_264 = arith.addf %add3A_263, %exp3A_261 : vector<16xf32>
        %div3A_265 = arith.divf %mul3A_257, %add3A_264 : vector<16xf32>
        %swap3A_266 = arith.index_cast %scan3A_115 : i32 to index
        %swap3A_267 = arith.constant 64 : index
        %swap3A_268 = tpu.vector_load %arg12[%swap3A_266, %swap3A_267] {strides = array<i32>} : memref<80x128xf32, #tpu.memory_space<vmem>>, vector<1x16xf32>,
        %swap3A_269 = vector.shape_cast %swap3A_268 : vector<1x16xf32> to vector<16xf32>
        %swap3A_270 = vector.shape_cast %div3A_265 : vector<16xf32> to vector<1x16xf32>
        tpu.vector_store %arg12[%swap3A_266, %swap3A_267], %swap3A_270 {strides = array<i32>} : memref<80x128xf32, #tpu.memory_space<vmem>>, vector<1x16xf32>,
        %get3A_271 = arith.index_cast %scan3A_115 : i32 to index
        %get3A_272 = arith.constant 80 : index
        %get3A_273 = tpu.vector_load %arg12[%get3A_271, %get3A_272] {strides = array<i32>} : memref<80x128xf32, #tpu.memory_space<vmem>>, vector<1x16xf32>,
        %get3A_274 = vector.shape_cast %get3A_273 : vector<1x16xf32> to vector<16xf32>
        %get3A_275 = arith.index_cast %scan3A_115 : i32 to index
        %get3A_276 = arith.constant 80 : index
        %get3A_277 = tpu.vector_load %arg14[%get3A_275, %get3A_276] {strides = array<i32>} : memref<80x128xf32, #tpu.memory_space<vmem>>, vector<1x16xf32>,
        %get3A_278 = vector.shape_cast %get3A_277 : vector<1x16xf32> to vector<16xf32>
        %add3A_279 = arith.addf %get3A_274, %get3A_278 : vector<16xf32>
        %get3A_280 = arith.index_cast %scan3A_115 : i32 to index
        %get3A_281 = arith.constant 80 : index
        %get3A_282 = tpu.vector_load %arg15[%get3A_280, %get3A_281] {strides = array<i32>} : memref<80x128xf32, #tpu.memory_space<vmem>>, vector<1x16xf32>,
        %get3A_283 = vector.shape_cast %get3A_282 : vector<1x16xf32> to vector<16xf32>
        %add3A_284 = arith.addf %add3A_279, %get3A_283 : vector<16xf32>
        %get3A_285 = arith.index_cast %scan3A_115 : i32 to index
        %get3A_286 = arith.constant 80 : index
        %get3A_287 = tpu.vector_load %arg13[%get3A_285, %get3A_286] {strides = array<i32>} : memref<80x128xf32, #tpu.memory_space<vmem>>, vector<1x16xf32>,
        %get3A_288 = vector.shape_cast %get3A_287 : vector<1x16xf32> to vector<16xf32>
        %mul3A_289 = arith.mulf %get3A_288, %add3A_284 : vector<16xf32>
        %neg3A_290 = arith.constant 0.000000e+00 : f32
        %neg3A_291 = vector.broadcast %neg3A_290 : f32 to vector<16xf32>
        %neg3A_292 = arith.subf %neg3A_291, %add3A_284 : vector<16xf32>
        %exp3A_293 = math.exp %neg3A_292 : vector<16xf32>
        %add3A_294 = arith.constant 1.000000e+00 : f32
        %add3A_295 = vector.broadcast %add3A_294 : f32 to vector<16xf32>
        %add3A_296 = arith.addf %add3A_295, %exp3A_293 : vector<16xf32>
        %div3A_297 = arith.divf %mul3A_289, %add3A_296 : vector<16xf32>
        %swap3A_298 = arith.index_cast %scan3A_115 : i32 to index
        %swap3A_299 = arith.constant 80 : index
        %swap3A_300 = tpu.vector_load %arg12[%swap3A_298, %swap3A_299] {strides = array<i32>} : memref<80x128xf32, #tpu.memory_space<vmem>>, vector<1x16xf32>,
        %swap3A_301 = vector.shape_cast %swap3A_300 : vector<1x16xf32> to vector<16xf32>
        %swap3A_302 = vector.shape_cast %div3A_297 : vector<16xf32> to vector<1x16xf32>
        tpu.vector_store %arg12[%swap3A_298, %swap3A_299], %swap3A_302 {strides = array<i32>} : memref<80x128xf32, #tpu.memory_space<vmem>>, vector<1x16xf32>,
        %get3A_303 = arith.index_cast %scan3A_115 : i32 to index
        %get3A_304 = arith.constant 96 : index
        %get3A_305 = tpu.vector_load %arg12[%get3A_303, %get3A_304] {strides = array<i32>} : memref<80x128xf32, #tpu.memory_space<vmem>>, vector<1x16xf32>,
        %get3A_306 = vector.shape_cast %get3A_305 : vector<1x16xf32> to vector<16xf32>
        %get3A_307 = arith.index_cast %scan3A_115 : i32 to index
        %get3A_308 = arith.constant 96 : index
        %get3A_309 = tpu.vector_load %arg14[%get3A_307, %get3A_308] {strides = array<i32>} : memref<80x128xf32, #tpu.memory_space<vmem>>, vector<1x16xf32>,
        %get3A_310 = vector.shape_cast %get3A_309 : vector<1x16xf32> to vector<16xf32>
        %add3A_311 = arith.addf %get3A_306, %get3A_310 : vector<16xf32>
        %get3A_312 = arith.index_cast %scan3A_115 : i32 to index
        %get3A_313 = arith.constant 96 : index
        %get3A_314 = tpu.vector_load %arg15[%get3A_312, %get3A_313] {strides = array<i32>} : memref<80x128xf32, #tpu.memory_space<vmem>>, vector<1x16xf32>,
        %get3A_315 = vector.shape_cast %get3A_314 : vector<1x16xf32> to vector<16xf32>
        %add3A_316 = arith.addf %add3A_311, %get3A_315 : vector<16xf32>
        %get3A_317 = arith.index_cast %scan3A_115 : i32 to index
        %get3A_318 = arith.constant 96 : index
        %get3A_319 = tpu.vector_load %arg13[%get3A_317, %get3A_318] {strides = array<i32>} : memref<80x128xf32, #tpu.memory_space<vmem>>, vector<1x16xf32>,
        %get3A_320 = vector.shape_cast %get3A_319 : vector<1x16xf32> to vector<16xf32>
        %mul3A_321 = arith.mulf %get3A_320, %add3A_316 : vector<16xf32>
        %neg3A_322 = arith.constant 0.000000e+00 : f32
        %neg3A_323 = vector.broadcast %neg3A_322 : f32 to vector<16xf32>
        %neg3A_324 = arith.subf %neg3A_323, %add3A_316 : vector<16xf32>
        %exp3A_325 = math.exp %neg3A_324 : vector<16xf32>
        %add3A_326 = arith.constant 1.000000e+00 : f32
        %add3A_327 = vector.broadcast %add3A_326 : f32 to vector<16xf32>
        %add3A_328 = arith.addf %add3A_327, %exp3A_325 : vector<16xf32>
        %div3A_329 = arith.divf %mul3A_321, %add3A_328 : vector<16xf32>
        %swap3A_330 = arith.index_cast %scan3A_115 : i32 to index
        %swap3A_331 = arith.constant 96 : index
        %swap3A_332 = tpu.vector_load %arg12[%swap3A_330, %swap3A_331] {strides = array<i32>} : memref<80x128xf32, #tpu.memory_space<vmem>>, vector<1x16xf32>,
        %swap3A_333 = vector.shape_cast %swap3A_332 : vector<1x16xf32> to vector<16xf32>
        %swap3A_334 = vector.shape_cast %div3A_329 : vector<16xf32> to vector<1x16xf32>
        tpu.vector_store %arg12[%swap3A_330, %swap3A_331], %swap3A_334 {strides = array<i32>} : memref<80x128xf32, #tpu.memory_space<vmem>>, vector<1x16xf32>,
        %get3A_335 = arith.index_cast %scan3A_115 : i32 to index
        %get3A_336 = arith.constant 112 : index
        %get3A_337 = tpu.vector_load %arg12[%get3A_335, %get3A_336] {strides = array<i32>} : memref<80x128xf32, #tpu.memory_space<vmem>>, vector<1x16xf32>,
        %get3A_338 = vector.shape_cast %get3A_337 : vector<1x16xf32> to vector<16xf32>
        %get3A_339 = arith.index_cast %scan3A_115 : i32 to index
        %get3A_340 = arith.constant 112 : index
        %get3A_341 = tpu.vector_load %arg14[%get3A_339, %get3A_340] {strides = array<i32>} : memref<80x128xf32, #tpu.memory_space<vmem>>, vector<1x16xf32>,
        %get3A_342 = vector.shape_cast %get3A_341 : vector<1x16xf32> to vector<16xf32>
        %add3A_343 = arith.addf %get3A_338, %get3A_342 : vector<16xf32>
        %get3A_344 = arith.index_cast %scan3A_115 : i32 to index
        %get3A_345 = arith.constant 112 : index
        %get3A_346 = tpu.vector_load %arg15[%get3A_344, %get3A_345] {strides = array<i32>} : memref<80x128xf32, #tpu.memory_space<vmem>>, vector<1x16xf32>,
        %get3A_347 = vector.shape_cast %get3A_346 : vector<1x16xf32> to vector<16xf32>
        %add3A_348 = arith.addf %add3A_343, %get3A_347 : vector<16xf32>
        %get3A_349 = arith.index_cast %scan3A_115 : i32 to index
        %get3A_350 = arith.constant 112 : index
        %get3A_351 = tpu.vector_load %arg13[%get3A_349, %get3A_350] {strides = array<i32>} : memref<80x128xf32, #tpu.memory_space<vmem>>, vector<1x16xf32>,
        %get3A_352 = vector.shape_cast %get3A_351 : vector<1x16xf32> to vector<16xf32>
        %mul3A_353 = arith.mulf %get3A_352, %add3A_348 : vector<16xf32>
        %neg3A_354 = arith.constant 0.000000e+00 : f32
        %neg3A_355 = vector.broadcast %neg3A_354 : f32 to vector<16xf32>
        %neg3A_356 = arith.subf %neg3A_355, %add3A_348 : vector<16xf32>
        %exp3A_357 = math.exp %neg3A_356 : vector<16xf32>
        %add3A_358 = arith.constant 1.000000e+00 : f32
        %add3A_359 = vector.broadcast %add3A_358 : f32 to vector<16xf32>
        %add3A_360 = arith.addf %add3A_359, %exp3A_357 : vector<16xf32>
        %div3A_361 = arith.divf %mul3A_353, %add3A_360 : vector<16xf32>
        %swap3A_362 = arith.index_cast %scan3A_115 : i32 to index
        %swap3A_363 = arith.constant 112 : index
        %swap3A_364 = tpu.vector_load %arg12[%swap3A_362, %swap3A_363] {strides = array<i32>} : memref<80x128xf32, #tpu.memory_space<vmem>>, vector<1x16xf32>,
        %swap3A_365 = vector.shape_cast %swap3A_364 : vector<1x16xf32> to vector<16xf32>
        %swap3A_366 = vector.shape_cast %div3A_361 : vector<16xf32> to vector<1x16xf32>
        tpu.vector_store %arg12[%swap3A_362, %swap3A_363], %swap3A_366 {strides = array<i32>} : memref<80x128xf32, #tpu.memory_space<vmem>>, vector<1x16xf32>,
      }
      %scan3A_114 = arith.constant 40 : i32
      "tpu.region"() ({
        %run_scoped3A = tpu.sem_alloc : memref<!tpu.dma_semaphore, #tpu.memory_space<semaphore_mem>>
        %dma_start3A_115 = arith.constant 0 : i32
        %dma_start3A_116 = arith.constant 0 : i32
        %dma_start3A_117 = tpu.memref_slice %arg16[%dma_start3A_115, %dma_start3A_116] : memref<10240x128xf32, #tpu.memory_space<vmem_shared>> -> memref<10240x128xf32, #tpu.memory_space<vmem_shared>>
        tpu.enqueue_indirect_dma source(%arg12 : memref<80x128xf32, #tpu.memory_space<vmem>>) target(%dma_start3A_117 : memref<10240x128xf32, #tpu.memory_space<vmem_shared>>) offsets(%arg10 : memref<80xi32, #tpu.memory_space<vmem>>) semaphore(%run_scoped3A : memref<!tpu.dma_semaphore, #tpu.memory_space<semaphore_mem>>) {add = true}
        %dma_wait3A_118 = arith.constant 0 : i32
        %dma_wait3A_119 = arith.constant 0 : i32
        %dma_wait3A_120 = tpu.memref_slice %arg16[%dma_wait3A_118, %dma_wait3A_119] : memref<10240x128xf32, #tpu.memory_space<vmem_shared>> -> memref<10240x128xf32, #tpu.memory_space<vmem_shared>>
        tpu.wait_indirect_dma semaphore(%run_scoped3A : memref<!tpu.dma_semaphore, #tpu.memory_space<semaphore_mem>>) src(%arg12 : memref<80x128xf32, #tpu.memory_space<vmem>>) dst(%dma_wait3A_120 : memref<10240x128xf32, #tpu.memory_space<vmem_shared>>)
        tpu.yield
      }) : () -> ()
    }
    %scan3A_7 = arith.constant 125 : i32
    %barrier3A_8 = arith.constant 0 : index
    tpu.barrier barrier_id(%barrier3A_8)
    %mul3A_9 = arith.constant 640 : i32
    %mul3A_10 = arith.muli %arg1, %mul3A_9 : i32
    "tpu.region"() ({
      %run_scoped3A = tpu.sem_alloc : memref<!tpu.dma_semaphore, #tpu.memory_space<semaphore_mem>>
      %dma_start3A = arith.constant 0 : i32
      %dma_start3A_11 = tpu.memref_slice %arg9[%arg0, %mul3A_10, %dma_start3A] : memref<2x10240x128xf32, #tpu.memory_space<hbm>> -> memref<1x640x128xf32, #tpu.memory_space<hbm>>
      %dma_start3A_12 = tpu.memref_squeeze %dma_start3A_11 : memref<1x640x128xf32, #tpu.memory_space<hbm>> -> memref<640x128xf32, #tpu.memory_space<hbm>>
      %dma_start3A_13 = arith.constant 0 : i32
      %dma_start3A_14 = tpu.memref_slice %arg16[%mul3A_10, %dma_start3A_13] : memref<10240x128xf32, #tpu.memory_space<vmem_shared>> -> memref<640x128xf32, #tpu.memory_space<vmem_shared>>
      tpu.enqueue_dma source(%dma_start3A_14 : memref<640x128xf32, #tpu.memory_space<vmem_shared>>) target(%dma_start3A_12 : memref<640x128xf32, #tpu.memory_space<hbm>>) target_semaphore(%run_scoped3A : memref<!tpu.dma_semaphore, #tpu.memory_space<semaphore_mem>>)
      %dma_wait3A = arith.constant 0 : i32
      %dma_wait3A_15 = tpu.memref_slice %arg9[%arg0, %mul3A_10, %dma_wait3A] : memref<2x10240x128xf32, #tpu.memory_space<hbm>> -> memref<1x640x128xf32, #tpu.memory_space<hbm>>
      %dma_wait3A_16 = tpu.memref_squeeze %dma_wait3A_15 : memref<1x640x128xf32, #tpu.memory_space<hbm>> -> memref<640x128xf32, #tpu.memory_space<hbm>>
      %dma_wait3A_17 = arith.constant 0 : i32
      %dma_wait3A_18 = tpu.memref_slice %arg16[%mul3A_10, %dma_wait3A_17] : memref<10240x128xf32, #tpu.memory_space<vmem_shared>> -> memref<640x128xf32, #tpu.memory_space<vmem_shared>>
      tpu.wait_dma2 semaphore(%run_scoped3A : memref<!tpu.dma_semaphore, #tpu.memory_space<semaphore_mem>>) src(%dma_wait3A_18 : memref<640x128xf32, #tpu.memory_space<vmem_shared>>) dst(%dma_wait3A_16 : memref<640x128xf32, #tpu.memory_space<hbm>>)
      tpu.yield
    }) : () -> ()
    return
  }
}

#map = affine_map<(d0, d1) -> (0)>
#map1 = affine_map<(d0, d1) -> (0, 0)>
#map2 = affine_map<(d0, d1) -> (0, 0, 0)>
module attributes {stable_mosaic.version = 14 : i64} {
  func.func @body(%arg0: i32, %arg1: i32, %arg2: memref<320000xi32, #tpu.memory_space<hbm>>, %arg3: memref<320000xi32, #tpu.memory_space<hbm>>, %arg4: memref<320000x128xf32, #tpu.memory_space<hbm>>, %arg5: memref<320000x128xf32, #tpu.memory_space<hbm>>, %arg6: memref<10000x128xf32, #tpu.memory_space<hbm>>, %arg7: memref<10000x128xf32, #tpu.memory_space<hbm>>, %arg8: memref<640x128xf32, #tpu.memory_space<hbm>>, %arg9: memref<2x10240x128xf32, #tpu.memory_space<hbm>>, %arg10: memref<80xi32, #tpu.memory_space<vmem>>, %arg11: memref<80xi32, #tpu.memory_space<vmem>>, %arg12: memref<80x128xf32, #tpu.memory_space<vmem>>, %arg13: memref<80x128xf32, #tpu.memory_space<vmem>>, %arg14: memref<80x128xf32, #tpu.memory_space<vmem>>, %arg15: memref<80x128xf32, #tpu.memory_space<vmem>>, %arg16: memref<10240x128xf32, #tpu.memory_space<vmem_shared>>, %arg17: memref<!tpu.dma_semaphore, #tpu.memory_space<semaphore_mem>>, %arg18: memref<!tpu.dma_semaphore, #tpu.memory_space<semaphore_mem>>, %arg19: memref<!tpu.dma_semaphore, #tpu.memory_space<semaphore_mem>>, %arg20: memref<!tpu.dma_semaphore, #tpu.memory_space<semaphore_mem>>, %arg21: memref<!tpu.dma_semaphore, #tpu.memory_space<semaphore_mem>>, %arg22: memref<!tpu.dma_semaphore, #tpu.memory_space<semaphore_mem>>) attributes {dimension_semantics = [#tpu.dimension_semantics<core_parallel>, #tpu.dimension_semantics<subcore_parallel>], iteration_bounds = array<i64: 2, 16>, scalar_prefetch = 0 : i64, scratch_operands = 13 : i64, tpu.core_type = #tpu.core_type<sc_vector_subcore>, window_params = [{transform_indices = #map}, {transform_indices = #map}, {transform_indices = #map1}, {transform_indices = #map1}, {transform_indices = #map1}, {transform_indices = #map1}, {transform_indices = #map1}, {transform_indices = #map2}]} {
    %mul3A = arith.constant 16 : i32
    %mul3A_0 = arith.muli %arg0, %mul3A : i32
    %add3A = arith.addi %mul3A_0, %arg1 : i32
    %mul3A_1 = arith.constant 640 : i32
    %mul3A_2 = arith.muli %arg1, %mul3A_1 : i32
    "tpu.region"() ({
      %run_scoped3A = tpu.sem_alloc : memref<!tpu.dma_semaphore, #tpu.memory_space<semaphore_mem>>
      %dma_start3A = arith.constant 0 : i32
      %dma_start3A_11 = tpu.memref_slice %arg16[%mul3A_2, %dma_start3A] : memref<10240x128xf32, #tpu.memory_space<vmem_shared>> -> memref<640x128xf32, #tpu.memory_space<vmem_shared>>
      tpu.enqueue_dma source(%arg8 : memref<640x128xf32, #tpu.memory_space<hbm>>) target(%dma_start3A_11 : memref<640x128xf32, #tpu.memory_space<vmem_shared>>) target_semaphore(%run_scoped3A : memref<!tpu.dma_semaphore, #tpu.memory_space<semaphore_mem>>)
      %dma_wait3A = arith.constant 0 : i32
      %dma_wait3A_12 = tpu.memref_slice %arg16[%mul3A_2, %dma_wait3A] : memref<10240x128xf32, #tpu.memory_space<vmem_shared>> -> memref<640x128xf32, #tpu.memory_space<vmem_shared>>
      tpu.wait_dma2 semaphore(%run_scoped3A : memref<!tpu.dma_semaphore, #tpu.memory_space<semaphore_mem>>) src(%arg8 : memref<640x128xf32, #tpu.memory_space<hbm>>) dst(%dma_wait3A_12 : memref<640x128xf32, #tpu.memory_space<vmem_shared>>)
      tpu.yield
    }) : () -> ()
    %barrier3A = arith.constant 0 : index
    tpu.barrier barrier_id(%barrier3A)
    %scan3A = arith.constant 0 : i32
    %scan3A_3 = arith.constant 0 : i32
    %scan3A_4 = arith.constant 125 : i32
    %scan3A_5 = arith.addi %scan3A_3, %scan3A_4 : i32
    %scan3A_6 = arith.constant 1 : i32
    scf.for %scan3A_11 = %scan3A_3 to %scan3A_5 step %scan3A_6  : i32 {
      %mul3A_12 = arith.constant 10000 : i32
      %mul3A_13 = arith.muli %add3A, %mul3A_12 : i32
      %mul3A_14 = arith.constant 80 : i32
      %mul3A_15 = arith.muli %scan3A_11, %mul3A_14 : i32
      %add3A_16 = arith.addi %mul3A_13, %mul3A_15 : i32
      %dma_start3A = tpu.memref_slice %arg2[%add3A_16] : memref<320000xi32, #tpu.memory_space<hbm>> -> memref<80xi32, #tpu.memory_space<hbm>>
      %dma_start3A_17 = tpu.memref_slice %arg2[%add3A_16] : memref<320000xi32, #tpu.memory_space<hbm>> -> memref<80xi32, #tpu.memory_space<hbm>>
      tpu.enqueue_dma source(%dma_start3A_17 : memref<80xi32, #tpu.memory_space<hbm>>) target(%arg10 : memref<80xi32, #tpu.memory_space<vmem>>) target_semaphore(%arg17 : memref<!tpu.dma_semaphore, #tpu.memory_space<semaphore_mem>>)
      %dma_start3A_18 = tpu.memref_slice %arg3[%add3A_16] : memref<320000xi32, #tpu.memory_space<hbm>> -> memref<80xi32, #tpu.memory_space<hbm>>
      %dma_start3A_19 = tpu.memref_slice %arg3[%add3A_16] : memref<320000xi32, #tpu.memory_space<hbm>> -> memref<80xi32, #tpu.memory_space<hbm>>
      tpu.enqueue_dma source(%dma_start3A_19 : memref<80xi32, #tpu.memory_space<hbm>>) target(%arg11 : memref<80xi32, #tpu.memory_space<vmem>>) target_semaphore(%arg18 : memref<!tpu.dma_semaphore, #tpu.memory_space<semaphore_mem>>)
      %dma_start3A_20 = arith.constant 0 : i32
      %dma_start3A_21 = tpu.memref_slice %arg4[%add3A_16, %dma_start3A_20] : memref<320000x128xf32, #tpu.memory_space<hbm>> -> memref<80x128xf32, #tpu.memory_space<hbm>>
      %dma_start3A_22 = arith.constant 0 : i32
      %dma_start3A_23 = tpu.memref_slice %arg4[%add3A_16, %dma_start3A_22] : memref<320000x128xf32, #tpu.memory_space<hbm>> -> memref<80x128xf32, #tpu.memory_space<hbm>>
      tpu.enqueue_dma source(%dma_start3A_23 : memref<80x128xf32, #tpu.memory_space<hbm>>) target(%arg12 : memref<80x128xf32, #tpu.memory_space<vmem>>) target_semaphore(%arg19 : memref<!tpu.dma_semaphore, #tpu.memory_space<semaphore_mem>>)
      %dma_start3A_24 = arith.constant 0 : i32
      %dma_start3A_25 = tpu.memref_slice %arg5[%add3A_16, %dma_start3A_24] : memref<320000x128xf32, #tpu.memory_space<hbm>> -> memref<80x128xf32, #tpu.memory_space<hbm>>
      %dma_start3A_26 = arith.constant 0 : i32
      %dma_start3A_27 = tpu.memref_slice %arg5[%add3A_16, %dma_start3A_26] : memref<320000x128xf32, #tpu.memory_space<hbm>> -> memref<80x128xf32, #tpu.memory_space<hbm>>
      tpu.enqueue_dma source(%dma_start3A_27 : memref<80x128xf32, #tpu.memory_space<hbm>>) target(%arg13 : memref<80x128xf32, #tpu.memory_space<vmem>>) target_semaphore(%arg20 : memref<!tpu.dma_semaphore, #tpu.memory_space<semaphore_mem>>)
      %dma_wait3A = tpu.memref_slice %arg2[%add3A_16] : memref<320000xi32, #tpu.memory_space<hbm>> -> memref<80xi32, #tpu.memory_space<hbm>>
      %dma_wait3A_28 = tpu.memref_slice %arg2[%add3A_16] : memref<320000xi32, #tpu.memory_space<hbm>> -> memref<80xi32, #tpu.memory_space<hbm>>
      tpu.wait_dma2 semaphore(%arg17 : memref<!tpu.dma_semaphore, #tpu.memory_space<semaphore_mem>>) src(%dma_wait3A_28 : memref<80xi32, #tpu.memory_space<hbm>>) dst(%arg10 : memref<80xi32, #tpu.memory_space<vmem>>)
      %dma_wait3A_29 = tpu.memref_slice %arg3[%add3A_16] : memref<320000xi32, #tpu.memory_space<hbm>> -> memref<80xi32, #tpu.memory_space<hbm>>
      %dma_wait3A_30 = tpu.memref_slice %arg3[%add3A_16] : memref<320000xi32, #tpu.memory_space<hbm>> -> memref<80xi32, #tpu.memory_space<hbm>>
      tpu.wait_dma2 semaphore(%arg18 : memref<!tpu.dma_semaphore, #tpu.memory_space<semaphore_mem>>) src(%dma_wait3A_30 : memref<80xi32, #tpu.memory_space<hbm>>) dst(%arg11 : memref<80xi32, #tpu.memory_space<vmem>>)
      %dma_start3A_31 = arith.constant 0 : i32
      %dma_start3A_32 = arith.constant 0 : i32
      %dma_start3A_33 = tpu.memref_slice %arg14[%dma_start3A_31, %dma_start3A_32] : memref<80x128xf32, #tpu.memory_space<vmem>> -> memref<40x128xf32, #tpu.memory_space<vmem>>
      %dma_start3A_34 = arith.constant 0 : i32
      %dma_start3A_35 = tpu.memref_slice %arg10[%dma_start3A_34] : memref<80xi32, #tpu.memory_space<vmem>> -> memref<40xi32, #tpu.memory_space<vmem>>
      %dma_start3A_36 = arith.constant 0 : i32
      %dma_start3A_37 = arith.constant 0 : i32
      %dma_start3A_38 = tpu.memref_slice %arg6[%dma_start3A_36, %dma_start3A_37] : memref<10000x128xf32, #tpu.memory_space<hbm>> -> memref<10000x128xf32, #tpu.memory_space<hbm>>
      tpu.enqueue_indirect_dma source(%dma_start3A_38 : memref<10000x128xf32, #tpu.memory_space<hbm>>) target(%dma_start3A_33 : memref<40x128xf32, #tpu.memory_space<vmem>>) offsets(%dma_start3A_35 : memref<40xi32, #tpu.memory_space<vmem>>) semaphore(%arg21 : memref<!tpu.dma_semaphore, #tpu.memory_space<semaphore_mem>>)
      %dma_start3A_39 = arith.constant 0 : i32
      %dma_start3A_40 = arith.constant 0 : i32
      %dma_start3A_41 = tpu.memref_slice %arg15[%dma_start3A_39, %dma_start3A_40] : memref<80x128xf32, #tpu.memory_space<vmem>> -> memref<40x128xf32, #tpu.memory_space<vmem>>
      %dma_start3A_42 = arith.constant 0 : i32
      %dma_start3A_43 = tpu.memref_slice %arg11[%dma_start3A_42] : memref<80xi32, #tpu.memory_space<vmem>> -> memref<40xi32, #tpu.memory_space<vmem>>
      %dma_start3A_44 = arith.constant 0 : i32
      %dma_start3A_45 = arith.constant 0 : i32
      %dma_start3A_46 = tpu.memref_slice %arg7[%dma_start3A_44, %dma_start3A_45] : memref<10000x128xf32, #tpu.memory_space<hbm>> -> memref<10000x128xf32, #tpu.memory_space<hbm>>
      tpu.enqueue_indirect_dma source(%dma_start3A_46 : memref<10000x128xf32, #tpu.memory_space<hbm>>) target(%dma_start3A_41 : memref<40x128xf32, #tpu.memory_space<vmem>>) offsets(%dma_start3A_43 : memref<40xi32, #tpu.memory_space<vmem>>) semaphore(%arg22 : memref<!tpu.dma_semaphore, #tpu.memory_space<semaphore_mem>>)
      %dma_wait3A_47 = arith.constant 0 : i32
      %dma_wait3A_48 = tpu.memref_slice %arg4[%add3A_16, %dma_wait3A_47] : memref<320000x128xf32, #tpu.memory_space<hbm>> -> memref<80x128xf32, #tpu.memory_space<hbm>>
      %dma_wait3A_49 = arith.constant 0 : i32
      %dma_wait3A_50 = tpu.memref_slice %arg4[%add3A_16, %dma_wait3A_49] : memref<320000x128xf32, #tpu.memory_space<hbm>> -> memref<80x128xf32, #tpu.memory_space<hbm>>
      tpu.wait_dma2 semaphore(%arg19 : memref<!tpu.dma_semaphore, #tpu.memory_space<semaphore_mem>>) src(%dma_wait3A_50 : memref<80x128xf32, #tpu.memory_space<hbm>>) dst(%arg12 : memref<80x128xf32, #tpu.memory_space<vmem>>)
      %dma_wait3A_51 = arith.constant 0 : i32
      %dma_wait3A_52 = tpu.memref_slice %arg5[%add3A_16, %dma_wait3A_51] : memref<320000x128xf32, #tpu.memory_space<hbm>> -> memref<80x128xf32, #tpu.memory_space<hbm>>
      %dma_wait3A_53 = arith.constant 0 : i32
      %dma_wait3A_54 = tpu.memref_slice %arg5[%add3A_16, %dma_wait3A_53] : memref<320000x128xf32, #tpu.memory_space<hbm>> -> memref<80x128xf32, #tpu.memory_space<hbm>>
      tpu.wait_dma2 semaphore(%arg20 : memref<!tpu.dma_semaphore, #tpu.memory_space<semaphore_mem>>) src(%dma_wait3A_54 : memref<80x128xf32, #tpu.memory_space<hbm>>) dst(%arg13 : memref<80x128xf32, #tpu.memory_space<vmem>>)
      %dma_wait3A_55 = arith.constant 0 : i32
      %dma_wait3A_56 = arith.constant 0 : i32
      %dma_wait3A_57 = tpu.memref_slice %arg14[%dma_wait3A_55, %dma_wait3A_56] : memref<80x128xf32, #tpu.memory_space<vmem>> -> memref<40x128xf32, #tpu.memory_space<vmem>>
      %dma_wait3A_58 = arith.constant 0 : i32
      %dma_wait3A_59 = tpu.memref_slice %arg10[%dma_wait3A_58] : memref<80xi32, #tpu.memory_space<vmem>> -> memref<40xi32, #tpu.memory_space<vmem>>
      %dma_wait3A_60 = arith.constant 0 : i32
      %dma_wait3A_61 = arith.constant 0 : i32
      %dma_wait3A_62 = tpu.memref_slice %arg6[%dma_wait3A_60, %dma_wait3A_61] : memref<10000x128xf32, #tpu.memory_space<hbm>> -> memref<10000x128xf32, #tpu.memory_space<hbm>>
      tpu.wait_indirect_dma semaphore(%arg21 : memref<!tpu.dma_semaphore, #tpu.memory_space<semaphore_mem>>) src(%dma_wait3A_62 : memref<10000x128xf32, #tpu.memory_space<hbm>>) dst(%dma_wait3A_57 : memref<40x128xf32, #tpu.memory_space<vmem>>)
      %dma_wait3A_63 = arith.constant 0 : i32
      %dma_wait3A_64 = arith.constant 0 : i32
      %dma_wait3A_65 = tpu.memref_slice %arg15[%dma_wait3A_63, %dma_wait3A_64] : memref<80x128xf32, #tpu.memory_space<vmem>> -> memref<40x128xf32, #tpu.memory_space<vmem>>
      %dma_wait3A_66 = arith.constant 0 : i32
      %dma_wait3A_67 = tpu.memref_slice %arg11[%dma_wait3A_66] : memref<80xi32, #tpu.memory_space<vmem>> -> memref<40xi32, #tpu.memory_space<vmem>>
      %dma_wait3A_68 = arith.constant 0 : i32
      %dma_wait3A_69 = arith.constant 0 : i32
      %dma_wait3A_70 = tpu.memref_slice %arg7[%dma_wait3A_68, %dma_wait3A_69] : memref<10000x128xf32, #tpu.memory_space<hbm>> -> memref<10000x128xf32, #tpu.memory_space<hbm>>
      tpu.wait_indirect_dma semaphore(%arg22 : memref<!tpu.dma_semaphore, #tpu.memory_space<semaphore_mem>>) src(%dma_wait3A_70 : memref<10000x128xf32, #tpu.memory_space<hbm>>) dst(%dma_wait3A_65 : memref<40x128xf32, #tpu.memory_space<vmem>>)
      %dma_start3A_71 = arith.constant 40 : i32
      %dma_start3A_72 = arith.constant 0 : i32
      %dma_start3A_73 = tpu.memref_slice %arg14[%dma_start3A_71, %dma_start3A_72] : memref<80x128xf32, #tpu.memory_space<vmem>> -> memref<40x128xf32, #tpu.memory_space<vmem>>
      %dma_start3A_74 = arith.constant 40 : i32
      %dma_start3A_75 = tpu.memref_slice %arg10[%dma_start3A_74] : memref<80xi32, #tpu.memory_space<vmem>> -> memref<40xi32, #tpu.memory_space<vmem>>
      %dma_start3A_76 = arith.constant 0 : i32
      %dma_start3A_77 = arith.constant 0 : i32
      %dma_start3A_78 = tpu.memref_slice %arg6[%dma_start3A_76, %dma_start3A_77] : memref<10000x128xf32, #tpu.memory_space<hbm>> -> memref<10000x128xf32, #tpu.memory_space<hbm>>
      tpu.enqueue_indirect_dma source(%dma_start3A_78 : memref<10000x128xf32, #tpu.memory_space<hbm>>) target(%dma_start3A_73 : memref<40x128xf32, #tpu.memory_space<vmem>>) offsets(%dma_start3A_75 : memref<40xi32, #tpu.memory_space<vmem>>) semaphore(%arg21 : memref<!tpu.dma_semaphore, #tpu.memory_space<semaphore_mem>>)
      %dma_start3A_79 = arith.constant 40 : i32
      %dma_start3A_80 = arith.constant 0 : i32
      %dma_start3A_81 = tpu.memref_slice %arg15[%dma_start3A_79, %dma_start3A_80] : memref<80x128xf32, #tpu.memory_space<vmem>> -> memref<40x128xf32, #tpu.memory_space<vmem>>
      %dma_start3A_82 = arith.constant 40 : i32
      %dma_start3A_83 = tpu.memref_slice %arg11[%dma_start3A_82] : memref<80xi32, #tpu.memory_space<vmem>> -> memref<40xi32, #tpu.memory_space<vmem>>
      %dma_start3A_84 = arith.constant 0 : i32
      %dma_start3A_85 = arith.constant 0 : i32
      %dma_start3A_86 = tpu.memref_slice %arg7[%dma_start3A_84, %dma_start3A_85] : memref<10000x128xf32, #tpu.memory_space<hbm>> -> memref<10000x128xf32, #tpu.memory_space<hbm>>
      tpu.enqueue_indirect_dma source(%dma_start3A_86 : memref<10000x128xf32, #tpu.memory_space<hbm>>) target(%dma_start3A_81 : memref<40x128xf32, #tpu.memory_space<vmem>>) offsets(%dma_start3A_83 : memref<40xi32, #tpu.memory_space<vmem>>) semaphore(%arg22 : memref<!tpu.dma_semaphore, #tpu.memory_space<semaphore_mem>>)
      %scan3A_87 = arith.constant 0 : i32
      %scan3A_88 = arith.constant 0 : i32
      %scan3A_89 = arith.constant 40 : i32
      %scan3A_90 = arith.addi %scan3A_88, %scan3A_89 : i32
      %scan3A_91 = arith.constant 1 : i32
      scf.for %scan3A_115 = %scan3A_88 to %scan3A_90 step %scan3A_91  : i32 {
        %get3A = arith.index_cast %scan3A_115 : i32 to index
        %get3A_116 = arith.constant 0 : index
        %get3A_117 = tpu.vector_load %arg12[%get3A, %get3A_116] {strides = array<i32>} : memref<80x128xf32, #tpu.memory_space<vmem>>, vector<1x16xf32>,
        %get3A_118 = vector.shape_cast %get3A_117 : vector<1x16xf32> to vector<16xf32>
        %get3A_119 = arith.index_cast %scan3A_115 : i32 to index
        %get3A_120 = arith.constant 0 : index
        %get3A_121 = tpu.vector_load %arg14[%get3A_119, %get3A_120] {strides = array<i32>} : memref<80x128xf32, #tpu.memory_space<vmem>>, vector<1x16xf32>,
        %get3A_122 = vector.shape_cast %get3A_121 : vector<1x16xf32> to vector<16xf32>
        %add3A_123 = arith.addf %get3A_118, %get3A_122 : vector<16xf32>
        %get3A_124 = arith.index_cast %scan3A_115 : i32 to index
        %get3A_125 = arith.constant 0 : index
        %get3A_126 = tpu.vector_load %arg15[%get3A_124, %get3A_125] {strides = array<i32>} : memref<80x128xf32, #tpu.memory_space<vmem>>, vector<1x16xf32>,
        %get3A_127 = vector.shape_cast %get3A_126 : vector<1x16xf32> to vector<16xf32>
        %add3A_128 = arith.addf %add3A_123, %get3A_127 : vector<16xf32>
        %get3A_129 = arith.index_cast %scan3A_115 : i32 to index
        %get3A_130 = arith.constant 0 : index
        %get3A_131 = tpu.vector_load %arg13[%get3A_129, %get3A_130] {strides = array<i32>} : memref<80x128xf32, #tpu.memory_space<vmem>>, vector<1x16xf32>,
        %get3A_132 = vector.shape_cast %get3A_131 : vector<1x16xf32> to vector<16xf32>
        %mul3A_133 = arith.mulf %get3A_132, %add3A_128 : vector<16xf32>
        %neg3A = arith.constant 0.000000e+00 : f32
        %neg3A_134 = vector.broadcast %neg3A : f32 to vector<16xf32>
        %neg3A_135 = arith.subf %neg3A_134, %add3A_128 : vector<16xf32>
        %exp3A = math.exp %neg3A_135 : vector<16xf32>
        %add3A_136 = arith.constant 1.000000e+00 : f32
        %add3A_137 = vector.broadcast %add3A_136 : f32 to vector<16xf32>
        %add3A_138 = arith.addf %add3A_137, %exp3A : vector<16xf32>
        %div3A = arith.divf %mul3A_133, %add3A_138 : vector<16xf32>
        %swap3A = arith.index_cast %scan3A_115 : i32 to index
        %swap3A_139 = arith.constant 0 : index
        %swap3A_140 = tpu.vector_load %arg12[%swap3A, %swap3A_139] {strides = array<i32>} : memref<80x128xf32, #tpu.memory_space<vmem>>, vector<1x16xf32>,
        %swap3A_141 = vector.shape_cast %swap3A_140 : vector<1x16xf32> to vector<16xf32>
        %swap3A_142 = vector.shape_cast %div3A : vector<16xf32> to vector<1x16xf32>
        tpu.vector_store %arg12[%swap3A, %swap3A_139], %swap3A_142 {strides = array<i32>} : memref<80x128xf32, #tpu.memory_space<vmem>>, vector<1x16xf32>,
        %get3A_143 = arith.index_cast %scan3A_115 : i32 to index
        %get3A_144 = arith.constant 16 : index
        %get3A_145 = tpu.vector_load %arg12[%get3A_143, %get3A_144] {strides = array<i32>} : memref<80x128xf32, #tpu.memory_space<vmem>>, vector<1x16xf32>,
        %get3A_146 = vector.shape_cast %get3A_145 : vector<1x16xf32> to vector<16xf32>
        %get3A_147 = arith.index_cast %scan3A_115 : i32 to index
        %get3A_148 = arith.constant 16 : index
        %get3A_149 = tpu.vector_load %arg14[%get3A_147, %get3A_148] {strides = array<i32>} : memref<80x128xf32, #tpu.memory_space<vmem>>, vector<1x16xf32>,
        %get3A_150 = vector.shape_cast %get3A_149 : vector<1x16xf32> to vector<16xf32>
        %add3A_151 = arith.addf %get3A_146, %get3A_150 : vector<16xf32>
        %get3A_152 = arith.index_cast %scan3A_115 : i32 to index
        %get3A_153 = arith.constant 16 : index
        %get3A_154 = tpu.vector_load %arg15[%get3A_152, %get3A_153] {strides = array<i32>} : memref<80x128xf32, #tpu.memory_space<vmem>>, vector<1x16xf32>,
        %get3A_155 = vector.shape_cast %get3A_154 : vector<1x16xf32> to vector<16xf32>
        %add3A_156 = arith.addf %add3A_151, %get3A_155 : vector<16xf32>
        %get3A_157 = arith.index_cast %scan3A_115 : i32 to index
        %get3A_158 = arith.constant 16 : index
        %get3A_159 = tpu.vector_load %arg13[%get3A_157, %get3A_158] {strides = array<i32>} : memref<80x128xf32, #tpu.memory_space<vmem>>, vector<1x16xf32>,
        %get3A_160 = vector.shape_cast %get3A_159 : vector<1x16xf32> to vector<16xf32>
        %mul3A_161 = arith.mulf %get3A_160, %add3A_156 : vector<16xf32>
        %neg3A_162 = arith.constant 0.000000e+00 : f32
        %neg3A_163 = vector.broadcast %neg3A_162 : f32 to vector<16xf32>
        %neg3A_164 = arith.subf %neg3A_163, %add3A_156 : vector<16xf32>
        %exp3A_165 = math.exp %neg3A_164 : vector<16xf32>
        %add3A_166 = arith.constant 1.000000e+00 : f32
        %add3A_167 = vector.broadcast %add3A_166 : f32 to vector<16xf32>
        %add3A_168 = arith.addf %add3A_167, %exp3A_165 : vector<16xf32>
        %div3A_169 = arith.divf %mul3A_161, %add3A_168 : vector<16xf32>
        %swap3A_170 = arith.index_cast %scan3A_115 : i32 to index
        %swap3A_171 = arith.constant 16 : index
        %swap3A_172 = tpu.vector_load %arg12[%swap3A_170, %swap3A_171] {strides = array<i32>} : memref<80x128xf32, #tpu.memory_space<vmem>>, vector<1x16xf32>,
        %swap3A_173 = vector.shape_cast %swap3A_172 : vector<1x16xf32> to vector<16xf32>
        %swap3A_174 = vector.shape_cast %div3A_169 : vector<16xf32> to vector<1x16xf32>
        tpu.vector_store %arg12[%swap3A_170, %swap3A_171], %swap3A_174 {strides = array<i32>} : memref<80x128xf32, #tpu.memory_space<vmem>>, vector<1x16xf32>,
        %get3A_175 = arith.index_cast %scan3A_115 : i32 to index
        %get3A_176 = arith.constant 32 : index
        %get3A_177 = tpu.vector_load %arg12[%get3A_175, %get3A_176] {strides = array<i32>} : memref<80x128xf32, #tpu.memory_space<vmem>>, vector<1x16xf32>,
        %get3A_178 = vector.shape_cast %get3A_177 : vector<1x16xf32> to vector<16xf32>
        %get3A_179 = arith.index_cast %scan3A_115 : i32 to index
        %get3A_180 = arith.constant 32 : index
        %get3A_181 = tpu.vector_load %arg14[%get3A_179, %get3A_180] {strides = array<i32>} : memref<80x128xf32, #tpu.memory_space<vmem>>, vector<1x16xf32>,
        %get3A_182 = vector.shape_cast %get3A_181 : vector<1x16xf32> to vector<16xf32>
        %add3A_183 = arith.addf %get3A_178, %get3A_182 : vector<16xf32>
        %get3A_184 = arith.index_cast %scan3A_115 : i32 to index
        %get3A_185 = arith.constant 32 : index
        %get3A_186 = tpu.vector_load %arg15[%get3A_184, %get3A_185] {strides = array<i32>} : memref<80x128xf32, #tpu.memory_space<vmem>>, vector<1x16xf32>,
        %get3A_187 = vector.shape_cast %get3A_186 : vector<1x16xf32> to vector<16xf32>
        %add3A_188 = arith.addf %add3A_183, %get3A_187 : vector<16xf32>
        %get3A_189 = arith.index_cast %scan3A_115 : i32 to index
        %get3A_190 = arith.constant 32 : index
        %get3A_191 = tpu.vector_load %arg13[%get3A_189, %get3A_190] {strides = array<i32>} : memref<80x128xf32, #tpu.memory_space<vmem>>, vector<1x16xf32>,
        %get3A_192 = vector.shape_cast %get3A_191 : vector<1x16xf32> to vector<16xf32>
        %mul3A_193 = arith.mulf %get3A_192, %add3A_188 : vector<16xf32>
        %neg3A_194 = arith.constant 0.000000e+00 : f32
        %neg3A_195 = vector.broadcast %neg3A_194 : f32 to vector<16xf32>
        %neg3A_196 = arith.subf %neg3A_195, %add3A_188 : vector<16xf32>
        %exp3A_197 = math.exp %neg3A_196 : vector<16xf32>
        %add3A_198 = arith.constant 1.000000e+00 : f32
        %add3A_199 = vector.broadcast %add3A_198 : f32 to vector<16xf32>
        %add3A_200 = arith.addf %add3A_199, %exp3A_197 : vector<16xf32>
        %div3A_201 = arith.divf %mul3A_193, %add3A_200 : vector<16xf32>
        %swap3A_202 = arith.index_cast %scan3A_115 : i32 to index
        %swap3A_203 = arith.constant 32 : index
        %swap3A_204 = tpu.vector_load %arg12[%swap3A_202, %swap3A_203] {strides = array<i32>} : memref<80x128xf32, #tpu.memory_space<vmem>>, vector<1x16xf32>,
        %swap3A_205 = vector.shape_cast %swap3A_204 : vector<1x16xf32> to vector<16xf32>
        %swap3A_206 = vector.shape_cast %div3A_201 : vector<16xf32> to vector<1x16xf32>
        tpu.vector_store %arg12[%swap3A_202, %swap3A_203], %swap3A_206 {strides = array<i32>} : memref<80x128xf32, #tpu.memory_space<vmem>>, vector<1x16xf32>,
        %get3A_207 = arith.index_cast %scan3A_115 : i32 to index
        %get3A_208 = arith.constant 48 : index
        %get3A_209 = tpu.vector_load %arg12[%get3A_207, %get3A_208] {strides = array<i32>} : memref<80x128xf32, #tpu.memory_space<vmem>>, vector<1x16xf32>,
        %get3A_210 = vector.shape_cast %get3A_209 : vector<1x16xf32> to vector<16xf32>
        %get3A_211 = arith.index_cast %scan3A_115 : i32 to index
        %get3A_212 = arith.constant 48 : index
        %get3A_213 = tpu.vector_load %arg14[%get3A_211, %get3A_212] {strides = array<i32>} : memref<80x128xf32, #tpu.memory_space<vmem>>, vector<1x16xf32>,
        %get3A_214 = vector.shape_cast %get3A_213 : vector<1x16xf32> to vector<16xf32>
        %add3A_215 = arith.addf %get3A_210, %get3A_214 : vector<16xf32>
        %get3A_216 = arith.index_cast %scan3A_115 : i32 to index
        %get3A_217 = arith.constant 48 : index
        %get3A_218 = tpu.vector_load %arg15[%get3A_216, %get3A_217] {strides = array<i32>} : memref<80x128xf32, #tpu.memory_space<vmem>>, vector<1x16xf32>,
        %get3A_219 = vector.shape_cast %get3A_218 : vector<1x16xf32> to vector<16xf32>
        %add3A_220 = arith.addf %add3A_215, %get3A_219 : vector<16xf32>
        %get3A_221 = arith.index_cast %scan3A_115 : i32 to index
        %get3A_222 = arith.constant 48 : index
        %get3A_223 = tpu.vector_load %arg13[%get3A_221, %get3A_222] {strides = array<i32>} : memref<80x128xf32, #tpu.memory_space<vmem>>, vector<1x16xf32>,
        %get3A_224 = vector.shape_cast %get3A_223 : vector<1x16xf32> to vector<16xf32>
        %mul3A_225 = arith.mulf %get3A_224, %add3A_220 : vector<16xf32>
        %neg3A_226 = arith.constant 0.000000e+00 : f32
        %neg3A_227 = vector.broadcast %neg3A_226 : f32 to vector<16xf32>
        %neg3A_228 = arith.subf %neg3A_227, %add3A_220 : vector<16xf32>
        %exp3A_229 = math.exp %neg3A_228 : vector<16xf32>
        %add3A_230 = arith.constant 1.000000e+00 : f32
        %add3A_231 = vector.broadcast %add3A_230 : f32 to vector<16xf32>
        %add3A_232 = arith.addf %add3A_231, %exp3A_229 : vector<16xf32>
        %div3A_233 = arith.divf %mul3A_225, %add3A_232 : vector<16xf32>
        %swap3A_234 = arith.index_cast %scan3A_115 : i32 to index
        %swap3A_235 = arith.constant 48 : index
        %swap3A_236 = tpu.vector_load %arg12[%swap3A_234, %swap3A_235] {strides = array<i32>} : memref<80x128xf32, #tpu.memory_space<vmem>>, vector<1x16xf32>,
        %swap3A_237 = vector.shape_cast %swap3A_236 : vector<1x16xf32> to vector<16xf32>
        %swap3A_238 = vector.shape_cast %div3A_233 : vector<16xf32> to vector<1x16xf32>
        tpu.vector_store %arg12[%swap3A_234, %swap3A_235], %swap3A_238 {strides = array<i32>} : memref<80x128xf32, #tpu.memory_space<vmem>>, vector<1x16xf32>,
        %get3A_239 = arith.index_cast %scan3A_115 : i32 to index
        %get3A_240 = arith.constant 64 : index
        %get3A_241 = tpu.vector_load %arg12[%get3A_239, %get3A_240] {strides = array<i32>} : memref<80x128xf32, #tpu.memory_space<vmem>>, vector<1x16xf32>,
        %get3A_242 = vector.shape_cast %get3A_241 : vector<1x16xf32> to vector<16xf32>
        %get3A_243 = arith.index_cast %scan3A_115 : i32 to index
        %get3A_244 = arith.constant 64 : index
        %get3A_245 = tpu.vector_load %arg14[%get3A_243, %get3A_244] {strides = array<i32>} : memref<80x128xf32, #tpu.memory_space<vmem>>, vector<1x16xf32>,
        %get3A_246 = vector.shape_cast %get3A_245 : vector<1x16xf32> to vector<16xf32>
        %add3A_247 = arith.addf %get3A_242, %get3A_246 : vector<16xf32>
        %get3A_248 = arith.index_cast %scan3A_115 : i32 to index
        %get3A_249 = arith.constant 64 : index
        %get3A_250 = tpu.vector_load %arg15[%get3A_248, %get3A_249] {strides = array<i32>} : memref<80x128xf32, #tpu.memory_space<vmem>>, vector<1x16xf32>,
        %get3A_251 = vector.shape_cast %get3A_250 : vector<1x16xf32> to vector<16xf32>
        %add3A_252 = arith.addf %add3A_247, %get3A_251 : vector<16xf32>
        %get3A_253 = arith.index_cast %scan3A_115 : i32 to index
        %get3A_254 = arith.constant 64 : index
        %get3A_255 = tpu.vector_load %arg13[%get3A_253, %get3A_254] {strides = array<i32>} : memref<80x128xf32, #tpu.memory_space<vmem>>, vector<1x16xf32>,
        %get3A_256 = vector.shape_cast %get3A_255 : vector<1x16xf32> to vector<16xf32>
        %mul3A_257 = arith.mulf %get3A_256, %add3A_252 : vector<16xf32>
        %neg3A_258 = arith.constant 0.000000e+00 : f32
        %neg3A_259 = vector.broadcast %neg3A_258 : f32 to vector<16xf32>
        %neg3A_260 = arith.subf %neg3A_259, %add3A_252 : vector<16xf32>
        %exp3A_261 = math.exp %neg3A_260 : vector<16xf32>
        %add3A_262 = arith.constant 1.000000e+00 : f32
        %add3A_263 = vector.broadcast %add3A_262 : f32 to vector<16xf32>
        %add3A_264 = arith.addf %add3A_263, %exp3A_261 : vector<16xf32>
        %div3A_265 = arith.divf %mul3A_257, %add3A_264 : vector<16xf32>
        %swap3A_266 = arith.index_cast %scan3A_115 : i32 to index
        %swap3A_267 = arith.constant 64 : index
        %swap3A_268 = tpu.vector_load %arg12[%swap3A_266, %swap3A_267] {strides = array<i32>} : memref<80x128xf32, #tpu.memory_space<vmem>>, vector<1x16xf32>,
        %swap3A_269 = vector.shape_cast %swap3A_268 : vector<1x16xf32> to vector<16xf32>
        %swap3A_270 = vector.shape_cast %div3A_265 : vector<16xf32> to vector<1x16xf32>
        tpu.vector_store %arg12[%swap3A_266, %swap3A_267], %swap3A_270 {strides = array<i32>} : memref<80x128xf32, #tpu.memory_space<vmem>>, vector<1x16xf32>,
        %get3A_271 = arith.index_cast %scan3A_115 : i32 to index
        %get3A_272 = arith.constant 80 : index
        %get3A_273 = tpu.vector_load %arg12[%get3A_271, %get3A_272] {strides = array<i32>} : memref<80x128xf32, #tpu.memory_space<vmem>>, vector<1x16xf32>,
        %get3A_274 = vector.shape_cast %get3A_273 : vector<1x16xf32> to vector<16xf32>
        %get3A_275 = arith.index_cast %scan3A_115 : i32 to index
        %get3A_276 = arith.constant 80 : index
        %get3A_277 = tpu.vector_load %arg14[%get3A_275, %get3A_276] {strides = array<i32>} : memref<80x128xf32, #tpu.memory_space<vmem>>, vector<1x16xf32>,
        %get3A_278 = vector.shape_cast %get3A_277 : vector<1x16xf32> to vector<16xf32>
        %add3A_279 = arith.addf %get3A_274, %get3A_278 : vector<16xf32>
        %get3A_280 = arith.index_cast %scan3A_115 : i32 to index
        %get3A_281 = arith.constant 80 : index
        %get3A_282 = tpu.vector_load %arg15[%get3A_280, %get3A_281] {strides = array<i32>} : memref<80x128xf32, #tpu.memory_space<vmem>>, vector<1x16xf32>,
        %get3A_283 = vector.shape_cast %get3A_282 : vector<1x16xf32> to vector<16xf32>
        %add3A_284 = arith.addf %add3A_279, %get3A_283 : vector<16xf32>
        %get3A_285 = arith.index_cast %scan3A_115 : i32 to index
        %get3A_286 = arith.constant 80 : index
        %get3A_287 = tpu.vector_load %arg13[%get3A_285, %get3A_286] {strides = array<i32>} : memref<80x128xf32, #tpu.memory_space<vmem>>, vector<1x16xf32>,
        %get3A_288 = vector.shape_cast %get3A_287 : vector<1x16xf32> to vector<16xf32>
        %mul3A_289 = arith.mulf %get3A_288, %add3A_284 : vector<16xf32>
        %neg3A_290 = arith.constant 0.000000e+00 : f32
        %neg3A_291 = vector.broadcast %neg3A_290 : f32 to vector<16xf32>
        %neg3A_292 = arith.subf %neg3A_291, %add3A_284 : vector<16xf32>
        %exp3A_293 = math.exp %neg3A_292 : vector<16xf32>
        %add3A_294 = arith.constant 1.000000e+00 : f32
        %add3A_295 = vector.broadcast %add3A_294 : f32 to vector<16xf32>
        %add3A_296 = arith.addf %add3A_295, %exp3A_293 : vector<16xf32>
        %div3A_297 = arith.divf %mul3A_289, %add3A_296 : vector<16xf32>
        %swap3A_298 = arith.index_cast %scan3A_115 : i32 to index
        %swap3A_299 = arith.constant 80 : index
        %swap3A_300 = tpu.vector_load %arg12[%swap3A_298, %swap3A_299] {strides = array<i32>} : memref<80x128xf32, #tpu.memory_space<vmem>>, vector<1x16xf32>,
        %swap3A_301 = vector.shape_cast %swap3A_300 : vector<1x16xf32> to vector<16xf32>
        %swap3A_302 = vector.shape_cast %div3A_297 : vector<16xf32> to vector<1x16xf32>
        tpu.vector_store %arg12[%swap3A_298, %swap3A_299], %swap3A_302 {strides = array<i32>} : memref<80x128xf32, #tpu.memory_space<vmem>>, vector<1x16xf32>,
        %get3A_303 = arith.index_cast %scan3A_115 : i32 to index
        %get3A_304 = arith.constant 96 : index
        %get3A_305 = tpu.vector_load %arg12[%get3A_303, %get3A_304] {strides = array<i32>} : memref<80x128xf32, #tpu.memory_space<vmem>>, vector<1x16xf32>,
        %get3A_306 = vector.shape_cast %get3A_305 : vector<1x16xf32> to vector<16xf32>
        %get3A_307 = arith.index_cast %scan3A_115 : i32 to index
        %get3A_308 = arith.constant 96 : index
        %get3A_309 = tpu.vector_load %arg14[%get3A_307, %get3A_308] {strides = array<i32>} : memref<80x128xf32, #tpu.memory_space<vmem>>, vector<1x16xf32>,
        %get3A_310 = vector.shape_cast %get3A_309 : vector<1x16xf32> to vector<16xf32>
        %add3A_311 = arith.addf %get3A_306, %get3A_310 : vector<16xf32>
        %get3A_312 = arith.index_cast %scan3A_115 : i32 to index
        %get3A_313 = arith.constant 96 : index
        %get3A_314 = tpu.vector_load %arg15[%get3A_312, %get3A_313] {strides = array<i32>} : memref<80x128xf32, #tpu.memory_space<vmem>>, vector<1x16xf32>,
        %get3A_315 = vector.shape_cast %get3A_314 : vector<1x16xf32> to vector<16xf32>
        %add3A_316 = arith.addf %add3A_311, %get3A_315 : vector<16xf32>
        %get3A_317 = arith.index_cast %scan3A_115 : i32 to index
        %get3A_318 = arith.constant 96 : index
        %get3A_319 = tpu.vector_load %arg13[%get3A_317, %get3A_318] {strides = array<i32>} : memref<80x128xf32, #tpu.memory_space<vmem>>, vector<1x16xf32>,
        %get3A_320 = vector.shape_cast %get3A_319 : vector<1x16xf32> to vector<16xf32>
        %mul3A_321 = arith.mulf %get3A_320, %add3A_316 : vector<16xf32>
        %neg3A_322 = arith.constant 0.000000e+00 : f32
        %neg3A_323 = vector.broadcast %neg3A_322 : f32 to vector<16xf32>
        %neg3A_324 = arith.subf %neg3A_323, %add3A_316 : vector<16xf32>
        %exp3A_325 = math.exp %neg3A_324 : vector<16xf32>
        %add3A_326 = arith.constant 1.000000e+00 : f32
        %add3A_327 = vector.broadcast %add3A_326 : f32 to vector<16xf32>
        %add3A_328 = arith.addf %add3A_327, %exp3A_325 : vector<16xf32>
        %div3A_329 = arith.divf %mul3A_321, %add3A_328 : vector<16xf32>
        %swap3A_330 = arith.index_cast %scan3A_115 : i32 to index
        %swap3A_331 = arith.constant 96 : index
        %swap3A_332 = tpu.vector_load %arg12[%swap3A_330, %swap3A_331] {strides = array<i32>} : memref<80x128xf32, #tpu.memory_space<vmem>>, vector<1x16xf32>,
        %swap3A_333 = vector.shape_cast %swap3A_332 : vector<1x16xf32> to vector<16xf32>
        %swap3A_334 = vector.shape_cast %div3A_329 : vector<16xf32> to vector<1x16xf32>
        tpu.vector_store %arg12[%swap3A_330, %swap3A_331], %swap3A_334 {strides = array<i32>} : memref<80x128xf32, #tpu.memory_space<vmem>>, vector<1x16xf32>,
        %get3A_335 = arith.index_cast %scan3A_115 : i32 to index
        %get3A_336 = arith.constant 112 : index
        %get3A_337 = tpu.vector_load %arg12[%get3A_335, %get3A_336] {strides = array<i32>} : memref<80x128xf32, #tpu.memory_space<vmem>>, vector<1x16xf32>,
        %get3A_338 = vector.shape_cast %get3A_337 : vector<1x16xf32> to vector<16xf32>
        %get3A_339 = arith.index_cast %scan3A_115 : i32 to index
        %get3A_340 = arith.constant 112 : index
        %get3A_341 = tpu.vector_load %arg14[%get3A_339, %get3A_340] {strides = array<i32>} : memref<80x128xf32, #tpu.memory_space<vmem>>, vector<1x16xf32>,
        %get3A_342 = vector.shape_cast %get3A_341 : vector<1x16xf32> to vector<16xf32>
        %add3A_343 = arith.addf %get3A_338, %get3A_342 : vector<16xf32>
        %get3A_344 = arith.index_cast %scan3A_115 : i32 to index
        %get3A_345 = arith.constant 112 : index
        %get3A_346 = tpu.vector_load %arg15[%get3A_344, %get3A_345] {strides = array<i32>} : memref<80x128xf32, #tpu.memory_space<vmem>>, vector<1x16xf32>,
        %get3A_347 = vector.shape_cast %get3A_346 : vector<1x16xf32> to vector<16xf32>
        %add3A_348 = arith.addf %add3A_343, %get3A_347 : vector<16xf32>
        %get3A_349 = arith.index_cast %scan3A_115 : i32 to index
        %get3A_350 = arith.constant 112 : index
        %get3A_351 = tpu.vector_load %arg13[%get3A_349, %get3A_350] {strides = array<i32>} : memref<80x128xf32, #tpu.memory_space<vmem>>, vector<1x16xf32>,
        %get3A_352 = vector.shape_cast %get3A_351 : vector<1x16xf32> to vector<16xf32>
        %mul3A_353 = arith.mulf %get3A_352, %add3A_348 : vector<16xf32>
        %neg3A_354 = arith.constant 0.000000e+00 : f32
        %neg3A_355 = vector.broadcast %neg3A_354 : f32 to vector<16xf32>
        %neg3A_356 = arith.subf %neg3A_355, %add3A_348 : vector<16xf32>
        %exp3A_357 = math.exp %neg3A_356 : vector<16xf32>
        %add3A_358 = arith.constant 1.000000e+00 : f32
        %add3A_359 = vector.broadcast %add3A_358 : f32 to vector<16xf32>
        %add3A_360 = arith.addf %add3A_359, %exp3A_357 : vector<16xf32>
        %div3A_361 = arith.divf %mul3A_353, %add3A_360 : vector<16xf32>
        %swap3A_362 = arith.index_cast %scan3A_115 : i32 to index
        %swap3A_363 = arith.constant 112 : index
        %swap3A_364 = tpu.vector_load %arg12[%swap3A_362, %swap3A_363] {strides = array<i32>} : memref<80x128xf32, #tpu.memory_space<vmem>>, vector<1x16xf32>,
        %swap3A_365 = vector.shape_cast %swap3A_364 : vector<1x16xf32> to vector<16xf32>
        %swap3A_366 = vector.shape_cast %div3A_361 : vector<16xf32> to vector<1x16xf32>
        tpu.vector_store %arg12[%swap3A_362, %swap3A_363], %swap3A_366 {strides = array<i32>} : memref<80x128xf32, #tpu.memory_space<vmem>>, vector<1x16xf32>,
      }
      %scan3A_92 = arith.constant 40 : i32
      %dma_wait3A_93 = arith.constant 40 : i32
      %dma_wait3A_94 = arith.constant 0 : i32
      %dma_wait3A_95 = tpu.memref_slice %arg14[%dma_wait3A_93, %dma_wait3A_94] : memref<80x128xf32, #tpu.memory_space<vmem>> -> memref<40x128xf32, #tpu.memory_space<vmem>>
      %dma_wait3A_96 = arith.constant 40 : i32
      %dma_wait3A_97 = tpu.memref_slice %arg10[%dma_wait3A_96] : memref<80xi32, #tpu.memory_space<vmem>> -> memref<40xi32, #tpu.memory_space<vmem>>
      %dma_wait3A_98 = arith.constant 0 : i32
      %dma_wait3A_99 = arith.constant 0 : i32
      %dma_wait3A_100 = tpu.memref_slice %arg6[%dma_wait3A_98, %dma_wait3A_99] : memref<10000x128xf32, #tpu.memory_space<hbm>> -> memref<10000x128xf32, #tpu.memory_space<hbm>>
      tpu.wait_indirect_dma semaphore(%arg21 : memref<!tpu.dma_semaphore, #tpu.memory_space<semaphore_mem>>) src(%dma_wait3A_100 : memref<10000x128xf32, #tpu.memory_space<hbm>>) dst(%dma_wait3A_95 : memref<40x128xf32, #tpu.memory_space<vmem>>)
      %dma_wait3A_101 = arith.constant 40 : i32
      %dma_wait3A_102 = arith.constant 0 : i32
      %dma_wait3A_103 = tpu.memref_slice %arg15[%dma_wait3A_101, %dma_wait3A_102] : memref<80x128xf32, #tpu.memory_space<vmem>> -> memref<40x128xf32, #tpu.memory_space<vmem>>
      %dma_wait3A_104 = arith.constant 40 : i32
      %dma_wait3A_105 = tpu.memref_slice %arg11[%dma_wait3A_104] : memref<80xi32, #tpu.memory_space<vmem>> -> memref<40xi32, #tpu.memory_space<vmem>>
      %dma_wait3A_106 = arith.constant 0 : i32
      %dma_wait3A_107 = arith.constant 0 : i32
      %dma_wait3A_108 = tpu.memref_slice %arg7[%dma_wait3A_106, %dma_wait3A_107] : memref<10000x128xf32, #tpu.memory_space<hbm>> -> memref<10000x128xf32, #tpu.memory_space<hbm>>
      tpu.wait_indirect_dma semaphore(%arg22 : memref<!tpu.dma_semaphore, #tpu.memory_space<semaphore_mem>>) src(%dma_wait3A_108 : memref<10000x128xf32, #tpu.memory_space<hbm>>) dst(%dma_wait3A_103 : memref<40x128xf32, #tpu.memory_space<vmem>>)
      %scan3A_109 = arith.constant 0 : i32
      %scan3A_110 = arith.constant 40 : i32
      %scan3A_111 = arith.constant 40 : i32
      %scan3A_112 = arith.addi %scan3A_110, %scan3A_111 : i32
      %scan3A_113 = arith.constant 1 : i32
      scf.for %scan3A_115 = %scan3A_110 to %scan3A_112 step %scan3A_113  : i32 {
        %get3A = arith.index_cast %scan3A_115 : i32 to index
        %get3A_116 = arith.constant 0 : index
        %get3A_117 = tpu.vector_load %arg12[%get3A, %get3A_116] {strides = array<i32>} : memref<80x128xf32, #tpu.memory_space<vmem>>, vector<1x16xf32>,
        %get3A_118 = vector.shape_cast %get3A_117 : vector<1x16xf32> to vector<16xf32>
        %get3A_119 = arith.index_cast %scan3A_115 : i32 to index
        %get3A_120 = arith.constant 0 : index
        %get3A_121 = tpu.vector_load %arg14[%get3A_119, %get3A_120] {strides = array<i32>} : memref<80x128xf32, #tpu.memory_space<vmem>>, vector<1x16xf32>,
        %get3A_122 = vector.shape_cast %get3A_121 : vector<1x16xf32> to vector<16xf32>
        %add3A_123 = arith.addf %get3A_118, %get3A_122 : vector<16xf32>
        %get3A_124 = arith.index_cast %scan3A_115 : i32 to index
        %get3A_125 = arith.constant 0 : index
        %get3A_126 = tpu.vector_load %arg15[%get3A_124, %get3A_125] {strides = array<i32>} : memref<80x128xf32, #tpu.memory_space<vmem>>, vector<1x16xf32>,
        %get3A_127 = vector.shape_cast %get3A_126 : vector<1x16xf32> to vector<16xf32>
        %add3A_128 = arith.addf %add3A_123, %get3A_127 : vector<16xf32>
        %get3A_129 = arith.index_cast %scan3A_115 : i32 to index
        %get3A_130 = arith.constant 0 : index
        %get3A_131 = tpu.vector_load %arg13[%get3A_129, %get3A_130] {strides = array<i32>} : memref<80x128xf32, #tpu.memory_space<vmem>>, vector<1x16xf32>,
        %get3A_132 = vector.shape_cast %get3A_131 : vector<1x16xf32> to vector<16xf32>
        %mul3A_133 = arith.mulf %get3A_132, %add3A_128 : vector<16xf32>
        %neg3A = arith.constant 0.000000e+00 : f32
        %neg3A_134 = vector.broadcast %neg3A : f32 to vector<16xf32>
        %neg3A_135 = arith.subf %neg3A_134, %add3A_128 : vector<16xf32>
        %exp3A = math.exp %neg3A_135 : vector<16xf32>
        %add3A_136 = arith.constant 1.000000e+00 : f32
        %add3A_137 = vector.broadcast %add3A_136 : f32 to vector<16xf32>
        %add3A_138 = arith.addf %add3A_137, %exp3A : vector<16xf32>
        %div3A = arith.divf %mul3A_133, %add3A_138 : vector<16xf32>
        %swap3A = arith.index_cast %scan3A_115 : i32 to index
        %swap3A_139 = arith.constant 0 : index
        %swap3A_140 = tpu.vector_load %arg12[%swap3A, %swap3A_139] {strides = array<i32>} : memref<80x128xf32, #tpu.memory_space<vmem>>, vector<1x16xf32>,
        %swap3A_141 = vector.shape_cast %swap3A_140 : vector<1x16xf32> to vector<16xf32>
        %swap3A_142 = vector.shape_cast %div3A : vector<16xf32> to vector<1x16xf32>
        tpu.vector_store %arg12[%swap3A, %swap3A_139], %swap3A_142 {strides = array<i32>} : memref<80x128xf32, #tpu.memory_space<vmem>>, vector<1x16xf32>,
        %get3A_143 = arith.index_cast %scan3A_115 : i32 to index
        %get3A_144 = arith.constant 16 : index
        %get3A_145 = tpu.vector_load %arg12[%get3A_143, %get3A_144] {strides = array<i32>} : memref<80x128xf32, #tpu.memory_space<vmem>>, vector<1x16xf32>,
        %get3A_146 = vector.shape_cast %get3A_145 : vector<1x16xf32> to vector<16xf32>
        %get3A_147 = arith.index_cast %scan3A_115 : i32 to index
        %get3A_148 = arith.constant 16 : index
        %get3A_149 = tpu.vector_load %arg14[%get3A_147, %get3A_148] {strides = array<i32>} : memref<80x128xf32, #tpu.memory_space<vmem>>, vector<1x16xf32>,
        %get3A_150 = vector.shape_cast %get3A_149 : vector<1x16xf32> to vector<16xf32>
        %add3A_151 = arith.addf %get3A_146, %get3A_150 : vector<16xf32>
        %get3A_152 = arith.index_cast %scan3A_115 : i32 to index
        %get3A_153 = arith.constant 16 : index
        %get3A_154 = tpu.vector_load %arg15[%get3A_152, %get3A_153] {strides = array<i32>} : memref<80x128xf32, #tpu.memory_space<vmem>>, vector<1x16xf32>,
        %get3A_155 = vector.shape_cast %get3A_154 : vector<1x16xf32> to vector<16xf32>
        %add3A_156 = arith.addf %add3A_151, %get3A_155 : vector<16xf32>
        %get3A_157 = arith.index_cast %scan3A_115 : i32 to index
        %get3A_158 = arith.constant 16 : index
        %get3A_159 = tpu.vector_load %arg13[%get3A_157, %get3A_158] {strides = array<i32>} : memref<80x128xf32, #tpu.memory_space<vmem>>, vector<1x16xf32>,
        %get3A_160 = vector.shape_cast %get3A_159 : vector<1x16xf32> to vector<16xf32>
        %mul3A_161 = arith.mulf %get3A_160, %add3A_156 : vector<16xf32>
        %neg3A_162 = arith.constant 0.000000e+00 : f32
        %neg3A_163 = vector.broadcast %neg3A_162 : f32 to vector<16xf32>
        %neg3A_164 = arith.subf %neg3A_163, %add3A_156 : vector<16xf32>
        %exp3A_165 = math.exp %neg3A_164 : vector<16xf32>
        %add3A_166 = arith.constant 1.000000e+00 : f32
        %add3A_167 = vector.broadcast %add3A_166 : f32 to vector<16xf32>
        %add3A_168 = arith.addf %add3A_167, %exp3A_165 : vector<16xf32>
        %div3A_169 = arith.divf %mul3A_161, %add3A_168 : vector<16xf32>
        %swap3A_170 = arith.index_cast %scan3A_115 : i32 to index
        %swap3A_171 = arith.constant 16 : index
        %swap3A_172 = tpu.vector_load %arg12[%swap3A_170, %swap3A_171] {strides = array<i32>} : memref<80x128xf32, #tpu.memory_space<vmem>>, vector<1x16xf32>,
        %swap3A_173 = vector.shape_cast %swap3A_172 : vector<1x16xf32> to vector<16xf32>
        %swap3A_174 = vector.shape_cast %div3A_169 : vector<16xf32> to vector<1x16xf32>
        tpu.vector_store %arg12[%swap3A_170, %swap3A_171], %swap3A_174 {strides = array<i32>} : memref<80x128xf32, #tpu.memory_space<vmem>>, vector<1x16xf32>,
        %get3A_175 = arith.index_cast %scan3A_115 : i32 to index
        %get3A_176 = arith.constant 32 : index
        %get3A_177 = tpu.vector_load %arg12[%get3A_175, %get3A_176] {strides = array<i32>} : memref<80x128xf32, #tpu.memory_space<vmem>>, vector<1x16xf32>,
        %get3A_178 = vector.shape_cast %get3A_177 : vector<1x16xf32> to vector<16xf32>
        %get3A_179 = arith.index_cast %scan3A_115 : i32 to index
        %get3A_180 = arith.constant 32 : index
        %get3A_181 = tpu.vector_load %arg14[%get3A_179, %get3A_180] {strides = array<i32>} : memref<80x128xf32, #tpu.memory_space<vmem>>, vector<1x16xf32>,
        %get3A_182 = vector.shape_cast %get3A_181 : vector<1x16xf32> to vector<16xf32>
        %add3A_183 = arith.addf %get3A_178, %get3A_182 : vector<16xf32>
        %get3A_184 = arith.index_cast %scan3A_115 : i32 to index
        %get3A_185 = arith.constant 32 : index
        %get3A_186 = tpu.vector_load %arg15[%get3A_184, %get3A_185] {strides = array<i32>} : memref<80x128xf32, #tpu.memory_space<vmem>>, vector<1x16xf32>,
        %get3A_187 = vector.shape_cast %get3A_186 : vector<1x16xf32> to vector<16xf32>
        %add3A_188 = arith.addf %add3A_183, %get3A_187 : vector<16xf32>
        %get3A_189 = arith.index_cast %scan3A_115 : i32 to index
        %get3A_190 = arith.constant 32 : index
        %get3A_191 = tpu.vector_load %arg13[%get3A_189, %get3A_190] {strides = array<i32>} : memref<80x128xf32, #tpu.memory_space<vmem>>, vector<1x16xf32>,
        %get3A_192 = vector.shape_cast %get3A_191 : vector<1x16xf32> to vector<16xf32>
        %mul3A_193 = arith.mulf %get3A_192, %add3A_188 : vector<16xf32>
        %neg3A_194 = arith.constant 0.000000e+00 : f32
        %neg3A_195 = vector.broadcast %neg3A_194 : f32 to vector<16xf32>
        %neg3A_196 = arith.subf %neg3A_195, %add3A_188 : vector<16xf32>
        %exp3A_197 = math.exp %neg3A_196 : vector<16xf32>
        %add3A_198 = arith.constant 1.000000e+00 : f32
        %add3A_199 = vector.broadcast %add3A_198 : f32 to vector<16xf32>
        %add3A_200 = arith.addf %add3A_199, %exp3A_197 : vector<16xf32>
        %div3A_201 = arith.divf %mul3A_193, %add3A_200 : vector<16xf32>
        %swap3A_202 = arith.index_cast %scan3A_115 : i32 to index
        %swap3A_203 = arith.constant 32 : index
        %swap3A_204 = tpu.vector_load %arg12[%swap3A_202, %swap3A_203] {strides = array<i32>} : memref<80x128xf32, #tpu.memory_space<vmem>>, vector<1x16xf32>,
        %swap3A_205 = vector.shape_cast %swap3A_204 : vector<1x16xf32> to vector<16xf32>
        %swap3A_206 = vector.shape_cast %div3A_201 : vector<16xf32> to vector<1x16xf32>
        tpu.vector_store %arg12[%swap3A_202, %swap3A_203], %swap3A_206 {strides = array<i32>} : memref<80x128xf32, #tpu.memory_space<vmem>>, vector<1x16xf32>,
        %get3A_207 = arith.index_cast %scan3A_115 : i32 to index
        %get3A_208 = arith.constant 48 : index
        %get3A_209 = tpu.vector_load %arg12[%get3A_207, %get3A_208] {strides = array<i32>} : memref<80x128xf32, #tpu.memory_space<vmem>>, vector<1x16xf32>,
        %get3A_210 = vector.shape_cast %get3A_209 : vector<1x16xf32> to vector<16xf32>
        %get3A_211 = arith.index_cast %scan3A_115 : i32 to index
        %get3A_212 = arith.constant 48 : index
        %get3A_213 = tpu.vector_load %arg14[%get3A_211, %get3A_212] {strides = array<i32>} : memref<80x128xf32, #tpu.memory_space<vmem>>, vector<1x16xf32>,
        %get3A_214 = vector.shape_cast %get3A_213 : vector<1x16xf32> to vector<16xf32>
        %add3A_215 = arith.addf %get3A_210, %get3A_214 : vector<16xf32>
        %get3A_216 = arith.index_cast %scan3A_115 : i32 to index
        %get3A_217 = arith.constant 48 : index
        %get3A_218 = tpu.vector_load %arg15[%get3A_216, %get3A_217] {strides = array<i32>} : memref<80x128xf32, #tpu.memory_space<vmem>>, vector<1x16xf32>,
        %get3A_219 = vector.shape_cast %get3A_218 : vector<1x16xf32> to vector<16xf32>
        %add3A_220 = arith.addf %add3A_215, %get3A_219 : vector<16xf32>
        %get3A_221 = arith.index_cast %scan3A_115 : i32 to index
        %get3A_222 = arith.constant 48 : index
        %get3A_223 = tpu.vector_load %arg13[%get3A_221, %get3A_222] {strides = array<i32>} : memref<80x128xf32, #tpu.memory_space<vmem>>, vector<1x16xf32>,
        %get3A_224 = vector.shape_cast %get3A_223 : vector<1x16xf32> to vector<16xf32>
        %mul3A_225 = arith.mulf %get3A_224, %add3A_220 : vector<16xf32>
        %neg3A_226 = arith.constant 0.000000e+00 : f32
        %neg3A_227 = vector.broadcast %neg3A_226 : f32 to vector<16xf32>
        %neg3A_228 = arith.subf %neg3A_227, %add3A_220 : vector<16xf32>
        %exp3A_229 = math.exp %neg3A_228 : vector<16xf32>
        %add3A_230 = arith.constant 1.000000e+00 : f32
        %add3A_231 = vector.broadcast %add3A_230 : f32 to vector<16xf32>
        %add3A_232 = arith.addf %add3A_231, %exp3A_229 : vector<16xf32>
        %div3A_233 = arith.divf %mul3A_225, %add3A_232 : vector<16xf32>
        %swap3A_234 = arith.index_cast %scan3A_115 : i32 to index
        %swap3A_235 = arith.constant 48 : index
        %swap3A_236 = tpu.vector_load %arg12[%swap3A_234, %swap3A_235] {strides = array<i32>} : memref<80x128xf32, #tpu.memory_space<vmem>>, vector<1x16xf32>,
        %swap3A_237 = vector.shape_cast %swap3A_236 : vector<1x16xf32> to vector<16xf32>
        %swap3A_238 = vector.shape_cast %div3A_233 : vector<16xf32> to vector<1x16xf32>
        tpu.vector_store %arg12[%swap3A_234, %swap3A_235], %swap3A_238 {strides = array<i32>} : memref<80x128xf32, #tpu.memory_space<vmem>>, vector<1x16xf32>,
        %get3A_239 = arith.index_cast %scan3A_115 : i32 to index
        %get3A_240 = arith.constant 64 : index
        %get3A_241 = tpu.vector_load %arg12[%get3A_239, %get3A_240] {strides = array<i32>} : memref<80x128xf32, #tpu.memory_space<vmem>>, vector<1x16xf32>,
        %get3A_242 = vector.shape_cast %get3A_241 : vector<1x16xf32> to vector<16xf32>
        %get3A_243 = arith.index_cast %scan3A_115 : i32 to index
        %get3A_244 = arith.constant 64 : index
        %get3A_245 = tpu.vector_load %arg14[%get3A_243, %get3A_244] {strides = array<i32>} : memref<80x128xf32, #tpu.memory_space<vmem>>, vector<1x16xf32>,
        %get3A_246 = vector.shape_cast %get3A_245 : vector<1x16xf32> to vector<16xf32>
        %add3A_247 = arith.addf %get3A_242, %get3A_246 : vector<16xf32>
        %get3A_248 = arith.index_cast %scan3A_115 : i32 to index
        %get3A_249 = arith.constant 64 : index
        %get3A_250 = tpu.vector_load %arg15[%get3A_248, %get3A_249] {strides = array<i32>} : memref<80x128xf32, #tpu.memory_space<vmem>>, vector<1x16xf32>,
        %get3A_251 = vector.shape_cast %get3A_250 : vector<1x16xf32> to vector<16xf32>
        %add3A_252 = arith.addf %add3A_247, %get3A_251 : vector<16xf32>
        %get3A_253 = arith.index_cast %scan3A_115 : i32 to index
        %get3A_254 = arith.constant 64 : index
        %get3A_255 = tpu.vector_load %arg13[%get3A_253, %get3A_254] {strides = array<i32>} : memref<80x128xf32, #tpu.memory_space<vmem>>, vector<1x16xf32>,
        %get3A_256 = vector.shape_cast %get3A_255 : vector<1x16xf32> to vector<16xf32>
        %mul3A_257 = arith.mulf %get3A_256, %add3A_252 : vector<16xf32>
        %neg3A_258 = arith.constant 0.000000e+00 : f32
        %neg3A_259 = vector.broadcast %neg3A_258 : f32 to vector<16xf32>
        %neg3A_260 = arith.subf %neg3A_259, %add3A_252 : vector<16xf32>
        %exp3A_261 = math.exp %neg3A_260 : vector<16xf32>
        %add3A_262 = arith.constant 1.000000e+00 : f32
        %add3A_263 = vector.broadcast %add3A_262 : f32 to vector<16xf32>
        %add3A_264 = arith.addf %add3A_263, %exp3A_261 : vector<16xf32>
        %div3A_265 = arith.divf %mul3A_257, %add3A_264 : vector<16xf32>
        %swap3A_266 = arith.index_cast %scan3A_115 : i32 to index
        %swap3A_267 = arith.constant 64 : index
        %swap3A_268 = tpu.vector_load %arg12[%swap3A_266, %swap3A_267] {strides = array<i32>} : memref<80x128xf32, #tpu.memory_space<vmem>>, vector<1x16xf32>,
        %swap3A_269 = vector.shape_cast %swap3A_268 : vector<1x16xf32> to vector<16xf32>
        %swap3A_270 = vector.shape_cast %div3A_265 : vector<16xf32> to vector<1x16xf32>
        tpu.vector_store %arg12[%swap3A_266, %swap3A_267], %swap3A_270 {strides = array<i32>} : memref<80x128xf32, #tpu.memory_space<vmem>>, vector<1x16xf32>,
        %get3A_271 = arith.index_cast %scan3A_115 : i32 to index
        %get3A_272 = arith.constant 80 : index
        %get3A_273 = tpu.vector_load %arg12[%get3A_271, %get3A_272] {strides = array<i32>} : memref<80x128xf32, #tpu.memory_space<vmem>>, vector<1x16xf32>,
        %get3A_274 = vector.shape_cast %get3A_273 : vector<1x16xf32> to vector<16xf32>
        %get3A_275 = arith.index_cast %scan3A_115 : i32 to index
        %get3A_276 = arith.constant 80 : index
        %get3A_277 = tpu.vector_load %arg14[%get3A_275, %get3A_276] {strides = array<i32>} : memref<80x128xf32, #tpu.memory_space<vmem>>, vector<1x16xf32>,
        %get3A_278 = vector.shape_cast %get3A_277 : vector<1x16xf32> to vector<16xf32>
        %add3A_279 = arith.addf %get3A_274, %get3A_278 : vector<16xf32>
        %get3A_280 = arith.index_cast %scan3A_115 : i32 to index
        %get3A_281 = arith.constant 80 : index
        %get3A_282 = tpu.vector_load %arg15[%get3A_280, %get3A_281] {strides = array<i32>} : memref<80x128xf32, #tpu.memory_space<vmem>>, vector<1x16xf32>,
        %get3A_283 = vector.shape_cast %get3A_282 : vector<1x16xf32> to vector<16xf32>
        %add3A_284 = arith.addf %add3A_279, %get3A_283 : vector<16xf32>
        %get3A_285 = arith.index_cast %scan3A_115 : i32 to index
        %get3A_286 = arith.constant 80 : index
        %get3A_287 = tpu.vector_load %arg13[%get3A_285, %get3A_286] {strides = array<i32>} : memref<80x128xf32, #tpu.memory_space<vmem>>, vector<1x16xf32>,
        %get3A_288 = vector.shape_cast %get3A_287 : vector<1x16xf32> to vector<16xf32>
        %mul3A_289 = arith.mulf %get3A_288, %add3A_284 : vector<16xf32>
        %neg3A_290 = arith.constant 0.000000e+00 : f32
        %neg3A_291 = vector.broadcast %neg3A_290 : f32 to vector<16xf32>
        %neg3A_292 = arith.subf %neg3A_291, %add3A_284 : vector<16xf32>
        %exp3A_293 = math.exp %neg3A_292 : vector<16xf32>
        %add3A_294 = arith.constant 1.000000e+00 : f32
        %add3A_295 = vector.broadcast %add3A_294 : f32 to vector<16xf32>
        %add3A_296 = arith.addf %add3A_295, %exp3A_293 : vector<16xf32>
        %div3A_297 = arith.divf %mul3A_289, %add3A_296 : vector<16xf32>
        %swap3A_298 = arith.index_cast %scan3A_115 : i32 to index
        %swap3A_299 = arith.constant 80 : index
        %swap3A_300 = tpu.vector_load %arg12[%swap3A_298, %swap3A_299] {strides = array<i32>} : memref<80x128xf32, #tpu.memory_space<vmem>>, vector<1x16xf32>,
        %swap3A_301 = vector.shape_cast %swap3A_300 : vector<1x16xf32> to vector<16xf32>
        %swap3A_302 = vector.shape_cast %div3A_297 : vector<16xf32> to vector<1x16xf32>
        tpu.vector_store %arg12[%swap3A_298, %swap3A_299], %swap3A_302 {strides = array<i32>} : memref<80x128xf32, #tpu.memory_space<vmem>>, vector<1x16xf32>,
        %get3A_303 = arith.index_cast %scan3A_115 : i32 to index
        %get3A_304 = arith.constant 96 : index
        %get3A_305 = tpu.vector_load %arg12[%get3A_303, %get3A_304] {strides = array<i32>} : memref<80x128xf32, #tpu.memory_space<vmem>>, vector<1x16xf32>,
        %get3A_306 = vector.shape_cast %get3A_305 : vector<1x16xf32> to vector<16xf32>
        %get3A_307 = arith.index_cast %scan3A_115 : i32 to index
        %get3A_308 = arith.constant 96 : index
        %get3A_309 = tpu.vector_load %arg14[%get3A_307, %get3A_308] {strides = array<i32>} : memref<80x128xf32, #tpu.memory_space<vmem>>, vector<1x16xf32>,
        %get3A_310 = vector.shape_cast %get3A_309 : vector<1x16xf32> to vector<16xf32>
        %add3A_311 = arith.addf %get3A_306, %get3A_310 : vector<16xf32>
        %get3A_312 = arith.index_cast %scan3A_115 : i32 to index
        %get3A_313 = arith.constant 96 : index
        %get3A_314 = tpu.vector_load %arg15[%get3A_312, %get3A_313] {strides = array<i32>} : memref<80x128xf32, #tpu.memory_space<vmem>>, vector<1x16xf32>,
        %get3A_315 = vector.shape_cast %get3A_314 : vector<1x16xf32> to vector<16xf32>
        %add3A_316 = arith.addf %add3A_311, %get3A_315 : vector<16xf32>
        %get3A_317 = arith.index_cast %scan3A_115 : i32 to index
        %get3A_318 = arith.constant 96 : index
        %get3A_319 = tpu.vector_load %arg13[%get3A_317, %get3A_318] {strides = array<i32>} : memref<80x128xf32, #tpu.memory_space<vmem>>, vector<1x16xf32>,
        %get3A_320 = vector.shape_cast %get3A_319 : vector<1x16xf32> to vector<16xf32>
        %mul3A_321 = arith.mulf %get3A_320, %add3A_316 : vector<16xf32>
        %neg3A_322 = arith.constant 0.000000e+00 : f32
        %neg3A_323 = vector.broadcast %neg3A_322 : f32 to vector<16xf32>
        %neg3A_324 = arith.subf %neg3A_323, %add3A_316 : vector<16xf32>
        %exp3A_325 = math.exp %neg3A_324 : vector<16xf32>
        %add3A_326 = arith.constant 1.000000e+00 : f32
        %add3A_327 = vector.broadcast %add3A_326 : f32 to vector<16xf32>
        %add3A_328 = arith.addf %add3A_327, %exp3A_325 : vector<16xf32>
        %div3A_329 = arith.divf %mul3A_321, %add3A_328 : vector<16xf32>
        %swap3A_330 = arith.index_cast %scan3A_115 : i32 to index
        %swap3A_331 = arith.constant 96 : index
        %swap3A_332 = tpu.vector_load %arg12[%swap3A_330, %swap3A_331] {strides = array<i32>} : memref<80x128xf32, #tpu.memory_space<vmem>>, vector<1x16xf32>,
        %swap3A_333 = vector.shape_cast %swap3A_332 : vector<1x16xf32> to vector<16xf32>
        %swap3A_334 = vector.shape_cast %div3A_329 : vector<16xf32> to vector<1x16xf32>
        tpu.vector_store %arg12[%swap3A_330, %swap3A_331], %swap3A_334 {strides = array<i32>} : memref<80x128xf32, #tpu.memory_space<vmem>>, vector<1x16xf32>,
        %get3A_335 = arith.index_cast %scan3A_115 : i32 to index
        %get3A_336 = arith.constant 112 : index
        %get3A_337 = tpu.vector_load %arg12[%get3A_335, %get3A_336] {strides = array<i32>} : memref<80x128xf32, #tpu.memory_space<vmem>>, vector<1x16xf32>,
        %get3A_338 = vector.shape_cast %get3A_337 : vector<1x16xf32> to vector<16xf32>
        %get3A_339 = arith.index_cast %scan3A_115 : i32 to index
        %get3A_340 = arith.constant 112 : index
        %get3A_341 = tpu.vector_load %arg14[%get3A_339, %get3A_340] {strides = array<i32>} : memref<80x128xf32, #tpu.memory_space<vmem>>, vector<1x16xf32>,
        %get3A_342 = vector.shape_cast %get3A_341 : vector<1x16xf32> to vector<16xf32>
        %add3A_343 = arith.addf %get3A_338, %get3A_342 : vector<16xf32>
        %get3A_344 = arith.index_cast %scan3A_115 : i32 to index
        %get3A_345 = arith.constant 112 : index
        %get3A_346 = tpu.vector_load %arg15[%get3A_344, %get3A_345] {strides = array<i32>} : memref<80x128xf32, #tpu.memory_space<vmem>>, vector<1x16xf32>,
        %get3A_347 = vector.shape_cast %get3A_346 : vector<1x16xf32> to vector<16xf32>
        %add3A_348 = arith.addf %add3A_343, %get3A_347 : vector<16xf32>
        %get3A_349 = arith.index_cast %scan3A_115 : i32 to index
        %get3A_350 = arith.constant 112 : index
        %get3A_351 = tpu.vector_load %arg13[%get3A_349, %get3A_350] {strides = array<i32>} : memref<80x128xf32, #tpu.memory_space<vmem>>, vector<1x16xf32>,
        %get3A_352 = vector.shape_cast %get3A_351 : vector<1x16xf32> to vector<16xf32>
        %mul3A_353 = arith.mulf %get3A_352, %add3A_348 : vector<16xf32>
        %neg3A_354 = arith.constant 0.000000e+00 : f32
        %neg3A_355 = vector.broadcast %neg3A_354 : f32 to vector<16xf32>
        %neg3A_356 = arith.subf %neg3A_355, %add3A_348 : vector<16xf32>
        %exp3A_357 = math.exp %neg3A_356 : vector<16xf32>
        %add3A_358 = arith.constant 1.000000e+00 : f32
        %add3A_359 = vector.broadcast %add3A_358 : f32 to vector<16xf32>
        %add3A_360 = arith.addf %add3A_359, %exp3A_357 : vector<16xf32>
        %div3A_361 = arith.divf %mul3A_353, %add3A_360 : vector<16xf32>
        %swap3A_362 = arith.index_cast %scan3A_115 : i32 to index
        %swap3A_363 = arith.constant 112 : index
        %swap3A_364 = tpu.vector_load %arg12[%swap3A_362, %swap3A_363] {strides = array<i32>} : memref<80x128xf32, #tpu.memory_space<vmem>>, vector<1x16xf32>,
        %swap3A_365 = vector.shape_cast %swap3A_364 : vector<1x16xf32> to vector<16xf32>
        %swap3A_366 = vector.shape_cast %div3A_361 : vector<16xf32> to vector<1x16xf32>
        tpu.vector_store %arg12[%swap3A_362, %swap3A_363], %swap3A_366 {strides = array<i32>} : memref<80x128xf32, #tpu.memory_space<vmem>>, vector<1x16xf32>,
      }
      %scan3A_114 = arith.constant 40 : i32
      "tpu.region"() ({
        %run_scoped3A = tpu.sem_alloc : memref<!tpu.dma_semaphore, #tpu.memory_space<semaphore_mem>>
        %dma_start3A_115 = arith.constant 0 : i32
        %dma_start3A_116 = arith.constant 0 : i32
        %dma_start3A_117 = tpu.memref_slice %arg16[%dma_start3A_115, %dma_start3A_116] : memref<10240x128xf32, #tpu.memory_space<vmem_shared>> -> memref<10240x128xf32, #tpu.memory_space<vmem_shared>>
        tpu.enqueue_indirect_dma source(%arg12 : memref<80x128xf32, #tpu.memory_space<vmem>>) target(%dma_start3A_117 : memref<10240x128xf32, #tpu.memory_space<vmem_shared>>) offsets(%arg10 : memref<80xi32, #tpu.memory_space<vmem>>) semaphore(%run_scoped3A : memref<!tpu.dma_semaphore, #tpu.memory_space<semaphore_mem>>) {add = true}
        %dma_wait3A_118 = arith.constant 0 : i32
        %dma_wait3A_119 = arith.constant 0 : i32
        %dma_wait3A_120 = tpu.memref_slice %arg16[%dma_wait3A_118, %dma_wait3A_119] : memref<10240x128xf32, #tpu.memory_space<vmem_shared>> -> memref<10240x128xf32, #tpu.memory_space<vmem_shared>>
        tpu.wait_indirect_dma semaphore(%run_scoped3A : memref<!tpu.dma_semaphore, #tpu.memory_space<semaphore_mem>>) src(%arg12 : memref<80x128xf32, #tpu.memory_space<vmem>>) dst(%dma_wait3A_120 : memref<10240x128xf32, #tpu.memory_space<vmem_shared>>)
        tpu.yield
      }) : () -> ()
    }
    %scan3A_7 = arith.constant 125 : i32
    %barrier3A_8 = arith.constant 0 : index
    tpu.barrier barrier_id(%barrier3A_8)
    %mul3A_9 = arith.constant 640 : i32
    %mul3A_10 = arith.muli %arg1, %mul3A_9 : i32
    "tpu.region"() ({
      %run_scoped3A = tpu.sem_alloc : memref<!tpu.dma_semaphore, #tpu.memory_space<semaphore_mem>>
      %dma_start3A = arith.constant 0 : i32
      %dma_start3A_11 = tpu.memref_slice %arg9[%arg0, %mul3A_10, %dma_start3A] : memref<2x10240x128xf32, #tpu.memory_space<hbm>> -> memref<1x640x128xf32, #tpu.memory_space<hbm>>
      %dma_start3A_12 = tpu.memref_squeeze %dma_start3A_11 : memref<1x640x128xf32, #tpu.memory_space<hbm>> -> memref<640x128xf32, #tpu.memory_space<hbm>>
      %dma_start3A_13 = arith.constant 0 : i32
      %dma_start3A_14 = tpu.memref_slice %arg16[%mul3A_10, %dma_start3A_13] : memref<10240x128xf32, #tpu.memory_space<vmem_shared>> -> memref<640x128xf32, #tpu.memory_space<vmem_shared>>
      tpu.enqueue_dma source(%dma_start3A_14 : memref<640x128xf32, #tpu.memory_space<vmem_shared>>) target(%dma_start3A_12 : memref<640x128xf32, #tpu.memory_space<hbm>>) target_semaphore(%run_scoped3A : memref<!tpu.dma_semaphore, #tpu.memory_space<semaphore_mem>>)
      %dma_wait3A = arith.constant 0 : i32
      %dma_wait3A_15 = tpu.memref_slice %arg9[%arg0, %mul3A_10, %dma_wait3A] : memref<2x10240x128xf32, #tpu.memory_space<hbm>> -> memref<1x640x128xf32, #tpu.memory_space<hbm>>
      %dma_wait3A_16 = tpu.memref_squeeze %dma_wait3A_15 : memref<1x640x128xf32, #tpu.memory_space<hbm>> -> memref<640x128xf32, #tpu.memory_space<hbm>>
      %dma_wait3A_17 = arith.constant 0 : i32
      %dma_wait3A_18 = tpu.memref_slice %arg16[%mul3A_10, %dma_wait3A_17] : memref<10240x128xf32, #tpu.memory_space<vmem_shared>> -> memref<640x128xf32, #tpu.memory_space<vmem_shared>>
      tpu.wait_dma2 semaphore(%run_scoped3A : memref<!tpu.dma_semaphore, #tpu.memory_space<semaphore_mem>>) src(%dma_wait3A_18 : memref<640x128xf32, #tpu.memory_space<vmem_shared>>) dst(%dma_wait3A_16 : memref<640x128xf32, #tpu.memory_space<hbm>>)
      tpu.yield
    }) : () -> ()
    return
  }
}

#map = affine_map<(d0, d1) -> (0, 0, 0)>
#map1 = affine_map<(d0, d1) -> (0, 0)>
module attributes {stable_mosaic.version = 14 : i64} {
  func.func @body(%arg0: i32, %arg1: i32, %arg2: memref<32x125x80xi32, #tpu.memory_space<hbm>>, %arg3: memref<640x128xf32, #tpu.memory_space<hbm>>, %arg4: memref<80x128xf32, #tpu.memory_space<hbm>>, %arg5: memref<2x10240x128xf32, #tpu.memory_space<hbm>>, %arg6: memref<125x80xi32, #tpu.memory_space<vmem>>, %arg7: memref<80x128xf32, #tpu.memory_space<vmem>>, %arg8: memref<10240x128xf32, #tpu.memory_space<vmem_shared>>, %arg9: memref<!tpu.dma_semaphore, #tpu.memory_space<semaphore_mem>>) attributes {dimension_semantics = [#tpu.dimension_semantics<core_parallel>, #tpu.dimension_semantics<subcore_parallel>], iteration_bounds = array<i64: 2, 16>, scalar_prefetch = 0 : i64, scratch_operands = 4 : i64, tpu.core_type = #tpu.core_type<sc_vector_subcore>, window_params = [{transform_indices = #map}, {transform_indices = #map1}, {transform_indices = #map1}, {transform_indices = #map}]} {
    %mul3A = arith.constant 16 : i32
    %mul3A_0 = arith.muli %arg0, %mul3A : i32
    %add3A = arith.addi %mul3A_0, %arg1 : i32
    %mul3A_1 = arith.constant 640 : i32
    %mul3A_2 = arith.muli %arg1, %mul3A_1 : i32
    "tpu.region"() ({
      %run_scoped3A = tpu.sem_alloc : memref<!tpu.dma_semaphore, #tpu.memory_space<semaphore_mem>>
      %dma_start3A_79 = arith.constant 0 : i32
      %dma_start3A_80 = tpu.memref_slice %arg8[%mul3A_2, %dma_start3A_79] : memref<10240x128xf32, #tpu.memory_space<vmem_shared>> -> memref<640x128xf32, #tpu.memory_space<vmem_shared>>
      tpu.enqueue_dma source(%arg3 : memref<640x128xf32, #tpu.memory_space<hbm>>) target(%dma_start3A_80 : memref<640x128xf32, #tpu.memory_space<vmem_shared>>) target_semaphore(%run_scoped3A : memref<!tpu.dma_semaphore, #tpu.memory_space<semaphore_mem>>)
      %dma_wait3A_81 = arith.constant 0 : i32
      %dma_wait3A_82 = tpu.memref_slice %arg8[%mul3A_2, %dma_wait3A_81] : memref<10240x128xf32, #tpu.memory_space<vmem_shared>> -> memref<640x128xf32, #tpu.memory_space<vmem_shared>>
      tpu.wait_dma2 semaphore(%run_scoped3A : memref<!tpu.dma_semaphore, #tpu.memory_space<semaphore_mem>>) src(%arg3 : memref<640x128xf32, #tpu.memory_space<hbm>>) dst(%dma_wait3A_82 : memref<640x128xf32, #tpu.memory_space<vmem_shared>>)
      tpu.yield
    }) : () -> ()
    "tpu.region"() ({
      %run_scoped3A = tpu.sem_alloc : memref<!tpu.dma_semaphore, #tpu.memory_space<semaphore_mem>>
      tpu.enqueue_dma source(%arg4 : memref<80x128xf32, #tpu.memory_space<hbm>>) target(%arg7 : memref<80x128xf32, #tpu.memory_space<vmem>>) target_semaphore(%run_scoped3A : memref<!tpu.dma_semaphore, #tpu.memory_space<semaphore_mem>>)
      tpu.wait_dma2 semaphore(%run_scoped3A : memref<!tpu.dma_semaphore, #tpu.memory_space<semaphore_mem>>) src(%arg4 : memref<80x128xf32, #tpu.memory_space<hbm>>) dst(%arg7 : memref<80x128xf32, #tpu.memory_space<vmem>>)
      tpu.yield
    }) : () -> ()
    "tpu.region"() ({
      %run_scoped3A = tpu.sem_alloc : memref<!tpu.dma_semaphore, #tpu.memory_space<semaphore_mem>>
      %dma_start3A_79 = arith.constant 0 : i32
      %dma_start3A_80 = arith.constant 0 : i32
      %dma_start3A_81 = tpu.memref_slice %arg2[%add3A, %dma_start3A_79, %dma_start3A_80] : memref<32x125x80xi32, #tpu.memory_space<hbm>> -> memref<1x125x80xi32, #tpu.memory_space<hbm>>
      %dma_start3A_82 = tpu.memref_squeeze %dma_start3A_81 : memref<1x125x80xi32, #tpu.memory_space<hbm>> -> memref<125x80xi32, #tpu.memory_space<hbm>>
      %dma_start3A_83 = arith.constant 0 : i32
      %dma_start3A_84 = arith.constant 0 : i32
      %dma_start3A_85 = tpu.memref_slice %arg2[%add3A, %dma_start3A_83, %dma_start3A_84] : memref<32x125x80xi32, #tpu.memory_space<hbm>> -> memref<1x125x80xi32, #tpu.memory_space<hbm>>
      %dma_start3A_86 = tpu.memref_squeeze %dma_start3A_85 : memref<1x125x80xi32, #tpu.memory_space<hbm>> -> memref<125x80xi32, #tpu.memory_space<hbm>>
      tpu.enqueue_dma source(%dma_start3A_86 : memref<125x80xi32, #tpu.memory_space<hbm>>) target(%arg6 : memref<125x80xi32, #tpu.memory_space<vmem>>) target_semaphore(%run_scoped3A : memref<!tpu.dma_semaphore, #tpu.memory_space<semaphore_mem>>)
      %dma_wait3A_87 = arith.constant 0 : i32
      %dma_wait3A_88 = arith.constant 0 : i32
      %dma_wait3A_89 = tpu.memref_slice %arg2[%add3A, %dma_wait3A_87, %dma_wait3A_88] : memref<32x125x80xi32, #tpu.memory_space<hbm>> -> memref<1x125x80xi32, #tpu.memory_space<hbm>>
      %dma_wait3A_90 = tpu.memref_squeeze %dma_wait3A_89 : memref<1x125x80xi32, #tpu.memory_space<hbm>> -> memref<125x80xi32, #tpu.memory_space<hbm>>
      %dma_wait3A_91 = arith.constant 0 : i32
      %dma_wait3A_92 = arith.constant 0 : i32
      %dma_wait3A_93 = tpu.memref_slice %arg2[%add3A, %dma_wait3A_91, %dma_wait3A_92] : memref<32x125x80xi32, #tpu.memory_space<hbm>> -> memref<1x125x80xi32, #tpu.memory_space<hbm>>
      %dma_wait3A_94 = tpu.memref_squeeze %dma_wait3A_93 : memref<1x125x80xi32, #tpu.memory_space<hbm>> -> memref<125x80xi32, #tpu.memory_space<hbm>>
      tpu.wait_dma2 semaphore(%run_scoped3A : memref<!tpu.dma_semaphore, #tpu.memory_space<semaphore_mem>>) src(%dma_wait3A_94 : memref<125x80xi32, #tpu.memory_space<hbm>>) dst(%arg6 : memref<125x80xi32, #tpu.memory_space<vmem>>)
      tpu.yield
    }) : () -> ()
    %barrier3A = arith.constant 0 : index
    tpu.barrier barrier_id(%barrier3A)
    %dma_start3A = arith.constant 0 : i32
    %dma_start3A_3 = arith.constant 0 : i32
    %dma_start3A_4 = tpu.memref_slice %arg6[%dma_start3A, %dma_start3A_3] : memref<125x80xi32, #tpu.memory_space<vmem>> -> memref<1x80xi32, #tpu.memory_space<vmem>>
    %dma_start3A_5 = tpu.memref_squeeze %dma_start3A_4 : memref<1x80xi32, #tpu.memory_space<vmem>> -> memref<80xi32, #tpu.memory_space<vmem>>
    %dma_start3A_6 = arith.constant 0 : i32
    %dma_start3A_7 = arith.constant 0 : i32
    %dma_start3A_8 = tpu.memref_slice %arg8[%dma_start3A_6, %dma_start3A_7] : memref<10240x128xf32, #tpu.memory_space<vmem_shared>> -> memref<10240x128xf32, #tpu.memory_space<vmem_shared>>
    tpu.enqueue_indirect_dma source(%arg7 : memref<80x128xf32, #tpu.memory_space<vmem>>) target(%dma_start3A_8 : memref<10240x128xf32, #tpu.memory_space<vmem_shared>>) offsets(%dma_start3A_5 : memref<80xi32, #tpu.memory_space<vmem>>) semaphore(%arg9 : memref<!tpu.dma_semaphore, #tpu.memory_space<semaphore_mem>>) {add = true}
    %dma_start3A_9 = arith.constant 1 : i32
    %dma_start3A_10 = arith.constant 0 : i32
    %dma_start3A_11 = tpu.memref_slice %arg6[%dma_start3A_9, %dma_start3A_10] : memref<125x80xi32, #tpu.memory_space<vmem>> -> memref<1x80xi32, #tpu.memory_space<vmem>>
    %dma_start3A_12 = tpu.memref_squeeze %dma_start3A_11 : memref<1x80xi32, #tpu.memory_space<vmem>> -> memref<80xi32, #tpu.memory_space<vmem>>
    %dma_start3A_13 = arith.constant 0 : i32
    %dma_start3A_14 = arith.constant 0 : i32
    %dma_start3A_15 = tpu.memref_slice %arg8[%dma_start3A_13, %dma_start3A_14] : memref<10240x128xf32, #tpu.memory_space<vmem_shared>> -> memref<10240x128xf32, #tpu.memory_space<vmem_shared>>
    tpu.enqueue_indirect_dma source(%arg7 : memref<80x128xf32, #tpu.memory_space<vmem>>) target(%dma_start3A_15 : memref<10240x128xf32, #tpu.memory_space<vmem_shared>>) offsets(%dma_start3A_12 : memref<80xi32, #tpu.memory_space<vmem>>) semaphore(%arg9 : memref<!tpu.dma_semaphore, #tpu.memory_space<semaphore_mem>>) {add = true}
    %dma_start3A_16 = arith.constant 2 : i32
    %dma_start3A_17 = arith.constant 0 : i32
    %dma_start3A_18 = tpu.memref_slice %arg6[%dma_start3A_16, %dma_start3A_17] : memref<125x80xi32, #tpu.memory_space<vmem>> -> memref<1x80xi32, #tpu.memory_space<vmem>>
    %dma_start3A_19 = tpu.memref_squeeze %dma_start3A_18 : memref<1x80xi32, #tpu.memory_space<vmem>> -> memref<80xi32, #tpu.memory_space<vmem>>
    %dma_start3A_20 = arith.constant 0 : i32
    %dma_start3A_21 = arith.constant 0 : i32
    %dma_start3A_22 = tpu.memref_slice %arg8[%dma_start3A_20, %dma_start3A_21] : memref<10240x128xf32, #tpu.memory_space<vmem_shared>> -> memref<10240x128xf32, #tpu.memory_space<vmem_shared>>
    tpu.enqueue_indirect_dma source(%arg7 : memref<80x128xf32, #tpu.memory_space<vmem>>) target(%dma_start3A_22 : memref<10240x128xf32, #tpu.memory_space<vmem_shared>>) offsets(%dma_start3A_19 : memref<80xi32, #tpu.memory_space<vmem>>) semaphore(%arg9 : memref<!tpu.dma_semaphore, #tpu.memory_space<semaphore_mem>>) {add = true}
    %dma_start3A_23 = arith.constant 3 : i32
    %dma_start3A_24 = arith.constant 0 : i32
    %dma_start3A_25 = tpu.memref_slice %arg6[%dma_start3A_23, %dma_start3A_24] : memref<125x80xi32, #tpu.memory_space<vmem>> -> memref<1x80xi32, #tpu.memory_space<vmem>>
    %dma_start3A_26 = tpu.memref_squeeze %dma_start3A_25 : memref<1x80xi32, #tpu.memory_space<vmem>> -> memref<80xi32, #tpu.memory_space<vmem>>
    %dma_start3A_27 = arith.constant 0 : i32
    %dma_start3A_28 = arith.constant 0 : i32
    %dma_start3A_29 = tpu.memref_slice %arg8[%dma_start3A_27, %dma_start3A_28] : memref<10240x128xf32, #tpu.memory_space<vmem_shared>> -> memref<10240x128xf32, #tpu.memory_space<vmem_shared>>
    tpu.enqueue_indirect_dma source(%arg7 : memref<80x128xf32, #tpu.memory_space<vmem>>) target(%dma_start3A_29 : memref<10240x128xf32, #tpu.memory_space<vmem_shared>>) offsets(%dma_start3A_26 : memref<80xi32, #tpu.memory_space<vmem>>) semaphore(%arg9 : memref<!tpu.dma_semaphore, #tpu.memory_space<semaphore_mem>>) {add = true}
    %dma_start3A_30 = arith.constant 4 : i32
    %dma_start3A_31 = arith.constant 0 : i32
    %dma_start3A_32 = tpu.memref_slice %arg6[%dma_start3A_30, %dma_start3A_31] : memref<125x80xi32, #tpu.memory_space<vmem>> -> memref<1x80xi32, #tpu.memory_space<vmem>>
    %dma_start3A_33 = tpu.memref_squeeze %dma_start3A_32 : memref<1x80xi32, #tpu.memory_space<vmem>> -> memref<80xi32, #tpu.memory_space<vmem>>
    %dma_start3A_34 = arith.constant 0 : i32
    %dma_start3A_35 = arith.constant 0 : i32
    %dma_start3A_36 = tpu.memref_slice %arg8[%dma_start3A_34, %dma_start3A_35] : memref<10240x128xf32, #tpu.memory_space<vmem_shared>> -> memref<10240x128xf32, #tpu.memory_space<vmem_shared>>
    tpu.enqueue_indirect_dma source(%arg7 : memref<80x128xf32, #tpu.memory_space<vmem>>) target(%dma_start3A_36 : memref<10240x128xf32, #tpu.memory_space<vmem_shared>>) offsets(%dma_start3A_33 : memref<80xi32, #tpu.memory_space<vmem>>) semaphore(%arg9 : memref<!tpu.dma_semaphore, #tpu.memory_space<semaphore_mem>>) {add = true}
    %scan3A = arith.constant 0 : i32
    %scan3A_37 = arith.constant 0 : i32
    %scan3A_38 = arith.constant 24 : i32
    %scan3A_39 = arith.addi %scan3A_37, %scan3A_38 : i32
    %scan3A_40 = arith.constant 1 : i32
    scf.for %scan3A_79 = %scan3A_37 to %scan3A_39 step %scan3A_40  : i32 {
      %add3A_80 = arith.constant 1 : i32
      %add3A_81 = arith.addi %scan3A_79, %add3A_80 : i32
      %mul3A_82 = arith.constant 5 : i32
      %mul3A_83 = arith.muli %mul3A_82, %add3A_81 : i32
      %add3A_84 = arith.constant 0 : i32
      %add3A_85 = arith.addi %mul3A_83, %add3A_84 : i32
      %dma_start3A_86 = arith.constant 0 : i32
      %dma_start3A_87 = tpu.memref_slice %arg6[%add3A_85, %dma_start3A_86] : memref<125x80xi32, #tpu.memory_space<vmem>> -> memref<1x80xi32, #tpu.memory_space<vmem>>
      %dma_start3A_88 = tpu.memref_squeeze %dma_start3A_87 : memref<1x80xi32, #tpu.memory_space<vmem>> -> memref<80xi32, #tpu.memory_space<vmem>>
      %dma_start3A_89 = arith.constant 0 : i32
      %dma_start3A_90 = arith.constant 0 : i32
      %dma_start3A_91 = tpu.memref_slice %arg8[%dma_start3A_89, %dma_start3A_90] : memref<10240x128xf32, #tpu.memory_space<vmem_shared>> -> memref<10240x128xf32, #tpu.memory_space<vmem_shared>>
      tpu.enqueue_indirect_dma source(%arg7 : memref<80x128xf32, #tpu.memory_space<vmem>>) target(%dma_start3A_91 : memref<10240x128xf32, #tpu.memory_space<vmem_shared>>) offsets(%dma_start3A_88 : memref<80xi32, #tpu.memory_space<vmem>>) semaphore(%arg9 : memref<!tpu.dma_semaphore, #tpu.memory_space<semaphore_mem>>) {add = true}
      %mul3A_92 = arith.constant 5 : i32
      %mul3A_93 = arith.muli %mul3A_92, %add3A_81 : i32
      %add3A_94 = arith.constant 1 : i32
      %add3A_95 = arith.addi %mul3A_93, %add3A_94 : i32
      %dma_start3A_96 = arith.constant 0 : i32
      %dma_start3A_97 = tpu.memref_slice %arg6[%add3A_95, %dma_start3A_96] : memref<125x80xi32, #tpu.memory_space<vmem>> -> memref<1x80xi32, #tpu.memory_space<vmem>>
      %dma_start3A_98 = tpu.memref_squeeze %dma_start3A_97 : memref<1x80xi32, #tpu.memory_space<vmem>> -> memref<80xi32, #tpu.memory_space<vmem>>
      %dma_start3A_99 = arith.constant 0 : i32
      %dma_start3A_100 = arith.constant 0 : i32
      %dma_start3A_101 = tpu.memref_slice %arg8[%dma_start3A_99, %dma_start3A_100] : memref<10240x128xf32, #tpu.memory_space<vmem_shared>> -> memref<10240x128xf32, #tpu.memory_space<vmem_shared>>
      tpu.enqueue_indirect_dma source(%arg7 : memref<80x128xf32, #tpu.memory_space<vmem>>) target(%dma_start3A_101 : memref<10240x128xf32, #tpu.memory_space<vmem_shared>>) offsets(%dma_start3A_98 : memref<80xi32, #tpu.memory_space<vmem>>) semaphore(%arg9 : memref<!tpu.dma_semaphore, #tpu.memory_space<semaphore_mem>>) {add = true}
      %mul3A_102 = arith.constant 5 : i32
      %mul3A_103 = arith.muli %mul3A_102, %add3A_81 : i32
      %add3A_104 = arith.constant 2 : i32
      %add3A_105 = arith.addi %mul3A_103, %add3A_104 : i32
      %dma_start3A_106 = arith.constant 0 : i32
      %dma_start3A_107 = tpu.memref_slice %arg6[%add3A_105, %dma_start3A_106] : memref<125x80xi32, #tpu.memory_space<vmem>> -> memref<1x80xi32, #tpu.memory_space<vmem>>
      %dma_start3A_108 = tpu.memref_squeeze %dma_start3A_107 : memref<1x80xi32, #tpu.memory_space<vmem>> -> memref<80xi32, #tpu.memory_space<vmem>>
      %dma_start3A_109 = arith.constant 0 : i32
      %dma_start3A_110 = arith.constant 0 : i32
      %dma_start3A_111 = tpu.memref_slice %arg8[%dma_start3A_109, %dma_start3A_110] : memref<10240x128xf32, #tpu.memory_space<vmem_shared>> -> memref<10240x128xf32, #tpu.memory_space<vmem_shared>>
      tpu.enqueue_indirect_dma source(%arg7 : memref<80x128xf32, #tpu.memory_space<vmem>>) target(%dma_start3A_111 : memref<10240x128xf32, #tpu.memory_space<vmem_shared>>) offsets(%dma_start3A_108 : memref<80xi32, #tpu.memory_space<vmem>>) semaphore(%arg9 : memref<!tpu.dma_semaphore, #tpu.memory_space<semaphore_mem>>) {add = true}
      %mul3A_112 = arith.constant 5 : i32
      %mul3A_113 = arith.muli %mul3A_112, %add3A_81 : i32
      %add3A_114 = arith.constant 3 : i32
      %add3A_115 = arith.addi %mul3A_113, %add3A_114 : i32
      %dma_start3A_116 = arith.constant 0 : i32
      %dma_start3A_117 = tpu.memref_slice %arg6[%add3A_115, %dma_start3A_116] : memref<125x80xi32, #tpu.memory_space<vmem>> -> memref<1x80xi32, #tpu.memory_space<vmem>>
      %dma_start3A_118 = tpu.memref_squeeze %dma_start3A_117 : memref<1x80xi32, #tpu.memory_space<vmem>> -> memref<80xi32, #tpu.memory_space<vmem>>
      %dma_start3A_119 = arith.constant 0 : i32
      %dma_start3A_120 = arith.constant 0 : i32
      %dma_start3A_121 = tpu.memref_slice %arg8[%dma_start3A_119, %dma_start3A_120] : memref<10240x128xf32, #tpu.memory_space<vmem_shared>> -> memref<10240x128xf32, #tpu.memory_space<vmem_shared>>
      tpu.enqueue_indirect_dma source(%arg7 : memref<80x128xf32, #tpu.memory_space<vmem>>) target(%dma_start3A_121 : memref<10240x128xf32, #tpu.memory_space<vmem_shared>>) offsets(%dma_start3A_118 : memref<80xi32, #tpu.memory_space<vmem>>) semaphore(%arg9 : memref<!tpu.dma_semaphore, #tpu.memory_space<semaphore_mem>>) {add = true}
      %mul3A_122 = arith.constant 5 : i32
      %mul3A_123 = arith.muli %mul3A_122, %add3A_81 : i32
      %add3A_124 = arith.constant 4 : i32
      %add3A_125 = arith.addi %mul3A_123, %add3A_124 : i32
      %dma_start3A_126 = arith.constant 0 : i32
      %dma_start3A_127 = tpu.memref_slice %arg6[%add3A_125, %dma_start3A_126] : memref<125x80xi32, #tpu.memory_space<vmem>> -> memref<1x80xi32, #tpu.memory_space<vmem>>
      %dma_start3A_128 = tpu.memref_squeeze %dma_start3A_127 : memref<1x80xi32, #tpu.memory_space<vmem>> -> memref<80xi32, #tpu.memory_space<vmem>>
      %dma_start3A_129 = arith.constant 0 : i32
      %dma_start3A_130 = arith.constant 0 : i32
      %dma_start3A_131 = tpu.memref_slice %arg8[%dma_start3A_129, %dma_start3A_130] : memref<10240x128xf32, #tpu.memory_space<vmem_shared>> -> memref<10240x128xf32, #tpu.memory_space<vmem_shared>>
      tpu.enqueue_indirect_dma source(%arg7 : memref<80x128xf32, #tpu.memory_space<vmem>>) target(%dma_start3A_131 : memref<10240x128xf32, #tpu.memory_space<vmem_shared>>) offsets(%dma_start3A_128 : memref<80xi32, #tpu.memory_space<vmem>>) semaphore(%arg9 : memref<!tpu.dma_semaphore, #tpu.memory_space<semaphore_mem>>) {add = true}
      %mul3A_132 = arith.constant 5 : i32
      %mul3A_133 = arith.muli %mul3A_132, %scan3A_79 : i32
      %add3A_134 = arith.constant 0 : i32
      %add3A_135 = arith.addi %mul3A_133, %add3A_134 : i32
      %dma_wait3A_136 = arith.constant 0 : i32
      %dma_wait3A_137 = tpu.memref_slice %arg6[%add3A_135, %dma_wait3A_136] : memref<125x80xi32, #tpu.memory_space<vmem>> -> memref<1x80xi32, #tpu.memory_space<vmem>>
      %dma_wait3A_138 = tpu.memref_squeeze %dma_wait3A_137 : memref<1x80xi32, #tpu.memory_space<vmem>> -> memref<80xi32, #tpu.memory_space<vmem>>
      %dma_wait3A_139 = arith.constant 0 : i32
      %dma_wait3A_140 = arith.constant 0 : i32
      %dma_wait3A_141 = tpu.memref_slice %arg8[%dma_wait3A_139, %dma_wait3A_140] : memref<10240x128xf32, #tpu.memory_space<vmem_shared>> -> memref<10240x128xf32, #tpu.memory_space<vmem_shared>>
      tpu.wait_indirect_dma semaphore(%arg9 : memref<!tpu.dma_semaphore, #tpu.memory_space<semaphore_mem>>) src(%arg7 : memref<80x128xf32, #tpu.memory_space<vmem>>) dst(%dma_wait3A_141 : memref<10240x128xf32, #tpu.memory_space<vmem_shared>>)
      %mul3A_142 = arith.constant 5 : i32
      %mul3A_143 = arith.muli %mul3A_142, %scan3A_79 : i32
      %add3A_144 = arith.constant 1 : i32
      %add3A_145 = arith.addi %mul3A_143, %add3A_144 : i32
      %dma_wait3A_146 = arith.constant 0 : i32
      %dma_wait3A_147 = tpu.memref_slice %arg6[%add3A_145, %dma_wait3A_146] : memref<125x80xi32, #tpu.memory_space<vmem>> -> memref<1x80xi32, #tpu.memory_space<vmem>>
      %dma_wait3A_148 = tpu.memref_squeeze %dma_wait3A_147 : memref<1x80xi32, #tpu.memory_space<vmem>> -> memref<80xi32, #tpu.memory_space<vmem>>
      %dma_wait3A_149 = arith.constant 0 : i32
      %dma_wait3A_150 = arith.constant 0 : i32
      %dma_wait3A_151 = tpu.memref_slice %arg8[%dma_wait3A_149, %dma_wait3A_150] : memref<10240x128xf32, #tpu.memory_space<vmem_shared>> -> memref<10240x128xf32, #tpu.memory_space<vmem_shared>>
      tpu.wait_indirect_dma semaphore(%arg9 : memref<!tpu.dma_semaphore, #tpu.memory_space<semaphore_mem>>) src(%arg7 : memref<80x128xf32, #tpu.memory_space<vmem>>) dst(%dma_wait3A_151 : memref<10240x128xf32, #tpu.memory_space<vmem_shared>>)
      %mul3A_152 = arith.constant 5 : i32
      %mul3A_153 = arith.muli %mul3A_152, %scan3A_79 : i32
      %add3A_154 = arith.constant 2 : i32
      %add3A_155 = arith.addi %mul3A_153, %add3A_154 : i32
      %dma_wait3A_156 = arith.constant 0 : i32
      %dma_wait3A_157 = tpu.memref_slice %arg6[%add3A_155, %dma_wait3A_156] : memref<125x80xi32, #tpu.memory_space<vmem>> -> memref<1x80xi32, #tpu.memory_space<vmem>>
      %dma_wait3A_158 = tpu.memref_squeeze %dma_wait3A_157 : memref<1x80xi32, #tpu.memory_space<vmem>> -> memref<80xi32, #tpu.memory_space<vmem>>
      %dma_wait3A_159 = arith.constant 0 : i32
      %dma_wait3A_160 = arith.constant 0 : i32
      %dma_wait3A_161 = tpu.memref_slice %arg8[%dma_wait3A_159, %dma_wait3A_160] : memref<10240x128xf32, #tpu.memory_space<vmem_shared>> -> memref<10240x128xf32, #tpu.memory_space<vmem_shared>>
      tpu.wait_indirect_dma semaphore(%arg9 : memref<!tpu.dma_semaphore, #tpu.memory_space<semaphore_mem>>) src(%arg7 : memref<80x128xf32, #tpu.memory_space<vmem>>) dst(%dma_wait3A_161 : memref<10240x128xf32, #tpu.memory_space<vmem_shared>>)
      %mul3A_162 = arith.constant 5 : i32
      %mul3A_163 = arith.muli %mul3A_162, %scan3A_79 : i32
      %add3A_164 = arith.constant 3 : i32
      %add3A_165 = arith.addi %mul3A_163, %add3A_164 : i32
      %dma_wait3A_166 = arith.constant 0 : i32
      %dma_wait3A_167 = tpu.memref_slice %arg6[%add3A_165, %dma_wait3A_166] : memref<125x80xi32, #tpu.memory_space<vmem>> -> memref<1x80xi32, #tpu.memory_space<vmem>>
      %dma_wait3A_168 = tpu.memref_squeeze %dma_wait3A_167 : memref<1x80xi32, #tpu.memory_space<vmem>> -> memref<80xi32, #tpu.memory_space<vmem>>
      %dma_wait3A_169 = arith.constant 0 : i32
      %dma_wait3A_170 = arith.constant 0 : i32
      %dma_wait3A_171 = tpu.memref_slice %arg8[%dma_wait3A_169, %dma_wait3A_170] : memref<10240x128xf32, #tpu.memory_space<vmem_shared>> -> memref<10240x128xf32, #tpu.memory_space<vmem_shared>>
      tpu.wait_indirect_dma semaphore(%arg9 : memref<!tpu.dma_semaphore, #tpu.memory_space<semaphore_mem>>) src(%arg7 : memref<80x128xf32, #tpu.memory_space<vmem>>) dst(%dma_wait3A_171 : memref<10240x128xf32, #tpu.memory_space<vmem_shared>>)
      %mul3A_172 = arith.constant 5 : i32
      %mul3A_173 = arith.muli %mul3A_172, %scan3A_79 : i32
      %add3A_174 = arith.constant 4 : i32
      %add3A_175 = arith.addi %mul3A_173, %add3A_174 : i32
      %dma_wait3A_176 = arith.constant 0 : i32
      %dma_wait3A_177 = tpu.memref_slice %arg6[%add3A_175, %dma_wait3A_176] : memref<125x80xi32, #tpu.memory_space<vmem>> -> memref<1x80xi32, #tpu.memory_space<vmem>>
      %dma_wait3A_178 = tpu.memref_squeeze %dma_wait3A_177 : memref<1x80xi32, #tpu.memory_space<vmem>> -> memref<80xi32, #tpu.memory_space<vmem>>
      %dma_wait3A_179 = arith.constant 0 : i32
      %dma_wait3A_180 = arith.constant 0 : i32
      %dma_wait3A_181 = tpu.memref_slice %arg8[%dma_wait3A_179, %dma_wait3A_180] : memref<10240x128xf32, #tpu.memory_space<vmem_shared>> -> memref<10240x128xf32, #tpu.memory_space<vmem_shared>>
      tpu.wait_indirect_dma semaphore(%arg9 : memref<!tpu.dma_semaphore, #tpu.memory_space<semaphore_mem>>) src(%arg7 : memref<80x128xf32, #tpu.memory_space<vmem>>) dst(%dma_wait3A_181 : memref<10240x128xf32, #tpu.memory_space<vmem_shared>>)
    }
    %scan3A_41 = arith.constant 24 : i32
    %dma_wait3A = arith.constant 120 : i32
    %dma_wait3A_42 = arith.constant 0 : i32
    %dma_wait3A_43 = tpu.memref_slice %arg6[%dma_wait3A, %dma_wait3A_42] : memref<125x80xi32, #tpu.memory_space<vmem>> -> memref<1x80xi32, #tpu.memory_space<vmem>>
    %dma_wait3A_44 = tpu.memref_squeeze %dma_wait3A_43 : memref<1x80xi32, #tpu.memory_space<vmem>> -> memref<80xi32, #tpu.memory_space<vmem>>
    %dma_wait3A_45 = arith.constant 0 : i32
    %dma_wait3A_46 = arith.constant 0 : i32
    %dma_wait3A_47 = tpu.memref_slice %arg8[%dma_wait3A_45, %dma_wait3A_46] : memref<10240x128xf32, #tpu.memory_space<vmem_shared>> -> memref<10240x128xf32, #tpu.memory_space<vmem_shared>>
    tpu.wait_indirect_dma semaphore(%arg9 : memref<!tpu.dma_semaphore, #tpu.memory_space<semaphore_mem>>) src(%arg7 : memref<80x128xf32, #tpu.memory_space<vmem>>) dst(%dma_wait3A_47 : memref<10240x128xf32, #tpu.memory_space<vmem_shared>>)
    %dma_wait3A_48 = arith.constant 121 : i32
    %dma_wait3A_49 = arith.constant 0 : i32
    %dma_wait3A_50 = tpu.memref_slice %arg6[%dma_wait3A_48, %dma_wait3A_49] : memref<125x80xi32, #tpu.memory_space<vmem>> -> memref<1x80xi32, #tpu.memory_space<vmem>>
    %dma_wait3A_51 = tpu.memref_squeeze %dma_wait3A_50 : memref<1x80xi32, #tpu.memory_space<vmem>> -> memref<80xi32, #tpu.memory_space<vmem>>
    %dma_wait3A_52 = arith.constant 0 : i32
    %dma_wait3A_53 = arith.constant 0 : i32
    %dma_wait3A_54 = tpu.memref_slice %arg8[%dma_wait3A_52, %dma_wait3A_53] : memref<10240x128xf32, #tpu.memory_space<vmem_shared>> -> memref<10240x128xf32, #tpu.memory_space<vmem_shared>>
    tpu.wait_indirect_dma semaphore(%arg9 : memref<!tpu.dma_semaphore, #tpu.memory_space<semaphore_mem>>) src(%arg7 : memref<80x128xf32, #tpu.memory_space<vmem>>) dst(%dma_wait3A_54 : memref<10240x128xf32, #tpu.memory_space<vmem_shared>>)
    %dma_wait3A_55 = arith.constant 122 : i32
    %dma_wait3A_56 = arith.constant 0 : i32
    %dma_wait3A_57 = tpu.memref_slice %arg6[%dma_wait3A_55, %dma_wait3A_56] : memref<125x80xi32, #tpu.memory_space<vmem>> -> memref<1x80xi32, #tpu.memory_space<vmem>>
    %dma_wait3A_58 = tpu.memref_squeeze %dma_wait3A_57 : memref<1x80xi32, #tpu.memory_space<vmem>> -> memref<80xi32, #tpu.memory_space<vmem>>
    %dma_wait3A_59 = arith.constant 0 : i32
    %dma_wait3A_60 = arith.constant 0 : i32
    %dma_wait3A_61 = tpu.memref_slice %arg8[%dma_wait3A_59, %dma_wait3A_60] : memref<10240x128xf32, #tpu.memory_space<vmem_shared>> -> memref<10240x128xf32, #tpu.memory_space<vmem_shared>>
    tpu.wait_indirect_dma semaphore(%arg9 : memref<!tpu.dma_semaphore, #tpu.memory_space<semaphore_mem>>) src(%arg7 : memref<80x128xf32, #tpu.memory_space<vmem>>) dst(%dma_wait3A_61 : memref<10240x128xf32, #tpu.memory_space<vmem_shared>>)
    %dma_wait3A_62 = arith.constant 123 : i32
    %dma_wait3A_63 = arith.constant 0 : i32
    %dma_wait3A_64 = tpu.memref_slice %arg6[%dma_wait3A_62, %dma_wait3A_63] : memref<125x80xi32, #tpu.memory_space<vmem>> -> memref<1x80xi32, #tpu.memory_space<vmem>>
    %dma_wait3A_65 = tpu.memref_squeeze %dma_wait3A_64 : memref<1x80xi32, #tpu.memory_space<vmem>> -> memref<80xi32, #tpu.memory_space<vmem>>
    %dma_wait3A_66 = arith.constant 0 : i32
    %dma_wait3A_67 = arith.constant 0 : i32
    %dma_wait3A_68 = tpu.memref_slice %arg8[%dma_wait3A_66, %dma_wait3A_67] : memref<10240x128xf32, #tpu.memory_space<vmem_shared>> -> memref<10240x128xf32, #tpu.memory_space<vmem_shared>>
    tpu.wait_indirect_dma semaphore(%arg9 : memref<!tpu.dma_semaphore, #tpu.memory_space<semaphore_mem>>) src(%arg7 : memref<80x128xf32, #tpu.memory_space<vmem>>) dst(%dma_wait3A_68 : memref<10240x128xf32, #tpu.memory_space<vmem_shared>>)
    %dma_wait3A_69 = arith.constant 124 : i32
    %dma_wait3A_70 = arith.constant 0 : i32
    %dma_wait3A_71 = tpu.memref_slice %arg6[%dma_wait3A_69, %dma_wait3A_70] : memref<125x80xi32, #tpu.memory_space<vmem>> -> memref<1x80xi32, #tpu.memory_space<vmem>>
    %dma_wait3A_72 = tpu.memref_squeeze %dma_wait3A_71 : memref<1x80xi32, #tpu.memory_space<vmem>> -> memref<80xi32, #tpu.memory_space<vmem>>
    %dma_wait3A_73 = arith.constant 0 : i32
    %dma_wait3A_74 = arith.constant 0 : i32
    %dma_wait3A_75 = tpu.memref_slice %arg8[%dma_wait3A_73, %dma_wait3A_74] : memref<10240x128xf32, #tpu.memory_space<vmem_shared>> -> memref<10240x128xf32, #tpu.memory_space<vmem_shared>>
    tpu.wait_indirect_dma semaphore(%arg9 : memref<!tpu.dma_semaphore, #tpu.memory_space<semaphore_mem>>) src(%arg7 : memref<80x128xf32, #tpu.memory_space<vmem>>) dst(%dma_wait3A_75 : memref<10240x128xf32, #tpu.memory_space<vmem_shared>>)
    %barrier3A_76 = arith.constant 0 : index
    tpu.barrier barrier_id(%barrier3A_76)
    %mul3A_77 = arith.constant 640 : i32
    %mul3A_78 = arith.muli %arg1, %mul3A_77 : i32
    "tpu.region"() ({
      %run_scoped3A = tpu.sem_alloc : memref<!tpu.dma_semaphore, #tpu.memory_space<semaphore_mem>>
      %dma_start3A_79 = arith.constant 0 : i32
      %dma_start3A_80 = tpu.memref_slice %arg5[%arg0, %mul3A_78, %dma_start3A_79] : memref<2x10240x128xf32, #tpu.memory_space<hbm>> -> memref<1x640x128xf32, #tpu.memory_space<hbm>>
      %dma_start3A_81 = tpu.memref_squeeze %dma_start3A_80 : memref<1x640x128xf32, #tpu.memory_space<hbm>> -> memref<640x128xf32, #tpu.memory_space<hbm>>
      %dma_start3A_82 = arith.constant 0 : i32
      %dma_start3A_83 = tpu.memref_slice %arg8[%mul3A_78, %dma_start3A_82] : memref<10240x128xf32, #tpu.memory_space<vmem_shared>> -> memref<640x128xf32, #tpu.memory_space<vmem_shared>>
      tpu.enqueue_dma source(%dma_start3A_83 : memref<640x128xf32, #tpu.memory_space<vmem_shared>>) target(%dma_start3A_81 : memref<640x128xf32, #tpu.memory_space<hbm>>) target_semaphore(%run_scoped3A : memref<!tpu.dma_semaphore, #tpu.memory_space<semaphore_mem>>)
      %dma_wait3A_84 = arith.constant 0 : i32
      %dma_wait3A_85 = tpu.memref_slice %arg5[%arg0, %mul3A_78, %dma_wait3A_84] : memref<2x10240x128xf32, #tpu.memory_space<hbm>> -> memref<1x640x128xf32, #tpu.memory_space<hbm>>
      %dma_wait3A_86 = tpu.memref_squeeze %dma_wait3A_85 : memref<1x640x128xf32, #tpu.memory_space<hbm>> -> memref<640x128xf32, #tpu.memory_space<hbm>>
      %dma_wait3A_87 = arith.constant 0 : i32
      %dma_wait3A_88 = tpu.memref_slice %arg8[%mul3A_78, %dma_wait3A_87] : memref<10240x128xf32, #tpu.memory_space<vmem_shared>> -> memref<640x128xf32, #tpu.memory_space<vmem_shared>>
      tpu.wait_dma2 semaphore(%run_scoped3A : memref<!tpu.dma_semaphore, #tpu.memory_space<semaphore_mem>>) src(%dma_wait3A_88 : memref<640x128xf32, #tpu.memory_space<vmem_shared>>) dst(%dma_wait3A_86 : memref<640x128xf32, #tpu.memory_space<hbm>>)
      tpu.yield
    }) : () -> ()
    return
  }
}

module attributes {stable_mosaic.version = 14 : i64} {
  func.func @_edge_proj_body(%arg0: i32, %arg1: memref<2000x128xf32, #tpu.memory_space<vmem>>, %arg2: memref<128x128xf32, #tpu.memory_space<vmem>>, %arg3: memref<1x128xf32, #tpu.memory_space<vmem>>, %arg4: memref<128x128xf32, #tpu.memory_space<vmem>>, %arg5: memref<2000x128xf32, #tpu.memory_space<vmem>>, %arg6: memref<2000x128xf32, #tpu.memory_space<vmem>>) attributes {dimension_semantics = [#tpu.dimension_semantics<arbitrary>], iteration_bounds = array<i64: 160>, scalar_prefetch = 0 : i64, scratch_operands = 0 : i64, tpu.core_type = #tpu.core_type<tc>, window_params = [{transform_indices = @transform_0, window_bounds = array<i64: 2000, 128>}, {pipeline_mode = #tpu.pipeline_mode<synchronous>, transform_indices = @transform_1, window_bounds = array<i64: 128, 128>}, {pipeline_mode = #tpu.pipeline_mode<synchronous>, transform_indices = @transform_2, window_bounds = array<i64: 1, 128>}, {pipeline_mode = #tpu.pipeline_mode<synchronous>, transform_indices = @transform_3, window_bounds = array<i64: 128, 128>}, {transform_indices = @transform_4, window_bounds = array<i64: 2000, 128>}, {transform_indices = @transform_5, window_bounds = array<i64: 2000, 128>}]} {
    %get3A = arith.constant 0 : index
    %get3A_0 = arith.constant 0 : index
    %get3A_1 = vector.load %arg1[%get3A, %get3A_0] : memref<2000x128xf32, #tpu.memory_space<vmem>>, vector<2000x128xf32>
    %get3A_2 = arith.constant 0 : index
    %get3A_3 = arith.constant 0 : index
    %get3A_4 = vector.load %arg2[%get3A_2, %get3A_3] : memref<128x128xf32, #tpu.memory_space<vmem>>, vector<128x128xf32>
    %dot_general3A = arith.constant dense<0.000000e+00> : vector<2000x128xf32>
    %dot_general3A_5 = tpu.matmul %get3A_1, %get3A_4, %dot_general3A {dimension_numbers = #tpu.dot_dimension_numbers<[1], [0], [0], [1], [0, 0, 1, 1], [], []>, transpose_lhs_hint = false} : vector<2000x128xf32>, vector<128x128xf32>, vector<2000x128xf32> -> vector<2000x128xf32>
    %get3A_6 = arith.constant 0 : index
    %get3A_7 = arith.constant 0 : index
    %get3A_8 = vector.load %arg3[%get3A_6, %get3A_7] : memref<1x128xf32, #tpu.memory_space<vmem>>, vector<1x128xf32>
    %add3A = vector.broadcast %get3A_8 : vector<1x128xf32> to vector<2000x128xf32>
    %add3A_9 = arith.addf %dot_general3A_5, %add3A : vector<2000x128xf32>
    %swap3A = arith.constant 0 : index
    %swap3A_10 = arith.constant 0 : index
    %swap3A_11 = vector.load %arg5[%swap3A, %swap3A_10] : memref<2000x128xf32, #tpu.memory_space<vmem>>, vector<2000x128xf32>
    tpu.vector_store %arg5[%swap3A, %swap3A_10], %add3A_9 {strides = array<i32>} : memref<2000x128xf32, #tpu.memory_space<vmem>>, vector<2000x128xf32>,
    %get3A_12 = arith.constant 0 : index
    %get3A_13 = arith.constant 0 : index
    %get3A_14 = vector.load %arg4[%get3A_12, %get3A_13] : memref<128x128xf32, #tpu.memory_space<vmem>>, vector<128x128xf32>
    %dot_general3A_15 = arith.constant dense<0.000000e+00> : vector<2000x128xf32>
    %dot_general3A_16 = tpu.matmul %get3A_1, %get3A_14, %dot_general3A_15 {dimension_numbers = #tpu.dot_dimension_numbers<[1], [0], [0], [1], [0, 0, 1, 1], [], []>, transpose_lhs_hint = false} : vector<2000x128xf32>, vector<128x128xf32>, vector<2000x128xf32> -> vector<2000x128xf32>
    %swap3A_17 = arith.constant 0 : index
    %swap3A_18 = arith.constant 0 : index
    %swap3A_19 = vector.load %arg6[%swap3A_17, %swap3A_18] : memref<2000x128xf32, #tpu.memory_space<vmem>>, vector<2000x128xf32>
    tpu.vector_store %arg6[%swap3A_17, %swap3A_18], %dot_general3A_16 {strides = array<i32>} : memref<2000x128xf32, #tpu.memory_space<vmem>>, vector<2000x128xf32>,
    return
  }
  func.func @transform_0(%arg0: i32) -> (i32, i32) {
    %c0_i32 = arith.constant 0 : i32
    %c0_i32_0 = arith.constant 0 : i32
    return %arg0, %c0_i32 : i32, i32
  }
  func.func @transform_1(%arg0: i32) -> (i32, i32) {
    %c0_i32 = arith.constant 0 : i32
    %c0_i32_0 = arith.constant 0 : i32
    %c0_i32_1 = arith.constant 0 : i32
    return %c0_i32, %c0_i32_0 : i32, i32
  }
  func.func @transform_2(%arg0: i32) -> (i32, i32) {
    %c0_i32 = arith.constant 0 : i32
    %c0_i32_0 = arith.constant 0 : i32
    %c0_i32_1 = arith.constant 0 : i32
    return %c0_i32, %c0_i32_0 : i32, i32
  }
  func.func @transform_3(%arg0: i32) -> (i32, i32) {
    %c0_i32 = arith.constant 0 : i32
    %c0_i32_0 = arith.constant 0 : i32
    %c0_i32_1 = arith.constant 0 : i32
    return %c0_i32, %c0_i32_0 : i32, i32
  }
  func.func @transform_4(%arg0: i32) -> (i32, i32) {
    %c0_i32 = arith.constant 0 : i32
    %c0_i32_0 = arith.constant 0 : i32
    return %arg0, %c0_i32 : i32, i32
  }
  func.func @transform_5(%arg0: i32) -> (i32, i32) {
    %c0_i32 = arith.constant 0 : i32
    %c0_i32_0 = arith.constant 0 : i32
    return %arg0, %c0_i32 : i32, i32
  }
}

module attributes {stable_mosaic.version = 14 : i64} {
  func.func @_pre_body(%arg0: i32, %arg1: memref<1000x128xf32, #tpu.memory_space<vmem>>, %arg2: memref<128x128xf32, #tpu.memory_space<vmem>>, %arg3: memref<1x128xf32, #tpu.memory_space<vmem>>, %arg4: memref<128x128xf32, #tpu.memory_space<vmem>>, %arg5: memref<128x128xf32, #tpu.memory_space<vmem>>, %arg6: memref<1000x128xf32, #tpu.memory_space<vmem>>, %arg7: memref<1000x128xf32, #tpu.memory_space<vmem>>, %arg8: memref<1000x128xf32, #tpu.memory_space<vmem>>) attributes {dimension_semantics = [#tpu.dimension_semantics<arbitrary>], iteration_bounds = array<i64: 10>, scalar_prefetch = 0 : i64, scratch_operands = 0 : i64, tpu.core_type = #tpu.core_type<tc>, window_params = [{transform_indices = @transform_0, window_bounds = array<i64: 1000, 128>}, {pipeline_mode = #tpu.pipeline_mode<synchronous>, transform_indices = @transform_1, window_bounds = array<i64: 128, 128>}, {pipeline_mode = #tpu.pipeline_mode<synchronous>, transform_indices = @transform_2, window_bounds = array<i64: 1, 128>}, {pipeline_mode = #tpu.pipeline_mode<synchronous>, transform_indices = @transform_3, window_bounds = array<i64: 128, 128>}, {pipeline_mode = #tpu.pipeline_mode<synchronous>, transform_indices = @transform_4, window_bounds = array<i64: 128, 128>}, {transform_indices = @transform_5, window_bounds = array<i64: 1000, 128>}, {transform_indices = @transform_6, window_bounds = array<i64: 1000, 128>}, {transform_indices = @transform_7, window_bounds = array<i64: 1000, 128>}]} {
    %get3A = arith.constant 0 : index
    %get3A_0 = arith.constant 0 : index
    %get3A_1 = vector.load %arg1[%get3A, %get3A_0] : memref<1000x128xf32, #tpu.memory_space<vmem>>, vector<1000x128xf32>
    %get3A_2 = arith.constant 0 : index
    %get3A_3 = arith.constant 0 : index
    %get3A_4 = vector.load %arg2[%get3A_2, %get3A_3] : memref<128x128xf32, #tpu.memory_space<vmem>>, vector<128x128xf32>
    %dot_general3A = arith.constant dense<0.000000e+00> : vector<1000x128xf32>
    %dot_general3A_5 = tpu.matmul %get3A_1, %get3A_4, %dot_general3A {dimension_numbers = #tpu.dot_dimension_numbers<[1], [0], [0], [1], [0, 0, 1, 1], [], []>, transpose_lhs_hint = false} : vector<1000x128xf32>, vector<128x128xf32>, vector<1000x128xf32> -> vector<1000x128xf32>
    %get3A_6 = arith.constant 0 : index
    %get3A_7 = arith.constant 0 : index
    %get3A_8 = vector.load %arg3[%get3A_6, %get3A_7] : memref<1x128xf32, #tpu.memory_space<vmem>>, vector<1x128xf32>
    %add3A = vector.broadcast %get3A_8 : vector<1x128xf32> to vector<1000x128xf32>
    %add3A_9 = arith.addf %dot_general3A_5, %add3A : vector<1000x128xf32>
    %logistic3A = arith.negf %add3A_9 : vector<1000x128xf32>
    %logistic3A_10 = math.exp %logistic3A : vector<1000x128xf32>
    %logistic3A_11 = arith.constant 1.000000e+00 : f32
    %logistic3A_12 = vector.broadcast %logistic3A_11 : f32 to vector<1000x128xf32>
    %logistic3A_13 = arith.addf %logistic3A_12, %logistic3A_10 : vector<1000x128xf32>
    %logistic3A_14 = arith.divf %logistic3A_12, %logistic3A_13 : vector<1000x128xf32>
    %mul3A = arith.mulf %add3A_9, %logistic3A_14 : vector<1000x128xf32>
    %swap3A = arith.constant 0 : index
    %swap3A_15 = arith.constant 0 : index
    %swap3A_16 = vector.load %arg6[%swap3A, %swap3A_15] : memref<1000x128xf32, #tpu.memory_space<vmem>>, vector<1000x128xf32>
    tpu.vector_store %arg6[%swap3A, %swap3A_15], %mul3A {strides = array<i32>} : memref<1000x128xf32, #tpu.memory_space<vmem>>, vector<1000x128xf32>,
    %get3A_17 = arith.constant 0 : index
    %get3A_18 = arith.constant 0 : index
    %get3A_19 = vector.load %arg4[%get3A_17, %get3A_18] : memref<128x128xf32, #tpu.memory_space<vmem>>, vector<128x128xf32>
    %dot_general3A_20 = arith.constant dense<0.000000e+00> : vector<1000x128xf32>
    %dot_general3A_21 = tpu.matmul %mul3A, %get3A_19, %dot_general3A_20 {dimension_numbers = #tpu.dot_dimension_numbers<[1], [0], [0], [1], [0, 0, 1, 1], [], []>, transpose_lhs_hint = false} : vector<1000x128xf32>, vector<128x128xf32>, vector<1000x128xf32> -> vector<1000x128xf32>
    %swap3A_22 = arith.constant 0 : index
    %swap3A_23 = arith.constant 0 : index
    %swap3A_24 = vector.load %arg7[%swap3A_22, %swap3A_23] : memref<1000x128xf32, #tpu.memory_space<vmem>>, vector<1000x128xf32>
    tpu.vector_store %arg7[%swap3A_22, %swap3A_23], %dot_general3A_21 {strides = array<i32>} : memref<1000x128xf32, #tpu.memory_space<vmem>>, vector<1000x128xf32>,
    %get3A_25 = arith.constant 0 : index
    %get3A_26 = arith.constant 0 : index
    %get3A_27 = vector.load %arg5[%get3A_25, %get3A_26] : memref<128x128xf32, #tpu.memory_space<vmem>>, vector<128x128xf32>
    %dot_general3A_28 = arith.constant dense<0.000000e+00> : vector<1000x128xf32>
    %dot_general3A_29 = tpu.matmul %mul3A, %get3A_27, %dot_general3A_28 {dimension_numbers = #tpu.dot_dimension_numbers<[1], [0], [0], [1], [0, 0, 1, 1], [], []>, transpose_lhs_hint = false} : vector<1000x128xf32>, vector<128x128xf32>, vector<1000x128xf32> -> vector<1000x128xf32>
    %swap3A_30 = arith.constant 0 : index
    %swap3A_31 = arith.constant 0 : index
    %swap3A_32 = vector.load %arg8[%swap3A_30, %swap3A_31] : memref<1000x128xf32, #tpu.memory_space<vmem>>, vector<1000x128xf32>
    tpu.vector_store %arg8[%swap3A_30, %swap3A_31], %dot_general3A_29 {strides = array<i32>} : memref<1000x128xf32, #tpu.memory_space<vmem>>, vector<1000x128xf32>,
    return
  }
  func.func @transform_0(%arg0: i32) -> (i32, i32) {
    %c0_i32 = arith.constant 0 : i32
    %c0_i32_0 = arith.constant 0 : i32
    return %arg0, %c0_i32 : i32, i32
  }
  func.func @transform_1(%arg0: i32) -> (i32, i32) {
    %c0_i32 = arith.constant 0 : i32
    %c0_i32_0 = arith.constant 0 : i32
    %c0_i32_1 = arith.constant 0 : i32
    return %c0_i32, %c0_i32_0 : i32, i32
  }
  func.func @transform_2(%arg0: i32) -> (i32, i32) {
    %c0_i32 = arith.constant 0 : i32
    %c0_i32_0 = arith.constant 0 : i32
    %c0_i32_1 = arith.constant 0 : i32
    return %c0_i32, %c0_i32_0 : i32, i32
  }
  func.func @transform_3(%arg0: i32) -> (i32, i32) {
    %c0_i32 = arith.constant 0 : i32
    %c0_i32_0 = arith.constant 0 : i32
    %c0_i32_1 = arith.constant 0 : i32
    return %c0_i32, %c0_i32_0 : i32, i32
  }
  func.func @transform_4(%arg0: i32) -> (i32, i32) {
    %c0_i32 = arith.constant 0 : i32
    %c0_i32_0 = arith.constant 0 : i32
    %c0_i32_1 = arith.constant 0 : i32
    return %c0_i32, %c0_i32_0 : i32, i32
  }
  func.func @transform_5(%arg0: i32) -> (i32, i32) {
    %c0_i32 = arith.constant 0 : i32
    %c0_i32_0 = arith.constant 0 : i32
    return %arg0, %c0_i32 : i32, i32
  }
  func.func @transform_6(%arg0: i32) -> (i32, i32) {
    %c0_i32 = arith.constant 0 : i32
    %c0_i32_0 = arith.constant 0 : i32
    return %arg0, %c0_i32 : i32, i32
  }
  func.func @transform_7(%arg0: i32) -> (i32, i32) {
    %c0_i32 = arith.constant 0 : i32
    %c0_i32_0 = arith.constant 0 : i32
    return %arg0, %c0_i32 : i32, i32
  }
}

module attributes {stable_mosaic.version = 14 : i64} {
  func.func @_mid_body(%arg0: i32, %arg1: memref<2x1000x128xf32, #tpu.memory_space<vmem>>, %arg2: memref<2x1000x128xf32, #tpu.memory_space<vmem>>, %arg3: memref<1000x128xf32, #tpu.memory_space<vmem>>, %arg4: memref<1000x128xf32, #tpu.memory_space<vmem>>, %arg5: memref<128x128xf32, #tpu.memory_space<vmem>>, %arg6: memref<1x128xf32, #tpu.memory_space<vmem>>, %arg7: memref<128x128xf32, #tpu.memory_space<vmem>>, %arg8: memref<1x128xf32, #tpu.memory_space<vmem>>, %arg9: memref<128x128xf32, #tpu.memory_space<vmem>>, %arg10: memref<1x128xf32, #tpu.memory_space<vmem>>, %arg11: memref<128x128xf32, #tpu.memory_space<vmem>>, %arg12: memref<1x128xf32, #tpu.memory_space<vmem>>, %arg13: memref<128x128xf32, #tpu.memory_space<vmem>>, %arg14: memref<1x128xf32, #tpu.memory_space<vmem>>, %arg15: memref<128x128xf32, #tpu.memory_space<vmem>>, %arg16: memref<1x128xf32, #tpu.memory_space<vmem>>, %arg17: memref<128x128xf32, #tpu.memory_space<vmem>>, %arg18: memref<1x128xf32, #tpu.memory_space<vmem>>, %arg19: memref<128x128xf32, #tpu.memory_space<vmem>>, %arg20: memref<128x128xf32, #tpu.memory_space<vmem>>, %arg21: memref<1000x128xf32, #tpu.memory_space<vmem>>, %arg22: memref<1000x128xf32, #tpu.memory_space<vmem>>, %arg23: memref<1000x128xf32, #tpu.memory_space<vmem>>) attributes {dimension_semantics = [#tpu.dimension_semantics<arbitrary>], iteration_bounds = array<i64: 10>, scalar_prefetch = 0 : i64, scratch_operands = 0 : i64, tpu.core_type = #tpu.core_type<tc>, window_params = [{transform_indices = @transform_0, window_bounds = array<i64: 2, 1000, 128>}, {transform_indices = @transform_1, window_bounds = array<i64: 2, 1000, 128>}, {transform_indices = @transform_2, window_bounds = array<i64: 1000, 128>}, {transform_indices = @transform_3, window_bounds = array<i64: 1000, 128>}, {pipeline_mode = #tpu.pipeline_mode<synchronous>, transform_indices = @transform_4, window_bounds = array<i64: 128, 128>}, {pipeline_mode = #tpu.pipeline_mode<synchronous>, transform_indices = @transform_5, window_bounds = array<i64: 1, 128>}, {pipeline_mode = #tpu.pipeline_mode<synchronous>, transform_indices = @transform_6, window_bounds = array<i64: 128, 128>}, {pipeline_mode = #tpu.pipeline_mode<synchronous>, transform_indices = @transform_7, window_bounds = array<i64: 1, 128>}, {pipeline_mode = #tpu.pipeline_mode<synchronous>, transform_indices = @transform_8, window_bounds = array<i64: 128, 128>}, {pipeline_mode = #tpu.pipeline_mode<synchronous>, transform_indices = @transform_9, window_bounds = array<i64: 1, 128>}, {pipeline_mode = #tpu.pipeline_mode<synchronous>, transform_indices = @transform_10, window_bounds = array<i64: 128, 128>}, {pipeline_mode = #tpu.pipeline_mode<synchronous>, transform_indices = @transform_11, window_bounds = array<i64: 1, 128>}, {pipeline_mode = #tpu.pipeline_mode<synchronous>, transform_indices = @transform_12, window_bounds = array<i64: 128, 128>}, {pipeline_mode = #tpu.pipeline_mode<synchronous>, transform_indices = @transform_13, window_bounds = array<i64: 1, 128>}, {pipeline_mode = #tpu.pipeline_mode<synchronous>, transform_indices = @transform_14, window_bounds = array<i64: 128, 128>}, {pipeline_mode = #tpu.pipeline_mode<synchronous>, transform_indices = @transform_15, window_bounds = array<i64: 1, 128>}, {pipeline_mode = #tpu.pipeline_mode<synchronous>, transform_indices = @transform_16, window_bounds = array<i64: 128, 128>}, {pipeline_mode = #tpu.pipeline_mode<synchronous>, transform_indices = @transform_17, window_bounds = array<i64: 1, 128>}, {pipeline_mode = #tpu.pipeline_mode<synchronous>, transform_indices = @transform_18, window_bounds = array<i64: 128, 128>}, {pipeline_mode = #tpu.pipeline_mode<synchronous>, transform_indices = @transform_19, window_bounds = array<i64: 128, 128>}, {transform_indices = @transform_20, window_bounds = array<i64: 1000, 128>}, {transform_indices = @transform_21, window_bounds = array<i64: 1000, 128>}, {transform_indices = @transform_22, window_bounds = array<i64: 1000, 128>}]} {
    %get3A = arith.constant 0 : index
    %get3A_0 = arith.constant 0 : index
    %get3A_1 = arith.constant 0 : index
    %get3A_2 = vector.load %arg2[%get3A, %get3A_0, %get3A_1] : memref<2x1000x128xf32, #tpu.memory_space<vmem>>, vector<1x1000x1xf32>
    %get3A_3 = vector.shape_cast %get3A_2 : vector<1x1000x1xf32> to vector<1000x1xf32>
    %get3A_4 = arith.constant 1 : index
    %get3A_5 = arith.constant 0 : index
    %get3A_6 = arith.constant 0 : index
    %get3A_7 = vector.load %arg2[%get3A_4, %get3A_5, %get3A_6] : memref<2x1000x128xf32, #tpu.memory_space<vmem>>, vector<1x1000x1xf32>
    %get3A_8 = vector.shape_cast %get3A_7 : vector<1x1000x1xf32> to vector<1000x1xf32>
    %add3A = arith.addf %get3A_3, %get3A_8 : vector<1000x1xf32>
    %max3A = arith.constant 1.000000e+00 : f32
    %max3A_9 = vector.broadcast %max3A : f32 to vector<1000x1xf32>
    %max3A_10 = arith.maximumf %add3A, %max3A_9 : vector<1000x1xf32>
    %get3A_11 = arith.constant 0 : index
    %get3A_12 = arith.constant 0 : index
    %get3A_13 = arith.constant 0 : index
    %get3A_14 = vector.load %arg1[%get3A_11, %get3A_12, %get3A_13] : memref<2x1000x128xf32, #tpu.memory_space<vmem>>, vector<1x1000x128xf32>
    %get3A_15 = vector.shape_cast %get3A_14 : vector<1x1000x128xf32> to vector<1000x128xf32>
    %get3A_16 = arith.constant 1 : index
    %get3A_17 = arith.constant 0 : index
    %get3A_18 = arith.constant 0 : index
    %get3A_19 = vector.load %arg1[%get3A_16, %get3A_17, %get3A_18] : memref<2x1000x128xf32, #tpu.memory_space<vmem>>, vector<1x1000x128xf32>
    %get3A_20 = vector.shape_cast %get3A_19 : vector<1x1000x128xf32> to vector<1000x128xf32>
    %add3A_21 = arith.addf %get3A_15, %get3A_20 : vector<1000x128xf32>
    %div3A = vector.broadcast %max3A_10 : vector<1000x1xf32> to vector<1000x128xf32>
    %div3A_22 = arith.divf %add3A_21, %div3A : vector<1000x128xf32>
    %get3A_23 = arith.constant 0 : index
    %get3A_24 = arith.constant 0 : index
    %get3A_25 = vector.load %arg3[%get3A_23, %get3A_24] : memref<1000x128xf32, #tpu.memory_space<vmem>>, vector<1000x128xf32>
    %add3A_26 = arith.addf %div3A_22, %get3A_25 : vector<1000x128xf32>
    %get3A_27 = arith.constant 0 : index
    %get3A_28 = arith.constant 0 : index
    %get3A_29 = vector.load %arg5[%get3A_27, %get3A_28] : memref<128x128xf32, #tpu.memory_space<vmem>>, vector<128x128xf32>
    %dot_general3A = arith.constant dense<0.000000e+00> : vector<1000x128xf32>
    %dot_general3A_30 = tpu.matmul %add3A_26, %get3A_29, %dot_general3A {dimension_numbers = #tpu.dot_dimension_numbers<[1], [0], [0], [1], [0, 0, 1, 1], [], []>, transpose_lhs_hint = false} : vector<1000x128xf32>, vector<128x128xf32>, vector<1000x128xf32> -> vector<1000x128xf32>
    %get3A_31 = arith.constant 0 : index
    %get3A_32 = arith.constant 0 : index
    %get3A_33 = vector.load %arg6[%get3A_31, %get3A_32] : memref<1x128xf32, #tpu.memory_space<vmem>>, vector<1x128xf32>
    %add3A_34 = vector.broadcast %get3A_33 : vector<1x128xf32> to vector<1000x128xf32>
    %add3A_35 = arith.addf %dot_general3A_30, %add3A_34 : vector<1000x128xf32>
    %logistic3A = arith.negf %add3A_35 : vector<1000x128xf32>
    %logistic3A_36 = math.exp %logistic3A : vector<1000x128xf32>
    %logistic3A_37 = arith.constant 1.000000e+00 : f32
    %logistic3A_38 = vector.broadcast %logistic3A_37 : f32 to vector<1000x128xf32>
    %logistic3A_39 = arith.addf %logistic3A_38, %logistic3A_36 : vector<1000x128xf32>
    %logistic3A_40 = arith.divf %logistic3A_38, %logistic3A_39 : vector<1000x128xf32>
    %mul3A = arith.mulf %add3A_35, %logistic3A_40 : vector<1000x128xf32>
    %get3A_41 = arith.constant 0 : index
    %get3A_42 = arith.constant 0 : index
    %get3A_43 = vector.load %arg7[%get3A_41, %get3A_42] : memref<128x128xf32, #tpu.memory_space<vmem>>, vector<128x128xf32>
    %dot_general3A_44 = arith.constant dense<0.000000e+00> : vector<1000x128xf32>
    %dot_general3A_45 = tpu.matmul %mul3A, %get3A_43, %dot_general3A_44 {dimension_numbers = #tpu.dot_dimension_numbers<[1], [0], [0], [1], [0, 0, 1, 1], [], []>, transpose_lhs_hint = false} : vector<1000x128xf32>, vector<128x128xf32>, vector<1000x128xf32> -> vector<1000x128xf32>
    %get3A_46 = arith.constant 0 : index
    %get3A_47 = arith.constant 0 : index
    %get3A_48 = vector.load %arg8[%get3A_46, %get3A_47] : memref<1x128xf32, #tpu.memory_space<vmem>>, vector<1x128xf32>
    %add3A_49 = vector.broadcast %get3A_48 : vector<1x128xf32> to vector<1000x128xf32>
    %add3A_50 = arith.addf %dot_general3A_45, %add3A_49 : vector<1000x128xf32>
    %logistic3A_51 = arith.negf %add3A_50 : vector<1000x128xf32>
    %logistic3A_52 = math.exp %logistic3A_51 : vector<1000x128xf32>
    %logistic3A_53 = arith.constant 1.000000e+00 : f32
    %logistic3A_54 = vector.broadcast %logistic3A_53 : f32 to vector<1000x128xf32>
    %logistic3A_55 = arith.addf %logistic3A_54, %logistic3A_52 : vector<1000x128xf32>
    %logistic3A_56 = arith.divf %logistic3A_54, %logistic3A_55 : vector<1000x128xf32>
    %mul3A_57 = arith.mulf %add3A_50, %logistic3A_56 : vector<1000x128xf32>
    %add3A_58 = arith.addf %mul3A_57, %add3A_26 : vector<1000x128xf32>
    %get3A_59 = arith.constant 0 : index
    %get3A_60 = arith.constant 0 : index
    %get3A_61 = vector.load %arg9[%get3A_59, %get3A_60] : memref<128x128xf32, #tpu.memory_space<vmem>>, vector<128x128xf32>
    %dot_general3A_62 = arith.constant dense<0.000000e+00> : vector<1000x128xf32>
    %dot_general3A_63 = tpu.matmul %add3A_58, %get3A_61, %dot_general3A_62 {dimension_numbers = #tpu.dot_dimension_numbers<[1], [0], [0], [1], [0, 0, 1, 1], [], []>, transpose_lhs_hint = false} : vector<1000x128xf32>, vector<128x128xf32>, vector<1000x128xf32> -> vector<1000x128xf32>
    %get3A_64 = arith.constant 0 : index
    %get3A_65 = arith.constant 0 : index
    %get3A_66 = vector.load %arg10[%get3A_64, %get3A_65] : memref<1x128xf32, #tpu.memory_space<vmem>>, vector<1x128xf32>
    %add3A_67 = vector.broadcast %get3A_66 : vector<1x128xf32> to vector<1000x128xf32>
    %add3A_68 = arith.addf %dot_general3A_63, %add3A_67 : vector<1000x128xf32>
    %logistic3A_69 = arith.negf %add3A_68 : vector<1000x128xf32>
    %logistic3A_70 = math.exp %logistic3A_69 : vector<1000x128xf32>
    %logistic3A_71 = arith.constant 1.000000e+00 : f32
    %logistic3A_72 = vector.broadcast %logistic3A_71 : f32 to vector<1000x128xf32>
    %logistic3A_73 = arith.addf %logistic3A_72, %logistic3A_70 : vector<1000x128xf32>
    %logistic3A_74 = arith.divf %logistic3A_72, %logistic3A_73 : vector<1000x128xf32>
    %mul3A_75 = arith.mulf %add3A_68, %logistic3A_74 : vector<1000x128xf32>
    %get3A_76 = arith.constant 0 : index
    %get3A_77 = arith.constant 0 : index
    %get3A_78 = vector.load %arg4[%get3A_76, %get3A_77] : memref<1000x128xf32, #tpu.memory_space<vmem>>, vector<1000x128xf32>
    %add3A_79 = arith.addf %mul3A_75, %get3A_78 : vector<1000x128xf32>
    %get3A_80 = arith.constant 0 : index
    %get3A_81 = arith.constant 0 : index
    %get3A_82 = vector.load %arg11[%get3A_80, %get3A_81] : memref<128x128xf32, #tpu.memory_space<vmem>>, vector<128x128xf32>
    %dot_general3A_83 = arith.constant dense<0.000000e+00> : vector<1000x128xf32>
    %dot_general3A_84 = tpu.matmul %add3A_79, %get3A_82, %dot_general3A_83 {dimension_numbers = #tpu.dot_dimension_numbers<[1], [0], [0], [1], [0, 0, 1, 1], [], []>, transpose_lhs_hint = false} : vector<1000x128xf32>, vector<128x128xf32>, vector<1000x128xf32> -> vector<1000x128xf32>
    %get3A_85 = arith.constant 0 : index
    %get3A_86 = arith.constant 0 : index
    %get3A_87 = vector.load %arg12[%get3A_85, %get3A_86] : memref<1x128xf32, #tpu.memory_space<vmem>>, vector<1x128xf32>
    %add3A_88 = vector.broadcast %get3A_87 : vector<1x128xf32> to vector<1000x128xf32>
    %add3A_89 = arith.addf %dot_general3A_84, %add3A_88 : vector<1000x128xf32>
    %logistic3A_90 = arith.negf %add3A_89 : vector<1000x128xf32>
    %logistic3A_91 = math.exp %logistic3A_90 : vector<1000x128xf32>
    %logistic3A_92 = arith.constant 1.000000e+00 : f32
    %logistic3A_93 = vector.broadcast %logistic3A_92 : f32 to vector<1000x128xf32>
    %logistic3A_94 = arith.addf %logistic3A_93, %logistic3A_91 : vector<1000x128xf32>
    %logistic3A_95 = arith.divf %logistic3A_93, %logistic3A_94 : vector<1000x128xf32>
    %mul3A_96 = arith.mulf %add3A_89, %logistic3A_95 : vector<1000x128xf32>
    %get3A_97 = arith.constant 0 : index
    %get3A_98 = arith.constant 0 : index
    %get3A_99 = vector.load %arg13[%get3A_97, %get3A_98] : memref<128x128xf32, #tpu.memory_space<vmem>>, vector<128x128xf32>
    %dot_general3A_100 = arith.constant dense<0.000000e+00> : vector<1000x128xf32>
    %dot_general3A_101 = tpu.matmul %mul3A_96, %get3A_99, %dot_general3A_100 {dimension_numbers = #tpu.dot_dimension_numbers<[1], [0], [0], [1], [0, 0, 1, 1], [], []>, transpose_lhs_hint = false} : vector<1000x128xf32>, vector<128x128xf32>, vector<1000x128xf32> -> vector<1000x128xf32>
    %get3A_102 = arith.constant 0 : index
    %get3A_103 = arith.constant 0 : index
    %get3A_104 = vector.load %arg14[%get3A_102, %get3A_103] : memref<1x128xf32, #tpu.memory_space<vmem>>, vector<1x128xf32>
    %add3A_105 = vector.broadcast %get3A_104 : vector<1x128xf32> to vector<1000x128xf32>
    %add3A_106 = arith.addf %dot_general3A_101, %add3A_105 : vector<1000x128xf32>
    %logistic3A_107 = arith.negf %add3A_106 : vector<1000x128xf32>
    %logistic3A_108 = math.exp %logistic3A_107 : vector<1000x128xf32>
    %logistic3A_109 = arith.constant 1.000000e+00 : f32
    %logistic3A_110 = vector.broadcast %logistic3A_109 : f32 to vector<1000x128xf32>
    %logistic3A_111 = arith.addf %logistic3A_110, %logistic3A_108 : vector<1000x128xf32>
    %logistic3A_112 = arith.divf %logistic3A_110, %logistic3A_111 : vector<1000x128xf32>
    %mul3A_113 = arith.mulf %add3A_106, %logistic3A_112 : vector<1000x128xf32>
    %add3A_114 = arith.addf %mul3A_113, %add3A_79 : vector<1000x128xf32>
    %get3A_115 = arith.constant 0 : index
    %get3A_116 = arith.constant 0 : index
    %get3A_117 = vector.load %arg15[%get3A_115, %get3A_116] : memref<128x128xf32, #tpu.memory_space<vmem>>, vector<128x128xf32>
    %dot_general3A_118 = arith.constant dense<0.000000e+00> : vector<1000x128xf32>
    %dot_general3A_119 = tpu.matmul %add3A_114, %get3A_117, %dot_general3A_118 {dimension_numbers = #tpu.dot_dimension_numbers<[1], [0], [0], [1], [0, 0, 1, 1], [], []>, transpose_lhs_hint = false} : vector<1000x128xf32>, vector<128x128xf32>, vector<1000x128xf32> -> vector<1000x128xf32>
    %get3A_120 = arith.constant 0 : index
    %get3A_121 = arith.constant 0 : index
    %get3A_122 = vector.load %arg16[%get3A_120, %get3A_121] : memref<1x128xf32, #tpu.memory_space<vmem>>, vector<1x128xf32>
    %add3A_123 = vector.broadcast %get3A_122 : vector<1x128xf32> to vector<1000x128xf32>
    %add3A_124 = arith.addf %dot_general3A_119, %add3A_123 : vector<1000x128xf32>
    %logistic3A_125 = arith.negf %add3A_124 : vector<1000x128xf32>
    %logistic3A_126 = math.exp %logistic3A_125 : vector<1000x128xf32>
    %logistic3A_127 = arith.constant 1.000000e+00 : f32
    %logistic3A_128 = vector.broadcast %logistic3A_127 : f32 to vector<1000x128xf32>
    %logistic3A_129 = arith.addf %logistic3A_128, %logistic3A_126 : vector<1000x128xf32>
    %logistic3A_130 = arith.divf %logistic3A_128, %logistic3A_129 : vector<1000x128xf32>
    %mul3A_131 = arith.mulf %add3A_124, %logistic3A_130 : vector<1000x128xf32>
    %get3A_132 = arith.constant 0 : index
    %get3A_133 = arith.constant 0 : index
    %get3A_134 = vector.load %arg17[%get3A_132, %get3A_133] : memref<128x128xf32, #tpu.memory_space<vmem>>, vector<128x128xf32>
    %dot_general3A_135 = arith.constant dense<0.000000e+00> : vector<1000x128xf32>
    %dot_general3A_136 = tpu.matmul %mul3A_131, %get3A_134, %dot_general3A_135 {dimension_numbers = #tpu.dot_dimension_numbers<[1], [0], [0], [1], [0, 0, 1, 1], [], []>, transpose_lhs_hint = false} : vector<1000x128xf32>, vector<128x128xf32>, vector<1000x128xf32> -> vector<1000x128xf32>
    %get3A_137 = arith.constant 0 : index
    %get3A_138 = arith.constant 0 : index
    %get3A_139 = vector.load %arg18[%get3A_137, %get3A_138] : memref<1x128xf32, #tpu.memory_space<vmem>>, vector<1x128xf32>
    %add3A_140 = vector.broadcast %get3A_139 : vector<1x128xf32> to vector<1000x128xf32>
    %add3A_141 = arith.addf %dot_general3A_136, %add3A_140 : vector<1000x128xf32>
    %logistic3A_142 = arith.negf %add3A_141 : vector<1000x128xf32>
    %logistic3A_143 = math.exp %logistic3A_142 : vector<1000x128xf32>
    %logistic3A_144 = arith.constant 1.000000e+00 : f32
    %logistic3A_145 = vector.broadcast %logistic3A_144 : f32 to vector<1000x128xf32>
    %logistic3A_146 = arith.addf %logistic3A_145, %logistic3A_143 : vector<1000x128xf32>
    %logistic3A_147 = arith.divf %logistic3A_145, %logistic3A_146 : vector<1000x128xf32>
    %mul3A_148 = arith.mulf %add3A_141, %logistic3A_147 : vector<1000x128xf32>
    %add3A_149 = arith.addf %mul3A_148, %add3A_114 : vector<1000x128xf32>
    %swap3A = arith.constant 0 : index
    %swap3A_150 = arith.constant 0 : index
    %swap3A_151 = vector.load %arg21[%swap3A, %swap3A_150] : memref<1000x128xf32, #tpu.memory_space<vmem>>, vector<1000x128xf32>
    tpu.vector_store %arg21[%swap3A, %swap3A_150], %add3A_149 {strides = array<i32>} : memref<1000x128xf32, #tpu.memory_space<vmem>>, vector<1000x128xf32>,
    %get3A_152 = arith.constant 0 : index
    %get3A_153 = arith.constant 0 : index
    %get3A_154 = vector.load %arg19[%get3A_152, %get3A_153] : memref<128x128xf32, #tpu.memory_space<vmem>>, vector<128x128xf32>
    %dot_general3A_155 = arith.constant dense<0.000000e+00> : vector<1000x128xf32>
    %dot_general3A_156 = tpu.matmul %add3A_149, %get3A_154, %dot_general3A_155 {dimension_numbers = #tpu.dot_dimension_numbers<[1], [0], [0], [1], [0, 0, 1, 1], [], []>, transpose_lhs_hint = false} : vector<1000x128xf32>, vector<128x128xf32>, vector<1000x128xf32> -> vector<1000x128xf32>
    %swap3A_157 = arith.constant 0 : index
    %swap3A_158 = arith.constant 0 : index
    %swap3A_159 = vector.load %arg22[%swap3A_157, %swap3A_158] : memref<1000x128xf32, #tpu.memory_space<vmem>>, vector<1000x128xf32>
    tpu.vector_store %arg22[%swap3A_157, %swap3A_158], %dot_general3A_156 {strides = array<i32>} : memref<1000x128xf32, #tpu.memory_space<vmem>>, vector<1000x128xf32>,
    %get3A_160 = arith.constant 0 : index
    %get3A_161 = arith.constant 0 : index
    %get3A_162 = vector.load %arg20[%get3A_160, %get3A_161] : memref<128x128xf32, #tpu.memory_space<vmem>>, vector<128x128xf32>
    %dot_general3A_163 = arith.constant dense<0.000000e+00> : vector<1000x128xf32>
    %dot_general3A_164 = tpu.matmul %add3A_149, %get3A_162, %dot_general3A_163 {dimension_numbers = #tpu.dot_dimension_numbers<[1], [0], [0], [1], [0, 0, 1, 1], [], []>, transpose_lhs_hint = false} : vector<1000x128xf32>, vector<128x128xf32>, vector<1000x128xf32> -> vector<1000x128xf32>
    %swap3A_165 = arith.constant 0 : index
    %swap3A_166 = arith.constant 0 : index
    %swap3A_167 = vector.load %arg23[%swap3A_165, %swap3A_166] : memref<1000x128xf32, #tpu.memory_space<vmem>>, vector<1000x128xf32>
    tpu.vector_store %arg23[%swap3A_165, %swap3A_166], %dot_general3A_164 {strides = array<i32>} : memref<1000x128xf32, #tpu.memory_space<vmem>>, vector<1000x128xf32>,
    return
  }
  func.func @transform_0(%arg0: i32) -> (i32, i32, i32) {
    %c0_i32 = arith.constant 0 : i32
    %c0_i32_0 = arith.constant 0 : i32
    %c0_i32_1 = arith.constant 0 : i32
    return %c0_i32, %arg0, %c0_i32_0 : i32, i32, i32
  }
  func.func @transform_1(%arg0: i32) -> (i32, i32, i32) {
    %c0_i32 = arith.constant 0 : i32
    %c0_i32_0 = arith.constant 0 : i32
    %c0_i32_1 = arith.constant 0 : i32
    return %c0_i32, %arg0, %c0_i32_0 : i32, i32, i32
  }
  func.func @transform_2(%arg0: i32) -> (i32, i32) {
    %c0_i32 = arith.constant 0 : i32
    %c0_i32_0 = arith.constant 0 : i32
    return %arg0, %c0_i32 : i32, i32
  }
  func.func @transform_3(%arg0: i32) -> (i32, i32) {
    %c0_i32 = arith.constant 0 : i32
    %c0_i32_0 = arith.constant 0 : i32
    return %arg0, %c0_i32 : i32, i32
  }
  func.func @transform_4(%arg0: i32) -> (i32, i32) {
    %c0_i32 = arith.constant 0 : i32
    %c0_i32_0 = arith.constant 0 : i32
    %c0_i32_1 = arith.constant 0 : i32
    return %c0_i32, %c0_i32_0 : i32, i32
  }
  func.func @transform_5(%arg0: i32) -> (i32, i32) {
    %c0_i32 = arith.constant 0 : i32
    %c0_i32_0 = arith.constant 0 : i32
    %c0_i32_1 = arith.constant 0 : i32
    return %c0_i32, %c0_i32_0 : i32, i32
  }
  func.func @transform_6(%arg0: i32) -> (i32, i32) {
    %c0_i32 = arith.constant 0 : i32
    %c0_i32_0 = arith.constant 0 : i32
    %c0_i32_1 = arith.constant 0 : i32
    return %c0_i32, %c0_i32_0 : i32, i32
  }
  func.func @transform_7(%arg0: i32) -> (i32, i32) {
    %c0_i32 = arith.constant 0 : i32
    %c0_i32_0 = arith.constant 0 : i32
    %c0_i32_1 = arith.constant 0 : i32
    return %c0_i32, %c0_i32_0 : i32, i32
  }
  func.func @transform_8(%arg0: i32) -> (i32, i32) {
    %c0_i32 = arith.constant 0 : i32
    %c0_i32_0 = arith.constant 0 : i32
    %c0_i32_1 = arith.constant 0 : i32
    return %c0_i32, %c0_i32_0 : i32, i32
  }
  func.func @transform_9(%arg0: i32) -> (i32, i32) {
    %c0_i32 = arith.constant 0 : i32
    %c0_i32_0 = arith.constant 0 : i32
    %c0_i32_1 = arith.constant 0 : i32
    return %c0_i32, %c0_i32_0 : i32, i32
  }
  func.func @transform_10(%arg0: i32) -> (i32, i32) {
    %c0_i32 = arith.constant 0 : i32
    %c0_i32_0 = arith.constant 0 : i32
    %c0_i32_1 = arith.constant 0 : i32
    return %c0_i32, %c0_i32_0 : i32, i32
  }
  func.func @transform_11(%arg0: i32) -> (i32, i32) {
    %c0_i32 = arith.constant 0 : i32
    %c0_i32_0 = arith.constant 0 : i32
    %c0_i32_1 = arith.constant 0 : i32
    return %c0_i32, %c0_i32_0 : i32, i32
  }
  func.func @transform_12(%arg0: i32) -> (i32, i32) {
    %c0_i32 = arith.constant 0 : i32
    %c0_i32_0 = arith.constant 0 : i32
    %c0_i32_1 = arith.constant 0 : i32
    return %c0_i32, %c0_i32_0 : i32, i32
  }
  func.func @transform_13(%arg0: i32) -> (i32, i32) {
    %c0_i32 = arith.constant 0 : i32
    %c0_i32_0 = arith.constant 0 : i32
    %c0_i32_1 = arith.constant 0 : i32
    return %c0_i32, %c0_i32_0 : i32, i32
  }
  func.func @transform_14(%arg0: i32) -> (i32, i32) {
    %c0_i32 = arith.constant 0 : i32
    %c0_i32_0 = arith.constant 0 : i32
    %c0_i32_1 = arith.constant 0 : i32
    return %c0_i32, %c0_i32_0 : i32, i32
  }
  func.func @transform_15(%arg0: i32) -> (i32, i32) {
    %c0_i32 = arith.constant 0 : i32
    %c0_i32_0 = arith.constant 0 : i32
    %c0_i32_1 = arith.constant 0 : i32
    return %c0_i32, %c0_i32_0 : i32, i32
  }
  func.func @transform_16(%arg0: i32) -> (i32, i32) {
    %c0_i32 = arith.constant 0 : i32
    %c0_i32_0 = arith.constant 0 : i32
    %c0_i32_1 = arith.constant 0 : i32
    return %c0_i32, %c0_i32_0 : i32, i32
  }
  func.func @transform_17(%arg0: i32) -> (i32, i32) {
    %c0_i32 = arith.constant 0 : i32
    %c0_i32_0 = arith.constant 0 : i32
    %c0_i32_1 = arith.constant 0 : i32
    return %c0_i32, %c0_i32_0 : i32, i32
  }
  func.func @transform_18(%arg0: i32) -> (i32, i32) {
    %c0_i32 = arith.constant 0 : i32
    %c0_i32_0 = arith.constant 0 : i32
    %c0_i32_1 = arith.constant 0 : i32
    return %c0_i32, %c0_i32_0 : i32, i32
  }
  func.func @transform_19(%arg0: i32) -> (i32, i32) {
    %c0_i32 = arith.constant 0 : i32
    %c0_i32_0 = arith.constant 0 : i32
    %c0_i32_1 = arith.constant 0 : i32
    return %c0_i32, %c0_i32_0 : i32, i32
  }
  func.func @transform_20(%arg0: i32) -> (i32, i32) {
    %c0_i32 = arith.constant 0 : i32
    %c0_i32_0 = arith.constant 0 : i32
    return %arg0, %c0_i32 : i32, i32
  }
  func.func @transform_21(%arg0: i32) -> (i32, i32) {
    %c0_i32 = arith.constant 0 : i32
    %c0_i32_0 = arith.constant 0 : i32
    return %arg0, %c0_i32 : i32, i32
  }
  func.func @transform_22(%arg0: i32) -> (i32, i32) {
    %c0_i32 = arith.constant 0 : i32
    %c0_i32_0 = arith.constant 0 : i32
    return %arg0, %c0_i32 : i32, i32
  }
}

module attributes {stable_mosaic.version = 14 : i64} {
  func.func @_final_body(%arg0: i32, %arg1: memref<2x1000x128xf32, #tpu.memory_space<vmem>>, %arg2: memref<2x1000x128xf32, #tpu.memory_space<vmem>>, %arg3: memref<1000x128xf32, #tpu.memory_space<vmem>>, %arg4: memref<1000x128xf32, #tpu.memory_space<vmem>>) attributes {dimension_semantics = [#tpu.dimension_semantics<arbitrary>], iteration_bounds = array<i64: 10>, scalar_prefetch = 0 : i64, scratch_operands = 0 : i64, tpu.core_type = #tpu.core_type<tc>, window_params = [{transform_indices = @transform_0, window_bounds = array<i64: 2, 1000, 128>}, {transform_indices = @transform_1, window_bounds = array<i64: 2, 1000, 128>}, {transform_indices = @transform_2, window_bounds = array<i64: 1000, 128>}, {transform_indices = @transform_3, window_bounds = array<i64: 1000, 128>}]} {
    %get3A = arith.constant 0 : index
    %get3A_0 = arith.constant 0 : index
    %get3A_1 = arith.constant 0 : index
    %get3A_2 = vector.load %arg2[%get3A, %get3A_0, %get3A_1] : memref<2x1000x128xf32, #tpu.memory_space<vmem>>, vector<1x1000x1xf32>
    %get3A_3 = vector.shape_cast %get3A_2 : vector<1x1000x1xf32> to vector<1000x1xf32>
    %get3A_4 = arith.constant 1 : index
    %get3A_5 = arith.constant 0 : index
    %get3A_6 = arith.constant 0 : index
    %get3A_7 = vector.load %arg2[%get3A_4, %get3A_5, %get3A_6] : memref<2x1000x128xf32, #tpu.memory_space<vmem>>, vector<1x1000x1xf32>
    %get3A_8 = vector.shape_cast %get3A_7 : vector<1x1000x1xf32> to vector<1000x1xf32>
    %add3A = arith.addf %get3A_3, %get3A_8 : vector<1000x1xf32>
    %max3A = arith.constant 1.000000e+00 : f32
    %max3A_9 = vector.broadcast %max3A : f32 to vector<1000x1xf32>
    %max3A_10 = arith.maximumf %add3A, %max3A_9 : vector<1000x1xf32>
    %get3A_11 = arith.constant 0 : index
    %get3A_12 = arith.constant 0 : index
    %get3A_13 = arith.constant 0 : index
    %get3A_14 = vector.load %arg1[%get3A_11, %get3A_12, %get3A_13] : memref<2x1000x128xf32, #tpu.memory_space<vmem>>, vector<1x1000x128xf32>
    %get3A_15 = vector.shape_cast %get3A_14 : vector<1x1000x128xf32> to vector<1000x128xf32>
    %get3A_16 = arith.constant 1 : index
    %get3A_17 = arith.constant 0 : index
    %get3A_18 = arith.constant 0 : index
    %get3A_19 = vector.load %arg1[%get3A_16, %get3A_17, %get3A_18] : memref<2x1000x128xf32, #tpu.memory_space<vmem>>, vector<1x1000x128xf32>
    %get3A_20 = vector.shape_cast %get3A_19 : vector<1x1000x128xf32> to vector<1000x128xf32>
    %add3A_21 = arith.addf %get3A_15, %get3A_20 : vector<1000x128xf32>
    %div3A = vector.broadcast %max3A_10 : vector<1000x1xf32> to vector<1000x128xf32>
    %div3A_22 = arith.divf %add3A_21, %div3A : vector<1000x128xf32>
    %get3A_23 = arith.constant 0 : index
    %get3A_24 = arith.constant 0 : index
    %get3A_25 = vector.load %arg3[%get3A_23, %get3A_24] : memref<1000x128xf32, #tpu.memory_space<vmem>>, vector<1000x128xf32>
    %add3A_26 = arith.addf %div3A_22, %get3A_25 : vector<1000x128xf32>
    %swap3A = arith.constant 0 : index
    %swap3A_27 = arith.constant 0 : index
    %swap3A_28 = vector.load %arg4[%swap3A, %swap3A_27] : memref<1000x128xf32, #tpu.memory_space<vmem>>, vector<1000x128xf32>
    tpu.vector_store %arg4[%swap3A, %swap3A_27], %add3A_26 {strides = array<i32>} : memref<1000x128xf32, #tpu.memory_space<vmem>>, vector<1000x128xf32>,
    return
  }
  func.func @transform_0(%arg0: i32) -> (i32, i32, i32) {
    %c0_i32 = arith.constant 0 : i32
    %c0_i32_0 = arith.constant 0 : i32
    %c0_i32_1 = arith.constant 0 : i32
    return %c0_i32, %arg0, %c0_i32_0 : i32, i32, i32
  }
  func.func @transform_1(%arg0: i32) -> (i32, i32, i32) {
    %c0_i32 = arith.constant 0 : i32
    %c0_i32_0 = arith.constant 0 : i32
    %c0_i32_1 = arith.constant 0 : i32
    return %c0_i32, %arg0, %c0_i32_0 : i32, i32, i32
  }
  func.func @transform_2(%arg0: i32) -> (i32, i32) {
    %c0_i32 = arith.constant 0 : i32
    %c0_i32_0 = arith.constant 0 : i32
    return %arg0, %c0_i32 : i32, i32
  }
  func.func @transform_3(%arg0: i32) -> (i32, i32) {
    %c0_i32 = arith.constant 0 : i32
    %c0_i32_0 = arith.constant 0 : i32
    return %arg0, %c0_i32 : i32, i32
  }
}

</mosaic_0001>

<sc_bundles>
// kernel: kernel.12.cloned.1.call-start
scs
__scs_entry_jumppad:
0x0: {  	(pc) =	sbr.rel $0x88, $3  }
0x1: {  	(tag) =	ssettag $0x0;
	lr =	simm.s32 $0x1  }
0x2: {  	[smem:$0x3F8B] =	sst lr;
	_ =	strace $0xD0000000  }
0x3: {  	_ = 	snop  }
0x4: {  	_ = 	snop  }
0x5: {  	_ = 	snop  }
0x6: {  	_ = 	snop  }
0x7: {  	_ = 	snop  }
__scs_overlays_trampoline_lowered:
0x8: {  	[smem:$0x3F9A] =	sst s0  }
0x9: {  	[smem:$0x3F9B] =	sst s1  }
0xa: {  	[smem:$0x3F9C] =	sst s2  }
0xb: {  	[smem:$0x3F9D] =	sst s3  }
0xc: {  	[smem:$0x3F9E] =	sst s4  }
0xd: {  	[smem:$0x3F9F] =	sst s5  }
0xe: {  	[smem:$0x3FA0] =	sst s6  }
0xf: {  	[smem:$0x3FA1] =	sst s7  }
0x10: {  	[smem:$0x3FA2] =	sst s8  }
0x11: {  	[smem:$0x3FA3] =	sst s9;
	s0 =	simm.s32 @!p0 $0x0  }
0x12: {  	s1 =	sld [smem:$0x3F89];
	s0 =	simm.s32 @p0 $0x1  }
0x13: {  	[smem:$0x3FA4] =	sst s0;
	s0 =	simm.s32 @!p1 $0x0  }
0x14: {  	s2 =	sld [smem:$0x3F88];
	s0 =	simm.s32 @p1 $0x1  }
0x15: {  	[smem:$0x3FA5] =	sst s0;
	s0 =	simm.s32 @!p2 $0x0  }
0x16: {  	s3 =	sld [smem:$0x3FDB];
	s0 =	simm.s32 @p2 $0x1  }
0x17: {  	s4 =	simm.s32 $0x1BF5;
	[smem:$0x3FA7] =	sst s0  }
0x18: {  	s0 =	sld [smem:$0x3F8A];
	_ =	swait.ge [sflag:s4], $0x0  }
0x19: {  	s7 =	sld [smem:$0x3F8B]  }
0x1a: {  	s8 =	sadd.s32 $0xFFFFE003, lr  }
0x1b: {  	s9 =	sadd.s32 $0xFFFFFEF7, lr;
	s5 =	simm.s32 $0xFFFFFFFF;
	p2 =	slt.u32 s8, $0xFFFFF086  }
0x1c: {  	p1 =	slt.u32 s9, $0xF7A;
	s5 =	simm.s32 @!p2 $0x0  }
0x1d: {  	s5 =	simm.s32 @p1 $0x1;
	p0 =	seq.s32 s7, s2  }
0x1e: {  	s7 =	smul.u32 @!p0 $0xF7A, s2;
	p2 =	seq.s32 @!p0 s5, $0x0  }
0x1f: {  	s9 =	smul.u32 $0xF7A, s1;
	s8 =	simm.s32 @!p0 $0x1BF5;
	p2 =	por !p2, p0  }
0x20: {  	[sflag:s8] =	ssyncset.s32 @!p0 $0xFFFFF086;
	s6 =	sadd.s32 @!p0 s3, s7;
	s7 =	simm.s32 @!p0 $0x108  }
0x21: {  	s3 =	sadd.s32 s3, s9;
	s6 =	sadd.s32 @!p0 $0x88, s6;
	s7 =	simm.s32 @p2 $0x1082  }
0x22: {  	[simem:s7], [sflag:s8] =	dma.local @!p0 [hbm:s6], $0xF7A  }
0x23: {  	s9 =	sor.u32 $0xD0000000, s2;
	s6 =	simm.s32 $0x108;
	_ =	swait.ge @!p0 [sflag:s8], $0x0  }
0x24: {  	s3 =	sadd.s32 $0x88, s3;
	s6 =	simm.s32 @!p1 $0x1082;
	[sflag:s4] =	ssyncset.s32 $0xFFFFF086  }
0x25: {  	[simem:s6], [sflag:s4] =	dma.local [hbm:s3], $0xF7A  }
0x26: {  	[smem:$0x3F8B] =	sst s1;
	(tag) =	ssettag s2;
	_ =	strace s9  }
0x27: {  	s1 =	sld [smem:$0x3F9B]  }
0x28: {  	s2 =	sld [smem:$0x3F9C]  }
0x29: {  	s4 =	sld [smem:$0x3F9E]  }
0x2a: {  	p0 =	seq.s32 s5, $0x0;
	s5 =	sld [smem:$0x3F9F]  }
0x2b: {  	s6 =	sld [smem:$0x3FA0]  }
0x2c: {  	s7 =	sld [smem:$0x3FA1]  }
0x2d: {  	s3 =	simm.s32 $0x108;
	s8 =	sld [smem:$0x3FA2]  }
0x2e: {  	s3 =	simm.s32 @!p0 $0x1082;
	s9 =	sld [smem:$0x3FA3]  }
0x2f: {  	lr =	sadd.s32 s0, s3;
	s0 =	sld [smem:$0x3F9A]  }
0x30: {  	s3 =	sld [smem:$0x3F9D]  }
0x31: {  	[smem:$0x3FA6] =	sst s10  }
0x32: {  	s10 =	sld [smem:$0x3FA4];
	_ =	sdelay $0x3  }
0x33: {  	p0 =	seq.s32 s10, $0x1;
	s10 =	sld [smem:$0x3FA6];
	_ =	sdelay $0x3  }
0x34: {  	[smem:$0x3FA6] =	sst s10  }
0x35: {  	s10 =	sld [smem:$0x3FA5];
	_ =	sdelay $0x3  }
0x36: {  	p1 =	seq.s32 s10, $0x1;
	s10 =	sld [smem:$0x3FA6];
	_ =	sdelay $0x3  }
0x37: {  	[smem:$0x3FA6] =	sst s10  }
0x38: {  	s10 =	sld [smem:$0x3FA7]  }
0x39: {  	_ = 	snop;
	(pc) =	sbr.ind lr, $3  }
0x3a: {  	_ = 	snop  }
0x3b: {  	_ = 	snop  }
0x3c: {  	p2 =	seq.s32 s10, $0x1;
	s10 =	sld [smem:$0x3FA6]  }
0x3d: {  	_ =	shalt  }
0x3e: {  	_ =	shalt  }
0x3f: {  	_ =	shalt  }
0x40: {  	_ =	shalt  }
0x41: {  	_ =	shalt  }
0x42: {  	_ =	shalt  }
0x43: {  	_ =	shalt  }
0x44: {  	_ =	shalt  }
0x45: {  	_ =	shalt  }
0x46: {  	_ =	shalt  }
0x47: {  	_ =	shalt  }
0x48: {  	_ =	shalt  }
0x49: {  	_ =	shalt  }
0x4a: {  	_ =	shalt  }
0x4b: {  	_ =	shalt  }
0x4c: {  	_ =	shalt  }
0x4d: {  	_ =	shalt  }
0x4e: {  	_ =	shalt  }
0x4f: {  	_ =	shalt  }
0x50: {  	_ =	shalt  }
0x51: {  	_ =	shalt  }
0x52: {  	_ =	shalt  }
0x53: {  	_ =	shalt  }
0x54: {  	_ =	shalt  }
0x55: {  	_ =	shalt  }
0x56: {  	_ =	shalt  }
0x57: {  	_ =	shalt  }
0x58: {  	_ =	shalt  }
0x59: {  	_ =	shalt  }
0x5a: {  	_ =	shalt  }
0x5b: {  	_ =	shalt  }
0x5c: {  	_ =	shalt  }
0x5d: {  	_ =	shalt  }
0x5e: {  	_ =	shalt  }
0x5f: {  	_ =	shalt  }
0x60: {  	_ =	shalt  }
0x61: {  	_ =	shalt  }
0x62: {  	_ =	shalt  }
0x63: {  	_ =	shalt  }
0x64: {  	_ =	shalt  }
0x65: {  	_ =	shalt  }
0x66: {  	_ =	shalt  }
0x67: {  	_ =	shalt  }
0x68: {  	_ =	shalt  }
0x69: {  	_ =	shalt  }
0x6a: {  	_ =	shalt  }
0x6b: {  	_ =	shalt  }
0x6c: {  	_ =	shalt  }
0x6d: {  	_ =	shalt  }
0x6e: {  	_ =	shalt  }
0x6f: {  	_ =	shalt  }
0x70: {  	_ =	shalt  }
0x71: {  	_ =	shalt  }
0x72: {  	_ =	shalt  }
0x73: {  	_ =	shalt  }
0x74: {  	_ =	shalt  }
0x75: {  	_ =	shalt  }
0x76: {  	_ =	shalt  }
0x77: {  	_ =	shalt  }
0x78: {  	_ =	shalt  }
0x79: {  	_ =	shalt  }
0x7a: {  	_ =	shalt  }
0x7b: {  	_ =	shalt  }
0x7c: {  	_ =	shalt  }
0x7d: {  	_ =	shalt  }
0x7e: {  	_ =	shalt  }
0x7f: {  	_ =	shalt  }
0x80: {  	_ =	shalt  }
0x81: {  	_ =	shalt  }
0x82: {  	_ =	shalt  }
0x83: {  	_ =	shalt  }
0x84: {  	_ =	shalt  }
0x85: {  	_ =	shalt  }
0x86: {  	_ =	shalt  }
0x87: {  	_ =	shalt  }
.Lfunc_end0:
.L_simem_size_0:
called_computation.1_lowered:
.L_overlay_start_0:
0x88: {  	s2 =	sld [smem:$0x3FD9]  }
0x89: {  	s3 =	sld [smem:$0x3FFE];
	_ =	sdelay $0x1  }
0x8a: {  	s1 =	srdreg.scid  }
0x8b: {  	s0 =	sand.u32 $0x1, s1  }
0x8c: {  	s17 =	sshll.u32 s0, $0xA;
	s2 =	sadd.s32 s3, s2  }
0x8d: {  	s2 =	sadd.s32 s2, s17  }
0x8e: {  	[smem:$0x3FB2] =	sst s2  }
0x8f: {  	_ = 	snop  }
0x90: {  	s18 =	sld [smem:$0x3FD0];
	(tm) =	ssettm $0x1  }
0x91: {  	s19 =	sld [smem:$0x3FFB];
	_ =	sdelay $0x3  }
0x92: {  	_ =	strace s19  }
0x93: {  	s2 =	sld [smem:$0x3FFC];
	_ =	sdelay $0x3  }
0x94: {  	_ =	strace s2  }
0x95: {  	s2 =	sld [smem:$0x3FFD];
	_ =	sdelay $0x3  }
0x96: {  	_ =	strace s2  }
0x97: {  	_ =	strace $0x8FFFFFFF  }
0x98: {  	s20 =	sld [smem:$0x3FDB];
	_ =	sdelay $0x1  }
0x99: {  	s4 =	simm.s32 $_scs_section_size  }
0x9a: {  	s5 =	simm.s32 $_size__tile_overlayer_lowered;
	s6 =	simm.s32 $_tile_overlayer_lowered  }
0x9b: {  	s7 =	simm.s32 $0x1BFF;
	s21 =	sshll.u32 s6, $0x1;
	s4 =	sadd.s32 s4, s20  }
0x9c: {  	s22 =	simm.s32 $0x0;
	s5 =	sshll.u32 s5, $0x1;
	s6 =	sadd.s32 s21, s4  }
0x9d: {  	[timem:s22], [sflag:s7] =	dma.local [hbm:s6], s5  }
0x9e: {  	_ =	swait.ge [sflag:s7], s5  }
0x9f: {  	s5 =	ssub.s32 $0x0, s5;
	[sflag:s7] =	ssyncset.done $0x0  }
0xa0: {  	[sflag:s7] =	ssyncadd.s32 s5;
	_ =	sdelay $0x1  }
0xa1: {  	s23 =	simm.s32 $0x1B8B  }
0xa2: {  	_ =	swait.ge [sflag:s23], $0x1  }
0xa3: {  	[sflag:s23] =	ssyncset.done $0x0  }
0xa4: {  	[sflag:s23] =	ssyncadd.s32 $0xFFFFFFFF  }
0xa5: {  	s5 =	sld [smem:$0x0]  }
0xa6: {  	s6 =	sand.u32 $0xFFFFFFFE, s1  }
0xa7: {  	p0 =	sne.s32 s1, s6  }
0xa8: {  	s6 =	sshll.u32 @p0 s6, $0xE  }
0xa9: {  	s6 =	sadd.s32 @p0 $0x11B8D, s6;
	s7 =	sshll.u32 @p0 s5, $0x11  }
0xaa: {  	s6 =	sor.u32 @p0 s7, s6  }
0xab: {  	[sflag:s6] =	ssyncadd.remote.s32 @p0 $0x1;
	_ =	sdelay $0x1  }
0xac: {  	s6 =	simm.s32 @p0 $0x1B8D  }
0xad: {  	_ =	swait.eq @p0 [sflag:s6], $0x1  }
0xae: {  	[sflag:s6] =	ssyncadd.s32 @p0 $0xFFFFFFFF  }
0xaf: {  	s7 =	sshll.u32 @!p0 s1, $0xE  }
0xb0: {  	s7 =	sor.u32 @!p0 $0x4000, s7;
	s6 =	simm.s32 @!p0 $0x1B8D  }
0xb1: {  	s5 =	sshll.u32 @!p0 s5, $0x11;
	s7 =	sadd.s32 @!p0 $0x11B8D, s7;
	_ =	swait.eq @!p0 [sflag:s6], $0x1  }
0xb2: {  	s5 =	sor.u32 @!p0 s5, s7;
	[sflag:s6] =	ssyncadd.s32 @!p0 $0xFFFFFFFF  }
0xb3: {  	s25 =	simm.s32 $0x1B8E;
	s24 =	sld [smem:$0x3FFE];
	[sflag:s5] =	ssyncadd.remote.s32 @!p0 $0x1  }
0xb4: {  	s26 =	simm.s32 $execute0_lowered;
	[smem:$0x3FD2] =	sst s25  }
0xb5: {  	s6 =	sshll.u32 s26, $0x1;
	_ =	strace $0x80000049;
	[dreg:$0x1] =	wrdreg $0xFFFFFFFF  }
0xb6: {  	s28 =	simm.s32 $_size_execute0_lowered;
	s4 =	sadd.s32 s4, s6;
	[dreg:$0x0] =	wrdreg $0x0  }
0xb7: {  	s6 =	sshll.u32 s28, $0x1;
	[dreg:$0x2] =	wrdreg s4  }
0xb8: {  	[dreg:$0x3] =	wrdreg s6  }
0xb9: {  	[dreg:$0x4] =	wrdreg $0xC0  }
0xba: {  	_ =	task [dreg:s22], $0x5FFFF  }
0xbb: {  	[dreg:$0x1] =	wrdreg $0xFFFFFFFF  }
0xbc: {  	[dreg:$0x0] =	wrdreg $0x60  }
0xbd: {  	[dreg:$0x2] =	wrdreg s24  }
0xbe: {  	[dreg:$0x3] =	wrdreg s18  }
0xbf: {  	[dreg:$0x4] =	wrdreg $0xA1000  }
0xc0: {  	[dreg:$0x5] =	wrdreg $0xA  }
0xc1: {  	_ =	task.clear_ibuf [dreg:s22], $0x6FFFF;
	_ =	strace $0x90000049  }
0xc2: {  	s29 =	simm.s32 $0xA;
	_ =	strace $0x8000004B  }
0xc3: {  	_ =	swait.ge [sflag:s29], $0x1  }
0xc4: {  	[sflag:s29] =	ssyncadd.s32 $0xFFFFFFFF  }
0xc5: {  	_ =	strace $0x9000004B  }
0xc6: {  	_ =	sfence  }
0xc7: {  	s30 =	sld [smem:$0x0];
	_ =	sdelay $0x2  }
0xc8: {  	s31 =	sshll.u32 s1, $0xD;
	s1 =	sshrl.u32 s1, $0x2  }
0xc9: {  	s4 =	sand.u32 $0x4000, s31;
	s1 =	sadd.s32 s1, s30  }
0xca: {  	s0 =	sor.u32 s4, s0;
	s1 =	sshll.u32 s1, $0x11  }
0xcb: {  	s0 =	sor.u32 s1, s0  }
0xcc: {  	s0 =	sadd.s32 $0x8F2B, s0  }
0xcd: {  	[sflag:s0] =	ssyncadd.remote.s32 $0x1  }
0xce: {  	_ =	sfence.sel $0xFFFF  }
0xcf: {  	[dreg:$0x0] =	wrdreg $0xFFFFFFFF;
	(pc) =	sbr.abs _section_cstart, $3  }
0xd0: {  	[dreg:$0x1] =	wrdreg $0xFFFFFFFF  }
0xd1: {  	_ =	task.clear_ibuf [dreg:s22], $0x2FFFF;
	_ =	strace $0x9FFFFFFF  }
0xd2: {  	(tm) =	ssettm $0x7FFFFFFF  }
0xd3: {  	_ =	shalt  }
tec
execute0_lowered:
.L_overlay_start_1:
0x0: {  	(tag) =	ssettag $0x1  }
0x1: {  	s0 =	rddreg [dreg:$0x0]  }
0x2: {  	s1 =	rddreg [dreg:$0x1]  }
0x3: {  	s2 =	rddreg [dreg:$0x2]  }
0x4: {  	s3 =	simm.s32 $0x0;
	s4 =	srdreg.scid;
	s14 =	stileid.u32  }
0x5: {  	s16 =	simm.s32 $0x7;
	s17 =	simm.s32 $0x80;
	s18 =	simm.s32 $0x100  }
0x6: {  	s19 =	simm.s32 $0x2900;
	s20 =	simm.s32 $0x1;
	s28 =	simm.s32 $0x5  }
0x7: {  	s29 =	simm.s32 $0x6;
	s30 =	simm.s32 $0x6500;
	s31 =	simm.s32 $0xA8  }
0x8: {  	[smem:$0x7FF] =	sst s3;
	s4 =	sand.u32 $0x1, s4;
	s5 =	sadd.s32 $0xF400, s0  }
0x9: {  	s6 =	sadd.s32 $0x5600, s0;
	s11 =	smul.u32 $0x14000, s14;
	s7 =	sadd.s32 $0x7D000, s0  }
0xa: {  	s8 =	sadd.s32 $0x55F000, s0;
	s9 =	sadd.s32 $0xA41000, s0;
	s12 =	sadd.s32 $0x29800, s0  }
0xb: {  	s13 =	smul.u32 $0x50000, s14;
	s25 =	sshll.u32 s14, $0x6;
	_ =	strace $0x8000004A  }
0xc: {  	s10 =	smul.u32 $0x140000, s4;
	s21 =	ssub.s32 $0x2, s4;
	s4 =	sshll.u32 s4, $0x4  }
0xd: {  	[dreg:$0x4] =	wrdreg s12;
	s22 =	sshrl.u32 s21, $0x1;
	s4 =	sor.u32 s14, s4  }
0xe: {  	s24 =	sshrl.u32 s13, $0x2;
	s13 =	sor.u32 $0x1C07, s25;
	s25 =	simm.s32 $0x3  }
0xf: {  	s14 =	simm.s32 $0x0;
	s10 =	sadd.s32 s11, s10;
	s23 =	ssub.s32 s21, s22  }
0x10: {  	s11 =	sadd.s32 s24, s2;
	s12 =	smul.u32 $0x2710, s4;
	s21 =	simm.s32 $0x2  }
0x11: {  	s22 =	simm.s32 $0x28;
	s24 =	simm.s32 $0x7900;
	s4 =	simm.s32 $0x50  }
0x12: {  	[dreg:$0x5] =	wrdreg s13;
	s10 =	sshrl.u32 s10, $0x3;
	s26 =	smax.u32 s23, $0x1  }
0x13: {  	s11 =	sshrl.u32 s11, $0x3;
	s0 =	sadd.s32 s10, s0;
	[dreg:$0x7] =	wrdreg s26  }
0x14: {  	s23 =	simm.s32 $0x5100;
	[dreg:$0x8] =	wrdreg s11;
	s0 =	sadd.s32 $0xA8F400, s0  }
0x15: {  	s26 =	simm.s32 $0x4;
	[dreg:$0x6] =	wrdreg s0;
	s0 =	simm.s32 $0x8D00  }
.LBB2_1:
0x16: {  	[dreg:$0x9] =	wrdreg s14  }
0x17: {  	s10 =	rddreg [dreg:$0x4]  }
0x18: {  	[spmem:s11], [sflag:s13] =	dma.local [hbm:s10], $0x2800  }
0x19: {  	_ =	swait.ge [sflag:s16], $0x2800  }
0x1a: {  	[sflag:s16] =	ssyncset.done $0x0  }
0x1b: {  	[sflag:s16] =	ssyncadd.s32 $0xFFFFD800  }
0x1c: {  	s13 =	simm.s32 $0x0;
	[bflag:$0x0] =	sbarrier.arrive $0xFFFF  }
.LBB2_2:
0x1d: {  	s10 =	smul.u32 $0x50, s13;
	_ =	sdelay $0x1  }
0x1e: {  	s10 =	sadd.s32 s12, s10  }
0x1f: {  	s11 =	sshrl.u32 s10, $0x3  }
0x20: {  	s15 =	simm.s32 $0x0;
	s14 =	sadd.s32 s5, s11  }
0x21: {  	[tilespmem:s15], [sflag:$0x1] =	stream.linear.gather [hbm4b:s14+s15], $0x50, $0x38;
	[tilespmem:$0x1E100] =	vst v63  }
0x22: {  	s10 =	sshll.u32 s10, $0x4;
	s11 =	sadd.s32 s6, s11  }
0x23: {  	[tilespmem:s17], [sflag:$0x2] =	stream.linear.gather [hbm4b:s11+s15], $0x50, $0x38;
	[tilespmem:$0x1E100] =	vst v63  }
0x24: {  	s14 =	sadd.s32 s7, s10  }
0x25: {  	[tilespmem:s18], [sflag:$0x3] =	stream.linear.gather [hbm4b:s14+s15], $0x2800, $0x38;
	[tilespmem:$0x1E100] =	vst v63  }
0x26: {  	s10 =	sadd.s32 s8, s10  }
0x27: {  	[tilespmem:s19], [sflag:$0x4] =	stream.linear.gather [hbm4b:s10+s15], $0x2800, $0x38;
	[tilespmem:$0x1E100] =	vst v63  }
0x28: {  	_ =	swait.ge [sflag:s20], $0x50  }
0x29: {  	[sflag:s20] =	ssyncset.done $0x0  }
0x2a: {  	[sflag:s20] =	ssyncadd.s32 $0xFFFFFFB0  }
0x2b: {  	_ =	swait.ge [sflag:s21], $0x50  }
0x2c: {  	[sflag:s21] =	ssyncset.done $0x0  }
0x2d: {  	[sflag:s21] =	ssyncadd.s32 $0xFFFFFFB0  }
0x2e: {  	[tilespmem:s23], [sflag:$0x5] =	stream.indirect.gather [hbm4b:s1+s22], $0x80, s15, s22, $0xb8;
	[tilespmem:$0x1E100] =	vst v63  }
0x2f: {  	_ = 	snop  }
0x30: {  	[tilespmem:s24], [sflag:$0x6] =	stream.indirect.gather [hbm4b:s9+s22], $0x80, s17, s22, $0xb8;
	[tilespmem:$0x1E100] =	vst v63  }
0x31: {  	_ =	swait.ge [sflag:s25], $0x2800  }
0x32: {  	[sflag:s25] =	ssyncset.done $0x0  }
0x33: {  	[sflag:s25] =	ssyncadd.s32 $0xFFFFD800  }
0x34: {  	_ =	swait.ge [sflag:s26], $0x2800  }
0x35: {  	[sflag:s26] =	ssyncset.done $0x0  }
0x36: {  	[sflag:s26] =	ssyncadd.s32 $0xFFFFD800  }
0x37: {  	_ =	swait.ge [sflag:s28], $0x1400  }
0x38: {  	[sflag:s28] =	ssyncset.done $0x0  }
0x39: {  	[sflag:s28] =	ssyncadd.s32 $0xFFFFEC00  }
0x3a: {  	_ =	swait.ge [sflag:s29], $0x1400  }
0x3b: {  	[sflag:s29] =	ssyncset.done $0x0  }
0x3c: {  	[sflag:s29] =	ssyncadd.s32 $0xFFFFEC00  }
0x3d: {  	[tilespmem:s30], [sflag:$0x5] =	stream.indirect.gather [hbm4b:s1+s22], $0x80, s22, s22, $0xb8;
	[tilespmem:$0x1E100] =	vst v63  }
0x3e: {  	s14 =	simm.s32 $0x0  }
0x3f: {  	[tilespmem:s0], [sflag:$0x6] =	stream.indirect.gather [hbm4b:s9+s22], $0x80, s31, s22, $0xb8;
	[tilespmem:$0x1E100] =	vst v63  }
0x40: {  	v0 =	vld [tilespmem:s14+$0x7970]  }
0x41: {  	v3 =	vld [tilespmem:s14+$0x5150]  }
0x42: {  	v1 =	vld [tilespmem:s14+$0x5120]  }
0x43: {  	v4 =	vld [tilespmem:s14+$0x5110]  }
0x44: {  	v5 =	vld [tilespmem:s14+$0x5100]  }
0x45: {  	v2 =	vld [tilespmem:s14+$0x120]  }
0x46: {  	v6 =	vld [tilespmem:s14+$0x7920]  }
0x47: {  	v7 =	vld [tilespmem:s14+$0x5140]  }
0x48: {  	v8 =	vld [tilespmem:s14+$0x140]  }
0x49: {  	v9 =	vld [tilespmem:s14+$0x5170]  }
0x4a: {  	v10 =	vld [tilespmem:s14+$0x7940]  }
0x4b: {  	v11 =	vld [tilespmem:s14+$0x170]  }
0x4c: {  	v12 =	vld [tilespmem:s14+$0x5160]  }
0x4d: {  	v13 =	vld [tilespmem:s14+$0x100];
	v1 =	vadd.f32 v1, v2  }
0x4e: {  	v16 =	vld [tilespmem:s14+$0x7960]  }
0x4f: {  	v2 =	vadd.f32 v6, v1;
	v6 =	vadd.f32 v7, v8;
	v7 =	vld [tilespmem:s14+$0x110]  }
0x50: {  	v9 =	vadd.f32 v9, v11;
	v1 =	vld [tilespmem:s14+$0x7910]  }
0x51: {  	v8 =	vsub.f32 $0.0e+00, v2;
	v6 =	vadd.f32 v10, v6;
	v10 =	vld [tilespmem:s14+$0x160]  }
0x52: {  	v11 =	vld [tilespmem:s14+$0x7900]  }
0x53: {  	v5 =	vadd.f32 v5, v13;
	v13 =	vld [tilespmem:s14+$0x5130];
	v14 =	vmul.f32 $1.442695020e+00, v8;
	v8 =	vadd.f32 v0, v9  }
0x54: {  	v15 =	vsub.f32 $0.0e+00, v6;
	v0 =	vadd.f32 v4, v7;
	v4 =	vld [tilespmem:s14+$0x150]  }
0x55: {  	v9 =	vld [tilespmem:s14+$0x7950];
	(erf) = vpow2.f32 v14;
	v14 =	vsub.f32 $0.0e+00, v8  }
0x56: {  	v7 =	vmul.f32 $1.442695020e+00, v15;
	v0 =	vadd.f32 v1, v0;
	v10 =	vadd.f32 v12, v10;
	v12 =	vld [tilespmem:s14+$0x130]  }
0x57: {  	v1 =	vadd.f32 v11, v5  }
0x58: {  	v11 =	vld [tilespmem:s14+$0x7930];
	(erf) = vpow2.f32 v7;
	v14 =	vmul.f32 $1.442695020e+00, v14;
	v15 =	vsub.f32 $0.0e+00, v0  }
0x59: {  	v7 =	vadd.f32 v16, v10;
	v3 =	vadd.f32 v3, v4  }
0x5a: {  	v10 =	vsub.f32 $0.0e+00, v1;
	(erf) = vpow2.f32 v14;
	v4 =	vmul.f32 $1.442695020e+00, v15  }
0x5b: {  	v5 =	vadd.f32 v9, v3;
	v3 =	vadd.f32 v13, v12  }
0x5c: {  	v14 =	vsub.f32 $0.0e+00, v7;
	(erf) = vpow2.f32 v4  }
0x5d: {  	v4 =	vmul.f32 $1.442695020e+00, v10;
	v12 =	vsub.f32 $0.0e+00, v5;
	v3 =	vadd.f32 v11, v3  }
0x5e: {  	v9 =	vmul.f32 $1.442695020e+00, v14;
	v10 =	vpop (erf)  }
0x5f: {  	(erf) = vpow2.f32 v4;
	v10 =	vadd.f32 $1.000000000e+00, v10;
	v15 =	vsub.f32 $0.0e+00, v3  }
0x60: {  	v13 =	vld [tilespmem:s14+$0x2940];
	(erf) = vpow2.f32 v9  }
0x61: {  	v14 =	vld [tilespmem:s14+$0x2920];
	v11 =	vmul.f32 $1.442695020e+00, v12;
	v12 =	vpop (erf);
	(erf) = vrcp.f32 v10  }
0x62: {  	v4 =	vld [tilespmem:s14+$0x2930];
	v10 =	vadd.f32 $1.000000000e+00, v12  }
0x63: {  	v9 =	vld [tilespmem:s14+$0x2900];
	(erf) = vpow2.f32 v11;
	v11 =	vmul.f32 $1.442695020e+00, v15;
	v15 =	vpop (erf)  }
0x64: {  	v12 =	vld [tilespmem:s14+$0x2970];
	(erf) = vrcp.f32 v10;
	v16 =	vadd.f32 $1.000000000e+00, v15  }
0x65: {  	v10 =	vld [tilespmem:s14+$0x2950];
	(erf) = vpow2.f32 v11  }
0x66: {  	s11 =	simm.s32 $0x400;
	s15 =	simm.s32 $0x200;
	v11 =	vld [tilespmem:s14+$0x2910];
	v15 =	vpop (erf);
	(erf) = vrcp.f32 v16  }
.LBB2_3:
0x67: {  	p0 =	sne.s32 s11, $0x4E00  }
0x68: {  	s10 =	sshra.s32 s15, $0x2;
	v15 =	vadd.f32 $1.000000000e+00, v15;
	v16 =	vld [tilespmem:s14+$0x2960];
	v17 =	vpop (erf);
	s15 =	smov.u32 s11;
	s11 =	sadd.s32 $0x200, s11  }
0x69: {  	v6 =	vmul.f32 v6, v13;
	v18 =	vld [tilespmem:s10+$0x7970];
	v19 =	vadd.f32 $1.000000000e+00, v17;
	v2 =	vmul.f32 v2, v14;
	v13 =	vpop (erf)  }
0x6a: {  	v14 =	vld [tilespmem:s10+$0x5150];
	v13 =	vadd.f32 $1.000000000e+00, v13;
	v8 =	vmul.f32 v8, v12;
	(erf) = vrcp.f32 v15;
	v12 =	vpop (erf)  }
0x6b: {  	v15 =	vld [tilespmem:s10+$0x5120];
	v2 =	vmul.f32 v12, v2;
	(erf) = vrcp.f32 v19  }
0x6c: {  	v12 =	vld [tilespmem:s10+$0x5110];
	v17 =	vpop (erf);
	(erf) = vrcp.f32 v13  }
0x6d: {  	v13 =	vld [tilespmem:s10+$0x5100];
	[tilespmem:s14+$0x120] =	vst v2;
	v2 =	vadd.f32 $1.000000000e+00, v17;
	v17 =	vpop (erf)  }
0x6e: {  	v19 =	vld [tilespmem:s10+$0x120];
	v6 =	vmul.f32 v17, v6  }
0x6f: {  	v17 =	vld [tilespmem:s10+$0x7920];
	v20 =	vpop (erf);
	(erf) = vrcp.f32 v2  }
0x70: {  	v21 =	vld [tilespmem:s10+$0x5140];
	v2 =	vadd.f32 $1.000000000e+00, v20;
	[tilespmem:s14+$0x140] =	vst v6;
	v6 =	vmul.f32 v7, v16;
	v7 =	vpop (erf)  }
0x71: {  	v0 =	vmul.f32 v0, v11;
	v16 =	vld [tilespmem:s10+$0x140];
	v11 =	vmul.f32 v7, v8  }
0x72: {  	v5 =	vmul.f32 v5, v10;
	v8 =	vld [tilespmem:s10+$0x5170];
	(erf) = vrcp.f32 v2  }
0x73: {  	v1 =	vmul.f32 v1, v9;
	v2 =	vadd.f32 v15, v19;
	v10 =	vld [tilespmem:s10+$0x7940];
	[tilespmem:s14+$0x170] =	vst v11;
	v7 =	vpop (erf)  }
0x74: {  	v9 =	vld [tilespmem:s10+$0x170];
	v0 =	vmul.f32 v7, v0;
	v7 =	vpop (erf)  }
0x75: {  	v3 =	vmul.f32 v3, v4;
	v2 =	vadd.f32 v17, v2;
	v11 =	vld [tilespmem:s10+$0x5160];
	v1 =	vmul.f32 v7, v1;
	v4 =	vpop (erf)  }
0x76: {  	v7 =	vld [tilespmem:s10+$0x7910];
	v15 =	vadd.f32 v21, v16;
	[tilespmem:s14+$0x110] =	vst v0;
	v17 =	vmul.f32 v4, v6  }
0x77: {  	v4 =	vld [tilespmem:s10+$0x110];
	v16 =	vsub.f32 $0.0e+00, v2;
	[tilespmem:s14+$0x100] =	vst v1  }
0x78: {  	v1 =	vld [tilespmem:s10+$0x100];
	v6 =	vadd.f32 v10, v15;
	[tilespmem:s14+$0x160] =	vst v17;
	v0 =	vpop (erf)  }
0x79: {  	v10 =	vmul.f32 $1.442695020e+00, v16;
	v15 =	vld [tilespmem:s10+$0x160];
	v8 =	vadd.f32 v8, v9;
	v17 =	vmul.f32 v0, v5  }
0x7a: {  	v5 =	vld [tilespmem:s10+$0x7900];
	v9 =	vsub.f32 $0.0e+00, v6  }
0x7b: {  	v16 =	vld [tilespmem:s10+$0x7960];
	v8 =	vadd.f32 v18, v8;
	(erf) = vpow2.f32 v10;
	[tilespmem:s14+$0x150] =	vst v17;
	v0 =	vpop (erf)  }
0x7c: {  	v4 =	vadd.f32 v12, v4;
	v9 =	vmul.f32 $1.442695020e+00, v9;
	v10 =	vld [tilespmem:s10+$0x150];
	v3 =	vmul.f32 v0, v3  }
0x7d: {  	v1 =	vadd.f32 v13, v1;
	v12 =	vld [tilespmem:s10+$0x7950];
	v13 =	vsub.f32 $0.0e+00, v8  }
0x7e: {  	v0 =	vadd.f32 v7, v4;
	v4 =	vld [tilespmem:s10+$0x5130];
	v7 =	vadd.f32 v11, v15;
	(erf) = vpow2.f32 v9;
	[tilespmem:s14+$0x130] =	vst v3;
	s14 =	smov.u32 s10  }
0x7f: {  	v1 =	vadd.f32 v5, v1;
	v3 =	vld [tilespmem:s14+$0x130];
	v5 =	vmul.f32 $1.442695020e+00, v13  }
0x80: {  	v9 =	vsub.f32 $0.0e+00, v0;
	v11 =	vld [tilespmem:s14+$0x7930];
	v7 =	vadd.f32 v16, v7  }
0x81: {  	v13 =	vsub.f32 $0.0e+00, v1;
	v10 =	vadd.f32 v14, v10;
	(erf) = vpow2.f32 v5  }
0x82: {  	v15 =	vmul.f32 $1.442695020e+00, v9;
	v14 =	vsub.f32 $0.0e+00, v7  }
0x83: {  	v13 =	vmul.f32 $1.442695020e+00, v13;
	v5 =	vadd.f32 v12, v10  }
0x84: {  	v3 =	vadd.f32 v4, v3;
	v4 =	vmul.f32 $1.442695020e+00, v14;
	(erf) = vpow2.f32 v15;
	v9 =	vpop (erf)  }
0x85: {  	v9 =	vadd.f32 $1.000000000e+00, v9;
	v10 =	vsub.f32 $0.0e+00, v5;
	(erf) = vpow2.f32 v13  }
0x86: {  	v3 =	vadd.f32 v11, v3;
	(erf) = vpow2.f32 v4  }
0x87: {  	v4 =	vld [tilespmem:s14+$0x2930];
	v16 =	vmul.f32 $1.442695020e+00, v10;
	(erf) = vrcp.f32 v9;
	v11 =	vpop (erf)  }
0x88: {  	v9 =	vld [tilespmem:s14+$0x2900];
	v12 =	vsub.f32 $0.0e+00, v3;
	v11 =	vadd.f32 $1.000000000e+00, v11  }
.Ltmp0:
0x89: {  	v13 =	vld [tilespmem:s14+$0x2940];
	(erf) = vpow2.f32 v16;
	(pc) =	sbr.rel @p0 .LBB2_3-.Ltmp0, $4  }
0x8a: {  	v14 =	vld [tilespmem:s14+$0x2920];
	v17 =	vmul.f32 $1.442695020e+00, v12;
	(erf) = vrcp.f32 v11;
	v10 =	vpop (erf)  }
0x8b: {  	v12 =	vld [tilespmem:s14+$0x2970];
	v16 =	vadd.f32 $1.000000000e+00, v10  }
0x8c: {  	v10 =	vld [tilespmem:s14+$0x2950];
	(erf) = vpow2.f32 v17  }
0x8d: {  	v11 =	vld [tilespmem:s14+$0x2910];
	v15 =	vpop (erf);
	(erf) = vrcp.f32 v16  }
0x8e: {  	v17 =	vpop (erf)  }
0x8f: {  	v2 =	vmul.f32 v2, v14;
	v14 =	vpop (erf)  }
0x90: {  	s11 =	sshra.s32 s15, $0x2;
	v20 =	vpop (erf)  }
0x91: {  	v18 =	vld [tilespmem:s11+$0x7970];
	v2 =	vmul.f32 v20, v2  }
0x92: {  	v19 =	vld [tilespmem:s11+$0x5150]  }
0x93: {  	v21 =	vld [tilespmem:s11+$0x5120]  }
0x94: {  	v15 =	vadd.f32 $1.000000000e+00, v15;
	v6 =	vmul.f32 v6, v13;
	v63 =	vld [tilespmem:s11+$0x5110];
	v13 =	vpop (erf)  }
0x95: {  	v22 =	vld [tilespmem:s11+$0x5100];
	[tilespmem:s14+$0x120] =	vst v2;
	v2 =	vpop (erf)  }
0x96: {  	(erf) = vrcp.f32 v15;
	v2 =	vmul.f32 v2, v6  }
0x97: {  	v17 =	vadd.f32 $1.000000000e+00, v17  }
0x98: {  	v15 =	vld [tilespmem:s11+$0x120]  }
0x99: {  	v14 =	vadd.f32 $1.000000000e+00, v14;
	v8 =	vmul.f32 v8, v12;
	(erf) = vrcp.f32 v17;
	v17 =	vld [tilespmem:s11+$0x5140];
	v12 =	vpop (erf)  }
0x9a: {  	v6 =	vld [tilespmem:s11+$0x7920];
	[tilespmem:s14+$0x140] =	vst v2;
	v2 =	vpop (erf)  }
0x9b: {  	(erf) = vrcp.f32 v14;
	v2 =	vmul.f32 v2, v8  }
0x9c: {  	v16 =	vld [tilespmem:s14+$0x2960]  }
0x9d: {  	v13 =	vadd.f32 $1.000000000e+00, v13;
	v14 =	vld [tilespmem:s11+$0x140]  }
0x9e: {  	v0 =	vmul.f32 v0, v11;
	v23 =	vld [tilespmem:s11+$0x7940]  }
0x9f: {  	(erf) = vrcp.f32 v13;
	v8 =	vld [tilespmem:s11+$0x5170];
	[tilespmem:s14+$0x170] =	vst v2;
	v2 =	vpop (erf)  }
0xa0: {  	v12 =	vadd.f32 $1.000000000e+00, v12;
	v0 =	vmul.f32 v2, v0  }
0xa1: {  	v1 =	vmul.f32 v1, v9  }
0xa2: {  	v11 =	vld [tilespmem:s11+$0x170];
	(erf) = vrcp.f32 v12;
	v9 =	vpop (erf)  }
0xa3: {  	v7 =	vmul.f32 v7, v16;
	v13 =	vld [tilespmem:s11+$0x7910];
	v1 =	vmul.f32 v9, v1  }
0xa4: {  	v2 =	vld [tilespmem:s11+$0x5160];
	[tilespmem:s14+$0x110] =	vst v0;
	v0 =	vpop (erf)  }
0xa5: {  	v9 =	vld [tilespmem:s11+$0x110];
	[tilespmem:s14+$0x100] =	vst v1;
	v1 =	vadd.f32 v21, v15;
	v0 =	vmul.f32 v0, v7;
	_ =	sdelay $0x1  }
0xa6: {  	v5 =	vmul.f32 v5, v10;
	v7 =	vld [tilespmem:s11+$0x100];
	[tilespmem:s14+$0x160] =	vst v0;
	v0 =	vadd.f32 v6, v1;
	v1 =	vadd.f32 v17, v14  }
0xa7: {  	v6 =	vpop (erf)  }
0xa8: {  	v10 =	vld [tilespmem:s11+$0x160];
	v5 =	vmul.f32 v6, v5;
	v12 =	vsub.f32 $0.0e+00, v0;
	v1 =	vadd.f32 v23, v1  }
0xa9: {  	v3 =	vmul.f32 v3, v4;
	v6 =	vld [tilespmem:s11+$0x7900]  }
0xaa: {  	v14 =	vld [tilespmem:s11+$0x7960];
	[tilespmem:s14+$0x150] =	vst v5;
	v5 =	vadd.f32 v8, v11;
	v11 =	vpop (erf);
	v4 =	vmul.f32 $1.442695020e+00, v12;
	v8 =	vsub.f32 $0.0e+00, v1  }
0xab: {  	v9 =	vadd.f32 v63, v9;
	v12 =	vld [tilespmem:s11+$0x150];
	v3 =	vmul.f32 v11, v3  }
0xac: {  	v11 =	vld [tilespmem:s11+$0x7950];
	v5 =	vadd.f32 v18, v5;
	(erf) = vpow2.f32 v4;
	v4 =	vmul.f32 $1.442695020e+00, v8  }
0xad: {  	v7 =	vadd.f32 v22, v7;
	v9 =	vadd.f32 v13, v9;
	v8 =	vld [tilespmem:s11+$0x5130];
	[tilespmem:s14+$0x130] =	vst v3  }
0xae: {  	v2 =	vadd.f32 v2, v10;
	v3 =	vsub.f32 $0.0e+00, v5;
	(erf) = vpow2.f32 v4;
	v4 =	vld [tilespmem:s11+$0x130]  }
0xaf: {  	v6 =	vadd.f32 v6, v7;
	v10 =	vsub.f32 $0.0e+00, v9  }
0xb0: {  	v7 =	vld [tilespmem:s11+$0x7930];
	v2 =	vadd.f32 v14, v2;
	v3 =	vmul.f32 $1.442695020e+00, v3  }
0xb1: {  	v13 =	vsub.f32 $0.0e+00, v6;
	v10 =	vmul.f32 $1.442695020e+00, v10;
	v12 =	vadd.f32 v19, v12  }
0xb2: {  	(erf) = vpow2.f32 v3;
	v3 =	vsub.f32 $0.0e+00, v2  }
0xb3: {  	v11 =	vadd.f32 v11, v12;
	v4 =	vadd.f32 v8, v4;
	v8 =	vmul.f32 $1.442695020e+00, v13  }
0xb4: {  	(erf) = vpow2.f32 v10  }
0xb5: {  	v3 =	vmul.f32 $1.442695020e+00, v3;
	v12 =	vsub.f32 $0.0e+00, v11;
	v10 =	vpop (erf);
	v4 =	vadd.f32 v7, v4  }
0xb6: {  	(erf) = vpow2.f32 v8;
	v7 =	vadd.f32 $1.000000000e+00, v10  }
0xb7: {  	(erf) = vpow2.f32 v3;
	v3 =	vmul.f32 $1.442695020e+00, v12;
	v8 =	vpop (erf);
	v10 =	vsub.f32 $0.0e+00, v4  }
0xb8: {  	(erf) = vrcp.f32 v7;
	v7 =	vadd.f32 $1.000000000e+00, v8  }
0xb9: {  	(erf) = vpow2.f32 v3;
	v3 =	vmul.f32 $1.442695020e+00, v10  }
0xba: {  	(erf) = vrcp.f32 v7  }
0xbb: {  	(erf) = vpow2.f32 v3;
	_ =	sdelay $0x1  }
0xbc: {  	v3 =	vpop (erf)  }
0xbd: {  	v7 =	vpop (erf)  }
0xbe: {  	v3 =	vadd.f32 $1.000000000e+00, v3;
	v8 =	vpop (erf);
	v7 =	vadd.f32 $1.000000000e+00, v7  }
0xbf: {  	v10 =	vpop (erf)  }
0xc0: {  	v15 =	vld [tilespmem:s11+$0x2970];
	(erf) = vrcp.f32 v3;
	v12 =	vpop (erf)  }
0xc1: {  	v13 =	vld [tilespmem:s11+$0x2920];
	v3 =	vadd.f32 $1.000000000e+00, v8;
	(erf) = vrcp.f32 v7;
	v8 =	vpop (erf)  }
0xc2: {  	v14 =	vld [tilespmem:s11+$0x2940];
	v10 =	vadd.f32 $1.000000000e+00, v10;
	v7 =	vpop (erf)  }
0xc3: {  	(erf) = vrcp.f32 v3;
	v3 =	vadd.f32 $1.000000000e+00, v8;
	v8 =	vpop (erf)  }
0xc4: {  	(erf) = vrcp.f32 v10;
	v10 =	vld [tilespmem:s11+$0x2910];
	v8 =	vadd.f32 $1.000000000e+00, v8  }
0xc5: {  	v5 =	vmul.f32 v5, v15;
	(erf) = vrcp.f32 v3;
	v3 =	vld [tilespmem:s11+$0x2900]  }
0xc6: {  	v0 =	vmul.f32 v0, v13;
	(erf) = vrcp.f32 v8;
	v8 =	vld [tilespmem:s11+$0x2960]  }
0xc7: {  	v1 =	vmul.f32 v1, v14  }
0xc8: {  	v0 =	vmul.f32 v12, v0  }
0xc9: {  	v13 =	vld [tilespmem:s11+$0x2950];
	v1 =	vmul.f32 v7, v1;
	v9 =	vmul.f32 v9, v10;
	v7 =	vpop (erf)  }
0xca: {  	v14 =	vld [tilespmem:s11+$0x2930];
	[tilespmem:s11+$0x120] =	vst v0;
	v0 =	vmul.f32 v7, v5;
	v3 =	vmul.f32 v6, v3;
	v5 =	vpop (erf)  }
0xcb: {  	[tilespmem:s11+$0x140] =	vst v1;
	v1 =	vmul.f32 v2, v8;
	v2 =	vmul.f32 v5, v9;
	_ =	sdelay $0x1  }
0xcc: {  	v5 =	vpop (erf)  }
0xcd: {  	v6 =	vmul.f32 v11, v13;
	[tilespmem:s11+$0x170] =	vst v0;
	v0 =	vmul.f32 v5, v3;
	v3 =	vpop (erf)  }
0xce: {  	v4 =	vmul.f32 v4, v14;
	[tilespmem:s11+$0x110] =	vst v2;
	v1 =	vmul.f32 v3, v1;
	v2 =	vpop (erf)  }
0xcf: {  	[tilespmem:s11+$0x100] =	vst v0;
	v0 =	vmul.f32 v2, v6;
	v2 =	vpop (erf)  }
0xd0: {  	[tilespmem:s11+$0x160] =	vst v1;
	v1 =	vmul.f32 v2, v4  }
0xd1: {  	[tilespmem:s11+$0x150] =	vst v0  }
0xd2: {  	[tilespmem:s11+$0x130] =	vst v1  }
0xd3: {  	_ =	swait.ge [sflag:s28], $0x1400  }
0xd4: {  	[sflag:s28] =	ssyncset.done $0x0  }
0xd5: {  	[sflag:s28] =	ssyncadd.s32 $0xFFFFEC00  }
0xd6: {  	_ =	swait.ge [sflag:s29], $0x1400  }
0xd7: {  	[sflag:s29] =	ssyncset.done $0x0  }
0xd8: {  	s14 =	simm.s32 $0x0;
	[sflag:s29] =	ssyncadd.s32 $0xFFFFEC00  }
0xd9: {  	v0 =	vld [tilespmem:s14+$0x8D70]  }
0xda: {  	v3 =	vld [tilespmem:s14+$0x6550]  }
0xdb: {  	v1 =	vld [tilespmem:s14+$0x6520]  }
0xdc: {  	v4 =	vld [tilespmem:s14+$0x6510]  }
0xdd: {  	v5 =	vld [tilespmem:s14+$0x6500]  }
0xde: {  	v2 =	vld [tilespmem:s14+$0x1520]  }
0xdf: {  	v6 =	vld [tilespmem:s14+$0x8D20]  }
0xe0: {  	v7 =	vld [tilespmem:s14+$0x6540]  }
0xe1: {  	v8 =	vld [tilespmem:s14+$0x1540]  }
0xe2: {  	v9 =	vld [tilespmem:s14+$0x6570]  }
0xe3: {  	v10 =	vld [tilespmem:s14+$0x8D40]  }
0xe4: {  	v11 =	vld [tilespmem:s14+$0x1570]  }
0xe5: {  	v12 =	vld [tilespmem:s14+$0x6560]  }
0xe6: {  	v13 =	vld [tilespmem:s14+$0x1500];
	v1 =	vadd.f32 v1, v2  }
0xe7: {  	v16 =	vld [tilespmem:s14+$0x8D60]  }
0xe8: {  	v2 =	vadd.f32 v6, v1;
	v6 =	vadd.f32 v7, v8;
	v7 =	vld [tilespmem:s14+$0x1510]  }
0xe9: {  	v9 =	vadd.f32 v9, v11;
	v1 =	vld [tilespmem:s14+$0x8D10]  }
0xea: {  	v8 =	vsub.f32 $0.0e+00, v2;
	v6 =	vadd.f32 v10, v6;
	v10 =	vld [tilespmem:s14+$0x1560]  }
0xeb: {  	v11 =	vld [tilespmem:s14+$0x8D00]  }
0xec: {  	v5 =	vadd.f32 v5, v13;
	v13 =	vld [tilespmem:s14+$0x6530];
	v14 =	vmul.f32 $1.442695020e+00, v8;
	v8 =	vadd.f32 v0, v9  }
0xed: {  	v15 =	vsub.f32 $0.0e+00, v6;
	v0 =	vadd.f32 v4, v7;
	v4 =	vld [tilespmem:s14+$0x1550]  }
0xee: {  	v9 =	vld [tilespmem:s14+$0x8D50];
	(erf) = vpow2.f32 v14;
	v14 =	vsub.f32 $0.0e+00, v8  }
0xef: {  	v7 =	vmul.f32 $1.442695020e+00, v15;
	v0 =	vadd.f32 v1, v0;
	v10 =	vadd.f32 v12, v10;
	v12 =	vld [tilespmem:s14+$0x1530]  }
0xf0: {  	v1 =	vadd.f32 v11, v5  }
0xf1: {  	v11 =	vld [tilespmem:s14+$0x8D30];
	(erf) = vpow2.f32 v7;
	v14 =	vmul.f32 $1.442695020e+00, v14;
	v15 =	vsub.f32 $0.0e+00, v0  }
0xf2: {  	v7 =	vadd.f32 v16, v10;
	v3 =	vadd.f32 v3, v4  }
0xf3: {  	v10 =	vsub.f32 $0.0e+00, v1;
	(erf) = vpow2.f32 v14;
	v4 =	vmul.f32 $1.442695020e+00, v15  }
0xf4: {  	v5 =	vadd.f32 v9, v3;
	v3 =	vadd.f32 v13, v12  }
0xf5: {  	v14 =	vsub.f32 $0.0e+00, v7;
	(erf) = vpow2.f32 v4  }
0xf6: {  	v4 =	vmul.f32 $1.442695020e+00, v10;
	v12 =	vsub.f32 $0.0e+00, v5;
	v3 =	vadd.f32 v11, v3  }
0xf7: {  	v9 =	vmul.f32 $1.442695020e+00, v14;
	v10 =	vpop (erf)  }
0xf8: {  	(erf) = vpow2.f32 v4;
	v10 =	vadd.f32 $1.000000000e+00, v10;
	v15 =	vsub.f32 $0.0e+00, v3  }
0xf9: {  	v13 =	vld [tilespmem:s14+$0x3D40];
	(erf) = vpow2.f32 v9  }
0xfa: {  	v14 =	vld [tilespmem:s14+$0x3D20];
	v11 =	vmul.f32 $1.442695020e+00, v12;
	v12 =	vpop (erf);
	(erf) = vrcp.f32 v10  }
0xfb: {  	v4 =	vld [tilespmem:s14+$0x3D30];
	v10 =	vadd.f32 $1.000000000e+00, v12  }
0xfc: {  	v9 =	vld [tilespmem:s14+$0x3D00];
	(erf) = vpow2.f32 v11;
	v11 =	vmul.f32 $1.442695020e+00, v15;
	v15 =	vpop (erf)  }
0xfd: {  	v12 =	vld [tilespmem:s14+$0x3D70];
	(erf) = vrcp.f32 v10;
	v16 =	vadd.f32 $1.000000000e+00, v15  }
0xfe: {  	v10 =	vld [tilespmem:s14+$0x3D50];
	(erf) = vpow2.f32 v11  }
0xff: {  	s15 =	simm.s32 $0x200;
	s11 =	simm.s32 $0x400;
	v11 =	vld [tilespmem:s14+$0x3D10];
	v15 =	vpop (erf);
	(erf) = vrcp.f32 v16  }
.LBB2_5:
0x100: {  	p0 =	sne.s32 s11, $0x4E00  }
0x101: {  	s10 =	sshra.s32 s15, $0x2;
	v15 =	vadd.f32 $1.000000000e+00, v15;
	v16 =	vld [tilespmem:s14+$0x3D60];
	v17 =	vpop (erf);
	s15 =	smov.u32 s11;
	s11 =	sadd.s32 $0x200, s11  }
0x102: {  	v6 =	vmul.f32 v6, v13;
	v18 =	vld [tilespmem:s10+$0x8D70];
	v19 =	vadd.f32 $1.000000000e+00, v17;
	v2 =	vmul.f32 v2, v14;
	v13 =	vpop (erf)  }
0x103: {  	v14 =	vld [tilespmem:s10+$0x6550];
	v13 =	vadd.f32 $1.000000000e+00, v13;
	v8 =	vmul.f32 v8, v12;
	(erf) = vrcp.f32 v15;
	v12 =	vpop (erf)  }
0x104: {  	v15 =	vld [tilespmem:s10+$0x6520];
	v2 =	vmul.f32 v12, v2;
	(erf) = vrcp.f32 v19  }
0x105: {  	v12 =	vld [tilespmem:s10+$0x6510];
	v17 =	vpop (erf);
	(erf) = vrcp.f32 v13  }
0x106: {  	v13 =	vld [tilespmem:s10+$0x6500];
	[tilespmem:s14+$0x1520] =	vst v2;
	v2 =	vadd.f32 $1.000000000e+00, v17;
	v17 =	vpop (erf)  }
0x107: {  	v19 =	vld [tilespmem:s10+$0x1520];
	v6 =	vmul.f32 v17, v6  }
0x108: {  	v17 =	vld [tilespmem:s10+$0x8D20];
	v20 =	vpop (erf);
	(erf) = vrcp.f32 v2  }
0x109: {  	v21 =	vld [tilespmem:s10+$0x6540];
	v2 =	vadd.f32 $1.000000000e+00, v20;
	[tilespmem:s14+$0x1540] =	vst v6;
	v6 =	vmul.f32 v7, v16;
	v7 =	vpop (erf)  }
0x10a: {  	v0 =	vmul.f32 v0, v11;
	v16 =	vld [tilespmem:s10+$0x1540];
	v11 =	vmul.f32 v7, v8  }
0x10b: {  	v5 =	vmul.f32 v5, v10;
	v8 =	vld [tilespmem:s10+$0x6570];
	(erf) = vrcp.f32 v2  }
0x10c: {  	v1 =	vmul.f32 v1, v9;
	v2 =	vadd.f32 v15, v19;
	v10 =	vld [tilespmem:s10+$0x8D40];
	[tilespmem:s14+$0x1570] =	vst v11;
	v7 =	vpop (erf)  }
0x10d: {  	v9 =	vld [tilespmem:s10+$0x1570];
	v0 =	vmul.f32 v7, v0;
	v7 =	vpop (erf)  }
0x10e: {  	v3 =	vmul.f32 v3, v4;
	v2 =	vadd.f32 v17, v2;
	v11 =	vld [tilespmem:s10+$0x6560];
	v1 =	vmul.f32 v7, v1;
	v4 =	vpop (erf)  }
0x10f: {  	v7 =	vld [tilespmem:s10+$0x8D10];
	v15 =	vadd.f32 v21, v16;
	[tilespmem:s14+$0x1510] =	vst v0;
	v17 =	vmul.f32 v4, v6  }
0x110: {  	v4 =	vld [tilespmem:s10+$0x1510];
	v16 =	vsub.f32 $0.0e+00, v2;
	[tilespmem:s14+$0x1500] =	vst v1  }
0x111: {  	v1 =	vld [tilespmem:s10+$0x1500];
	v6 =	vadd.f32 v10, v15;
	[tilespmem:s14+$0x1560] =	vst v17;
	v0 =	vpop (erf)  }
0x112: {  	v10 =	vmul.f32 $1.442695020e+00, v16;
	v15 =	vld [tilespmem:s10+$0x1560];
	v8 =	vadd.f32 v8, v9;
	v17 =	vmul.f32 v0, v5  }
0x113: {  	v5 =	vld [tilespmem:s10+$0x8D00];
	v9 =	vsub.f32 $0.0e+00, v6  }
0x114: {  	v16 =	vld [tilespmem:s10+$0x8D60];
	v8 =	vadd.f32 v18, v8;
	(erf) = vpow2.f32 v10;
	[tilespmem:s14+$0x1550] =	vst v17;
	v0 =	vpop (erf)  }
0x115: {  	v4 =	vadd.f32 v12, v4;
	v9 =	vmul.f32 $1.442695020e+00, v9;
	v10 =	vld [tilespmem:s10+$0x1550];
	v3 =	vmul.f32 v0, v3  }
0x116: {  	v1 =	vadd.f32 v13, v1;
	v12 =	vld [tilespmem:s10+$0x8D50];
	v13 =	vsub.f32 $0.0e+00, v8  }
0x117: {  	v0 =	vadd.f32 v7, v4;
	v4 =	vld [tilespmem:s10+$0x6530];
	v7 =	vadd.f32 v11, v15;
	(erf) = vpow2.f32 v9;
	[tilespmem:s14+$0x1530] =	vst v3;
	s14 =	smov.u32 s10  }
0x118: {  	v1 =	vadd.f32 v5, v1;
	v3 =	vld [tilespmem:s14+$0x1530];
	v5 =	vmul.f32 $1.442695020e+00, v13  }
0x119: {  	v9 =	vsub.f32 $0.0e+00, v0;
	v11 =	vld [tilespmem:s14+$0x8D30];
	v7 =	vadd.f32 v16, v7  }
0x11a: {  	v13 =	vsub.f32 $0.0e+00, v1;
	v10 =	vadd.f32 v14, v10;
	(erf) = vpow2.f32 v5  }
0x11b: {  	v15 =	vmul.f32 $1.442695020e+00, v9;
	v14 =	vsub.f32 $0.0e+00, v7  }
0x11c: {  	v13 =	vmul.f32 $1.442695020e+00, v13;
	v5 =	vadd.f32 v12, v10  }
0x11d: {  	v3 =	vadd.f32 v4, v3;
	v4 =	vmul.f32 $1.442695020e+00, v14;
	(erf) = vpow2.f32 v15;
	v9 =	vpop (erf)  }
0x11e: {  	v9 =	vadd.f32 $1.000000000e+00, v9;
	v10 =	vsub.f32 $0.0e+00, v5;
	(erf) = vpow2.f32 v13  }
0x11f: {  	v3 =	vadd.f32 v11, v3;
	(erf) = vpow2.f32 v4  }
0x120: {  	v4 =	vld [tilespmem:s14+$0x3D30];
	v16 =	vmul.f32 $1.442695020e+00, v10;
	(erf) = vrcp.f32 v9;
	v11 =	vpop (erf)  }
0x121: {  	v9 =	vld [tilespmem:s14+$0x3D00];
	v12 =	vsub.f32 $0.0e+00, v3;
	v11 =	vadd.f32 $1.000000000e+00, v11  }
.Ltmp1:
0x122: {  	v13 =	vld [tilespmem:s14+$0x3D40];
	(erf) = vpow2.f32 v16;
	(pc) =	sbr.rel @p0 .LBB2_5-.Ltmp1, $4  }
0x123: {  	v14 =	vld [tilespmem:s14+$0x3D20];
	v17 =	vmul.f32 $1.442695020e+00, v12;
	(erf) = vrcp.f32 v11;
	v10 =	vpop (erf)  }
0x124: {  	v12 =	vld [tilespmem:s14+$0x3D70];
	v16 =	vadd.f32 $1.000000000e+00, v10  }
0x125: {  	v10 =	vld [tilespmem:s14+$0x3D50];
	(erf) = vpow2.f32 v17  }
0x126: {  	v11 =	vld [tilespmem:s14+$0x3D10];
	v15 =	vpop (erf);
	(erf) = vrcp.f32 v16  }
0x127: {  	v17 =	vpop (erf);
	v15 =	vadd.f32 $1.000000000e+00, v15  }
0x128: {  	s11 =	sshra.s32 s15, $0x2;
	v16 =	vld [tilespmem:s14+$0x3D60];
	v31 =	vpop (erf)  }
0x129: {  	v18 =	vld [tilespmem:s11+$0x8D70];
	v2 =	vmul.f32 v2, v14;
	v17 =	vadd.f32 $1.000000000e+00, v17;
	v20 =	vpop (erf);
	(erf) = vrcp.f32 v15  }
0x12a: {  	v19 =	vld [tilespmem:s11+$0x6550];
	v14 =	vadd.f32 $1.000000000e+00, v31  }
0x12b: {  	v21 =	vld [tilespmem:s11+$0x6520];
	v2 =	vmul.f32 v20, v2;
	(erf) = vrcp.f32 v17  }
0x12c: {  	v6 =	vmul.f32 v6, v13;
	v32 =	vld [tilespmem:s11+$0x6510];
	v33 =	vpop (erf);
	(erf) = vrcp.f32 v14  }
0x12d: {  	v22 =	vld [tilespmem:s11+$0x6500];
	[tilespmem:s14+$0x1520] =	vst v2;
	v34 =	vpop (erf);
	v13 =	vadd.f32 $1.000000000e+00, v33  }
0x12e: {  	v35 =	vld [tilespmem:s11+$0x1520];
	v2 =	vmul.f32 v34, v6;
	v38 =	vpop (erf)  }
0x12f: {  	v8 =	vmul.f32 v8, v12;
	v36 =	vld [tilespmem:s11+$0x8D20];
	v39 =	vpop (erf);
	(erf) = vrcp.f32 v13  }
0x130: {  	v37 =	vld [tilespmem:s11+$0x6540];
	[tilespmem:s14+$0x1540] =	vst v2;
	v12 =	vadd.f32 $1.000000000e+00, v38  }
0x131: {  	v40 =	vld [tilespmem:s11+$0x1540];
	v2 =	vmul.f32 v39, v8  }
0x132: {  	v0 =	vmul.f32 v0, v11;
	v41 =	vld [tilespmem:s11+$0x6570];
	v42 =	vpop (erf);
	(erf) = vrcp.f32 v12  }
0x133: {  	v1 =	vmul.f32 v1, v9;
	v23 =	vld [tilespmem:s11+$0x8D40];
	[tilespmem:s14+$0x1570] =	vst v2  }
0x134: {  	v7 =	vmul.f32 v7, v16;
	v43 =	vld [tilespmem:s11+$0x1570];
	v0 =	vmul.f32 v42, v0;
	v45 =	vpop (erf)  }
0x135: {  	v49 =	vadd.f32 v21, v35;
	v44 =	vld [tilespmem:s11+$0x6560];
	v1 =	vmul.f32 v45, v1;
	v47 =	vpop (erf)  }
0x136: {  	v46 =	vld [tilespmem:s11+$0x8D10];
	[tilespmem:s14+$0x1510] =	vst v0;
	v0 =	vmul.f32 v47, v7  }
0x137: {  	v5 =	vmul.f32 v5, v10;
	v51 =	vadd.f32 v36, v49;
	v52 =	vadd.f32 v37, v40;
	v48 =	vld [tilespmem:s11+$0x1510];
	[tilespmem:s14+$0x1500] =	vst v1  }
0x138: {  	v50 =	vld [tilespmem:s11+$0x1500];
	[tilespmem:s14+$0x1560] =	vst v0;
	v53 =	vpop (erf)  }
0x139: {  	v56 =	vsub.f32 $0.0e+00, v51;
	v1 =	vadd.f32 v23, v52;
	v54 =	vld [tilespmem:s11+$0x1560];
	v5 =	vmul.f32 v53, v5  }
0x13a: {  	v3 =	vmul.f32 v3, v4;
	v55 =	vld [tilespmem:s11+$0x8D00]  }
0x13b: {  	v57 =	vld [tilespmem:s11+$0x8D60];
	v58 =	vmul.f32 $1.442695020e+00, v56;
	v59 =	vadd.f32 v41, v43;
	v60 =	vsub.f32 $0.0e+00, v1;
	[tilespmem:s14+$0x1550] =	vst v5;
	v61 =	vpop (erf)  }
0x13c: {  	v62 =	vld [tilespmem:s11+$0x1550];
	v3 =	vmul.f32 v61, v3  }
0x13d: {  	(erf) = vpow2.f32 v58;
	v5 =	vadd.f32 v18, v59;
	v16 =	vmul.f32 $1.442695020e+00, v60;
	v63 =	vld [tilespmem:s11+$0x8D50]  }
0x13e: {  	v9 =	vadd.f32 v32, v48;
	v17 =	vld [tilespmem:s11+$0x6530];
	v7 =	vadd.f32 v22, v50;
	[tilespmem:s14+$0x1530] =	vst v3  }
0x13f: {  	v18 =	vsub.f32 $0.0e+00, v5;
	v2 =	vadd.f32 v44, v54;
	(erf) = vpow2.f32 v16;
	v20 =	vld [tilespmem:s11+$0x1530]  }
0x140: {  	v9 =	vadd.f32 v46, v9  }
0x141: {  	v6 =	vadd.f32 v55, v7;
	v3 =	vmul.f32 $1.442695020e+00, v18;
	v21 =	vld [tilespmem:s11+$0x8D30];
	v2 =	vadd.f32 v57, v2  }
0x142: {  	v22 =	vsub.f32 $0.0e+00, v9;
	v12 =	vadd.f32 v19, v62  }
0x143: {  	v23 =	vsub.f32 $0.0e+00, v6;
	(erf) = vpow2.f32 v3;
	v24 =	vsub.f32 $0.0e+00, v2  }
0x144: {  	v10 =	vmul.f32 $1.442695020e+00, v22;
	v11 =	vadd.f32 v63, v12;
	v4 =	vadd.f32 v17, v20  }
0x145: {  	v25 =	vmul.f32 $1.442695020e+00, v23;
	v3 =	vmul.f32 $1.442695020e+00, v24  }
0x146: {  	(erf) = vpow2.f32 v10;
	v26 =	vpop (erf);
	v12 =	vsub.f32 $0.0e+00, v11;
	v4 =	vadd.f32 v21, v4  }
0x147: {  	v27 =	vadd.f32 $1.000000000e+00, v26;
	(erf) = vpow2.f32 v25  }
0x148: {  	(erf) = vpow2.f32 v3;
	v29 =	vpop (erf);
	v28 =	vmul.f32 $1.442695020e+00, v12;
	v30 =	vsub.f32 $0.0e+00, v4  }
0x149: {  	(erf) = vrcp.f32 v27;
	v31 =	vadd.f32 $1.000000000e+00, v29  }
0x14a: {  	(erf) = vpow2.f32 v28;
	v32 =	vmul.f32 $1.442695020e+00, v30  }
0x14b: {  	(erf) = vrcp.f32 v31  }
0x14c: {  	(erf) = vpow2.f32 v32;
	_ =	sdelay $0x1  }
0x14d: {  	v33 =	vpop (erf)  }
0x14e: {  	v34 =	vpop (erf)  }
0x14f: {  	v35 =	vpop (erf)  }
0x150: {  	v3 =	vadd.f32 $1.000000000e+00, v33;
	v36 =	vpop (erf)  }
0x151: {  	v7 =	vadd.f32 $1.000000000e+00, v34;
	v37 =	vpop (erf)  }
0x152: {  	(erf) = vrcp.f32 v3;
	v38 =	vadd.f32 $1.000000000e+00, v35;
	v39 =	vpop (erf)  }
0x153: {  	v40 =	vld [tilespmem:s11+$0x3D20];
	v10 =	vadd.f32 $1.000000000e+00, v36;
	(erf) = vrcp.f32 v7;
	v41 =	vpop (erf)  }
0x154: {  	v42 =	vld [tilespmem:s11+$0x3D40];
	(erf) = vrcp.f32 v38;
	v43 =	vadd.f32 $1.000000000e+00, v39;
	v44 =	vpop (erf)  }
0x155: {  	v45 =	vld [tilespmem:s11+$0x3D70];
	(erf) = vrcp.f32 v10;
	v8 =	vadd.f32 $1.000000000e+00, v44  }
0x156: {  	v46 =	vld [tilespmem:s11+$0x3D10];
	(erf) = vrcp.f32 v43  }
0x157: {  	v47 =	vld [tilespmem:s11+$0x3D00];
	(erf) = vrcp.f32 v8  }
0x158: {  	v48 =	vld [tilespmem:s11+$0x3D60];
	v0 =	vmul.f32 v51, v40  }
0x159: {  	v49 =	vld [tilespmem:s11+$0x3D50];
	v1 =	vmul.f32 v1, v42  }
0x15a: {  	v50 =	vld [tilespmem:s11+$0x3D30];
	v5 =	vmul.f32 v5, v45;
	v0 =	vmul.f32 v37, v0  }
0x15b: {  	v9 =	vmul.f32 v9, v46;
	v1 =	vmul.f32 v41, v1;
	v51 =	vpop (erf)  }
0x15c: {  	v3 =	vmul.f32 v6, v47;
	[tilespmem:s11+$0x1520] =	vst v0;
	v52 =	vmul.f32 v51, v5;
	v53 =	vpop (erf)  }
0x15d: {  	v54 =	vmul.f32 v2, v48;
	[tilespmem:s11+$0x1540] =	vst v1;
	v55 =	vmul.f32 v53, v9;
	v56 =	vpop (erf)  }
0x15e: {  	v57 =	vmul.f32 v11, v49;
	[tilespmem:s11+$0x1570] =	vst v52;
	v58 =	vmul.f32 v56, v3;
	v59 =	vpop (erf)  }
0x15f: {  	v4 =	vmul.f32 v4, v50;
	[tilespmem:s11+$0x1510] =	vst v55;
	v1 =	vmul.f32 v59, v54;
	v60 =	vpop (erf)  }
0x160: {  	[tilespmem:s11+$0x1500] =	vst v58;
	v61 =	vmul.f32 v60, v57;
	v62 =	vpop (erf)  }
0x161: {  	s13 =	sadd.s32 $0x1, s13;
	[tilespmem:s11+$0x1560] =	vst v1;
	v63 =	vmul.f32 v62, v4  }
0x162: {  	p0 =	sne.s32 s13, $0x7D;
	[tilespmem:s11+$0x1550] =	vst v61  }
.Ltmp2:
0x163: {  	[tilespmem:s11+$0x1530] =	vst v63;
	(pc) =	sbr.rel @p0 .LBB2_2-.Ltmp2, $4  }
0x164: {  	[spmem:s2] =	stream.indirect.scatter.add.f32 [tilespmem:s18], [sflag:$0x7], $0x80, s3, s4, $0xb8;
	[tilespmem:$0x1E100] =	vst v63  }
0x165: {  	_ =	swait.ge [sflag:s16], $0x2800  }
0x166: {  	[sflag:s16] =	ssyncset.done $0x0  }
0x167: {  	[sflag:s16] =	ssyncadd.s32 $0xFFFFD800  }
0x168: {  	[bflag:$0x0] =	sbarrier.arrive $0xFFFF  }
0x169: {  	s13 =	rddreg [dreg:$0x5]  }
0x16a: {  	s10 =	rddreg [dreg:$0x6]  }
0x16b: {  	s11 =	rddreg [dreg:$0x8]  }
0x16c: {  	[hbm:s10], [sflag:s13] =	dma.local [spmem:s11], $0x2800  }
0x16d: {  	_ =	swait.ge [sflag:s16], $0x2800  }
0x16e: {  	s14 =	rddreg [dreg:$0x9]  }
0x16f: {  	s15 =	rddreg [dreg:$0x7];
	s14 =	sadd.s32 $0x1, s14  }
0x170: {  	p0 =	sne.s32 s14, s15  }
.Ltmp3:
0x171: {  	_ = 	snop;
	(pc) =	sbr.rel @p0 .LBB2_1-.Ltmp3, $3  }
0x172: {  	_ =	sdelay $0x1  }
0x173: {  	[sflag:s16] =	ssyncset.done $0x0  }
0x174: {  	[sflag:s16] =	ssyncadd.s32 $0xFFFFD800  }
0x175: {  	_ =	sfence.sel $0x180000  }
0x176: {  	[bflag:$0x0] =	sbarrier.arrive $0xFFFF  }
0x177: {  	_ =	strace $0x9000004A  }
0x178: {  	s0 =	stileid.u32;
	[bflag:$0x2] =	sbarrier.arrive $0xFFFF  }
0x179: {  	p0 =	sne.s32 s0, $0x0;
	s0 =	rddreg [dreg:$0x3]  }
0x17a: {  	s0 =	sadd.s32 @!p0 $0x100000, s0  }
0x17b: {  	[sflag:s0] =	ssyncadd.tile.s32 @!p0 $0x1;
	_ =	shalt  }
.Lfunc_end2:
_tile_overlayer_lowered:
.L_overlay_start_2:
0x17c: {  	(tag) =	ssettag $0x2  }
0x17d: {  	s0 =	rddreg [dreg:$0x0];
	s2 =	stileid.u32  }
0x17e: {  	s1 =	rddreg [dreg:$0x1];
	p0 =	sne.s32 s2, $0x0  }
0x17f: {  	s3 =	rddreg [dreg:$0x2];
	[bflag:$0x3] =	sbarrier.arrive $0xFFFF;
	s2 =	simm.s32 @!p0 $0x1C07  }
0x180: {  	[timem:s3], [sflag:s2] =	dma.local @!p0 [hbm:s0], s1  }
0x181: {  	s0 =	simm.s32 @!p0 $0x7  }
0x182: {  	_ =	swait.ge @!p0 [sflag:s0], s1  }
0x183: {  	s1 =	ssub.s32 @!p0 $0x0, s1;
	[sflag:s0] =	ssyncset.done @!p0 $0x0  }
0x184: {  	[sflag:s0] =	ssyncadd.s32 @!p0 s1  }
0x185: {  	[bflag:$0x3] =	sbarrier.arrive $0xFFFF  }
0x186: {  	_ =	shalt  }

// kernel: kernel.15.cloned.1.call-start
scs
__scs_entry_jumppad:
0x0: {  	(pc) =	sbr.rel $0x88, $3  }
0x1: {  	(tag) =	ssettag $0x0;
	lr =	simm.s32 $0x1  }
0x2: {  	[smem:$0x3F8B] =	sst lr;
	_ =	strace $0xD0000000  }
0x3: {  	_ = 	snop  }
0x4: {  	_ = 	snop  }
0x5: {  	_ = 	snop  }
0x6: {  	_ = 	snop  }
0x7: {  	_ = 	snop  }
__scs_overlays_trampoline_lowered:
0x8: {  	[smem:$0x3F9A] =	sst s0  }
0x9: {  	[smem:$0x3F9B] =	sst s1  }
0xa: {  	[smem:$0x3F9C] =	sst s2  }
0xb: {  	[smem:$0x3F9D] =	sst s3  }
0xc: {  	[smem:$0x3F9E] =	sst s4  }
0xd: {  	[smem:$0x3F9F] =	sst s5  }
0xe: {  	[smem:$0x3FA0] =	sst s6  }
0xf: {  	[smem:$0x3FA1] =	sst s7  }
0x10: {  	[smem:$0x3FA2] =	sst s8  }
0x11: {  	[smem:$0x3FA3] =	sst s9;
	s0 =	simm.s32 @!p0 $0x0  }
0x12: {  	s1 =	sld [smem:$0x3F89];
	s0 =	simm.s32 @p0 $0x1  }
0x13: {  	[smem:$0x3FA4] =	sst s0;
	s0 =	simm.s32 @!p1 $0x0  }
0x14: {  	s2 =	sld [smem:$0x3F88];
	s0 =	simm.s32 @p1 $0x1  }
0x15: {  	[smem:$0x3FA5] =	sst s0;
	s0 =	simm.s32 @!p2 $0x0  }
0x16: {  	s3 =	sld [smem:$0x3FDB];
	s0 =	simm.s32 @p2 $0x1  }
0x17: {  	s4 =	simm.s32 $0x1BF5;
	[smem:$0x3FA7] =	sst s0  }
0x18: {  	s0 =	sld [smem:$0x3F8A];
	_ =	swait.ge [sflag:s4], $0x0  }
0x19: {  	s7 =	sld [smem:$0x3F8B]  }
0x1a: {  	s8 =	sadd.s32 $0xFFFFE003, lr  }
0x1b: {  	s9 =	sadd.s32 $0xFFFFFEF7, lr;
	s5 =	simm.s32 $0xFFFFFFFF;
	p2 =	slt.u32 s8, $0xFFFFF086  }
0x1c: {  	p1 =	slt.u32 s9, $0xF7A;
	s5 =	simm.s32 @!p2 $0x0  }
0x1d: {  	s5 =	simm.s32 @p1 $0x1;
	p0 =	seq.s32 s7, s2  }
0x1e: {  	s7 =	smul.u32 @!p0 $0xF7A, s2;
	p2 =	seq.s32 @!p0 s5, $0x0  }
0x1f: {  	s9 =	smul.u32 $0xF7A, s1;
	s8 =	simm.s32 @!p0 $0x1BF5;
	p2 =	por !p2, p0  }
0x20: {  	[sflag:s8] =	ssyncset.s32 @!p0 $0xFFFFF086;
	s6 =	sadd.s32 @!p0 s3, s7;
	s7 =	simm.s32 @!p0 $0x108  }
0x21: {  	s3 =	sadd.s32 s3, s9;
	s6 =	sadd.s32 @!p0 $0x88, s6;
	s7 =	simm.s32 @p2 $0x1082  }
0x22: {  	[simem:s7], [sflag:s8] =	dma.local @!p0 [hbm:s6], $0xF7A  }
0x23: {  	s9 =	sor.u32 $0xD0000000, s2;
	s6 =	simm.s32 $0x108;
	_ =	swait.ge @!p0 [sflag:s8], $0x0  }
0x24: {  	s3 =	sadd.s32 $0x88, s3;
	s6 =	simm.s32 @!p1 $0x1082;
	[sflag:s4] =	ssyncset.s32 $0xFFFFF086  }
0x25: {  	[simem:s6], [sflag:s4] =	dma.local [hbm:s3], $0xF7A  }
0x26: {  	[smem:$0x3F8B] =	sst s1;
	(tag) =	ssettag s2;
	_ =	strace s9  }
0x27: {  	s1 =	sld [smem:$0x3F9B]  }
0x28: {  	s2 =	sld [smem:$0x3F9C]  }
0x29: {  	s4 =	sld [smem:$0x3F9E]  }
0x2a: {  	p0 =	seq.s32 s5, $0x0;
	s5 =	sld [smem:$0x3F9F]  }
0x2b: {  	s6 =	sld [smem:$0x3FA0]  }
0x2c: {  	s7 =	sld [smem:$0x3FA1]  }
0x2d: {  	s3 =	simm.s32 $0x108;
	s8 =	sld [smem:$0x3FA2]  }
0x2e: {  	s3 =	simm.s32 @!p0 $0x1082;
	s9 =	sld [smem:$0x3FA3]  }
0x2f: {  	lr =	sadd.s32 s0, s3;
	s0 =	sld [smem:$0x3F9A]  }
0x30: {  	s3 =	sld [smem:$0x3F9D]  }
0x31: {  	[smem:$0x3FA6] =	sst s10  }
0x32: {  	s10 =	sld [smem:$0x3FA4];
	_ =	sdelay $0x3  }
0x33: {  	p0 =	seq.s32 s10, $0x1;
	s10 =	sld [smem:$0x3FA6];
	_ =	sdelay $0x3  }
0x34: {  	[smem:$0x3FA6] =	sst s10  }
0x35: {  	s10 =	sld [smem:$0x3FA5];
	_ =	sdelay $0x3  }
0x36: {  	p1 =	seq.s32 s10, $0x1;
	s10 =	sld [smem:$0x3FA6];
	_ =	sdelay $0x3  }
0x37: {  	[smem:$0x3FA6] =	sst s10  }
0x38: {  	s10 =	sld [smem:$0x3FA7]  }
0x39: {  	_ = 	snop;
	(pc) =	sbr.ind lr, $3  }
0x3a: {  	_ = 	snop  }
0x3b: {  	_ = 	snop  }
0x3c: {  	p2 =	seq.s32 s10, $0x1;
	s10 =	sld [smem:$0x3FA6]  }
0x3d: {  	_ =	shalt  }
0x3e: {  	_ =	shalt  }
0x3f: {  	_ =	shalt  }
0x40: {  	_ =	shalt  }
0x41: {  	_ =	shalt  }
0x42: {  	_ =	shalt  }
0x43: {  	_ =	shalt  }
0x44: {  	_ =	shalt  }
0x45: {  	_ =	shalt  }
0x46: {  	_ =	shalt  }
0x47: {  	_ =	shalt  }
0x48: {  	_ =	shalt  }
0x49: {  	_ =	shalt  }
0x4a: {  	_ =	shalt  }
0x4b: {  	_ =	shalt  }
0x4c: {  	_ =	shalt  }
0x4d: {  	_ =	shalt  }
0x4e: {  	_ =	shalt  }
0x4f: {  	_ =	shalt  }
0x50: {  	_ =	shalt  }
0x51: {  	_ =	shalt  }
0x52: {  	_ =	shalt  }
0x53: {  	_ =	shalt  }
0x54: {  	_ =	shalt  }
0x55: {  	_ =	shalt  }
0x56: {  	_ =	shalt  }
0x57: {  	_ =	shalt  }
0x58: {  	_ =	shalt  }
0x59: {  	_ =	shalt  }
0x5a: {  	_ =	shalt  }
0x5b: {  	_ =	shalt  }
0x5c: {  	_ =	shalt  }
0x5d: {  	_ =	shalt  }
0x5e: {  	_ =	shalt  }
0x5f: {  	_ =	shalt  }
0x60: {  	_ =	shalt  }
0x61: {  	_ =	shalt  }
0x62: {  	_ =	shalt  }
0x63: {  	_ =	shalt  }
0x64: {  	_ =	shalt  }
0x65: {  	_ =	shalt  }
0x66: {  	_ =	shalt  }
0x67: {  	_ =	shalt  }
0x68: {  	_ =	shalt  }
0x69: {  	_ =	shalt  }
0x6a: {  	_ =	shalt  }
0x6b: {  	_ =	shalt  }
0x6c: {  	_ =	shalt  }
0x6d: {  	_ =	shalt  }
0x6e: {  	_ =	shalt  }
0x6f: {  	_ =	shalt  }
0x70: {  	_ =	shalt  }
0x71: {  	_ =	shalt  }
0x72: {  	_ =	shalt  }
0x73: {  	_ =	shalt  }
0x74: {  	_ =	shalt  }
0x75: {  	_ =	shalt  }
0x76: {  	_ =	shalt  }
0x77: {  	_ =	shalt  }
0x78: {  	_ =	shalt  }
0x79: {  	_ =	shalt  }
0x7a: {  	_ =	shalt  }
0x7b: {  	_ =	shalt  }
0x7c: {  	_ =	shalt  }
0x7d: {  	_ =	shalt  }
0x7e: {  	_ =	shalt  }
0x7f: {  	_ =	shalt  }
0x80: {  	_ =	shalt  }
0x81: {  	_ =	shalt  }
0x82: {  	_ =	shalt  }
0x83: {  	_ =	shalt  }
0x84: {  	_ =	shalt  }
0x85: {  	_ =	shalt  }
0x86: {  	_ =	shalt  }
0x87: {  	_ =	shalt  }
.Lfunc_end0:
.L_simem_size_0:
called_computation.2_lowered:
.L_overlay_start_0:
0x88: {  	s2 =	sld [smem:$0x3FD9]  }
0x89: {  	s3 =	sld [smem:$0x3FFE];
	_ =	sdelay $0x1  }
0x8a: {  	s1 =	srdreg.scid  }
0x8b: {  	s0 =	sand.u32 $0x1, s1  }
0x8c: {  	s17 =	sshll.u32 s0, $0xA;
	s2 =	sadd.s32 s3, s2  }
0x8d: {  	s2 =	sadd.s32 s2, s17  }
0x8e: {  	[smem:$0x3FB2] =	sst s2  }
0x8f: {  	_ = 	snop  }
0x90: {  	s2 =	sld [smem:$0x3FD0];
	(tm) =	ssettm $0x1  }
0x91: {  	s18 =	sld [smem:$0x3FFB];
	_ =	sdelay $0x3  }
0x92: {  	_ =	strace s18  }
0x93: {  	s3 =	sld [smem:$0x3FFC];
	_ =	sdelay $0x3  }
0x94: {  	_ =	strace s3  }
0x95: {  	s3 =	sld [smem:$0x3FFD];
	_ =	sdelay $0x3  }
0x96: {  	_ =	strace s3  }
0x97: {  	_ =	strace $0x8FFFFFFF  }
0x98: {  	s19 =	sld [smem:$0x3FDB];
	_ =	sdelay $0x1  }
0x99: {  	s4 =	simm.s32 $_scs_section_size  }
0x9a: {  	s5 =	simm.s32 $_size__tile_overlayer_lowered;
	s6 =	simm.s32 $_tile_overlayer_lowered  }
0x9b: {  	s22 =	simm.s32 $0x1BFF;
	s21 =	sshll.u32 s6, $0x1;
	s3 =	sadd.s32 s4, s19  }
0x9c: {  	s7 =	simm.s32 $0x0;
	s20 =	sshll.u32 s5, $0x1;
	s5 =	sadd.s32 s21, s3  }
0x9d: {  	[timem:s7], [sflag:s22] =	dma.local [hbm:s5], s20  }
0x9e: {  	_ =	swait.ge [sflag:s22], s20  }
0x9f: {  	s4 =	ssub.s32 $0x0, s20;
	[sflag:s22] =	ssyncset.done $0x0  }
0xa0: {  	[sflag:s22] =	ssyncadd.s32 s4;
	_ =	sdelay $0x1  }
0xa1: {  	s23 =	simm.s32 $0x1B8B  }
0xa2: {  	_ =	swait.ge [sflag:s23], $0x1  }
0xa3: {  	[sflag:s23] =	ssyncset.done $0x0  }
0xa4: {  	s25 =	simm.s32 $0x1B8E;
	s24 =	sld [smem:$0x3FFE];
	[sflag:s23] =	ssyncadd.s32 $0xFFFFFFFF  }
0xa5: {  	s26 =	simm.s32 $execute0_lowered;
	[smem:$0x3FD2] =	sst s25  }
0xa6: {  	s5 =	sshll.u32 s26, $0x1;
	_ =	strace $0x8000004C;
	[dreg:$0x1] =	wrdreg $0xFFFFFFFF  }
0xa7: {  	s28 =	simm.s32 $_size_execute0_lowered;
	s3 =	sadd.s32 s3, s5;
	[dreg:$0x0] =	wrdreg $0x0  }
0xa8: {  	s5 =	sshll.u32 s28, $0x1;
	[dreg:$0x2] =	wrdreg s3  }
0xa9: {  	[dreg:$0x3] =	wrdreg s5  }
0xaa: {  	[dreg:$0x4] =	wrdreg $0xC0  }
0xab: {  	_ =	task [dreg:s7], $0x5FFFF  }
0xac: {  	[dreg:$0x1] =	wrdreg $0xFFFFFFFF  }
0xad: {  	[dreg:$0x0] =	wrdreg $0x60  }
0xae: {  	[dreg:$0x2] =	wrdreg s24  }
0xaf: {  	[dreg:$0x3] =	wrdreg s2  }
0xb0: {  	[dreg:$0x4] =	wrdreg $0xA1000  }
0xb1: {  	[dreg:$0x5] =	wrdreg $0x9  }
0xb2: {  	_ =	task.clear_ibuf [dreg:s7], $0x6FFFF;
	_ =	strace $0x9000004C  }
0xb3: {  	s29 =	simm.s32 $0x9;
	_ =	strace $0x8000004E  }
0xb4: {  	_ =	swait.ge [sflag:s29], $0x1  }
0xb5: {  	[sflag:s29] =	ssyncadd.s32 $0xFFFFFFFF  }
0xb6: {  	_ =	strace $0x9000004E  }
0xb7: {  	_ =	sfence  }
0xb8: {  	s30 =	sld [smem:$0x0];
	_ =	sdelay $0x2  }
0xb9: {  	s31 =	sshll.u32 s1, $0xD;
	s1 =	sshrl.u32 s1, $0x2  }
0xba: {  	s3 =	sand.u32 $0x4000, s31;
	s1 =	sadd.s32 s1, s30  }
0xbb: {  	s0 =	sor.u32 s3, s0;
	s1 =	sshll.u32 s1, $0x11  }
0xbc: {  	s0 =	sor.u32 s1, s0  }
0xbd: {  	s0 =	sadd.s32 $0x8F2B, s0  }
0xbe: {  	[sflag:s0] =	ssyncadd.remote.s32 $0x1  }
0xbf: {  	_ =	sfence.sel $0xFFFF  }
0xc0: {  	[dreg:$0x0] =	wrdreg $0xFFFFFFFF;
	(pc) =	sbr.abs _section_cstart, $3  }
0xc1: {  	[dreg:$0x1] =	wrdreg $0xFFFFFFFF  }
0xc2: {  	_ =	task.clear_ibuf [dreg:s7], $0x2FFFF;
	_ =	strace $0x9FFFFFFF  }
0xc3: {  	(tm) =	ssettm $0x7FFFFFFF  }
tec
execute0_lowered:
.L_overlay_start_1:
0x0: {  	(tag) =	ssettag $0x1  }
0x1: {  	s0 =	rddreg [dreg:$0x0]  }
0x2: {  	s1 =	rddreg [dreg:$0x1]  }
0x3: {  	s2 =	rddreg [dreg:$0x2]  }
0x4: {  	s3 =	simm.s32 $0x0;
	s4 =	srdreg.scid;
	s14 =	stileid.u32  }
0x5: {  	s16 =	simm.s32 $0x7;
	s17 =	simm.s32 $0x80;
	s18 =	simm.s32 $0x100  }
0x6: {  	s19 =	simm.s32 $0x2900;
	s20 =	simm.s32 $0x1;
	s28 =	simm.s32 $0x5  }
0x7: {  	s29 =	simm.s32 $0x6;
	s30 =	simm.s32 $0x6500;
	s31 =	simm.s32 $0xA8  }
0x8: {  	[smem:$0x7FF] =	sst s3;
	s4 =	sand.u32 $0x1, s4;
	s5 =	sadd.s32 $0xF400, s0  }
0x9: {  	s6 =	sadd.s32 $0x5600, s0;
	s11 =	smul.u32 $0x14000, s14;
	s7 =	sadd.s32 $0x7D000, s0  }
0xa: {  	s8 =	sadd.s32 $0x55F000, s0;
	s9 =	sadd.s32 $0xA41000, s0;
	s12 =	sadd.s32 $0x29800, s0  }
0xb: {  	s13 =	smul.u32 $0x50000, s14;
	s25 =	sshll.u32 s14, $0x6;
	_ =	strace $0x8000004D  }
0xc: {  	s10 =	smul.u32 $0x140000, s4;
	s21 =	ssub.s32 $0x2, s4;
	s4 =	sshll.u32 s4, $0x4  }
0xd: {  	[dreg:$0x4] =	wrdreg s12;
	s22 =	sshrl.u32 s21, $0x1;
	s4 =	sor.u32 s14, s4  }
0xe: {  	s24 =	sshrl.u32 s13, $0x2;
	s13 =	sor.u32 $0x1C07, s25;
	s25 =	simm.s32 $0x3  }
0xf: {  	s14 =	simm.s32 $0x0;
	s10 =	sadd.s32 s11, s10;
	s23 =	ssub.s32 s21, s22  }
0x10: {  	s11 =	sadd.s32 s24, s2;
	s12 =	smul.u32 $0x2710, s4;
	s21 =	simm.s32 $0x2  }
0x11: {  	s22 =	simm.s32 $0x28;
	s24 =	simm.s32 $0x7900;
	s4 =	simm.s32 $0x50  }
0x12: {  	[dreg:$0x5] =	wrdreg s13;
	s10 =	sshrl.u32 s10, $0x3;
	s26 =	smax.u32 s23, $0x1  }
0x13: {  	s11 =	sshrl.u32 s11, $0x3;
	s0 =	sadd.s32 s10, s0;
	[dreg:$0x7] =	wrdreg s26  }
0x14: {  	s23 =	simm.s32 $0x5100;
	[dreg:$0x8] =	wrdreg s11;
	s0 =	sadd.s32 $0xA8F400, s0  }
0x15: {  	s26 =	simm.s32 $0x4;
	[dreg:$0x6] =	wrdreg s0;
	s0 =	simm.s32 $0x8D00  }
.LBB2_1:
0x16: {  	[dreg:$0x9] =	wrdreg s14  }
0x17: {  	s10 =	rddreg [dreg:$0x4]  }
0x18: {  	[spmem:s11], [sflag:s13] =	dma.local [hbm:s10], $0x2800  }
0x19: {  	_ =	swait.ge [sflag:s16], $0x2800  }
0x1a: {  	[sflag:s16] =	ssyncset.done $0x0  }
0x1b: {  	[sflag:s16] =	ssyncadd.s32 $0xFFFFD800  }
0x1c: {  	s13 =	simm.s32 $0x0;
	[bflag:$0x0] =	sbarrier.arrive $0xFFFF  }
.LBB2_2:
0x1d: {  	s10 =	smul.u32 $0x50, s13;
	_ =	sdelay $0x1  }
0x1e: {  	s10 =	sadd.s32 s12, s10  }
0x1f: {  	s11 =	sshrl.u32 s10, $0x3  }
0x20: {  	s15 =	simm.s32 $0x0;
	s14 =	sadd.s32 s5, s11  }
0x21: {  	[tilespmem:s15], [sflag:$0x1] =	stream.linear.gather [hbm4b:s14+s15], $0x50, $0x38;
	[tilespmem:$0x1E100] =	vst v63  }
0x22: {  	s10 =	sshll.u32 s10, $0x4;
	s11 =	sadd.s32 s6, s11  }
0x23: {  	[tilespmem:s17], [sflag:$0x2] =	stream.linear.gather [hbm4b:s11+s15], $0x50, $0x38;
	[tilespmem:$0x1E100] =	vst v63  }
0x24: {  	s14 =	sadd.s32 s7, s10  }
0x25: {  	[tilespmem:s18], [sflag:$0x3] =	stream.linear.gather [hbm4b:s14+s15], $0x2800, $0x38;
	[tilespmem:$0x1E100] =	vst v63  }
0x26: {  	s10 =	sadd.s32 s8, s10  }
0x27: {  	[tilespmem:s19], [sflag:$0x4] =	stream.linear.gather [hbm4b:s10+s15], $0x2800, $0x38;
	[tilespmem:$0x1E100] =	vst v63  }
0x28: {  	_ =	swait.ge [sflag:s20], $0x50  }
0x29: {  	[sflag:s20] =	ssyncset.done $0x0  }
0x2a: {  	[sflag:s20] =	ssyncadd.s32 $0xFFFFFFB0  }
0x2b: {  	_ =	swait.ge [sflag:s21], $0x50  }
0x2c: {  	[sflag:s21] =	ssyncset.done $0x0  }
0x2d: {  	[sflag:s21] =	ssyncadd.s32 $0xFFFFFFB0  }
0x2e: {  	[tilespmem:s23], [sflag:$0x5] =	stream.indirect.gather [hbm4b:s1+s22], $0x80, s15, s22, $0xb8;
	[tilespmem:$0x1E100] =	vst v63  }
0x2f: {  	_ = 	snop  }
0x30: {  	[tilespmem:s24], [sflag:$0x6] =	stream.indirect.gather [hbm4b:s9+s22], $0x80, s17, s22, $0xb8;
	[tilespmem:$0x1E100] =	vst v63  }
0x31: {  	_ =	swait.ge [sflag:s25], $0x2800  }
0x32: {  	[sflag:s25] =	ssyncset.done $0x0  }
0x33: {  	[sflag:s25] =	ssyncadd.s32 $0xFFFFD800  }
0x34: {  	_ =	swait.ge [sflag:s26], $0x2800  }
0x35: {  	[sflag:s26] =	ssyncset.done $0x0  }
0x36: {  	[sflag:s26] =	ssyncadd.s32 $0xFFFFD800  }
0x37: {  	_ =	swait.ge [sflag:s28], $0x1400  }
0x38: {  	[sflag:s28] =	ssyncset.done $0x0  }
0x39: {  	[sflag:s28] =	ssyncadd.s32 $0xFFFFEC00  }
0x3a: {  	_ =	swait.ge [sflag:s29], $0x1400  }
0x3b: {  	[sflag:s29] =	ssyncset.done $0x0  }
0x3c: {  	[sflag:s29] =	ssyncadd.s32 $0xFFFFEC00  }
0x3d: {  	[tilespmem:s30], [sflag:$0x5] =	stream.indirect.gather [hbm4b:s1+s22], $0x80, s22, s22, $0xb8;
	[tilespmem:$0x1E100] =	vst v63  }
0x3e: {  	s14 =	simm.s32 $0x0  }
0x3f: {  	[tilespmem:s0], [sflag:$0x6] =	stream.indirect.gather [hbm4b:s9+s22], $0x80, s31, s22, $0xb8;
	[tilespmem:$0x1E100] =	vst v63  }
0x40: {  	v0 =	vld [tilespmem:s14+$0x7970]  }
0x41: {  	v3 =	vld [tilespmem:s14+$0x5150]  }
0x42: {  	v1 =	vld [tilespmem:s14+$0x5120]  }
0x43: {  	v4 =	vld [tilespmem:s14+$0x5110]  }
0x44: {  	v5 =	vld [tilespmem:s14+$0x5100]  }
0x45: {  	v2 =	vld [tilespmem:s14+$0x120]  }
0x46: {  	v6 =	vld [tilespmem:s14+$0x7920]  }
0x47: {  	v7 =	vld [tilespmem:s14+$0x5140]  }
0x48: {  	v8 =	vld [tilespmem:s14+$0x140]  }
0x49: {  	v9 =	vld [tilespmem:s14+$0x5170]  }
0x4a: {  	v10 =	vld [tilespmem:s14+$0x7940]  }
0x4b: {  	v11 =	vld [tilespmem:s14+$0x170]  }
0x4c: {  	v12 =	vld [tilespmem:s14+$0x5160]  }
0x4d: {  	v13 =	vld [tilespmem:s14+$0x100];
	v1 =	vadd.f32 v1, v2  }
0x4e: {  	v16 =	vld [tilespmem:s14+$0x7960]  }
0x4f: {  	v2 =	vadd.f32 v6, v1;
	v6 =	vadd.f32 v7, v8;
	v7 =	vld [tilespmem:s14+$0x110]  }
0x50: {  	v9 =	vadd.f32 v9, v11;
	v1 =	vld [tilespmem:s14+$0x7910]  }
0x51: {  	v8 =	vsub.f32 $0.0e+00, v2;
	v6 =	vadd.f32 v10, v6;
	v10 =	vld [tilespmem:s14+$0x160]  }
0x52: {  	v11 =	vld [tilespmem:s14+$0x7900]  }
0x53: {  	v5 =	vadd.f32 v5, v13;
	v13 =	vld [tilespmem:s14+$0x5130];
	v14 =	vmul.f32 $1.442695020e+00, v8;
	v8 =	vadd.f32 v0, v9  }
0x54: {  	v15 =	vsub.f32 $0.0e+00, v6;
	v0 =	vadd.f32 v4, v7;
	v4 =	vld [tilespmem:s14+$0x150]  }
0x55: {  	v9 =	vld [tilespmem:s14+$0x7950];
	(erf) = vpow2.f32 v14;
	v14 =	vsub.f32 $0.0e+00, v8  }
0x56: {  	v7 =	vmul.f32 $1.442695020e+00, v15;
	v0 =	vadd.f32 v1, v0;
	v10 =	vadd.f32 v12, v10;
	v12 =	vld [tilespmem:s14+$0x130]  }
0x57: {  	v1 =	vadd.f32 v11, v5  }
0x58: {  	v11 =	vld [tilespmem:s14+$0x7930];
	(erf) = vpow2.f32 v7;
	v14 =	vmul.f32 $1.442695020e+00, v14;
	v15 =	vsub.f32 $0.0e+00, v0  }
0x59: {  	v7 =	vadd.f32 v16, v10;
	v3 =	vadd.f32 v3, v4  }
0x5a: {  	v10 =	vsub.f32 $0.0e+00, v1;
	(erf) = vpow2.f32 v14;
	v4 =	vmul.f32 $1.442695020e+00, v15  }
0x5b: {  	v5 =	vadd.f32 v9, v3;
	v3 =	vadd.f32 v13, v12  }
0x5c: {  	v14 =	vsub.f32 $0.0e+00, v7;
	(erf) = vpow2.f32 v4  }
0x5d: {  	v4 =	vmul.f32 $1.442695020e+00, v10;
	v12 =	vsub.f32 $0.0e+00, v5;
	v3 =	vadd.f32 v11, v3  }
0x5e: {  	v9 =	vmul.f32 $1.442695020e+00, v14;
	v10 =	vpop (erf)  }
0x5f: {  	(erf) = vpow2.f32 v4;
	v10 =	vadd.f32 $1.000000000e+00, v10;
	v15 =	vsub.f32 $0.0e+00, v3  }
0x60: {  	v13 =	vld [tilespmem:s14+$0x2940];
	(erf) = vpow2.f32 v9  }
0x61: {  	v14 =	vld [tilespmem:s14+$0x2920];
	v11 =	vmul.f32 $1.442695020e+00, v12;
	v12 =	vpop (erf);
	(erf) = vrcp.f32 v10  }
0x62: {  	v4 =	vld [tilespmem:s14+$0x2930];
	v10 =	vadd.f32 $1.000000000e+00, v12  }
0x63: {  	v9 =	vld [tilespmem:s14+$0x2900];
	(erf) = vpow2.f32 v11;
	v11 =	vmul.f32 $1.442695020e+00, v15;
	v15 =	vpop (erf)  }
0x64: {  	v12 =	vld [tilespmem:s14+$0x2970];
	(erf) = vrcp.f32 v10;
	v16 =	vadd.f32 $1.000000000e+00, v15  }
0x65: {  	v10 =	vld [tilespmem:s14+$0x2950];
	(erf) = vpow2.f32 v11  }
0x66: {  	s11 =	simm.s32 $0x400;
	s15 =	simm.s32 $0x200;
	v11 =	vld [tilespmem:s14+$0x2910];
	v15 =	vpop (erf);
	(erf) = vrcp.f32 v16  }
.LBB2_3:
0x67: {  	p0 =	sne.s32 s11, $0x4E00  }
0x68: {  	s10 =	sshra.s32 s15, $0x2;
	v15 =	vadd.f32 $1.000000000e+00, v15;
	v16 =	vld [tilespmem:s14+$0x2960];
	v17 =	vpop (erf);
	s15 =	smov.u32 s11;
	s11 =	sadd.s32 $0x200, s11  }
0x69: {  	v6 =	vmul.f32 v6, v13;
	v18 =	vld [tilespmem:s10+$0x7970];
	v19 =	vadd.f32 $1.000000000e+00, v17;
	v2 =	vmul.f32 v2, v14;
	v13 =	vpop (erf)  }
0x6a: {  	v14 =	vld [tilespmem:s10+$0x5150];
	v13 =	vadd.f32 $1.000000000e+00, v13;
	v8 =	vmul.f32 v8, v12;
	(erf) = vrcp.f32 v15;
	v12 =	vpop (erf)  }
0x6b: {  	v15 =	vld [tilespmem:s10+$0x5120];
	v2 =	vmul.f32 v12, v2;
	(erf) = vrcp.f32 v19  }
0x6c: {  	v12 =	vld [tilespmem:s10+$0x5110];
	v17 =	vpop (erf);
	(erf) = vrcp.f32 v13  }
0x6d: {  	v13 =	vld [tilespmem:s10+$0x5100];
	[tilespmem:s14+$0x120] =	vst v2;
	v2 =	vadd.f32 $1.000000000e+00, v17;
	v17 =	vpop (erf)  }
0x6e: {  	v19 =	vld [tilespmem:s10+$0x120];
	v6 =	vmul.f32 v17, v6  }
0x6f: {  	v17 =	vld [tilespmem:s10+$0x7920];
	v20 =	vpop (erf);
	(erf) = vrcp.f32 v2  }
0x70: {  	v21 =	vld [tilespmem:s10+$0x5140];
	v2 =	vadd.f32 $1.000000000e+00, v20;
	[tilespmem:s14+$0x140] =	vst v6;
	v6 =	vmul.f32 v7, v16;
	v7 =	vpop (erf)  }
0x71: {  	v0 =	vmul.f32 v0, v11;
	v16 =	vld [tilespmem:s10+$0x140];
	v11 =	vmul.f32 v7, v8  }
0x72: {  	v5 =	vmul.f32 v5, v10;
	v8 =	vld [tilespmem:s10+$0x5170];
	(erf) = vrcp.f32 v2  }
0x73: {  	v1 =	vmul.f32 v1, v9;
	v2 =	vadd.f32 v15, v19;
	v10 =	vld [tilespmem:s10+$0x7940];
	[tilespmem:s14+$0x170] =	vst v11;
	v7 =	vpop (erf)  }
0x74: {  	v9 =	vld [tilespmem:s10+$0x170];
	v0 =	vmul.f32 v7, v0;
	v7 =	vpop (erf)  }
0x75: {  	v3 =	vmul.f32 v3, v4;
	v2 =	vadd.f32 v17, v2;
	v11 =	vld [tilespmem:s10+$0x5160];
	v1 =	vmul.f32 v7, v1;
	v4 =	vpop (erf)  }
0x76: {  	v7 =	vld [tilespmem:s10+$0x7910];
	v15 =	vadd.f32 v21, v16;
	[tilespmem:s14+$0x110] =	vst v0;
	v17 =	vmul.f32 v4, v6  }
0x77: {  	v4 =	vld [tilespmem:s10+$0x110];
	v16 =	vsub.f32 $0.0e+00, v2;
	[tilespmem:s14+$0x100] =	vst v1  }
0x78: {  	v1 =	vld [tilespmem:s10+$0x100];
	v6 =	vadd.f32 v10, v15;
	[tilespmem:s14+$0x160] =	vst v17;
	v0 =	vpop (erf)  }
0x79: {  	v10 =	vmul.f32 $1.442695020e+00, v16;
	v15 =	vld [tilespmem:s10+$0x160];
	v8 =	vadd.f32 v8, v9;
	v17 =	vmul.f32 v0, v5  }
0x7a: {  	v5 =	vld [tilespmem:s10+$0x7900];
	v9 =	vsub.f32 $0.0e+00, v6  }
0x7b: {  	v16 =	vld [tilespmem:s10+$0x7960];
	v8 =	vadd.f32 v18, v8;
	(erf) = vpow2.f32 v10;
	[tilespmem:s14+$0x150] =	vst v17;
	v0 =	vpop (erf)  }
0x7c: {  	v4 =	vadd.f32 v12, v4;
	v9 =	vmul.f32 $1.442695020e+00, v9;
	v10 =	vld [tilespmem:s10+$0x150];
	v3 =	vmul.f32 v0, v3  }
0x7d: {  	v1 =	vadd.f32 v13, v1;
	v12 =	vld [tilespmem:s10+$0x7950];
	v13 =	vsub.f32 $0.0e+00, v8  }
0x7e: {  	v0 =	vadd.f32 v7, v4;
	v4 =	vld [tilespmem:s10+$0x5130];
	v7 =	vadd.f32 v11, v15;
	(erf) = vpow2.f32 v9;
	[tilespmem:s14+$0x130] =	vst v3;
	s14 =	smov.u32 s10  }
0x7f: {  	v1 =	vadd.f32 v5, v1;
	v3 =	vld [tilespmem:s14+$0x130];
	v5 =	vmul.f32 $1.442695020e+00, v13  }
0x80: {  	v9 =	vsub.f32 $0.0e+00, v0;
	v11 =	vld [tilespmem:s14+$0x7930];
	v7 =	vadd.f32 v16, v7  }
0x81: {  	v13 =	vsub.f32 $0.0e+00, v1;
	v10 =	vadd.f32 v14, v10;
	(erf) = vpow2.f32 v5  }
0x82: {  	v15 =	vmul.f32 $1.442695020e+00, v9;
	v14 =	vsub.f32 $0.0e+00, v7  }
0x83: {  	v13 =	vmul.f32 $1.442695020e+00, v13;
	v5 =	vadd.f32 v12, v10  }
0x84: {  	v3 =	vadd.f32 v4, v3;
	v4 =	vmul.f32 $1.442695020e+00, v14;
	(erf) = vpow2.f32 v15;
	v9 =	vpop (erf)  }
0x85: {  	v9 =	vadd.f32 $1.000000000e+00, v9;
	v10 =	vsub.f32 $0.0e+00, v5;
	(erf) = vpow2.f32 v13  }
0x86: {  	v3 =	vadd.f32 v11, v3;
	(erf) = vpow2.f32 v4  }
0x87: {  	v4 =	vld [tilespmem:s14+$0x2930];
	v16 =	vmul.f32 $1.442695020e+00, v10;
	(erf) = vrcp.f32 v9;
	v11 =	vpop (erf)  }
0x88: {  	v9 =	vld [tilespmem:s14+$0x2900];
	v12 =	vsub.f32 $0.0e+00, v3;
	v11 =	vadd.f32 $1.000000000e+00, v11  }
.Ltmp0:
0x89: {  	v13 =	vld [tilespmem:s14+$0x2940];
	(erf) = vpow2.f32 v16;
	(pc) =	sbr.rel @p0 .LBB2_3-.Ltmp0, $4  }
0x8a: {  	v14 =	vld [tilespmem:s14+$0x2920];
	v17 =	vmul.f32 $1.442695020e+00, v12;
	(erf) = vrcp.f32 v11;
	v10 =	vpop (erf)  }
0x8b: {  	v12 =	vld [tilespmem:s14+$0x2970];
	v16 =	vadd.f32 $1.000000000e+00, v10  }
0x8c: {  	v10 =	vld [tilespmem:s14+$0x2950];
	(erf) = vpow2.f32 v17  }
0x8d: {  	v11 =	vld [tilespmem:s14+$0x2910];
	v15 =	vpop (erf);
	(erf) = vrcp.f32 v16  }
0x8e: {  	v17 =	vpop (erf)  }
0x8f: {  	v2 =	vmul.f32 v2, v14;
	v14 =	vpop (erf)  }
0x90: {  	s11 =	sshra.s32 s15, $0x2;
	v20 =	vpop (erf)  }
0x91: {  	v18 =	vld [tilespmem:s11+$0x7970];
	v2 =	vmul.f32 v20, v2  }
0x92: {  	v19 =	vld [tilespmem:s11+$0x5150]  }
0x93: {  	v21 =	vld [tilespmem:s11+$0x5120]  }
0x94: {  	v15 =	vadd.f32 $1.000000000e+00, v15;
	v6 =	vmul.f32 v6, v13;
	v63 =	vld [tilespmem:s11+$0x5110];
	v13 =	vpop (erf)  }
0x95: {  	v22 =	vld [tilespmem:s11+$0x5100];
	[tilespmem:s14+$0x120] =	vst v2;
	v2 =	vpop (erf)  }
0x96: {  	(erf) = vrcp.f32 v15;
	v2 =	vmul.f32 v2, v6  }
0x97: {  	v17 =	vadd.f32 $1.000000000e+00, v17  }
0x98: {  	v15 =	vld [tilespmem:s11+$0x120]  }
0x99: {  	v14 =	vadd.f32 $1.000000000e+00, v14;
	v8 =	vmul.f32 v8, v12;
	(erf) = vrcp.f32 v17;
	v17 =	vld [tilespmem:s11+$0x5140];
	v12 =	vpop (erf)  }
0x9a: {  	v6 =	vld [tilespmem:s11+$0x7920];
	[tilespmem:s14+$0x140] =	vst v2;
	v2 =	vpop (erf)  }
0x9b: {  	(erf) = vrcp.f32 v14;
	v2 =	vmul.f32 v2, v8  }
0x9c: {  	v16 =	vld [tilespmem:s14+$0x2960]  }
0x9d: {  	v13 =	vadd.f32 $1.000000000e+00, v13;
	v14 =	vld [tilespmem:s11+$0x140]  }
0x9e: {  	v0 =	vmul.f32 v0, v11;
	v23 =	vld [tilespmem:s11+$0x7940]  }
0x9f: {  	(erf) = vrcp.f32 v13;
	v8 =	vld [tilespmem:s11+$0x5170];
	[tilespmem:s14+$0x170] =	vst v2;
	v2 =	vpop (erf)  }
0xa0: {  	v12 =	vadd.f32 $1.000000000e+00, v12;
	v0 =	vmul.f32 v2, v0  }
0xa1: {  	v1 =	vmul.f32 v1, v9  }
0xa2: {  	v11 =	vld [tilespmem:s11+$0x170];
	(erf) = vrcp.f32 v12;
	v9 =	vpop (erf)  }
0xa3: {  	v7 =	vmul.f32 v7, v16;
	v13 =	vld [tilespmem:s11+$0x7910];
	v1 =	vmul.f32 v9, v1  }
0xa4: {  	v2 =	vld [tilespmem:s11+$0x5160];
	[tilespmem:s14+$0x110] =	vst v0;
	v0 =	vpop (erf)  }
0xa5: {  	v9 =	vld [tilespmem:s11+$0x110];
	[tilespmem:s14+$0x100] =	vst v1;
	v1 =	vadd.f32 v21, v15;
	v0 =	vmul.f32 v0, v7;
	_ =	sdelay $0x1  }
0xa6: {  	v5 =	vmul.f32 v5, v10;
	v7 =	vld [tilespmem:s11+$0x100];
	[tilespmem:s14+$0x160] =	vst v0;
	v0 =	vadd.f32 v6, v1;
	v1 =	vadd.f32 v17, v14  }
0xa7: {  	v6 =	vpop (erf)  }
0xa8: {  	v10 =	vld [tilespmem:s11+$0x160];
	v5 =	vmul.f32 v6, v5;
	v12 =	vsub.f32 $0.0e+00, v0;
	v1 =	vadd.f32 v23, v1  }
0xa9: {  	v3 =	vmul.f32 v3, v4;
	v6 =	vld [tilespmem:s11+$0x7900]  }
0xaa: {  	v14 =	vld [tilespmem:s11+$0x7960];
	[tilespmem:s14+$0x150] =	vst v5;
	v5 =	vadd.f32 v8, v11;
	v11 =	vpop (erf);
	v4 =	vmul.f32 $1.442695020e+00, v12;
	v8 =	vsub.f32 $0.0e+00, v1  }
0xab: {  	v9 =	vadd.f32 v63, v9;
	v12 =	vld [tilespmem:s11+$0x150];
	v3 =	vmul.f32 v11, v3  }
0xac: {  	v11 =	vld [tilespmem:s11+$0x7950];
	v5 =	vadd.f32 v18, v5;
	(erf) = vpow2.f32 v4;
	v4 =	vmul.f32 $1.442695020e+00, v8  }
0xad: {  	v7 =	vadd.f32 v22, v7;
	v9 =	vadd.f32 v13, v9;
	v8 =	vld [tilespmem:s11+$0x5130];
	[tilespmem:s14+$0x130] =	vst v3  }
0xae: {  	v2 =	vadd.f32 v2, v10;
	v3 =	vsub.f32 $0.0e+00, v5;
	(erf) = vpow2.f32 v4;
	v4 =	vld [tilespmem:s11+$0x130]  }
0xaf: {  	v6 =	vadd.f32 v6, v7;
	v10 =	vsub.f32 $0.0e+00, v9  }
0xb0: {  	v7 =	vld [tilespmem:s11+$0x7930];
	v2 =	vadd.f32 v14, v2;
	v3 =	vmul.f32 $1.442695020e+00, v3  }
0xb1: {  	v13 =	vsub.f32 $0.0e+00, v6;
	v10 =	vmul.f32 $1.442695020e+00, v10;
	v12 =	vadd.f32 v19, v12  }
0xb2: {  	(erf) = vpow2.f32 v3;
	v3 =	vsub.f32 $0.0e+00, v2  }
0xb3: {  	v11 =	vadd.f32 v11, v12;
	v4 =	vadd.f32 v8, v4;
	v8 =	vmul.f32 $1.442695020e+00, v13  }
0xb4: {  	(erf) = vpow2.f32 v10  }
0xb5: {  	v3 =	vmul.f32 $1.442695020e+00, v3;
	v12 =	vsub.f32 $0.0e+00, v11;
	v10 =	vpop (erf);
	v4 =	vadd.f32 v7, v4  }
0xb6: {  	(erf) = vpow2.f32 v8;
	v7 =	vadd.f32 $1.000000000e+00, v10  }
0xb7: {  	(erf) = vpow2.f32 v3;
	v3 =	vmul.f32 $1.442695020e+00, v12;
	v8 =	vpop (erf);
	v10 =	vsub.f32 $0.0e+00, v4  }
0xb8: {  	(erf) = vrcp.f32 v7;
	v7 =	vadd.f32 $1.000000000e+00, v8  }
0xb9: {  	(erf) = vpow2.f32 v3;
	v3 =	vmul.f32 $1.442695020e+00, v10  }
0xba: {  	(erf) = vrcp.f32 v7  }
0xbb: {  	(erf) = vpow2.f32 v3;
	_ =	sdelay $0x1  }
0xbc: {  	v3 =	vpop (erf)  }
0xbd: {  	v7 =	vpop (erf)  }
0xbe: {  	v3 =	vadd.f32 $1.000000000e+00, v3;
	v8 =	vpop (erf);
	v7 =	vadd.f32 $1.000000000e+00, v7  }
0xbf: {  	v10 =	vpop (erf)  }
0xc0: {  	v15 =	vld [tilespmem:s11+$0x2970];
	(erf) = vrcp.f32 v3;
	v12 =	vpop (erf)  }
0xc1: {  	v13 =	vld [tilespmem:s11+$0x2920];
	v3 =	vadd.f32 $1.000000000e+00, v8;
	(erf) = vrcp.f32 v7;
	v8 =	vpop (erf)  }
0xc2: {  	v14 =	vld [tilespmem:s11+$0x2940];
	v10 =	vadd.f32 $1.000000000e+00, v10;
	v7 =	vpop (erf)  }
0xc3: {  	(erf) = vrcp.f32 v3;
	v3 =	vadd.f32 $1.000000000e+00, v8;
	v8 =	vpop (erf)  }
0xc4: {  	(erf) = vrcp.f32 v10;
	v10 =	vld [tilespmem:s11+$0x2910];
	v8 =	vadd.f32 $1.000000000e+00, v8  }
0xc5: {  	v5 =	vmul.f32 v5, v15;
	(erf) = vrcp.f32 v3;
	v3 =	vld [tilespmem:s11+$0x2900]  }
0xc6: {  	v0 =	vmul.f32 v0, v13;
	(erf) = vrcp.f32 v8;
	v8 =	vld [tilespmem:s11+$0x2960]  }
0xc7: {  	v1 =	vmul.f32 v1, v14  }
0xc8: {  	v0 =	vmul.f32 v12, v0  }
0xc9: {  	v13 =	vld [tilespmem:s11+$0x2950];
	v1 =	vmul.f32 v7, v1;
	v9 =	vmul.f32 v9, v10;
	v7 =	vpop (erf)  }
0xca: {  	v14 =	vld [tilespmem:s11+$0x2930];
	[tilespmem:s11+$0x120] =	vst v0;
	v0 =	vmul.f32 v7, v5;
	v3 =	vmul.f32 v6, v3;
	v5 =	vpop (erf)  }
0xcb: {  	[tilespmem:s11+$0x140] =	vst v1;
	v1 =	vmul.f32 v2, v8;
	v2 =	vmul.f32 v5, v9;
	_ =	sdelay $0x1  }
0xcc: {  	v5 =	vpop (erf)  }
0xcd: {  	v6 =	vmul.f32 v11, v13;
	[tilespmem:s11+$0x170] =	vst v0;
	v0 =	vmul.f32 v5, v3;
	v3 =	vpop (erf)  }
0xce: {  	v4 =	vmul.f32 v4, v14;
	[tilespmem:s11+$0x110] =	vst v2;
	v1 =	vmul.f32 v3, v1;
	v2 =	vpop (erf)  }
0xcf: {  	[tilespmem:s11+$0x100] =	vst v0;
	v0 =	vmul.f32 v2, v6;
	v2 =	vpop (erf)  }
0xd0: {  	[tilespmem:s11+$0x160] =	vst v1;
	v1 =	vmul.f32 v2, v4  }
0xd1: {  	[tilespmem:s11+$0x150] =	vst v0  }
0xd2: {  	[tilespmem:s11+$0x130] =	vst v1  }
0xd3: {  	_ =	swait.ge [sflag:s28], $0x1400  }
0xd4: {  	[sflag:s28] =	ssyncset.done $0x0  }
0xd5: {  	[sflag:s28] =	ssyncadd.s32 $0xFFFFEC00  }
0xd6: {  	_ =	swait.ge [sflag:s29], $0x1400  }
0xd7: {  	[sflag:s29] =	ssyncset.done $0x0  }
0xd8: {  	s14 =	simm.s32 $0x0;
	[sflag:s29] =	ssyncadd.s32 $0xFFFFEC00  }
0xd9: {  	v0 =	vld [tilespmem:s14+$0x8D70]  }
0xda: {  	v3 =	vld [tilespmem:s14+$0x6550]  }
0xdb: {  	v1 =	vld [tilespmem:s14+$0x6520]  }
0xdc: {  	v4 =	vld [tilespmem:s14+$0x6510]  }
0xdd: {  	v5 =	vld [tilespmem:s14+$0x6500]  }
0xde: {  	v2 =	vld [tilespmem:s14+$0x1520]  }
0xdf: {  	v6 =	vld [tilespmem:s14+$0x8D20]  }
0xe0: {  	v7 =	vld [tilespmem:s14+$0x6540]  }
0xe1: {  	v8 =	vld [tilespmem:s14+$0x1540]  }
0xe2: {  	v9 =	vld [tilespmem:s14+$0x6570]  }
0xe3: {  	v10 =	vld [tilespmem:s14+$0x8D40]  }
0xe4: {  	v11 =	vld [tilespmem:s14+$0x1570]  }
0xe5: {  	v12 =	vld [tilespmem:s14+$0x6560]  }
0xe6: {  	v13 =	vld [tilespmem:s14+$0x1500];
	v1 =	vadd.f32 v1, v2  }
0xe7: {  	v16 =	vld [tilespmem:s14+$0x8D60]  }
0xe8: {  	v2 =	vadd.f32 v6, v1;
	v6 =	vadd.f32 v7, v8;
	v7 =	vld [tilespmem:s14+$0x1510]  }
0xe9: {  	v9 =	vadd.f32 v9, v11;
	v1 =	vld [tilespmem:s14+$0x8D10]  }
0xea: {  	v8 =	vsub.f32 $0.0e+00, v2;
	v6 =	vadd.f32 v10, v6;
	v10 =	vld [tilespmem:s14+$0x1560]  }
0xeb: {  	v11 =	vld [tilespmem:s14+$0x8D00]  }
0xec: {  	v5 =	vadd.f32 v5, v13;
	v13 =	vld [tilespmem:s14+$0x6530];
	v14 =	vmul.f32 $1.442695020e+00, v8;
	v8 =	vadd.f32 v0, v9  }
0xed: {  	v15 =	vsub.f32 $0.0e+00, v6;
	v0 =	vadd.f32 v4, v7;
	v4 =	vld [tilespmem:s14+$0x1550]  }
0xee: {  	v9 =	vld [tilespmem:s14+$0x8D50];
	(erf) = vpow2.f32 v14;
	v14 =	vsub.f32 $0.0e+00, v8  }
0xef: {  	v7 =	vmul.f32 $1.442695020e+00, v15;
	v0 =	vadd.f32 v1, v0;
	v10 =	vadd.f32 v12, v10;
	v12 =	vld [tilespmem:s14+$0x1530]  }
0xf0: {  	v1 =	vadd.f32 v11, v5  }
0xf1: {  	v11 =	vld [tilespmem:s14+$0x8D30];
	(erf) = vpow2.f32 v7;
	v14 =	vmul.f32 $1.442695020e+00, v14;
	v15 =	vsub.f32 $0.0e+00, v0  }
0xf2: {  	v7 =	vadd.f32 v16, v10;
	v3 =	vadd.f32 v3, v4  }
0xf3: {  	v10 =	vsub.f32 $0.0e+00, v1;
	(erf) = vpow2.f32 v14;
	v4 =	vmul.f32 $1.442695020e+00, v15  }
0xf4: {  	v5 =	vadd.f32 v9, v3;
	v3 =	vadd.f32 v13, v12  }
0xf5: {  	v14 =	vsub.f32 $0.0e+00, v7;
	(erf) = vpow2.f32 v4  }
0xf6: {  	v4 =	vmul.f32 $1.442695020e+00, v10;
	v12 =	vsub.f32 $0.0e+00, v5;
	v3 =	vadd.f32 v11, v3  }
0xf7: {  	v9 =	vmul.f32 $1.442695020e+00, v14;
	v10 =	vpop (erf)  }
0xf8: {  	(erf) = vpow2.f32 v4;
	v10 =	vadd.f32 $1.000000000e+00, v10;
	v15 =	vsub.f32 $0.0e+00, v3  }
0xf9: {  	v13 =	vld [tilespmem:s14+$0x3D40];
	(erf) = vpow2.f32 v9  }
0xfa: {  	v14 =	vld [tilespmem:s14+$0x3D20];
	v11 =	vmul.f32 $1.442695020e+00, v12;
	v12 =	vpop (erf);
	(erf) = vrcp.f32 v10  }
0xfb: {  	v4 =	vld [tilespmem:s14+$0x3D30];
	v10 =	vadd.f32 $1.000000000e+00, v12  }
0xfc: {  	v9 =	vld [tilespmem:s14+$0x3D00];
	(erf) = vpow2.f32 v11;
	v11 =	vmul.f32 $1.442695020e+00, v15;
	v15 =	vpop (erf)  }
0xfd: {  	v12 =	vld [tilespmem:s14+$0x3D70];
	(erf) = vrcp.f32 v10;
	v16 =	vadd.f32 $1.000000000e+00, v15  }
0xfe: {  	v10 =	vld [tilespmem:s14+$0x3D50];
	(erf) = vpow2.f32 v11  }
0xff: {  	s15 =	simm.s32 $0x200;
	s11 =	simm.s32 $0x400;
	v11 =	vld [tilespmem:s14+$0x3D10];
	v15 =	vpop (erf);
	(erf) = vrcp.f32 v16  }
.LBB2_5:
0x100: {  	p0 =	sne.s32 s11, $0x4E00  }
0x101: {  	s10 =	sshra.s32 s15, $0x2;
	v15 =	vadd.f32 $1.000000000e+00, v15;
	v16 =	vld [tilespmem:s14+$0x3D60];
	v17 =	vpop (erf);
	s15 =	smov.u32 s11;
	s11 =	sadd.s32 $0x200, s11  }
0x102: {  	v6 =	vmul.f32 v6, v13;
	v18 =	vld [tilespmem:s10+$0x8D70];
	v19 =	vadd.f32 $1.000000000e+00, v17;
	v2 =	vmul.f32 v2, v14;
	v13 =	vpop (erf)  }
0x103: {  	v14 =	vld [tilespmem:s10+$0x6550];
	v13 =	vadd.f32 $1.000000000e+00, v13;
	v8 =	vmul.f32 v8, v12;
	(erf) = vrcp.f32 v15;
	v12 =	vpop (erf)  }
0x104: {  	v15 =	vld [tilespmem:s10+$0x6520];
	v2 =	vmul.f32 v12, v2;
	(erf) = vrcp.f32 v19  }
0x105: {  	v12 =	vld [tilespmem:s10+$0x6510];
	v17 =	vpop (erf);
	(erf) = vrcp.f32 v13  }
0x106: {  	v13 =	vld [tilespmem:s10+$0x6500];
	[tilespmem:s14+$0x1520] =	vst v2;
	v2 =	vadd.f32 $1.000000000e+00, v17;
	v17 =	vpop (erf)  }
0x107: {  	v19 =	vld [tilespmem:s10+$0x1520];
	v6 =	vmul.f32 v17, v6  }
0x108: {  	v17 =	vld [tilespmem:s10+$0x8D20];
	v20 =	vpop (erf);
	(erf) = vrcp.f32 v2  }
0x109: {  	v21 =	vld [tilespmem:s10+$0x6540];
	v2 =	vadd.f32 $1.000000000e+00, v20;
	[tilespmem:s14+$0x1540] =	vst v6;
	v6 =	vmul.f32 v7, v16;
	v7 =	vpop (erf)  }
0x10a: {  	v0 =	vmul.f32 v0, v11;
	v16 =	vld [tilespmem:s10+$0x1540];
	v11 =	vmul.f32 v7, v8  }
0x10b: {  	v5 =	vmul.f32 v5, v10;
	v8 =	vld [tilespmem:s10+$0x6570];
	(erf) = vrcp.f32 v2  }
0x10c: {  	v1 =	vmul.f32 v1, v9;
	v2 =	vadd.f32 v15, v19;
	v10 =	vld [tilespmem:s10+$0x8D40];
	[tilespmem:s14+$0x1570] =	vst v11;
	v7 =	vpop (erf)  }
0x10d: {  	v9 =	vld [tilespmem:s10+$0x1570];
	v0 =	vmul.f32 v7, v0;
	v7 =	vpop (erf)  }
0x10e: {  	v3 =	vmul.f32 v3, v4;
	v2 =	vadd.f32 v17, v2;
	v11 =	vld [tilespmem:s10+$0x6560];
	v1 =	vmul.f32 v7, v1;
	v4 =	vpop (erf)  }
0x10f: {  	v7 =	vld [tilespmem:s10+$0x8D10];
	v15 =	vadd.f32 v21, v16;
	[tilespmem:s14+$0x1510] =	vst v0;
	v17 =	vmul.f32 v4, v6  }
0x110: {  	v4 =	vld [tilespmem:s10+$0x1510];
	v16 =	vsub.f32 $0.0e+00, v2;
	[tilespmem:s14+$0x1500] =	vst v1  }
0x111: {  	v1 =	vld [tilespmem:s10+$0x1500];
	v6 =	vadd.f32 v10, v15;
	[tilespmem:s14+$0x1560] =	vst v17;
	v0 =	vpop (erf)  }
0x112: {  	v10 =	vmul.f32 $1.442695020e+00, v16;
	v15 =	vld [tilespmem:s10+$0x1560];
	v8 =	vadd.f32 v8, v9;
	v17 =	vmul.f32 v0, v5  }
0x113: {  	v5 =	vld [tilespmem:s10+$0x8D00];
	v9 =	vsub.f32 $0.0e+00, v6  }
0x114: {  	v16 =	vld [tilespmem:s10+$0x8D60];
	v8 =	vadd.f32 v18, v8;
	(erf) = vpow2.f32 v10;
	[tilespmem:s14+$0x1550] =	vst v17;
	v0 =	vpop (erf)  }
0x115: {  	v4 =	vadd.f32 v12, v4;
	v9 =	vmul.f32 $1.442695020e+00, v9;
	v10 =	vld [tilespmem:s10+$0x1550];
	v3 =	vmul.f32 v0, v3  }
0x116: {  	v1 =	vadd.f32 v13, v1;
	v12 =	vld [tilespmem:s10+$0x8D50];
	v13 =	vsub.f32 $0.0e+00, v8  }
0x117: {  	v0 =	vadd.f32 v7, v4;
	v4 =	vld [tilespmem:s10+$0x6530];
	v7 =	vadd.f32 v11, v15;
	(erf) = vpow2.f32 v9;
	[tilespmem:s14+$0x1530] =	vst v3;
	s14 =	smov.u32 s10  }
0x118: {  	v1 =	vadd.f32 v5, v1;
	v3 =	vld [tilespmem:s14+$0x1530];
	v5 =	vmul.f32 $1.442695020e+00, v13  }
0x119: {  	v9 =	vsub.f32 $0.0e+00, v0;
	v11 =	vld [tilespmem:s14+$0x8D30];
	v7 =	vadd.f32 v16, v7  }
0x11a: {  	v13 =	vsub.f32 $0.0e+00, v1;
	v10 =	vadd.f32 v14, v10;
	(erf) = vpow2.f32 v5  }
0x11b: {  	v15 =	vmul.f32 $1.442695020e+00, v9;
	v14 =	vsub.f32 $0.0e+00, v7  }
0x11c: {  	v13 =	vmul.f32 $1.442695020e+00, v13;
	v5 =	vadd.f32 v12, v10  }
0x11d: {  	v3 =	vadd.f32 v4, v3;
	v4 =	vmul.f32 $1.442695020e+00, v14;
	(erf) = vpow2.f32 v15;
	v9 =	vpop (erf)  }
0x11e: {  	v9 =	vadd.f32 $1.000000000e+00, v9;
	v10 =	vsub.f32 $0.0e+00, v5;
	(erf) = vpow2.f32 v13  }
0x11f: {  	v3 =	vadd.f32 v11, v3;
	(erf) = vpow2.f32 v4  }
0x120: {  	v4 =	vld [tilespmem:s14+$0x3D30];
	v16 =	vmul.f32 $1.442695020e+00, v10;
	(erf) = vrcp.f32 v9;
	v11 =	vpop (erf)  }
0x121: {  	v9 =	vld [tilespmem:s14+$0x3D00];
	v12 =	vsub.f32 $0.0e+00, v3;
	v11 =	vadd.f32 $1.000000000e+00, v11  }
.Ltmp1:
0x122: {  	v13 =	vld [tilespmem:s14+$0x3D40];
	(erf) = vpow2.f32 v16;
	(pc) =	sbr.rel @p0 .LBB2_5-.Ltmp1, $4  }
0x123: {  	v14 =	vld [tilespmem:s14+$0x3D20];
	v17 =	vmul.f32 $1.442695020e+00, v12;
	(erf) = vrcp.f32 v11;
	v10 =	vpop (erf)  }
0x124: {  	v12 =	vld [tilespmem:s14+$0x3D70];
	v16 =	vadd.f32 $1.000000000e+00, v10  }
0x125: {  	v10 =	vld [tilespmem:s14+$0x3D50];
	(erf) = vpow2.f32 v17  }
0x126: {  	v11 =	vld [tilespmem:s14+$0x3D10];
	v15 =	vpop (erf);
	(erf) = vrcp.f32 v16  }
0x127: {  	v17 =	vpop (erf);
	v15 =	vadd.f32 $1.000000000e+00, v15  }
0x128: {  	s11 =	sshra.s32 s15, $0x2;
	v16 =	vld [tilespmem:s14+$0x3D60];
	v31 =	vpop (erf)  }
0x129: {  	v18 =	vld [tilespmem:s11+$0x8D70];
	v2 =	vmul.f32 v2, v14;
	v17 =	vadd.f32 $1.000000000e+00, v17;
	v20 =	vpop (erf);
	(erf) = vrcp.f32 v15  }
0x12a: {  	v19 =	vld [tilespmem:s11+$0x6550];
	v14 =	vadd.f32 $1.000000000e+00, v31  }
0x12b: {  	v21 =	vld [tilespmem:s11+$0x6520];
	v2 =	vmul.f32 v20, v2;
	(erf) = vrcp.f32 v17  }
0x12c: {  	v6 =	vmul.f32 v6, v13;
	v32 =	vld [tilespmem:s11+$0x6510];
	v33 =	vpop (erf);
	(erf) = vrcp.f32 v14  }
0x12d: {  	v22 =	vld [tilespmem:s11+$0x6500];
	[tilespmem:s14+$0x1520] =	vst v2;
	v34 =	vpop (erf);
	v13 =	vadd.f32 $1.000000000e+00, v33  }
0x12e: {  	v35 =	vld [tilespmem:s11+$0x1520];
	v2 =	vmul.f32 v34, v6;
	v38 =	vpop (erf)  }
0x12f: {  	v8 =	vmul.f32 v8, v12;
	v36 =	vld [tilespmem:s11+$0x8D20];
	v39 =	vpop (erf);
	(erf) = vrcp.f32 v13  }
0x130: {  	v37 =	vld [tilespmem:s11+$0x6540];
	[tilespmem:s14+$0x1540] =	vst v2;
	v12 =	vadd.f32 $1.000000000e+00, v38  }
0x131: {  	v40 =	vld [tilespmem:s11+$0x1540];
	v2 =	vmul.f32 v39, v8  }
0x132: {  	v0 =	vmul.f32 v0, v11;
	v41 =	vld [tilespmem:s11+$0x6570];
	v42 =	vpop (erf);
	(erf) = vrcp.f32 v12  }
0x133: {  	v1 =	vmul.f32 v1, v9;
	v23 =	vld [tilespmem:s11+$0x8D40];
	[tilespmem:s14+$0x1570] =	vst v2  }
0x134: {  	v7 =	vmul.f32 v7, v16;
	v43 =	vld [tilespmem:s11+$0x1570];
	v0 =	vmul.f32 v42, v0;
	v45 =	vpop (erf)  }
0x135: {  	v49 =	vadd.f32 v21, v35;
	v44 =	vld [tilespmem:s11+$0x6560];
	v1 =	vmul.f32 v45, v1;
	v47 =	vpop (erf)  }
0x136: {  	v46 =	vld [tilespmem:s11+$0x8D10];
	[tilespmem:s14+$0x1510] =	vst v0;
	v0 =	vmul.f32 v47, v7  }
0x137: {  	v5 =	vmul.f32 v5, v10;
	v51 =	vadd.f32 v36, v49;
	v52 =	vadd.f32 v37, v40;
	v48 =	vld [tilespmem:s11+$0x1510];
	[tilespmem:s14+$0x1500] =	vst v1  }
0x138: {  	v50 =	vld [tilespmem:s11+$0x1500];
	[tilespmem:s14+$0x1560] =	vst v0;
	v53 =	vpop (erf)  }
0x139: {  	v56 =	vsub.f32 $0.0e+00, v51;
	v1 =	vadd.f32 v23, v52;
	v54 =	vld [tilespmem:s11+$0x1560];
	v5 =	vmul.f32 v53, v5  }
0x13a: {  	v3 =	vmul.f32 v3, v4;
	v55 =	vld [tilespmem:s11+$0x8D00]  }
0x13b: {  	v57 =	vld [tilespmem:s11+$0x8D60];
	v58 =	vmul.f32 $1.442695020e+00, v56;
	v59 =	vadd.f32 v41, v43;
	v60 =	vsub.f32 $0.0e+00, v1;
	[tilespmem:s14+$0x1550] =	vst v5;
	v61 =	vpop (erf)  }
0x13c: {  	v62 =	vld [tilespmem:s11+$0x1550];
	v3 =	vmul.f32 v61, v3  }
0x13d: {  	(erf) = vpow2.f32 v58;
	v5 =	vadd.f32 v18, v59;
	v16 =	vmul.f32 $1.442695020e+00, v60;
	v63 =	vld [tilespmem:s11+$0x8D50]  }
0x13e: {  	v9 =	vadd.f32 v32, v48;
	v17 =	vld [tilespmem:s11+$0x6530];
	v7 =	vadd.f32 v22, v50;
	[tilespmem:s14+$0x1530] =	vst v3  }
0x13f: {  	v18 =	vsub.f32 $0.0e+00, v5;
	v2 =	vadd.f32 v44, v54;
	(erf) = vpow2.f32 v16;
	v20 =	vld [tilespmem:s11+$0x1530]  }
0x140: {  	v9 =	vadd.f32 v46, v9  }
0x141: {  	v6 =	vadd.f32 v55, v7;
	v3 =	vmul.f32 $1.442695020e+00, v18;
	v21 =	vld [tilespmem:s11+$0x8D30];
	v2 =	vadd.f32 v57, v2  }
0x142: {  	v22 =	vsub.f32 $0.0e+00, v9;
	v12 =	vadd.f32 v19, v62  }
0x143: {  	v23 =	vsub.f32 $0.0e+00, v6;
	(erf) = vpow2.f32 v3;
	v24 =	vsub.f32 $0.0e+00, v2  }
0x144: {  	v10 =	vmul.f32 $1.442695020e+00, v22;
	v11 =	vadd.f32 v63, v12;
	v4 =	vadd.f32 v17, v20  }
0x145: {  	v25 =	vmul.f32 $1.442695020e+00, v23;
	v3 =	vmul.f32 $1.442695020e+00, v24  }
0x146: {  	(erf) = vpow2.f32 v10;
	v26 =	vpop (erf);
	v12 =	vsub.f32 $0.0e+00, v11;
	v4 =	vadd.f32 v21, v4  }
0x147: {  	v27 =	vadd.f32 $1.000000000e+00, v26;
	(erf) = vpow2.f32 v25  }
0x148: {  	(erf) = vpow2.f32 v3;
	v29 =	vpop (erf);
	v28 =	vmul.f32 $1.442695020e+00, v12;
	v30 =	vsub.f32 $0.0e+00, v4  }
0x149: {  	(erf) = vrcp.f32 v27;
	v31 =	vadd.f32 $1.000000000e+00, v29  }
0x14a: {  	(erf) = vpow2.f32 v28;
	v32 =	vmul.f32 $1.442695020e+00, v30  }
0x14b: {  	(erf) = vrcp.f32 v31  }
0x14c: {  	(erf) = vpow2.f32 v32;
	_ =	sdelay $0x1  }
0x14d: {  	v33 =	vpop (erf)  }
0x14e: {  	v34 =	vpop (erf)  }
0x14f: {  	v35 =	vpop (erf)  }
0x150: {  	v3 =	vadd.f32 $1.000000000e+00, v33;
	v36 =	vpop (erf)  }
0x151: {  	v7 =	vadd.f32 $1.000000000e+00, v34;
	v37 =	vpop (erf)  }
0x152: {  	(erf) = vrcp.f32 v3;
	v38 =	vadd.f32 $1.000000000e+00, v35;
	v39 =	vpop (erf)  }
0x153: {  	v40 =	vld [tilespmem:s11+$0x3D20];
	v10 =	vadd.f32 $1.000000000e+00, v36;
	(erf) = vrcp.f32 v7;
	v41 =	vpop (erf)  }
0x154: {  	v42 =	vld [tilespmem:s11+$0x3D40];
	(erf) = vrcp.f32 v38;
	v43 =	vadd.f32 $1.000000000e+00, v39;
	v44 =	vpop (erf)  }
0x155: {  	v45 =	vld [tilespmem:s11+$0x3D70];
	(erf) = vrcp.f32 v10;
	v8 =	vadd.f32 $1.000000000e+00, v44  }
0x156: {  	v46 =	vld [tilespmem:s11+$0x3D10];
	(erf) = vrcp.f32 v43  }
0x157: {  	v47 =	vld [tilespmem:s11+$0x3D00];
	(erf) = vrcp.f32 v8  }
0x158: {  	v48 =	vld [tilespmem:s11+$0x3D60];
	v0 =	vmul.f32 v51, v40  }
0x159: {  	v49 =	vld [tilespmem:s11+$0x3D50];
	v1 =	vmul.f32 v1, v42  }
0x15a: {  	v50 =	vld [tilespmem:s11+$0x3D30];
	v5 =	vmul.f32 v5, v45;
	v0 =	vmul.f32 v37, v0  }
0x15b: {  	v9 =	vmul.f32 v9, v46;
	v1 =	vmul.f32 v41, v1;
	v51 =	vpop (erf)  }
0x15c: {  	v3 =	vmul.f32 v6, v47;
	[tilespmem:s11+$0x1520] =	vst v0;
	v52 =	vmul.f32 v51, v5;
	v53 =	vpop (erf)  }
0x15d: {  	v54 =	vmul.f32 v2, v48;
	[tilespmem:s11+$0x1540] =	vst v1;
	v55 =	vmul.f32 v53, v9;
	v56 =	vpop (erf)  }
0x15e: {  	v57 =	vmul.f32 v11, v49;
	[tilespmem:s11+$0x1570] =	vst v52;
	v58 =	vmul.f32 v56, v3;
	v59 =	vpop (erf)  }
0x15f: {  	v4 =	vmul.f32 v4, v50;
	[tilespmem:s11+$0x1510] =	vst v55;
	v1 =	vmul.f32 v59, v54;
	v60 =	vpop (erf)  }
0x160: {  	[tilespmem:s11+$0x1500] =	vst v58;
	v61 =	vmul.f32 v60, v57;
	v62 =	vpop (erf)  }
0x161: {  	s13 =	sadd.s32 $0x1, s13;
	[tilespmem:s11+$0x1560] =	vst v1;
	v63 =	vmul.f32 v62, v4  }
0x162: {  	p0 =	sne.s32 s13, $0x7D;
	[tilespmem:s11+$0x1550] =	vst v61  }
.Ltmp2:
0x163: {  	[tilespmem:s11+$0x1530] =	vst v63;
	(pc) =	sbr.rel @p0 .LBB2_2-.Ltmp2, $4  }
0x164: {  	[spmem:s2] =	stream.indirect.scatter.add.f32 [tilespmem:s18], [sflag:$0x7], $0x80, s3, s4, $0xb8;
	[tilespmem:$0x1E100] =	vst v63  }
0x165: {  	_ =	swait.ge [sflag:s16], $0x2800  }
0x166: {  	[sflag:s16] =	ssyncset.done $0x0  }
0x167: {  	[sflag:s16] =	ssyncadd.s32 $0xFFFFD800  }
0x168: {  	[bflag:$0x0] =	sbarrier.arrive $0xFFFF  }
0x169: {  	s13 =	rddreg [dreg:$0x5]  }
0x16a: {  	s10 =	rddreg [dreg:$0x6]  }
0x16b: {  	s11 =	rddreg [dreg:$0x8]  }
0x16c: {  	[hbm:s10], [sflag:s13] =	dma.local [spmem:s11], $0x2800  }
0x16d: {  	_ =	swait.ge [sflag:s16], $0x2800  }
0x16e: {  	s14 =	rddreg [dreg:$0x9]  }
0x16f: {  	s15 =	rddreg [dreg:$0x7];
	s14 =	sadd.s32 $0x1, s14  }
0x170: {  	p0 =	sne.s32 s14, s15  }
.Ltmp3:
0x171: {  	_ = 	snop;
	(pc) =	sbr.rel @p0 .LBB2_1-.Ltmp3, $3  }
0x172: {  	_ =	sdelay $0x1  }
0x173: {  	[sflag:s16] =	ssyncset.done $0x0  }
0x174: {  	[sflag:s16] =	ssyncadd.s32 $0xFFFFD800  }
0x175: {  	_ =	sfence.sel $0x180000  }
0x176: {  	[bflag:$0x0] =	sbarrier.arrive $0xFFFF  }
0x177: {  	_ =	strace $0x9000004D  }
0x178: {  	s0 =	stileid.u32;
	[bflag:$0x2] =	sbarrier.arrive $0xFFFF  }
0x179: {  	p0 =	sne.s32 s0, $0x0;
	s0 =	rddreg [dreg:$0x3]  }
0x17a: {  	s0 =	sadd.s32 @!p0 $0x100000, s0  }
0x17b: {  	[sflag:s0] =	ssyncadd.tile.s32 @!p0 $0x1;
	_ =	shalt  }
.Lfunc_end2:
_tile_overlayer_lowered:
.L_overlay_start_2:
0x17c: {  	(tag) =	ssettag $0x2  }
0x17d: {  	s0 =	rddreg [dreg:$0x0];
	s2 =	stileid.u32  }
0x17e: {  	s1 =	rddreg [dreg:$0x1];
	p0 =	sne.s32 s2, $0x0  }
0x17f: {  	s3 =	rddreg [dreg:$0x2];
	[bflag:$0x3] =	sbarrier.arrive $0xFFFF;
	s2 =	simm.s32 @!p0 $0x1C07  }
0x180: {  	[timem:s3], [sflag:s2] =	dma.local @!p0 [hbm:s0], s1  }
0x181: {  	s0 =	simm.s32 @!p0 $0x7  }
0x182: {  	_ =	swait.ge @!p0 [sflag:s0], s1  }
0x183: {  	s1 =	ssub.s32 @!p0 $0x0, s1;
	[sflag:s0] =	ssyncset.done @!p0 $0x0  }
0x184: {  	[sflag:s0] =	ssyncadd.s32 @!p0 s1  }
0x185: {  	[bflag:$0x3] =	sbarrier.arrive $0xFFFF  }
0x186: {  	_ =	shalt  }

// kernel: kernel.9.cloned.1.call-start
scs
__scs_entry_jumppad:
0x0: {  	(pc) =	sbr.rel $0x88, $3  }
0x1: {  	(tag) =	ssettag $0x0;
	lr =	simm.s32 $0x1  }
0x2: {  	[smem:$0x3F8B] =	sst lr;
	_ =	strace $0xD0000000  }
0x3: {  	_ = 	snop  }
0x4: {  	_ = 	snop  }
0x5: {  	_ = 	snop  }
0x6: {  	_ = 	snop  }
0x7: {  	_ = 	snop  }
__scs_overlays_trampoline_lowered:
0x8: {  	[smem:$0x3F9A] =	sst s0  }
0x9: {  	[smem:$0x3F9B] =	sst s1  }
0xa: {  	[smem:$0x3F9C] =	sst s2  }
0xb: {  	[smem:$0x3F9D] =	sst s3  }
0xc: {  	[smem:$0x3F9E] =	sst s4  }
0xd: {  	[smem:$0x3F9F] =	sst s5  }
0xe: {  	[smem:$0x3FA0] =	sst s6  }
0xf: {  	[smem:$0x3FA1] =	sst s7  }
0x10: {  	[smem:$0x3FA2] =	sst s8  }
0x11: {  	[smem:$0x3FA3] =	sst s9;
	s0 =	simm.s32 @!p0 $0x0  }
0x12: {  	s1 =	sld [smem:$0x3F89];
	s0 =	simm.s32 @p0 $0x1  }
0x13: {  	[smem:$0x3FA4] =	sst s0;
	s0 =	simm.s32 @!p1 $0x0  }
0x14: {  	s2 =	sld [smem:$0x3F88];
	s0 =	simm.s32 @p1 $0x1  }
0x15: {  	[smem:$0x3FA5] =	sst s0;
	s0 =	simm.s32 @!p2 $0x0  }
0x16: {  	s3 =	sld [smem:$0x3FDB];
	s0 =	simm.s32 @p2 $0x1  }
0x17: {  	s4 =	simm.s32 $0x1BF5;
	[smem:$0x3FA7] =	sst s0  }
0x18: {  	s0 =	sld [smem:$0x3F8A];
	_ =	swait.ge [sflag:s4], $0x0  }
0x19: {  	s7 =	sld [smem:$0x3F8B]  }
0x1a: {  	s8 =	sadd.s32 $0xFFFFE003, lr  }
0x1b: {  	s9 =	sadd.s32 $0xFFFFFEF7, lr;
	s5 =	simm.s32 $0xFFFFFFFF;
	p2 =	slt.u32 s8, $0xFFFFF086  }
0x1c: {  	p1 =	slt.u32 s9, $0xF7A;
	s5 =	simm.s32 @!p2 $0x0  }
0x1d: {  	s5 =	simm.s32 @p1 $0x1;
	p0 =	seq.s32 s7, s2  }
0x1e: {  	s7 =	smul.u32 @!p0 $0xF7A, s2;
	p2 =	seq.s32 @!p0 s5, $0x0  }
0x1f: {  	s9 =	smul.u32 $0xF7A, s1;
	s8 =	simm.s32 @!p0 $0x1BF5;
	p2 =	por !p2, p0  }
0x20: {  	[sflag:s8] =	ssyncset.s32 @!p0 $0xFFFFF086;
	s6 =	sadd.s32 @!p0 s3, s7;
	s7 =	simm.s32 @!p0 $0x108  }
0x21: {  	s3 =	sadd.s32 s3, s9;
	s6 =	sadd.s32 @!p0 $0x88, s6;
	s7 =	simm.s32 @p2 $0x1082  }
0x22: {  	[simem:s7], [sflag:s8] =	dma.local @!p0 [hbm:s6], $0xF7A  }
0x23: {  	s9 =	sor.u32 $0xD0000000, s2;
	s6 =	simm.s32 $0x108;
	_ =	swait.ge @!p0 [sflag:s8], $0x0  }
0x24: {  	s3 =	sadd.s32 $0x88, s3;
	s6 =	simm.s32 @!p1 $0x1082;
	[sflag:s4] =	ssyncset.s32 $0xFFFFF086  }
0x25: {  	[simem:s6], [sflag:s4] =	dma.local [hbm:s3], $0xF7A  }
0x26: {  	[smem:$0x3F8B] =	sst s1;
	(tag) =	ssettag s2;
	_ =	strace s9  }
0x27: {  	s1 =	sld [smem:$0x3F9B]  }
0x28: {  	s2 =	sld [smem:$0x3F9C]  }
0x29: {  	s4 =	sld [smem:$0x3F9E]  }
0x2a: {  	p0 =	seq.s32 s5, $0x0;
	s5 =	sld [smem:$0x3F9F]  }
0x2b: {  	s6 =	sld [smem:$0x3FA0]  }
0x2c: {  	s7 =	sld [smem:$0x3FA1]  }
0x2d: {  	s3 =	simm.s32 $0x108;
	s8 =	sld [smem:$0x3FA2]  }
0x2e: {  	s3 =	simm.s32 @!p0 $0x1082;
	s9 =	sld [smem:$0x3FA3]  }
0x2f: {  	lr =	sadd.s32 s0, s3;
	s0 =	sld [smem:$0x3F9A]  }
0x30: {  	s3 =	sld [smem:$0x3F9D]  }
0x31: {  	[smem:$0x3FA6] =	sst s10  }
0x32: {  	s10 =	sld [smem:$0x3FA4];
	_ =	sdelay $0x3  }
0x33: {  	p0 =	seq.s32 s10, $0x1;
	s10 =	sld [smem:$0x3FA6];
	_ =	sdelay $0x3  }
0x34: {  	[smem:$0x3FA6] =	sst s10  }
0x35: {  	s10 =	sld [smem:$0x3FA5];
	_ =	sdelay $0x3  }
0x36: {  	p1 =	seq.s32 s10, $0x1;
	s10 =	sld [smem:$0x3FA6];
	_ =	sdelay $0x3  }
0x37: {  	[smem:$0x3FA6] =	sst s10  }
0x38: {  	s10 =	sld [smem:$0x3FA7]  }
0x39: {  	_ = 	snop;
	(pc) =	sbr.ind lr, $3  }
0x3a: {  	_ = 	snop  }
0x3b: {  	_ = 	snop  }
0x3c: {  	p2 =	seq.s32 s10, $0x1;
	s10 =	sld [smem:$0x3FA6]  }
0x3d: {  	_ =	shalt  }
0x3e: {  	_ =	shalt  }
0x3f: {  	_ =	shalt  }
0x40: {  	_ =	shalt  }
0x41: {  	_ =	shalt  }
0x42: {  	_ =	shalt  }
0x43: {  	_ =	shalt  }
0x44: {  	_ =	shalt  }
0x45: {  	_ =	shalt  }
0x46: {  	_ =	shalt  }
0x47: {  	_ =	shalt  }
0x48: {  	_ =	shalt  }
0x49: {  	_ =	shalt  }
0x4a: {  	_ =	shalt  }
0x4b: {  	_ =	shalt  }
0x4c: {  	_ =	shalt  }
0x4d: {  	_ =	shalt  }
0x4e: {  	_ =	shalt  }
0x4f: {  	_ =	shalt  }
0x50: {  	_ =	shalt  }
0x51: {  	_ =	shalt  }
0x52: {  	_ =	shalt  }
0x53: {  	_ =	shalt  }
0x54: {  	_ =	shalt  }
0x55: {  	_ =	shalt  }
0x56: {  	_ =	shalt  }
0x57: {  	_ =	shalt  }
0x58: {  	_ =	shalt  }
0x59: {  	_ =	shalt  }
0x5a: {  	_ =	shalt  }
0x5b: {  	_ =	shalt  }
0x5c: {  	_ =	shalt  }
0x5d: {  	_ =	shalt  }
0x5e: {  	_ =	shalt  }
0x5f: {  	_ =	shalt  }
0x60: {  	_ =	shalt  }
0x61: {  	_ =	shalt  }
0x62: {  	_ =	shalt  }
0x63: {  	_ =	shalt  }
0x64: {  	_ =	shalt  }
0x65: {  	_ =	shalt  }
0x66: {  	_ =	shalt  }
0x67: {  	_ =	shalt  }
0x68: {  	_ =	shalt  }
0x69: {  	_ =	shalt  }
0x6a: {  	_ =	shalt  }
0x6b: {  	_ =	shalt  }
0x6c: {  	_ =	shalt  }
0x6d: {  	_ =	shalt  }
0x6e: {  	_ =	shalt  }
0x6f: {  	_ =	shalt  }
0x70: {  	_ =	shalt  }
0x71: {  	_ =	shalt  }
0x72: {  	_ =	shalt  }
0x73: {  	_ =	shalt  }
0x74: {  	_ =	shalt  }
0x75: {  	_ =	shalt  }
0x76: {  	_ =	shalt  }
0x77: {  	_ =	shalt  }
0x78: {  	_ =	shalt  }
0x79: {  	_ =	shalt  }
0x7a: {  	_ =	shalt  }
0x7b: {  	_ =	shalt  }
0x7c: {  	_ =	shalt  }
0x7d: {  	_ =	shalt  }
0x7e: {  	_ =	shalt  }
0x7f: {  	_ =	shalt  }
0x80: {  	_ =	shalt  }
0x81: {  	_ =	shalt  }
0x82: {  	_ =	shalt  }
0x83: {  	_ =	shalt  }
0x84: {  	_ =	shalt  }
0x85: {  	_ =	shalt  }
0x86: {  	_ =	shalt  }
0x87: {  	_ =	shalt  }
.Lfunc_end0:
.L_simem_size_0:
called_computation_lowered:
.L_overlay_start_0:
0x88: {  	s2 =	sld [smem:$0x3FD9]  }
0x89: {  	s3 =	sld [smem:$0x3FFE];
	_ =	sdelay $0x1  }
0x8a: {  	s1 =	srdreg.scid  }
0x8b: {  	s0 =	sand.u32 $0x1, s1  }
0x8c: {  	s16 =	sshll.u32 s0, $0xA;
	s2 =	sadd.s32 s3, s2  }
0x8d: {  	s2 =	sadd.s32 s2, s16  }
0x8e: {  	[smem:$0x3FB2] =	sst s2  }
0x8f: {  	_ = 	snop  }
0x90: {  	(tm) =	ssettm $0x1  }
0x91: {  	s17 =	sld [smem:$0x3FFB];
	_ =	sdelay $0x3  }
0x92: {  	_ =	strace s17  }
0x93: {  	s2 =	sld [smem:$0x3FFC];
	_ =	sdelay $0x3  }
0x94: {  	_ =	strace s2  }
0x95: {  	s2 =	sld [smem:$0x3FFD];
	_ =	sdelay $0x3  }
0x96: {  	_ =	strace s2  }
0x97: {  	_ =	strace $0x8FFFFFFF  }
0x98: {  	s18 =	sld [smem:$0x3FDB];
	_ =	sdelay $0x1  }
0x99: {  	s19 =	simm.s32 $_scs_section_size  }
0x9a: {  	s4 =	simm.s32 $_size__tile_overlayer_lowered;
	s5 =	simm.s32 $_tile_overlayer_lowered  }
0x9b: {  	s22 =	simm.s32 $0x1BFF;
	s21 =	sshll.u32 s5, $0x1;
	s2 =	sadd.s32 s19, s18  }
0x9c: {  	s6 =	simm.s32 $0x0;
	s20 =	sshll.u32 s4, $0x1;
	s4 =	sadd.s32 s21, s2  }
0x9d: {  	[timem:s6], [sflag:s22] =	dma.local [hbm:s4], s20  }
0x9e: {  	_ =	swait.ge [sflag:s22], s20  }
0x9f: {  	s3 =	ssub.s32 $0x0, s20;
	[sflag:s22] =	ssyncset.done $0x0  }
0xa0: {  	[sflag:s22] =	ssyncadd.s32 s3;
	_ =	sdelay $0x1  }
0xa1: {  	s23 =	simm.s32 $0x1B8B  }
0xa2: {  	_ =	swait.ge [sflag:s23], $0x1  }
0xa3: {  	[sflag:s23] =	ssyncset.done $0x0  }
0xa4: {  	s25 =	simm.s32 $0x1B8E;
	s24 =	sld [smem:$0x3FFE];
	[sflag:s23] =	ssyncadd.s32 $0xFFFFFFFF  }
0xa5: {  	s26 =	simm.s32 $execute0_lowered;
	[smem:$0x3FD2] =	sst s25  }
0xa6: {  	s4 =	sshll.u32 s26, $0x1;
	_ =	strace $0x80000046;
	[dreg:$0x1] =	wrdreg $0xFFFFFFFF  }
0xa7: {  	s28 =	simm.s32 $_size_execute0_lowered;
	s2 =	sadd.s32 s2, s4;
	[dreg:$0x0] =	wrdreg $0x0  }
0xa8: {  	s4 =	sshll.u32 s28, $0x1;
	[dreg:$0x2] =	wrdreg s2  }
0xa9: {  	[dreg:$0x3] =	wrdreg s4  }
0xaa: {  	[dreg:$0x4] =	wrdreg $0xC0  }
0xab: {  	_ =	task [dreg:s6], $0x5FFFF  }
0xac: {  	[dreg:$0x1] =	wrdreg $0xFFFFFFFF  }
0xad: {  	[dreg:$0x0] =	wrdreg $0x60  }
0xae: {  	[dreg:$0x2] =	wrdreg s24  }
0xaf: {  	[dreg:$0x3] =	wrdreg $0x68000  }
0xb0: {  	[dreg:$0x4] =	wrdreg $0x9  }
0xb1: {  	_ =	task.clear_ibuf [dreg:s6], $0x5FFFF;
	_ =	strace $0x90000046  }
0xb2: {  	s29 =	simm.s32 $0x9;
	_ =	strace $0x80000048  }
0xb3: {  	_ =	swait.ge [sflag:s29], $0x1  }
0xb4: {  	[sflag:s29] =	ssyncadd.s32 $0xFFFFFFFF  }
0xb5: {  	_ =	strace $0x90000048  }
0xb6: {  	_ =	sfence  }
0xb7: {  	s30 =	sld [smem:$0x0];
	_ =	sdelay $0x2  }
0xb8: {  	s31 =	sshll.u32 s1, $0xD;
	s1 =	sshrl.u32 s1, $0x2  }
0xb9: {  	s3 =	sand.u32 $0x4000, s31;
	s1 =	sadd.s32 s1, s30  }
0xba: {  	s0 =	sor.u32 s3, s0;
	s1 =	sshll.u32 s1, $0x11  }
0xbb: {  	s0 =	sor.u32 s1, s0  }
0xbc: {  	s0 =	sadd.s32 $0x8F2B, s0  }
0xbd: {  	[sflag:s0] =	ssyncadd.remote.s32 $0x1  }
0xbe: {  	_ =	sfence.sel $0xFFFF  }
0xbf: {  	[dreg:$0x0] =	wrdreg $0xFFFFFFFF;
	(pc) =	sbr.abs _section_cstart, $3  }
0xc0: {  	[dreg:$0x1] =	wrdreg $0xFFFFFFFF  }
0xc1: {  	_ =	task.clear_ibuf [dreg:s6], $0x2FFFF;
	_ =	strace $0x9FFFFFFF  }
0xc2: {  	(tm) =	ssettm $0x7FFFFFFF  }
0xc3: {  	_ =	shalt  }
tec
execute0_lowered:
.L_overlay_start_1:
0x0: {  	(tag) =	ssettag $0x1  }
0x1: {  	s6 =	rddreg [dreg:$0x0]  }
0x2: {  	s1 =	rddreg [dreg:$0x1]  }
0x3: {  	s2 =	srdreg.scid;
	s0 =	rddreg [dreg:$0x2];
	s3 =	simm.s32 $0x0  }
0x4: {  	s13 =	simm.s32 $0x50;
	s14 =	simm.s32 $0x80;
	s15 =	simm.s32 $0x100  }
0x5: {  	s16 =	simm.s32 $0x180;
	s17 =	simm.s32 $0x200;
	s18 =	simm.s32 $0x1  }
0x6: {  	s19 =	simm.s32 $0x0;
	s7 =	sand.u32 $0x1, s2;
	s2 =	stileid.u32  }
0x7: {  	[smem:$0x7FF] =	sst s3;
	s5 =	sadd.s32 $0x29200, s6;
	s8 =	smul.u32 $0x140000, s7  }
0x8: {  	s4 =	sshll.u32 s2, $0xB;
	s9 =	smul.u32 $0x14000, s2;
	_ =	strace $0x80000047  }
0x9: {  	s28 =	ssub.s32 $0x2, s7;
	s12 =	smul.u32 $0x50000, s2;
	s29 =	sshll.u32 s7, $0xF  }
0xa: {  	s31 =	sshll.u32 s2, $0x6;
	s10 =	sadd.s32 s4, s6;
	s11 =	sshrl.u32 s28, $0x1  }
0xb: {  	s4 =	sadd.s32 $0x29800, s6;
	s8 =	sadd.s32 s9, s8;
	s9 =	ssub.s32 s28, s11  }
0xc: {  	s30 =	sshrl.u32 s12, $0x2;
	s10 =	sadd.s32 s29, s10;
	s11 =	simm.s32 $0x2  }
0xd: {  	s8 =	sshrl.u32 s8, $0x3;
	s12 =	sadd.s32 s30, s1;
	s7 =	sadd.s32 $0x19200, s10  }
0xe: {  	s9 =	smax.u32 s9, $0x1;
	s8 =	sadd.s32 s8, s6;
	s6 =	sor.u32 $0x1C02, s31  }
0xf: {  	s10 =	sshrl.u32 s12, $0x3;
	s12 =	simm.s32 $0x4000;
	s8 =	sadd.s32 $0x2C000, s8  }
.LBB2_1:
0x10: {  	[spmem:s10], [sflag:s6] =	dma.local [hbm:s4], $0x2800  }
0x11: {  	_ =	swait.ge [sflag:s11], $0x2800  }
0x12: {  	[sflag:s11] =	ssyncset.done $0x0  }
0x13: {  	[sflag:s11] =	ssyncadd.s32 $0xFFFFD800  }
0x14: {  	[tilespmem:s12], [sflag:$0x2] =	stream.linear.gather [hbm4b:s5+s3], $0x2800, $0x38;
	[tilespmem:$0x1A800] =	vst v63  }
0x15: {  	_ =	swait.ge [sflag:s11], $0x2800  }
0x16: {  	[sflag:s11] =	ssyncset.done $0x0  }
0x17: {  	[sflag:s11] =	ssyncadd.s32 $0xFFFFD800  }
0x18: {  	[tilespmem:s3], [sflag:$0x2] =	stream.linear.gather [hbm4b:s7+s3], $0x3E80, $0x38;
	[tilespmem:$0x1A800] =	vst v63  }
0x19: {  	_ =	swait.ge [sflag:s11], $0x3E80  }
0x1a: {  	[sflag:s11] =	ssyncset.done $0x0  }
0x1b: {  	[sflag:s11] =	ssyncadd.s32 $0xFFFFC180  }
0x1c: {  	[bflag:$0x0] =	sbarrier.arrive $0xFFFF  }
0x1d: {  	[spmem:s1] =	stream.indirect.scatter.add.f32 [tilespmem:s12], [sflag:$0x1], $0x80, s3, s13, $0xb8;
	[tilespmem:$0x1A800] =	vst v63  }
0x1e: {  	_ = 	snop  }
0x1f: {  	[spmem:s1] =	stream.indirect.scatter.add.f32 [tilespmem:s12], [sflag:$0x1], $0x80, s14, s13, $0xb8;
	[tilespmem:$0x1A800] =	vst v63  }
0x20: {  	_ = 	snop  }
0x21: {  	[spmem:s1] =	stream.indirect.scatter.add.f32 [tilespmem:s12], [sflag:$0x1], $0x80, s15, s13, $0xb8;
	[tilespmem:$0x1A800] =	vst v63  }
0x22: {  	_ = 	snop  }
0x23: {  	[spmem:s1] =	stream.indirect.scatter.add.f32 [tilespmem:s12], [sflag:$0x1], $0x80, s16, s13, $0xb8;
	[tilespmem:$0x1A800] =	vst v63  }
0x24: {  	_ = 	snop  }
0x25: {  	[spmem:s1] =	stream.indirect.scatter.add.f32 [tilespmem:s12], [sflag:$0x1], $0x80, s17, s13, $0xb8;
	[tilespmem:$0x1A800] =	vst v63  }
0x26: {  	s20 =	simm.s32 $0x280  }
0x27: {  	[spmem:s1] =	stream.indirect.scatter.add.f32 [tilespmem:s12], [sflag:$0x1], $0x80, s20, s13, $0xb8;
	[tilespmem:$0x1A800] =	vst v63  }
0x28: {  	s28 =	simm.s32 $0x300  }
0x29: {  	[spmem:s1] =	stream.indirect.scatter.add.f32 [tilespmem:s12], [sflag:$0x1], $0x80, s28, s13, $0xb8;
	[tilespmem:$0x1A800] =	vst v63  }
0x2a: {  	s29 =	simm.s32 $0x380  }
0x2b: {  	[spmem:s1] =	stream.indirect.scatter.add.f32 [tilespmem:s12], [sflag:$0x1], $0x80, s29, s13, $0xb8;
	[tilespmem:$0x1A800] =	vst v63  }
0x2c: {  	s30 =	simm.s32 $0x400  }
0x2d: {  	[spmem:s1] =	stream.indirect.scatter.add.f32 [tilespmem:s12], [sflag:$0x1], $0x80, s30, s13, $0xb8;
	[tilespmem:$0x1A800] =	vst v63  }
0x2e: {  	s31 =	simm.s32 $0x480  }
0x2f: {  	[spmem:s1] =	stream.indirect.scatter.add.f32 [tilespmem:s12], [sflag:$0x1], $0x80, s31, s13, $0xb8;
	[tilespmem:$0x1A800] =	vst v63  }
0x30: {  	_ =	swait.ge [sflag:s18], $0x2800  }
0x31: {  	[sflag:s18] =	ssyncset.done $0x0  }
0x32: {  	[sflag:s18] =	ssyncadd.s32 $0xFFFFD800  }
0x33: {  	_ =	swait.ge [sflag:s18], $0x2800  }
0x34: {  	[sflag:s18] =	ssyncset.done $0x0  }
0x35: {  	[sflag:s18] =	ssyncadd.s32 $0xFFFFD800  }
0x36: {  	_ =	swait.ge [sflag:s18], $0x2800  }
0x37: {  	[sflag:s18] =	ssyncset.done $0x0  }
0x38: {  	[sflag:s18] =	ssyncadd.s32 $0xFFFFD800  }
0x39: {  	_ =	swait.ge [sflag:s18], $0x2800  }
0x3a: {  	[sflag:s18] =	ssyncset.done $0x0  }
0x3b: {  	[sflag:s18] =	ssyncadd.s32 $0xFFFFD800  }
0x3c: {  	_ =	swait.ge [sflag:s18], $0x2800  }
0x3d: {  	s21 =	simm.s32 $0xFFFF2400;
	s20 =	simm.s32 $0xFFFFC680;
	[sflag:s18] =	ssyncset.done $0x0  }
.LBB2_2:
0x3e: {  	s22 =	sadd.s32 $0x3E80, s20  }
0x3f: {  	[sflag:s18] =	ssyncadd.s32 $0xFFFFD800;
	s23 =	smov.u32 s21;
	s24 =	sadd.s32 $0xA00, s21  }
0x40: {  	[spmem:s1] =	stream.indirect.scatter.add.f32 [tilespmem:s12], [sflag:$0x1], $0x80, s22, s13, $0xb8;
	[tilespmem:$0x1A800] =	vst v63  }
0x41: {  	p0 =	sne.s32 s21, $0xFFFFF600;
	s21 =	sadd.s32 $0x3F00, s20  }
0x42: {  	[spmem:s1] =	stream.indirect.scatter.add.f32 [tilespmem:s12], [sflag:$0x1], $0x80, s21, s13, $0xb8;
	[tilespmem:$0x1A800] =	vst v63  }
0x43: {  	s21 =	sadd.s32 $0x3F80, s20  }
0x44: {  	[spmem:s1] =	stream.indirect.scatter.add.f32 [tilespmem:s12], [sflag:$0x1], $0x80, s21, s13, $0xb8;
	[tilespmem:$0x1A800] =	vst v63  }
0x45: {  	s21 =	sadd.s32 $0x4000, s20  }
0x46: {  	[spmem:s1] =	stream.indirect.scatter.add.f32 [tilespmem:s12], [sflag:$0x1], $0x80, s21, s13, $0xb8;
	[tilespmem:$0x1A800] =	vst v63  }
0x47: {  	s20 =	sadd.s32 $0x4080, s20  }
0x48: {  	[spmem:s1] =	stream.indirect.scatter.add.f32 [tilespmem:s12], [sflag:$0x1], $0x80, s20, s13, $0xb8;
	[tilespmem:$0x1A800] =	vst v63  }
0x49: {  	_ =	swait.ge [sflag:s18], $0x2800  }
0x4a: {  	[sflag:s18] =	ssyncset.done $0x0  }
0x4b: {  	[sflag:s18] =	ssyncadd.s32 $0xFFFFD800  }
0x4c: {  	_ =	swait.ge [sflag:s18], $0x2800  }
0x4d: {  	[sflag:s18] =	ssyncset.done $0x0  }
0x4e: {  	[sflag:s18] =	ssyncadd.s32 $0xFFFFD800  }
0x4f: {  	_ =	swait.ge [sflag:s18], $0x2800  }
0x50: {  	[sflag:s18] =	ssyncset.done $0x0  }
0x51: {  	[sflag:s18] =	ssyncadd.s32 $0xFFFFD800  }
.Ltmp0:
0x52: {  	_ =	swait.ge [sflag:s18], $0x2800;
	(pc) =	sbr.rel @p0 .LBB2_2-.Ltmp0, $4  }
0x53: {  	[sflag:s18] =	ssyncset.done $0x0  }
0x54: {  	[sflag:s18] =	ssyncadd.s32 $0xFFFFD800  }
0x55: {  	_ =	swait.ge [sflag:s18], $0x2800  }
0x56: {  	s21 =	smov.u32 s24;
	s20 =	sshra.s32 s23, $0x2;
	[sflag:s18] =	ssyncset.done $0x0  }
0x57: {  	s21 =	sadd.s32 $0x3E80, s20;
	[sflag:s18] =	ssyncadd.s32 $0xFFFFD800  }
0x58: {  	[spmem:s1] =	stream.indirect.scatter.add.f32 [tilespmem:s12], [sflag:$0x1], $0x80, s21, s13, $0xb8;
	[tilespmem:$0x1A800] =	vst v63  }
0x59: {  	s28 =	sadd.s32 $0x3F00, s20  }
0x5a: {  	[spmem:s1] =	stream.indirect.scatter.add.f32 [tilespmem:s12], [sflag:$0x1], $0x80, s28, s13, $0xb8;
	[tilespmem:$0x1A800] =	vst v63  }
0x5b: {  	s29 =	sadd.s32 $0x3F80, s20  }
0x5c: {  	[spmem:s1] =	stream.indirect.scatter.add.f32 [tilespmem:s12], [sflag:$0x1], $0x80, s29, s13, $0xb8;
	[tilespmem:$0x1A800] =	vst v63  }
0x5d: {  	s30 =	sadd.s32 $0x4000, s20  }
0x5e: {  	[spmem:s1] =	stream.indirect.scatter.add.f32 [tilespmem:s12], [sflag:$0x1], $0x80, s30, s13, $0xb8;
	[tilespmem:$0x1A800] =	vst v63  }
0x5f: {  	s31 =	sadd.s32 $0x4080, s20  }
0x60: {  	[spmem:s1] =	stream.indirect.scatter.add.f32 [tilespmem:s12], [sflag:$0x1], $0x80, s31, s13, $0xb8;
	[tilespmem:$0x1A800] =	vst v63  }
0x61: {  	_ =	swait.ge [sflag:s18], $0x2800  }
0x62: {  	[sflag:s18] =	ssyncset.done $0x0  }
0x63: {  	[sflag:s18] =	ssyncadd.s32 $0xFFFFD800  }
0x64: {  	_ =	swait.ge [sflag:s18], $0x2800  }
0x65: {  	[sflag:s18] =	ssyncset.done $0x0  }
0x66: {  	[sflag:s18] =	ssyncadd.s32 $0xFFFFD800  }
0x67: {  	_ =	swait.ge [sflag:s18], $0x2800  }
0x68: {  	[sflag:s18] =	ssyncset.done $0x0  }
0x69: {  	[sflag:s18] =	ssyncadd.s32 $0xFFFFD800  }
0x6a: {  	_ =	swait.ge [sflag:s18], $0x2800  }
0x6b: {  	[sflag:s18] =	ssyncset.done $0x0  }
0x6c: {  	[sflag:s18] =	ssyncadd.s32 $0xFFFFD800  }
0x6d: {  	_ =	swait.ge [sflag:s18], $0x2800  }
0x6e: {  	[sflag:s18] =	ssyncset.done $0x0  }
0x6f: {  	[sflag:s18] =	ssyncadd.s32 $0xFFFFD800  }
0x70: {  	_ =	swait.ge [sflag:s18], $0x2800  }
0x71: {  	[sflag:s18] =	ssyncset.done $0x0  }
0x72: {  	[sflag:s18] =	ssyncadd.s32 $0xFFFFD800  }
0x73: {  	_ =	swait.ge [sflag:s18], $0x2800  }
0x74: {  	[sflag:s18] =	ssyncset.done $0x0  }
0x75: {  	[sflag:s18] =	ssyncadd.s32 $0xFFFFD800  }
0x76: {  	_ =	swait.ge [sflag:s18], $0x2800  }
0x77: {  	[sflag:s18] =	ssyncset.done $0x0  }
0x78: {  	[sflag:s18] =	ssyncadd.s32 $0xFFFFD800  }
0x79: {  	_ =	swait.ge [sflag:s18], $0x2800  }
0x7a: {  	[sflag:s18] =	ssyncset.done $0x0  }
0x7b: {  	[sflag:s18] =	ssyncadd.s32 $0xFFFFD800  }
0x7c: {  	_ =	swait.ge [sflag:s18], $0x2800  }
0x7d: {  	s19 =	sadd.s32 $0x1, s19;
	[sflag:s18] =	ssyncset.done $0x0  }
0x7e: {  	p0 =	sne.s32 s19, s9;
	[sflag:s18] =	ssyncadd.s32 $0xFFFFD800  }
.Ltmp1:
0x7f: {  	[bflag:$0x0] =	sbarrier.arrive $0xFFFF;
	(pc) =	sbr.rel @p0 .LBB2_1-.Ltmp1, $4  }
0x80: {  	[hbm:s8], [sflag:s6] =	dma.local [spmem:s10], $0x2800  }
0x81: {  	_ =	swait.ge [sflag:s11], $0x2800  }
0x82: {  	[sflag:s11] =	ssyncset.done $0x0  }
0x83: {  	[sflag:s11] =	ssyncadd.s32 $0xFFFFD800  }
0x84: {  	_ =	sfence.sel $0x180000  }
0x85: {  	[bflag:$0x0] =	sbarrier.arrive $0xFFFF  }
0x86: {  	p0 =	sne.s32 s2, $0x0;
	_ =	strace $0x90000047  }
0x87: {  	s0 =	sadd.s32 @!p0 $0x100000, s0;
	[bflag:$0x2] =	sbarrier.arrive $0xFFFF  }
0x88: {  	[sflag:s0] =	ssyncadd.tile.s32 @!p0 $0x1;
	_ =	shalt  }
.Lfunc_end2:
_tile_overlayer_lowered:
.L_overlay_start_2:
0x89: {  	(tag) =	ssettag $0x2  }
0x8a: {  	s0 =	rddreg [dreg:$0x0];
	s2 =	stileid.u32  }
0x8b: {  	s1 =	rddreg [dreg:$0x1];
	p0 =	sne.s32 s2, $0x0  }
0x8c: {  	s3 =	rddreg [dreg:$0x2];
	[bflag:$0x3] =	sbarrier.arrive $0xFFFF;
	s2 =	simm.s32 @!p0 $0x1C02  }
0x8d: {  	[timem:s3], [sflag:s2] =	dma.local @!p0 [hbm:s0], s1  }
0x8e: {  	s0 =	simm.s32 @!p0 $0x2  }
0x8f: {  	_ =	swait.ge @!p0 [sflag:s0], s1  }
0x90: {  	s1 =	ssub.s32 @!p0 $0x0, s1;
	[sflag:s0] =	ssyncset.done @!p0 $0x0  }
0x91: {  	[sflag:s0] =	ssyncadd.s32 @!p0 s1  }
0x92: {  	[bflag:$0x3] =	sbarrier.arrive $0xFFFF  }
0x93: {  	_ =	shalt  }

</sc_bundles>
